<compile_context>
chip_gen: v7x
topology: tpu7x:2x2x1
jax: 0.10.2.dev20260603
libtpu: 0.0.44.dev20260713+nightly
codegen_flags: <defaults>
</compile_context>

<pallas_src>
import jax
import jax.numpy as jnp
from jax import lax
from jax.experimental import pallas as pl
from jax.experimental.pallas import tpu as pltpu
from jax.experimental.pallas import tpu_sc as plsc

B = 1024
NT = 128
HD = 512

NW = 32
BW = B // NW


def _sc_body(nbf_hbm, nh0, nh1, nh2, nh3, he0, he1, he2, he3, ht_hbm,
             h1_out, t1_out, h2_out, t2_out,
             nbf_v, h1_v, t1_v, n2_v, h2_v, t2_v, sem):
    wid = lax.axis_index("c") * 16 + lax.axis_index("s")
    nh_c = (nh0, nh1, nh2, nh3)
    he_c = (he0, he1, he2, he3)

    pltpu.sync_copy(nbf_hbm.at[pl.ds(wid * 128, 128)], nbf_v)

    cps = [pltpu.async_copy(nh_c[n].at[nbf_v], h1_v.at[n], sem)
           for n in range(4)]
    for cp in cps:
        cp.wait()

    cps = [pltpu.async_copy(ht_hbm.at[h1_v.at[n]], t1_v.at[n], sem)
           for n in range(4)]
    cps += [pltpu.async_copy(he_c[s].at[h1_v.at[n]], n2_v.at[n * 4 + s], sem)
            for n in range(4) for s in range(4)]
    for cp in cps:
        cp.wait()

    def fire_h2(c4, carry):
        for k in range(4):
            c = 4 * c4 + k
            for n2 in range(4):
                pltpu.async_copy(nh_c[n2].at[n2_v.at[c]],
                                 h2_v.at[4 * c + n2], sem)
        return carry

    def drain_h2(c4, carry):
        for k in range(4):
            c = 4 * c4 + k
            for n2 in range(4):
                pltpu.make_async_copy(nh_c[n2].at[n2_v.at[c]],
                                      h2_v.at[4 * c + n2], sem).wait()
        return carry

    def fire_t2(c4, carry):
        for k in range(4):
            c = 4 * c4 + k
            for n2 in range(4):
                pltpu.async_copy(ht_hbm.at[h2_v.at[4 * c + n2]],
                                 t2_v.at[4 * c + n2], sem)
        return carry

    def drain_t2(c4, carry):
        for k in range(4):
            c = 4 * c4 + k
            for n2 in range(4):
                pltpu.make_async_copy(ht_hbm.at[h2_v.at[4 * c + n2]],
                                      t2_v.at[4 * c + n2], sem).wait()
        return carry

    for half in range(2):
        lax.fori_loop(2 * half, 2 * half + 2, fire_h2, 0)
        lax.fori_loop(2 * half, 2 * half + 2, drain_h2, 0)
    for half in range(2):
        lax.fori_loop(2 * half, 2 * half + 2, fire_t2, 0)
        lax.fori_loop(2 * half, 2 * half + 2, drain_t2, 0)

    pltpu.sync_copy(h1_v, h1_out.at[pl.ds(wid * 4, 4)])
    pltpu.sync_copy(t1_v, t1_out.at[pl.ds(wid * 4, 4)])
    pltpu.sync_copy(h2_v, h2_out.at[pl.ds(wid * 64, 64)])
    pltpu.sync_copy(t2_v, t2_out.at[pl.ds(wid * 64, 64)])


def _sc_gather(nbf, nh_cols, he_cols, hedgetypes):
    mesh = plsc.VectorSubcoreMesh(core_axis_name="c", subcore_axis_name="s")
    kfn = pl.kernel(
        _sc_body,
        mesh=mesh,
        compiler_params=pltpu.CompilerParams(
            needs_layout_passes=False,
            use_tc_tiling_on_sc=False,
        ),
        out_type=(
            jax.ShapeDtypeStruct((NW * 4, 128), jnp.int32),
            jax.ShapeDtypeStruct((NW * 4, 128), jnp.int32),
            jax.ShapeDtypeStruct((NW * 64, 128), jnp.int32),
            jax.ShapeDtypeStruct((NW * 64, 128), jnp.int32),
        ),
        scratch_types=[
            pltpu.VMEM((128,), jnp.int32),
            pltpu.VMEM((4, 128), jnp.int32),
            pltpu.VMEM((4, 128), jnp.int32),
            pltpu.VMEM((16, 128), jnp.int32),
            pltpu.VMEM((64, 128), jnp.int32),
            pltpu.VMEM((64, 128), jnp.int32),
            pltpu.SemaphoreType.DMA,
        ],
    )
    return kfn(nbf, *nh_cols, *he_cols, hedgetypes)


G = 4
R = G * BW * 16


def _tc_body(t1_ref, h1_ref, th_ref, t2_ref, h2_ref,
             W1_ref, b1_ref, W2_ref, b2_ref, out_ref):
    f32 = jnp.float32
    t2 = t2_ref[...].reshape(G, 4, 16, 128).transpose(0, 1, 3, 2).reshape(R, 16)
    h2 = h2_ref[...].reshape(G, 4, 16, 128).transpose(0, 1, 3, 2).reshape(R, 16)
    t1 = t1_ref[...]
    h1 = h1_ref[...]
    th = th_ref[...]

    iota = lax.broadcasted_iota(jnp.int32, (1, NT), 1)
    A = (t1 == iota).astype(f32)
    m2 = (h2 != th).astype(f32) * (1.0 / 16.0)
    for n in range(16):
        A = A + m2[:, n:n + 1] * (t2[:, n:n + 1] == iota).astype(f32)
    H = jnp.maximum(
        jnp.dot(A, W1_ref[...], preferred_element_type=f32) + b1_ref[...], 0.0)
    m1 = (h1 != th).astype(f32) * (1.0 / 16.0)
    P = H * m1
    Ph = P.reshape(R // 4, 4, HD).sum(axis=1)
    u = Ph.reshape(G, 4, BW, HD).sum(axis=1).reshape(G * BW, HD)
    out_ref[...] = jax.nn.sigmoid(
        jnp.dot(u, W2_ref[...], preferred_element_type=f32) + b2_ref[...])


def _tc_dense(t1c, h1c, th2d, t2c, h2c, W1, b1r, W2, b2r):
    nblk = NW // G
    return pl.pallas_call(
        _tc_body,
        grid=(nblk,),
        in_specs=[
            pl.BlockSpec((R, 1), lambda i: (i, 0)),
            pl.BlockSpec((R, 1), lambda i: (i, 0)),
            pl.BlockSpec((R, 1), lambda i: (i, 0)),
            pl.BlockSpec((G * 64, 128), lambda i: (i, 0)),
            pl.BlockSpec((G * 64, 128), lambda i: (i, 0)),
            pl.BlockSpec((NT, HD), lambda i: (0, 0)),
            pl.BlockSpec((1, HD), lambda i: (0, 0)),
            pl.BlockSpec((HD, NT), lambda i: (0, 0)),
            pl.BlockSpec((1, NT), lambda i: (0, 0)),
        ],
        out_specs=pl.BlockSpec((G * BW, NT), lambda i: (i, 0)),
        out_shape=jax.ShapeDtypeStruct((B, NT), jnp.float32),
    )(t1c, h1c, th2d, t2c, h2c, W1, b1r, W2, b2r)


def kernel(neighbors, train_hedges, labels, neighborhedges, hyperedges,
           hedgetypes, W1, b1, W2, b2):
    del labels
    nbf = neighbors.reshape(B * 4)
    nh_cols = tuple(neighborhedges[:, n] for n in range(4))
    he_cols = tuple(hyperedges[:, s] for s in range(4))
    h1c, t1c, h2c, t2c = _sc_gather(nbf, nh_cols, he_cols, hedgetypes)
    t1r = t1c.reshape(B * 16, 1)
    h1r = h1c.reshape(B * 16, 1)
    thr = jnp.broadcast_to(train_hedges.reshape(NW, 1, BW, 1),
                           (NW, 4, BW, 4)).reshape(B * 16, 1)
    return _tc_dense(t1r, h1r, thr, t2c, h2c,
                     W1, b1.reshape(1, HD), W2, b2.reshape(1, NT))

# --- scband reference (transcript-rebuilt; emitter-appended) ---
"""Pipeline reference for scband-poly-hype-91250875171583 (READ-ONLY COPY).

The authoritative reference and input builder live on the scoring server;
editing this copy changes nothing except your own understanding.
"""

import jax, jax.numpy as jnp
import numpy as np

B = 1024
HS = 4
NS = 4
HOPS = 2
NT = 128
HD = 512
N_NODES = 50000
N_HEDGES = 100000


def setup_inputs(seed: int = 0) -> dict:
    key = jax.random.key(seed)
    ks = jax.random.split(key, 10)
    neighborhedges = jax.random.randint(ks[0], (N_NODES, NS), 0, N_HEDGES, dtype=jnp.int32)
    hyperedges = jax.random.randint(ks[1], (N_HEDGES, HS), 0, N_NODES, dtype=jnp.int32)
    hedgetypes = jax.random.randint(ks[2], (N_HEDGES,), 0, NT, dtype=jnp.int32)
    neighbors = jax.random.randint(ks[3], (B, HS), 0, N_NODES, dtype=jnp.int32)
    train_hedges = jax.random.randint(ks[4], (B,), 0, N_HEDGES, dtype=jnp.int32)
    labels = jax.random.randint(ks[5], (B,), 0, NT, dtype=jnp.int32)
    W1 = jax.random.normal(ks[6], (NT, HD), dtype=jnp.float32) * (1.0 / np.sqrt(NT))
    b1 = jnp.zeros((HD,), dtype=jnp.float32)
    W2 = jax.random.normal(ks[7], (HD, NT), dtype=jnp.float32) * (1.0 / np.sqrt(HD))
    b2 = jnp.zeros((NT,), dtype=jnp.float32)
    return {"neighbors": neighbors, "train_hedges": train_hedges, "labels": labels,
            "neighborhedges": neighborhedges, "hyperedges": hyperedges, "hedgetypes": hedgetypes,
            "W1": W1, "b1": b1, "W2": W2, "b2": b2}


def _mean_aggregator(self_vectors, neighbor_vectors, masks, W, b, act, self_included, input_dim, output_dim):
    # neighbor_vectors: [B, -1, HS, NS, input_dim]; masks: [B, -1, HS, NS, 1]
    entity = jnp.mean(neighbor_vectors * masks, axis=-2)  # [B, -1, HS, input_dim]
    output = jnp.mean(entity, axis=-2)                    # [B, -1, input_dim]
    if self_included:
        output = output + self_vectors.reshape(B, -1, input_dim)
    out = output.reshape(-1, input_dim) @ W + b
    out = out.reshape(B, -1, output_dim)
    return act(out)


def _forward(neighbors, train_hedges, labels, neighborhedges, hyperedges, hedgetypes, W1, b1, W2, b2):
    type_features = jnp.eye(NT, dtype=jnp.float32)
    # _get_neighbors_and_masks
    hedge_list = [labels]
    mask_list = []
    th = train_hedges[:, None]
    for i in range(HOPS):
        if i == 0:
            neighbor_nodes = neighbors
        else:
            neighbor_nodes = hyperedges[hedge_list[-1].reshape(-1)].reshape(B, -1)
        neighbor_edges = neighborhedges[neighbor_nodes.reshape(-1)].reshape(B, -1)
        hedge_list.append(neighbor_edges)
        mask = (neighbor_edges - th != 0).astype(jnp.float32)
        mask_list.append(mask)
    # edge type feature gathers
    edge_vectors = [type_features[labels]]
    for edges in hedge_list[1:]:
        types = hedgetypes[edges.reshape(-1)].reshape(edges.shape + (-1,))
        edge_vectors.append(type_features[types.reshape(-1)].reshape(types.shape + (-1,)))
    # iterative aggregation
    aggs = [(W1, b1, jax.nn.relu, True, NT, HD), (W2, b2, (lambda x: x), False, HD, NT)]
    for i in range(HOPS):
        W, b, act, self_inc, idim, odim = aggs[i]
        nxt = []
        for hop in range(HOPS - i):
            sv = edge_vectors[hop]
            nv = edge_vectors[hop + 1].reshape(B, -1, HS, NS, idim)
            mk = mask_list[hop].reshape(B, -1, HS, NS, 1)
            nxt.append(_mean_aggregator(sv, nv, mk, W, b, act, self_inc, idim, odim))
        edge_vectors = nxt
    res = edge_vectors[0].reshape(B, NT)
    scores = res
    return jax.nn.sigmoid(scores)


def reference(neighbors, train_hedges, labels, neighborhedges, hyperedges, hedgetypes, W1, b1, W2, b2):
    return _forward(neighbors, train_hedges, labels, neighborhedges, hyperedges, hedgetypes, W1, b1, W2, b2)

if __name__ == "__main__":
    import jax
    _d = setup_inputs()
    print(jax.jit(kernel)(*tuple(_d.values())))

</pallas_src>

<mosaic_0001>
#map = affine_map<(d0, d1) -> (0)>
#map1 = affine_map<(d0, d1) -> (0, 0)>
module attributes {stable_mosaic.version = 14 : i64} {
  func.func @_sc_body(%arg0: i32, %arg1: i32, %arg2: memref<4096xi32, #tpu.memory_space<hbm>>, %arg3: memref<50000xi32, #tpu.memory_space<hbm>>, %arg4: memref<50000xi32, #tpu.memory_space<hbm>>, %arg5: memref<50000xi32, #tpu.memory_space<hbm>>, %arg6: memref<50000xi32, #tpu.memory_space<hbm>>, %arg7: memref<100000xi32, #tpu.memory_space<hbm>>, %arg8: memref<100000xi32, #tpu.memory_space<hbm>>, %arg9: memref<100000xi32, #tpu.memory_space<hbm>>, %arg10: memref<100000xi32, #tpu.memory_space<hbm>>, %arg11: memref<100000xi32, #tpu.memory_space<hbm>>, %arg12: memref<128x128xi32, #tpu.memory_space<hbm>>, %arg13: memref<128x128xi32, #tpu.memory_space<hbm>>, %arg14: memref<2048x128xi32, #tpu.memory_space<hbm>>, %arg15: memref<2048x128xi32, #tpu.memory_space<hbm>>, %arg16: memref<128xi32, #tpu.memory_space<vmem>>, %arg17: memref<4x128xi32, #tpu.memory_space<vmem>>, %arg18: memref<4x128xi32, #tpu.memory_space<vmem>>, %arg19: memref<16x128xi32, #tpu.memory_space<vmem>>, %arg20: memref<64x128xi32, #tpu.memory_space<vmem>>, %arg21: memref<64x128xi32, #tpu.memory_space<vmem>>, %arg22: memref<!tpu.dma_semaphore, #tpu.memory_space<semaphore_mem>>) attributes {dimension_semantics = [#tpu.dimension_semantics<core_parallel>, #tpu.dimension_semantics<subcore_parallel>], iteration_bounds = array<i64: 2, 16>, scalar_prefetch = 0 : i64, scratch_operands = 7 : i64, tpu.core_type = #tpu.core_type<sc_vector_subcore>, window_params = [{transform_indices = #map}, {transform_indices = #map}, {transform_indices = #map}, {transform_indices = #map}, {transform_indices = #map}, {transform_indices = #map}, {transform_indices = #map}, {transform_indices = #map}, {transform_indices = #map}, {transform_indices = #map}, {transform_indices = #map1}, {transform_indices = #map1}, {transform_indices = #map1}, {transform_indices = #map1}]} {
    %mul3A = arith.constant 16 : i32
    %mul3A_0 = arith.muli %arg0, %mul3A : i32
    %add3A = arith.addi %mul3A_0, %arg1 : i32
    %mul3A_1 = arith.constant 128 : i32
    %mul3A_2 = arith.muli %add3A, %mul3A_1 : i32
    "tpu.region"() ({
      %run_scoped3A = tpu.sem_alloc : memref<!tpu.dma_semaphore, #tpu.memory_space<semaphore_mem>>
      %dma_start3A_504 = tpu.memref_slice %arg2[%mul3A_2] : memref<4096xi32, #tpu.memory_space<hbm>> -> memref<128xi32, #tpu.memory_space<hbm>>
      %dma_start3A_505 = tpu.memref_slice %arg2[%mul3A_2] : memref<4096xi32, #tpu.memory_space<hbm>> -> memref<128xi32, #tpu.memory_space<hbm>>
      tpu.enqueue_dma source(%dma_start3A_505 : memref<128xi32, #tpu.memory_space<hbm>>) target(%arg16 : memref<128xi32, #tpu.memory_space<vmem>>) target_semaphore(%run_scoped3A : memref<!tpu.dma_semaphore, #tpu.memory_space<semaphore_mem>>)
      %dma_wait3A_506 = tpu.memref_slice %arg2[%mul3A_2] : memref<4096xi32, #tpu.memory_space<hbm>> -> memref<128xi32, #tpu.memory_space<hbm>>
      %dma_wait3A_507 = tpu.memref_slice %arg2[%mul3A_2] : memref<4096xi32, #tpu.memory_space<hbm>> -> memref<128xi32, #tpu.memory_space<hbm>>
      tpu.wait_dma2 semaphore(%run_scoped3A : memref<!tpu.dma_semaphore, #tpu.memory_space<semaphore_mem>>) src(%dma_wait3A_507 : memref<128xi32, #tpu.memory_space<hbm>>) dst(%arg16 : memref<128xi32, #tpu.memory_space<vmem>>)
      tpu.yield
    }) : () -> ()
    %dma_start3A = arith.constant 0 : i32
    %dma_start3A_3 = arith.constant 0 : i32
    %dma_start3A_4 = tpu.memref_slice %arg17[%dma_start3A, %dma_start3A_3] : memref<4x128xi32, #tpu.memory_space<vmem>> -> memref<1x128xi32, #tpu.memory_space<vmem>>
    %dma_start3A_5 = tpu.memref_squeeze %dma_start3A_4 : memref<1x128xi32, #tpu.memory_space<vmem>> -> memref<128xi32, #tpu.memory_space<vmem>>
    %dma_start3A_6 = arith.constant 0 : i32
    %dma_start3A_7 = tpu.memref_slice %arg3[%dma_start3A_6] : memref<50000xi32, #tpu.memory_space<hbm>> -> memref<50000xi32, #tpu.memory_space<hbm>>
    tpu.enqueue_indirect_dma source(%dma_start3A_7 : memref<50000xi32, #tpu.memory_space<hbm>>) target(%dma_start3A_5 : memref<128xi32, #tpu.memory_space<vmem>>) offsets(%arg16 : memref<128xi32, #tpu.memory_space<vmem>>) semaphore(%arg22 : memref<!tpu.dma_semaphore, #tpu.memory_space<semaphore_mem>>)
    %dma_start3A_8 = arith.constant 1 : i32
    %dma_start3A_9 = arith.constant 0 : i32
    %dma_start3A_10 = tpu.memref_slice %arg17[%dma_start3A_8, %dma_start3A_9] : memref<4x128xi32, #tpu.memory_space<vmem>> -> memref<1x128xi32, #tpu.memory_space<vmem>>
    %dma_start3A_11 = tpu.memref_squeeze %dma_start3A_10 : memref<1x128xi32, #tpu.memory_space<vmem>> -> memref<128xi32, #tpu.memory_space<vmem>>
    %dma_start3A_12 = arith.constant 0 : i32
    %dma_start3A_13 = tpu.memref_slice %arg4[%dma_start3A_12] : memref<50000xi32, #tpu.memory_space<hbm>> -> memref<50000xi32, #tpu.memory_space<hbm>>
    tpu.enqueue_indirect_dma source(%dma_start3A_13 : memref<50000xi32, #tpu.memory_space<hbm>>) target(%dma_start3A_11 : memref<128xi32, #tpu.memory_space<vmem>>) offsets(%arg16 : memref<128xi32, #tpu.memory_space<vmem>>) semaphore(%arg22 : memref<!tpu.dma_semaphore, #tpu.memory_space<semaphore_mem>>)
    %dma_start3A_14 = arith.constant 2 : i32
    %dma_start3A_15 = arith.constant 0 : i32
    %dma_start3A_16 = tpu.memref_slice %arg17[%dma_start3A_14, %dma_start3A_15] : memref<4x128xi32, #tpu.memory_space<vmem>> -> memref<1x128xi32, #tpu.memory_space<vmem>>
    %dma_start3A_17 = tpu.memref_squeeze %dma_start3A_16 : memref<1x128xi32, #tpu.memory_space<vmem>> -> memref<128xi32, #tpu.memory_space<vmem>>
    %dma_start3A_18 = arith.constant 0 : i32
    %dma_start3A_19 = tpu.memref_slice %arg5[%dma_start3A_18] : memref<50000xi32, #tpu.memory_space<hbm>> -> memref<50000xi32, #tpu.memory_space<hbm>>
    tpu.enqueue_indirect_dma source(%dma_start3A_19 : memref<50000xi32, #tpu.memory_space<hbm>>) target(%dma_start3A_17 : memref<128xi32, #tpu.memory_space<vmem>>) offsets(%arg16 : memref<128xi32, #tpu.memory_space<vmem>>) semaphore(%arg22 : memref<!tpu.dma_semaphore, #tpu.memory_space<semaphore_mem>>)
    %dma_start3A_20 = arith.constant 3 : i32
    %dma_start3A_21 = arith.constant 0 : i32
    %dma_start3A_22 = tpu.memref_slice %arg17[%dma_start3A_20, %dma_start3A_21] : memref<4x128xi32, #tpu.memory_space<vmem>> -> memref<1x128xi32, #tpu.memory_space<vmem>>
    %dma_start3A_23 = tpu.memref_squeeze %dma_start3A_22 : memref<1x128xi32, #tpu.memory_space<vmem>> -> memref<128xi32, #tpu.memory_space<vmem>>
    %dma_start3A_24 = arith.constant 0 : i32
    %dma_start3A_25 = tpu.memref_slice %arg6[%dma_start3A_24] : memref<50000xi32, #tpu.memory_space<hbm>> -> memref<50000xi32, #tpu.memory_space<hbm>>
    tpu.enqueue_indirect_dma source(%dma_start3A_25 : memref<50000xi32, #tpu.memory_space<hbm>>) target(%dma_start3A_23 : memref<128xi32, #tpu.memory_space<vmem>>) offsets(%arg16 : memref<128xi32, #tpu.memory_space<vmem>>) semaphore(%arg22 : memref<!tpu.dma_semaphore, #tpu.memory_space<semaphore_mem>>)
    %dma_wait3A = arith.constant 0 : i32
    %dma_wait3A_26 = arith.constant 0 : i32
    %dma_wait3A_27 = tpu.memref_slice %arg17[%dma_wait3A, %dma_wait3A_26] : memref<4x128xi32, #tpu.memory_space<vmem>> -> memref<1x128xi32, #tpu.memory_space<vmem>>
    %dma_wait3A_28 = tpu.memref_squeeze %dma_wait3A_27 : memref<1x128xi32, #tpu.memory_space<vmem>> -> memref<128xi32, #tpu.memory_space<vmem>>
    %dma_wait3A_29 = arith.constant 0 : i32
    %dma_wait3A_30 = tpu.memref_slice %arg3[%dma_wait3A_29] : memref<50000xi32, #tpu.memory_space<hbm>> -> memref<50000xi32, #tpu.memory_space<hbm>>
    tpu.wait_indirect_dma semaphore(%arg22 : memref<!tpu.dma_semaphore, #tpu.memory_space<semaphore_mem>>) src(%dma_wait3A_30 : memref<50000xi32, #tpu.memory_space<hbm>>) dst(%dma_wait3A_28 : memref<128xi32, #tpu.memory_space<vmem>>)
    %dma_wait3A_31 = arith.constant 1 : i32
    %dma_wait3A_32 = arith.constant 0 : i32
    %dma_wait3A_33 = tpu.memref_slice %arg17[%dma_wait3A_31, %dma_wait3A_32] : memref<4x128xi32, #tpu.memory_space<vmem>> -> memref<1x128xi32, #tpu.memory_space<vmem>>
    %dma_wait3A_34 = tpu.memref_squeeze %dma_wait3A_33 : memref<1x128xi32, #tpu.memory_space<vmem>> -> memref<128xi32, #tpu.memory_space<vmem>>
    %dma_wait3A_35 = arith.constant 0 : i32
    %dma_wait3A_36 = tpu.memref_slice %arg4[%dma_wait3A_35] : memref<50000xi32, #tpu.memory_space<hbm>> -> memref<50000xi32, #tpu.memory_space<hbm>>
    tpu.wait_indirect_dma semaphore(%arg22 : memref<!tpu.dma_semaphore, #tpu.memory_space<semaphore_mem>>) src(%dma_wait3A_36 : memref<50000xi32, #tpu.memory_space<hbm>>) dst(%dma_wait3A_34 : memref<128xi32, #tpu.memory_space<vmem>>)
    %dma_wait3A_37 = arith.constant 2 : i32
    %dma_wait3A_38 = arith.constant 0 : i32
    %dma_wait3A_39 = tpu.memref_slice %arg17[%dma_wait3A_37, %dma_wait3A_38] : memref<4x128xi32, #tpu.memory_space<vmem>> -> memref<1x128xi32, #tpu.memory_space<vmem>>
    %dma_wait3A_40 = tpu.memref_squeeze %dma_wait3A_39 : memref<1x128xi32, #tpu.memory_space<vmem>> -> memref<128xi32, #tpu.memory_space<vmem>>
    %dma_wait3A_41 = arith.constant 0 : i32
    %dma_wait3A_42 = tpu.memref_slice %arg5[%dma_wait3A_41] : memref<50000xi32, #tpu.memory_space<hbm>> -> memref<50000xi32, #tpu.memory_space<hbm>>
    tpu.wait_indirect_dma semaphore(%arg22 : memref<!tpu.dma_semaphore, #tpu.memory_space<semaphore_mem>>) src(%dma_wait3A_42 : memref<50000xi32, #tpu.memory_space<hbm>>) dst(%dma_wait3A_40 : memref<128xi32, #tpu.memory_space<vmem>>)
    %dma_wait3A_43 = arith.constant 3 : i32
    %dma_wait3A_44 = arith.constant 0 : i32
    %dma_wait3A_45 = tpu.memref_slice %arg17[%dma_wait3A_43, %dma_wait3A_44] : memref<4x128xi32, #tpu.memory_space<vmem>> -> memref<1x128xi32, #tpu.memory_space<vmem>>
    %dma_wait3A_46 = tpu.memref_squeeze %dma_wait3A_45 : memref<1x128xi32, #tpu.memory_space<vmem>> -> memref<128xi32, #tpu.memory_space<vmem>>
    %dma_wait3A_47 = arith.constant 0 : i32
    %dma_wait3A_48 = tpu.memref_slice %arg6[%dma_wait3A_47] : memref<50000xi32, #tpu.memory_space<hbm>> -> memref<50000xi32, #tpu.memory_space<hbm>>
    tpu.wait_indirect_dma semaphore(%arg22 : memref<!tpu.dma_semaphore, #tpu.memory_space<semaphore_mem>>) src(%dma_wait3A_48 : memref<50000xi32, #tpu.memory_space<hbm>>) dst(%dma_wait3A_46 : memref<128xi32, #tpu.memory_space<vmem>>)
    %dma_start3A_49 = arith.constant 0 : i32
    %dma_start3A_50 = arith.constant 0 : i32
    %dma_start3A_51 = arith.constant 0 : i32
    %dma_start3A_52 = tpu.memref_slice %arg18[%dma_start3A_50, %dma_start3A_51] : memref<4x128xi32, #tpu.memory_space<vmem>> -> memref<1x128xi32, #tpu.memory_space<vmem>>
    %dma_start3A_53 = tpu.memref_squeeze %dma_start3A_52 : memref<1x128xi32, #tpu.memory_space<vmem>> -> memref<128xi32, #tpu.memory_space<vmem>>
    %dma_start3A_54 = arith.constant 0 : i32
    %dma_start3A_55 = tpu.memref_slice %arg17[%dma_start3A_49, %dma_start3A_54] : memref<4x128xi32, #tpu.memory_space<vmem>> -> memref<1x128xi32, #tpu.memory_space<vmem>>
    %dma_start3A_56 = tpu.memref_squeeze %dma_start3A_55 : memref<1x128xi32, #tpu.memory_space<vmem>> -> memref<128xi32, #tpu.memory_space<vmem>>
    %dma_start3A_57 = arith.constant 0 : i32
    %dma_start3A_58 = tpu.memref_slice %arg11[%dma_start3A_57] : memref<100000xi32, #tpu.memory_space<hbm>> -> memref<100000xi32, #tpu.memory_space<hbm>>
    tpu.enqueue_indirect_dma source(%dma_start3A_58 : memref<100000xi32, #tpu.memory_space<hbm>>) target(%dma_start3A_53 : memref<128xi32, #tpu.memory_space<vmem>>) offsets(%dma_start3A_56 : memref<128xi32, #tpu.memory_space<vmem>>) semaphore(%arg22 : memref<!tpu.dma_semaphore, #tpu.memory_space<semaphore_mem>>)
    %dma_start3A_59 = arith.constant 1 : i32
    %dma_start3A_60 = arith.constant 1 : i32
    %dma_start3A_61 = arith.constant 0 : i32
    %dma_start3A_62 = tpu.memref_slice %arg18[%dma_start3A_60, %dma_start3A_61] : memref<4x128xi32, #tpu.memory_space<vmem>> -> memref<1x128xi32, #tpu.memory_space<vmem>>
    %dma_start3A_63 = tpu.memref_squeeze %dma_start3A_62 : memref<1x128xi32, #tpu.memory_space<vmem>> -> memref<128xi32, #tpu.memory_space<vmem>>
    %dma_start3A_64 = arith.constant 0 : i32
    %dma_start3A_65 = tpu.memref_slice %arg17[%dma_start3A_59, %dma_start3A_64] : memref<4x128xi32, #tpu.memory_space<vmem>> -> memref<1x128xi32, #tpu.memory_space<vmem>>
    %dma_start3A_66 = tpu.memref_squeeze %dma_start3A_65 : memref<1x128xi32, #tpu.memory_space<vmem>> -> memref<128xi32, #tpu.memory_space<vmem>>
    %dma_start3A_67 = arith.constant 0 : i32
    %dma_start3A_68 = tpu.memref_slice %arg11[%dma_start3A_67] : memref<100000xi32, #tpu.memory_space<hbm>> -> memref<100000xi32, #tpu.memory_space<hbm>>
    tpu.enqueue_indirect_dma source(%dma_start3A_68 : memref<100000xi32, #tpu.memory_space<hbm>>) target(%dma_start3A_63 : memref<128xi32, #tpu.memory_space<vmem>>) offsets(%dma_start3A_66 : memref<128xi32, #tpu.memory_space<vmem>>) semaphore(%arg22 : memref<!tpu.dma_semaphore, #tpu.memory_space<semaphore_mem>>)
    %dma_start3A_69 = arith.constant 2 : i32
    %dma_start3A_70 = arith.constant 2 : i32
    %dma_start3A_71 = arith.constant 0 : i32
    %dma_start3A_72 = tpu.memref_slice %arg18[%dma_start3A_70, %dma_start3A_71] : memref<4x128xi32, #tpu.memory_space<vmem>> -> memref<1x128xi32, #tpu.memory_space<vmem>>
    %dma_start3A_73 = tpu.memref_squeeze %dma_start3A_72 : memref<1x128xi32, #tpu.memory_space<vmem>> -> memref<128xi32, #tpu.memory_space<vmem>>
    %dma_start3A_74 = arith.constant 0 : i32
    %dma_start3A_75 = tpu.memref_slice %arg17[%dma_start3A_69, %dma_start3A_74] : memref<4x128xi32, #tpu.memory_space<vmem>> -> memref<1x128xi32, #tpu.memory_space<vmem>>
    %dma_start3A_76 = tpu.memref_squeeze %dma_start3A_75 : memref<1x128xi32, #tpu.memory_space<vmem>> -> memref<128xi32, #tpu.memory_space<vmem>>
    %dma_start3A_77 = arith.constant 0 : i32
    %dma_start3A_78 = tpu.memref_slice %arg11[%dma_start3A_77] : memref<100000xi32, #tpu.memory_space<hbm>> -> memref<100000xi32, #tpu.memory_space<hbm>>
    tpu.enqueue_indirect_dma source(%dma_start3A_78 : memref<100000xi32, #tpu.memory_space<hbm>>) target(%dma_start3A_73 : memref<128xi32, #tpu.memory_space<vmem>>) offsets(%dma_start3A_76 : memref<128xi32, #tpu.memory_space<vmem>>) semaphore(%arg22 : memref<!tpu.dma_semaphore, #tpu.memory_space<semaphore_mem>>)
    %dma_start3A_79 = arith.constant 3 : i32
    %dma_start3A_80 = arith.constant 3 : i32
    %dma_start3A_81 = arith.constant 0 : i32
    %dma_start3A_82 = tpu.memref_slice %arg18[%dma_start3A_80, %dma_start3A_81] : memref<4x128xi32, #tpu.memory_space<vmem>> -> memref<1x128xi32, #tpu.memory_space<vmem>>
    %dma_start3A_83 = tpu.memref_squeeze %dma_start3A_82 : memref<1x128xi32, #tpu.memory_space<vmem>> -> memref<128xi32, #tpu.memory_space<vmem>>
    %dma_start3A_84 = arith.constant 0 : i32
    %dma_start3A_85 = tpu.memref_slice %arg17[%dma_start3A_79, %dma_start3A_84] : memref<4x128xi32, #tpu.memory_space<vmem>> -> memref<1x128xi32, #tpu.memory_space<vmem>>
    %dma_start3A_86 = tpu.memref_squeeze %dma_start3A_85 : memref<1x128xi32, #tpu.memory_space<vmem>> -> memref<128xi32, #tpu.memory_space<vmem>>
    %dma_start3A_87 = arith.constant 0 : i32
    %dma_start3A_88 = tpu.memref_slice %arg11[%dma_start3A_87] : memref<100000xi32, #tpu.memory_space<hbm>> -> memref<100000xi32, #tpu.memory_space<hbm>>
    tpu.enqueue_indirect_dma source(%dma_start3A_88 : memref<100000xi32, #tpu.memory_space<hbm>>) target(%dma_start3A_83 : memref<128xi32, #tpu.memory_space<vmem>>) offsets(%dma_start3A_86 : memref<128xi32, #tpu.memory_space<vmem>>) semaphore(%arg22 : memref<!tpu.dma_semaphore, #tpu.memory_space<semaphore_mem>>)
    %dma_start3A_89 = arith.constant 0 : i32
    %dma_start3A_90 = arith.constant 0 : i32
    %dma_start3A_91 = arith.constant 0 : i32
    %dma_start3A_92 = tpu.memref_slice %arg19[%dma_start3A_90, %dma_start3A_91] : memref<16x128xi32, #tpu.memory_space<vmem>> -> memref<1x128xi32, #tpu.memory_space<vmem>>
    %dma_start3A_93 = tpu.memref_squeeze %dma_start3A_92 : memref<1x128xi32, #tpu.memory_space<vmem>> -> memref<128xi32, #tpu.memory_space<vmem>>
    %dma_start3A_94 = arith.constant 0 : i32
    %dma_start3A_95 = tpu.memref_slice %arg17[%dma_start3A_89, %dma_start3A_94] : memref<4x128xi32, #tpu.memory_space<vmem>> -> memref<1x128xi32, #tpu.memory_space<vmem>>
    %dma_start3A_96 = tpu.memref_squeeze %dma_start3A_95 : memref<1x128xi32, #tpu.memory_space<vmem>> -> memref<128xi32, #tpu.memory_space<vmem>>
    %dma_start3A_97 = arith.constant 0 : i32
    %dma_start3A_98 = tpu.memref_slice %arg7[%dma_start3A_97] : memref<100000xi32, #tpu.memory_space<hbm>> -> memref<100000xi32, #tpu.memory_space<hbm>>
    tpu.enqueue_indirect_dma source(%dma_start3A_98 : memref<100000xi32, #tpu.memory_space<hbm>>) target(%dma_start3A_93 : memref<128xi32, #tpu.memory_space<vmem>>) offsets(%dma_start3A_96 : memref<128xi32, #tpu.memory_space<vmem>>) semaphore(%arg22 : memref<!tpu.dma_semaphore, #tpu.memory_space<semaphore_mem>>)
    %dma_start3A_99 = arith.constant 0 : i32
    %dma_start3A_100 = arith.constant 1 : i32
    %dma_start3A_101 = arith.constant 0 : i32
    %dma_start3A_102 = tpu.memref_slice %arg19[%dma_start3A_100, %dma_start3A_101] : memref<16x128xi32, #tpu.memory_space<vmem>> -> memref<1x128xi32, #tpu.memory_space<vmem>>
    %dma_start3A_103 = tpu.memref_squeeze %dma_start3A_102 : memref<1x128xi32, #tpu.memory_space<vmem>> -> memref<128xi32, #tpu.memory_space<vmem>>
    %dma_start3A_104 = arith.constant 0 : i32
    %dma_start3A_105 = tpu.memref_slice %arg17[%dma_start3A_99, %dma_start3A_104] : memref<4x128xi32, #tpu.memory_space<vmem>> -> memref<1x128xi32, #tpu.memory_space<vmem>>
    %dma_start3A_106 = tpu.memref_squeeze %dma_start3A_105 : memref<1x128xi32, #tpu.memory_space<vmem>> -> memref<128xi32, #tpu.memory_space<vmem>>
    %dma_start3A_107 = arith.constant 0 : i32
    %dma_start3A_108 = tpu.memref_slice %arg8[%dma_start3A_107] : memref<100000xi32, #tpu.memory_space<hbm>> -> memref<100000xi32, #tpu.memory_space<hbm>>
    tpu.enqueue_indirect_dma source(%dma_start3A_108 : memref<100000xi32, #tpu.memory_space<hbm>>) target(%dma_start3A_103 : memref<128xi32, #tpu.memory_space<vmem>>) offsets(%dma_start3A_106 : memref<128xi32, #tpu.memory_space<vmem>>) semaphore(%arg22 : memref<!tpu.dma_semaphore, #tpu.memory_space<semaphore_mem>>)
    %dma_start3A_109 = arith.constant 0 : i32
    %dma_start3A_110 = arith.constant 2 : i32
    %dma_start3A_111 = arith.constant 0 : i32
    %dma_start3A_112 = tpu.memref_slice %arg19[%dma_start3A_110, %dma_start3A_111] : memref<16x128xi32, #tpu.memory_space<vmem>> -> memref<1x128xi32, #tpu.memory_space<vmem>>
    %dma_start3A_113 = tpu.memref_squeeze %dma_start3A_112 : memref<1x128xi32, #tpu.memory_space<vmem>> -> memref<128xi32, #tpu.memory_space<vmem>>
    %dma_start3A_114 = arith.constant 0 : i32
    %dma_start3A_115 = tpu.memref_slice %arg17[%dma_start3A_109, %dma_start3A_114] : memref<4x128xi32, #tpu.memory_space<vmem>> -> memref<1x128xi32, #tpu.memory_space<vmem>>
    %dma_start3A_116 = tpu.memref_squeeze %dma_start3A_115 : memref<1x128xi32, #tpu.memory_space<vmem>> -> memref<128xi32, #tpu.memory_space<vmem>>
    %dma_start3A_117 = arith.constant 0 : i32
    %dma_start3A_118 = tpu.memref_slice %arg9[%dma_start3A_117] : memref<100000xi32, #tpu.memory_space<hbm>> -> memref<100000xi32, #tpu.memory_space<hbm>>
    tpu.enqueue_indirect_dma source(%dma_start3A_118 : memref<100000xi32, #tpu.memory_space<hbm>>) target(%dma_start3A_113 : memref<128xi32, #tpu.memory_space<vmem>>) offsets(%dma_start3A_116 : memref<128xi32, #tpu.memory_space<vmem>>) semaphore(%arg22 : memref<!tpu.dma_semaphore, #tpu.memory_space<semaphore_mem>>)
    %dma_start3A_119 = arith.constant 0 : i32
    %dma_start3A_120 = arith.constant 3 : i32
    %dma_start3A_121 = arith.constant 0 : i32
    %dma_start3A_122 = tpu.memref_slice %arg19[%dma_start3A_120, %dma_start3A_121] : memref<16x128xi32, #tpu.memory_space<vmem>> -> memref<1x128xi32, #tpu.memory_space<vmem>>
    %dma_start3A_123 = tpu.memref_squeeze %dma_start3A_122 : memref<1x128xi32, #tpu.memory_space<vmem>> -> memref<128xi32, #tpu.memory_space<vmem>>
    %dma_start3A_124 = arith.constant 0 : i32
    %dma_start3A_125 = tpu.memref_slice %arg17[%dma_start3A_119, %dma_start3A_124] : memref<4x128xi32, #tpu.memory_space<vmem>> -> memref<1x128xi32, #tpu.memory_space<vmem>>
    %dma_start3A_126 = tpu.memref_squeeze %dma_start3A_125 : memref<1x128xi32, #tpu.memory_space<vmem>> -> memref<128xi32, #tpu.memory_space<vmem>>
    %dma_start3A_127 = arith.constant 0 : i32
    %dma_start3A_128 = tpu.memref_slice %arg10[%dma_start3A_127] : memref<100000xi32, #tpu.memory_space<hbm>> -> memref<100000xi32, #tpu.memory_space<hbm>>
    tpu.enqueue_indirect_dma source(%dma_start3A_128 : memref<100000xi32, #tpu.memory_space<hbm>>) target(%dma_start3A_123 : memref<128xi32, #tpu.memory_space<vmem>>) offsets(%dma_start3A_126 : memref<128xi32, #tpu.memory_space<vmem>>) semaphore(%arg22 : memref<!tpu.dma_semaphore, #tpu.memory_space<semaphore_mem>>)
    %dma_start3A_129 = arith.constant 1 : i32
    %dma_start3A_130 = arith.constant 4 : i32
    %dma_start3A_131 = arith.constant 0 : i32
    %dma_start3A_132 = tpu.memref_slice %arg19[%dma_start3A_130, %dma_start3A_131] : memref<16x128xi32, #tpu.memory_space<vmem>> -> memref<1x128xi32, #tpu.memory_space<vmem>>
    %dma_start3A_133 = tpu.memref_squeeze %dma_start3A_132 : memref<1x128xi32, #tpu.memory_space<vmem>> -> memref<128xi32, #tpu.memory_space<vmem>>
    %dma_start3A_134 = arith.constant 0 : i32
    %dma_start3A_135 = tpu.memref_slice %arg17[%dma_start3A_129, %dma_start3A_134] : memref<4x128xi32, #tpu.memory_space<vmem>> -> memref<1x128xi32, #tpu.memory_space<vmem>>
    %dma_start3A_136 = tpu.memref_squeeze %dma_start3A_135 : memref<1x128xi32, #tpu.memory_space<vmem>> -> memref<128xi32, #tpu.memory_space<vmem>>
    %dma_start3A_137 = arith.constant 0 : i32
    %dma_start3A_138 = tpu.memref_slice %arg7[%dma_start3A_137] : memref<100000xi32, #tpu.memory_space<hbm>> -> memref<100000xi32, #tpu.memory_space<hbm>>
    tpu.enqueue_indirect_dma source(%dma_start3A_138 : memref<100000xi32, #tpu.memory_space<hbm>>) target(%dma_start3A_133 : memref<128xi32, #tpu.memory_space<vmem>>) offsets(%dma_start3A_136 : memref<128xi32, #tpu.memory_space<vmem>>) semaphore(%arg22 : memref<!tpu.dma_semaphore, #tpu.memory_space<semaphore_mem>>)
    %dma_start3A_139 = arith.constant 1 : i32
    %dma_start3A_140 = arith.constant 5 : i32
    %dma_start3A_141 = arith.constant 0 : i32
    %dma_start3A_142 = tpu.memref_slice %arg19[%dma_start3A_140, %dma_start3A_141] : memref<16x128xi32, #tpu.memory_space<vmem>> -> memref<1x128xi32, #tpu.memory_space<vmem>>
    %dma_start3A_143 = tpu.memref_squeeze %dma_start3A_142 : memref<1x128xi32, #tpu.memory_space<vmem>> -> memref<128xi32, #tpu.memory_space<vmem>>
    %dma_start3A_144 = arith.constant 0 : i32
    %dma_start3A_145 = tpu.memref_slice %arg17[%dma_start3A_139, %dma_start3A_144] : memref<4x128xi32, #tpu.memory_space<vmem>> -> memref<1x128xi32, #tpu.memory_space<vmem>>
    %dma_start3A_146 = tpu.memref_squeeze %dma_start3A_145 : memref<1x128xi32, #tpu.memory_space<vmem>> -> memref<128xi32, #tpu.memory_space<vmem>>
    %dma_start3A_147 = arith.constant 0 : i32
    %dma_start3A_148 = tpu.memref_slice %arg8[%dma_start3A_147] : memref<100000xi32, #tpu.memory_space<hbm>> -> memref<100000xi32, #tpu.memory_space<hbm>>
    tpu.enqueue_indirect_dma source(%dma_start3A_148 : memref<100000xi32, #tpu.memory_space<hbm>>) target(%dma_start3A_143 : memref<128xi32, #tpu.memory_space<vmem>>) offsets(%dma_start3A_146 : memref<128xi32, #tpu.memory_space<vmem>>) semaphore(%arg22 : memref<!tpu.dma_semaphore, #tpu.memory_space<semaphore_mem>>)
    %dma_start3A_149 = arith.constant 1 : i32
    %dma_start3A_150 = arith.constant 6 : i32
    %dma_start3A_151 = arith.constant 0 : i32
    %dma_start3A_152 = tpu.memref_slice %arg19[%dma_start3A_150, %dma_start3A_151] : memref<16x128xi32, #tpu.memory_space<vmem>> -> memref<1x128xi32, #tpu.memory_space<vmem>>
    %dma_start3A_153 = tpu.memref_squeeze %dma_start3A_152 : memref<1x128xi32, #tpu.memory_space<vmem>> -> memref<128xi32, #tpu.memory_space<vmem>>
    %dma_start3A_154 = arith.constant 0 : i32
    %dma_start3A_155 = tpu.memref_slice %arg17[%dma_start3A_149, %dma_start3A_154] : memref<4x128xi32, #tpu.memory_space<vmem>> -> memref<1x128xi32, #tpu.memory_space<vmem>>
    %dma_start3A_156 = tpu.memref_squeeze %dma_start3A_155 : memref<1x128xi32, #tpu.memory_space<vmem>> -> memref<128xi32, #tpu.memory_space<vmem>>
    %dma_start3A_157 = arith.constant 0 : i32
    %dma_start3A_158 = tpu.memref_slice %arg9[%dma_start3A_157] : memref<100000xi32, #tpu.memory_space<hbm>> -> memref<100000xi32, #tpu.memory_space<hbm>>
    tpu.enqueue_indirect_dma source(%dma_start3A_158 : memref<100000xi32, #tpu.memory_space<hbm>>) target(%dma_start3A_153 : memref<128xi32, #tpu.memory_space<vmem>>) offsets(%dma_start3A_156 : memref<128xi32, #tpu.memory_space<vmem>>) semaphore(%arg22 : memref<!tpu.dma_semaphore, #tpu.memory_space<semaphore_mem>>)
    %dma_start3A_159 = arith.constant 1 : i32
    %dma_start3A_160 = arith.constant 7 : i32
    %dma_start3A_161 = arith.constant 0 : i32
    %dma_start3A_162 = tpu.memref_slice %arg19[%dma_start3A_160, %dma_start3A_161] : memref<16x128xi32, #tpu.memory_space<vmem>> -> memref<1x128xi32, #tpu.memory_space<vmem>>
    %dma_start3A_163 = tpu.memref_squeeze %dma_start3A_162 : memref<1x128xi32, #tpu.memory_space<vmem>> -> memref<128xi32, #tpu.memory_space<vmem>>
    %dma_start3A_164 = arith.constant 0 : i32
    %dma_start3A_165 = tpu.memref_slice %arg17[%dma_start3A_159, %dma_start3A_164] : memref<4x128xi32, #tpu.memory_space<vmem>> -> memref<1x128xi32, #tpu.memory_space<vmem>>
    %dma_start3A_166 = tpu.memref_squeeze %dma_start3A_165 : memref<1x128xi32, #tpu.memory_space<vmem>> -> memref<128xi32, #tpu.memory_space<vmem>>
    %dma_start3A_167 = arith.constant 0 : i32
    %dma_start3A_168 = tpu.memref_slice %arg10[%dma_start3A_167] : memref<100000xi32, #tpu.memory_space<hbm>> -> memref<100000xi32, #tpu.memory_space<hbm>>
    tpu.enqueue_indirect_dma source(%dma_start3A_168 : memref<100000xi32, #tpu.memory_space<hbm>>) target(%dma_start3A_163 : memref<128xi32, #tpu.memory_space<vmem>>) offsets(%dma_start3A_166 : memref<128xi32, #tpu.memory_space<vmem>>) semaphore(%arg22 : memref<!tpu.dma_semaphore, #tpu.memory_space<semaphore_mem>>)
    %dma_start3A_169 = arith.constant 2 : i32
    %dma_start3A_170 = arith.constant 8 : i32
    %dma_start3A_171 = arith.constant 0 : i32
    %dma_start3A_172 = tpu.memref_slice %arg19[%dma_start3A_170, %dma_start3A_171] : memref<16x128xi32, #tpu.memory_space<vmem>> -> memref<1x128xi32, #tpu.memory_space<vmem>>
    %dma_start3A_173 = tpu.memref_squeeze %dma_start3A_172 : memref<1x128xi32, #tpu.memory_space<vmem>> -> memref<128xi32, #tpu.memory_space<vmem>>
    %dma_start3A_174 = arith.constant 0 : i32
    %dma_start3A_175 = tpu.memref_slice %arg17[%dma_start3A_169, %dma_start3A_174] : memref<4x128xi32, #tpu.memory_space<vmem>> -> memref<1x128xi32, #tpu.memory_space<vmem>>
    %dma_start3A_176 = tpu.memref_squeeze %dma_start3A_175 : memref<1x128xi32, #tpu.memory_space<vmem>> -> memref<128xi32, #tpu.memory_space<vmem>>
    %dma_start3A_177 = arith.constant 0 : i32
    %dma_start3A_178 = tpu.memref_slice %arg7[%dma_start3A_177] : memref<100000xi32, #tpu.memory_space<hbm>> -> memref<100000xi32, #tpu.memory_space<hbm>>
    tpu.enqueue_indirect_dma source(%dma_start3A_178 : memref<100000xi32, #tpu.memory_space<hbm>>) target(%dma_start3A_173 : memref<128xi32, #tpu.memory_space<vmem>>) offsets(%dma_start3A_176 : memref<128xi32, #tpu.memory_space<vmem>>) semaphore(%arg22 : memref<!tpu.dma_semaphore, #tpu.memory_space<semaphore_mem>>)
    %dma_start3A_179 = arith.constant 2 : i32
    %dma_start3A_180 = arith.constant 9 : i32
    %dma_start3A_181 = arith.constant 0 : i32
    %dma_start3A_182 = tpu.memref_slice %arg19[%dma_start3A_180, %dma_start3A_181] : memref<16x128xi32, #tpu.memory_space<vmem>> -> memref<1x128xi32, #tpu.memory_space<vmem>>
    %dma_start3A_183 = tpu.memref_squeeze %dma_start3A_182 : memref<1x128xi32, #tpu.memory_space<vmem>> -> memref<128xi32, #tpu.memory_space<vmem>>
    %dma_start3A_184 = arith.constant 0 : i32
    %dma_start3A_185 = tpu.memref_slice %arg17[%dma_start3A_179, %dma_start3A_184] : memref<4x128xi32, #tpu.memory_space<vmem>> -> memref<1x128xi32, #tpu.memory_space<vmem>>
    %dma_start3A_186 = tpu.memref_squeeze %dma_start3A_185 : memref<1x128xi32, #tpu.memory_space<vmem>> -> memref<128xi32, #tpu.memory_space<vmem>>
    %dma_start3A_187 = arith.constant 0 : i32
    %dma_start3A_188 = tpu.memref_slice %arg8[%dma_start3A_187] : memref<100000xi32, #tpu.memory_space<hbm>> -> memref<100000xi32, #tpu.memory_space<hbm>>
    tpu.enqueue_indirect_dma source(%dma_start3A_188 : memref<100000xi32, #tpu.memory_space<hbm>>) target(%dma_start3A_183 : memref<128xi32, #tpu.memory_space<vmem>>) offsets(%dma_start3A_186 : memref<128xi32, #tpu.memory_space<vmem>>) semaphore(%arg22 : memref<!tpu.dma_semaphore, #tpu.memory_space<semaphore_mem>>)
    %dma_start3A_189 = arith.constant 2 : i32
    %dma_start3A_190 = arith.constant 10 : i32
    %dma_start3A_191 = arith.constant 0 : i32
    %dma_start3A_192 = tpu.memref_slice %arg19[%dma_start3A_190, %dma_start3A_191] : memref<16x128xi32, #tpu.memory_space<vmem>> -> memref<1x128xi32, #tpu.memory_space<vmem>>
    %dma_start3A_193 = tpu.memref_squeeze %dma_start3A_192 : memref<1x128xi32, #tpu.memory_space<vmem>> -> memref<128xi32, #tpu.memory_space<vmem>>
    %dma_start3A_194 = arith.constant 0 : i32
    %dma_start3A_195 = tpu.memref_slice %arg17[%dma_start3A_189, %dma_start3A_194] : memref<4x128xi32, #tpu.memory_space<vmem>> -> memref<1x128xi32, #tpu.memory_space<vmem>>
    %dma_start3A_196 = tpu.memref_squeeze %dma_start3A_195 : memref<1x128xi32, #tpu.memory_space<vmem>> -> memref<128xi32, #tpu.memory_space<vmem>>
    %dma_start3A_197 = arith.constant 0 : i32
    %dma_start3A_198 = tpu.memref_slice %arg9[%dma_start3A_197] : memref<100000xi32, #tpu.memory_space<hbm>> -> memref<100000xi32, #tpu.memory_space<hbm>>
    tpu.enqueue_indirect_dma source(%dma_start3A_198 : memref<100000xi32, #tpu.memory_space<hbm>>) target(%dma_start3A_193 : memref<128xi32, #tpu.memory_space<vmem>>) offsets(%dma_start3A_196 : memref<128xi32, #tpu.memory_space<vmem>>) semaphore(%arg22 : memref<!tpu.dma_semaphore, #tpu.memory_space<semaphore_mem>>)
    %dma_start3A_199 = arith.constant 2 : i32
    %dma_start3A_200 = arith.constant 11 : i32
    %dma_start3A_201 = arith.constant 0 : i32
    %dma_start3A_202 = tpu.memref_slice %arg19[%dma_start3A_200, %dma_start3A_201] : memref<16x128xi32, #tpu.memory_space<vmem>> -> memref<1x128xi32, #tpu.memory_space<vmem>>
    %dma_start3A_203 = tpu.memref_squeeze %dma_start3A_202 : memref<1x128xi32, #tpu.memory_space<vmem>> -> memref<128xi32, #tpu.memory_space<vmem>>
    %dma_start3A_204 = arith.constant 0 : i32
    %dma_start3A_205 = tpu.memref_slice %arg17[%dma_start3A_199, %dma_start3A_204] : memref<4x128xi32, #tpu.memory_space<vmem>> -> memref<1x128xi32, #tpu.memory_space<vmem>>
    %dma_start3A_206 = tpu.memref_squeeze %dma_start3A_205 : memref<1x128xi32, #tpu.memory_space<vmem>> -> memref<128xi32, #tpu.memory_space<vmem>>
    %dma_start3A_207 = arith.constant 0 : i32
    %dma_start3A_208 = tpu.memref_slice %arg10[%dma_start3A_207] : memref<100000xi32, #tpu.memory_space<hbm>> -> memref<100000xi32, #tpu.memory_space<hbm>>
    tpu.enqueue_indirect_dma source(%dma_start3A_208 : memref<100000xi32, #tpu.memory_space<hbm>>) target(%dma_start3A_203 : memref<128xi32, #tpu.memory_space<vmem>>) offsets(%dma_start3A_206 : memref<128xi32, #tpu.memory_space<vmem>>) semaphore(%arg22 : memref<!tpu.dma_semaphore, #tpu.memory_space<semaphore_mem>>)
    %dma_start3A_209 = arith.constant 3 : i32
    %dma_start3A_210 = arith.constant 12 : i32
    %dma_start3A_211 = arith.constant 0 : i32
    %dma_start3A_212 = tpu.memref_slice %arg19[%dma_start3A_210, %dma_start3A_211] : memref<16x128xi32, #tpu.memory_space<vmem>> -> memref<1x128xi32, #tpu.memory_space<vmem>>
    %dma_start3A_213 = tpu.memref_squeeze %dma_start3A_212 : memref<1x128xi32, #tpu.memory_space<vmem>> -> memref<128xi32, #tpu.memory_space<vmem>>
    %dma_start3A_214 = arith.constant 0 : i32
    %dma_start3A_215 = tpu.memref_slice %arg17[%dma_start3A_209, %dma_start3A_214] : memref<4x128xi32, #tpu.memory_space<vmem>> -> memref<1x128xi32, #tpu.memory_space<vmem>>
    %dma_start3A_216 = tpu.memref_squeeze %dma_start3A_215 : memref<1x128xi32, #tpu.memory_space<vmem>> -> memref<128xi32, #tpu.memory_space<vmem>>
    %dma_start3A_217 = arith.constant 0 : i32
    %dma_start3A_218 = tpu.memref_slice %arg7[%dma_start3A_217] : memref<100000xi32, #tpu.memory_space<hbm>> -> memref<100000xi32, #tpu.memory_space<hbm>>
    tpu.enqueue_indirect_dma source(%dma_start3A_218 : memref<100000xi32, #tpu.memory_space<hbm>>) target(%dma_start3A_213 : memref<128xi32, #tpu.memory_space<vmem>>) offsets(%dma_start3A_216 : memref<128xi32, #tpu.memory_space<vmem>>) semaphore(%arg22 : memref<!tpu.dma_semaphore, #tpu.memory_space<semaphore_mem>>)
    %dma_start3A_219 = arith.constant 3 : i32
    %dma_start3A_220 = arith.constant 13 : i32
    %dma_start3A_221 = arith.constant 0 : i32
    %dma_start3A_222 = tpu.memref_slice %arg19[%dma_start3A_220, %dma_start3A_221] : memref<16x128xi32, #tpu.memory_space<vmem>> -> memref<1x128xi32, #tpu.memory_space<vmem>>
    %dma_start3A_223 = tpu.memref_squeeze %dma_start3A_222 : memref<1x128xi32, #tpu.memory_space<vmem>> -> memref<128xi32, #tpu.memory_space<vmem>>
    %dma_start3A_224 = arith.constant 0 : i32
    %dma_start3A_225 = tpu.memref_slice %arg17[%dma_start3A_219, %dma_start3A_224] : memref<4x128xi32, #tpu.memory_space<vmem>> -> memref<1x128xi32, #tpu.memory_space<vmem>>
    %dma_start3A_226 = tpu.memref_squeeze %dma_start3A_225 : memref<1x128xi32, #tpu.memory_space<vmem>> -> memref<128xi32, #tpu.memory_space<vmem>>
    %dma_start3A_227 = arith.constant 0 : i32
    %dma_start3A_228 = tpu.memref_slice %arg8[%dma_start3A_227] : memref<100000xi32, #tpu.memory_space<hbm>> -> memref<100000xi32, #tpu.memory_space<hbm>>
    tpu.enqueue_indirect_dma source(%dma_start3A_228 : memref<100000xi32, #tpu.memory_space<hbm>>) target(%dma_start3A_223 : memref<128xi32, #tpu.memory_space<vmem>>) offsets(%dma_start3A_226 : memref<128xi32, #tpu.memory_space<vmem>>) semaphore(%arg22 : memref<!tpu.dma_semaphore, #tpu.memory_space<semaphore_mem>>)
    %dma_start3A_229 = arith.constant 3 : i32
    %dma_start3A_230 = arith.constant 14 : i32
    %dma_start3A_231 = arith.constant 0 : i32
    %dma_start3A_232 = tpu.memref_slice %arg19[%dma_start3A_230, %dma_start3A_231] : memref<16x128xi32, #tpu.memory_space<vmem>> -> memref<1x128xi32, #tpu.memory_space<vmem>>
    %dma_start3A_233 = tpu.memref_squeeze %dma_start3A_232 : memref<1x128xi32, #tpu.memory_space<vmem>> -> memref<128xi32, #tpu.memory_space<vmem>>
    %dma_start3A_234 = arith.constant 0 : i32
    %dma_start3A_235 = tpu.memref_slice %arg17[%dma_start3A_229, %dma_start3A_234] : memref<4x128xi32, #tpu.memory_space<vmem>> -> memref<1x128xi32, #tpu.memory_space<vmem>>
    %dma_start3A_236 = tpu.memref_squeeze %dma_start3A_235 : memref<1x128xi32, #tpu.memory_space<vmem>> -> memref<128xi32, #tpu.memory_space<vmem>>
    %dma_start3A_237 = arith.constant 0 : i32
    %dma_start3A_238 = tpu.memref_slice %arg9[%dma_start3A_237] : memref<100000xi32, #tpu.memory_space<hbm>> -> memref<100000xi32, #tpu.memory_space<hbm>>
    tpu.enqueue_indirect_dma source(%dma_start3A_238 : memref<100000xi32, #tpu.memory_space<hbm>>) target(%dma_start3A_233 : memref<128xi32, #tpu.memory_space<vmem>>) offsets(%dma_start3A_236 : memref<128xi32, #tpu.memory_space<vmem>>) semaphore(%arg22 : memref<!tpu.dma_semaphore, #tpu.memory_space<semaphore_mem>>)
    %dma_start3A_239 = arith.constant 3 : i32
    %dma_start3A_240 = arith.constant 15 : i32
    %dma_start3A_241 = arith.constant 0 : i32
    %dma_start3A_242 = tpu.memref_slice %arg19[%dma_start3A_240, %dma_start3A_241] : memref<16x128xi32, #tpu.memory_space<vmem>> -> memref<1x128xi32, #tpu.memory_space<vmem>>
    %dma_start3A_243 = tpu.memref_squeeze %dma_start3A_242 : memref<1x128xi32, #tpu.memory_space<vmem>> -> memref<128xi32, #tpu.memory_space<vmem>>
    %dma_start3A_244 = arith.constant 0 : i32
    %dma_start3A_245 = tpu.memref_slice %arg17[%dma_start3A_239, %dma_start3A_244] : memref<4x128xi32, #tpu.memory_space<vmem>> -> memref<1x128xi32, #tpu.memory_space<vmem>>
    %dma_start3A_246 = tpu.memref_squeeze %dma_start3A_245 : memref<1x128xi32, #tpu.memory_space<vmem>> -> memref<128xi32, #tpu.memory_space<vmem>>
    %dma_start3A_247 = arith.constant 0 : i32
    %dma_start3A_248 = tpu.memref_slice %arg10[%dma_start3A_247] : memref<100000xi32, #tpu.memory_space<hbm>> -> memref<100000xi32, #tpu.memory_space<hbm>>
    tpu.enqueue_indirect_dma source(%dma_start3A_248 : memref<100000xi32, #tpu.memory_space<hbm>>) target(%dma_start3A_243 : memref<128xi32, #tpu.memory_space<vmem>>) offsets(%dma_start3A_246 : memref<128xi32, #tpu.memory_space<vmem>>) semaphore(%arg22 : memref<!tpu.dma_semaphore, #tpu.memory_space<semaphore_mem>>)
    %dma_wait3A_249 = arith.constant 0 : i32
    %dma_wait3A_250 = arith.constant 0 : i32
    %dma_wait3A_251 = arith.constant 0 : i32
    %dma_wait3A_252 = tpu.memref_slice %arg18[%dma_wait3A_250, %dma_wait3A_251] : memref<4x128xi32, #tpu.memory_space<vmem>> -> memref<1x128xi32, #tpu.memory_space<vmem>>
    %dma_wait3A_253 = tpu.memref_squeeze %dma_wait3A_252 : memref<1x128xi32, #tpu.memory_space<vmem>> -> memref<128xi32, #tpu.memory_space<vmem>>
    %dma_wait3A_254 = arith.constant 0 : i32
    %dma_wait3A_255 = tpu.memref_slice %arg17[%dma_wait3A_249, %dma_wait3A_254] : memref<4x128xi32, #tpu.memory_space<vmem>> -> memref<1x128xi32, #tpu.memory_space<vmem>>
    %dma_wait3A_256 = tpu.memref_squeeze %dma_wait3A_255 : memref<1x128xi32, #tpu.memory_space<vmem>> -> memref<128xi32, #tpu.memory_space<vmem>>
    %dma_wait3A_257 = arith.constant 0 : i32
    %dma_wait3A_258 = tpu.memref_slice %arg11[%dma_wait3A_257] : memref<100000xi32, #tpu.memory_space<hbm>> -> memref<100000xi32, #tpu.memory_space<hbm>>
    tpu.wait_indirect_dma semaphore(%arg22 : memref<!tpu.dma_semaphore, #tpu.memory_space<semaphore_mem>>) src(%dma_wait3A_258 : memref<100000xi32, #tpu.memory_space<hbm>>) dst(%dma_wait3A_253 : memref<128xi32, #tpu.memory_space<vmem>>)
    %dma_wait3A_259 = arith.constant 1 : i32
    %dma_wait3A_260 = arith.constant 1 : i32
    %dma_wait3A_261 = arith.constant 0 : i32
    %dma_wait3A_262 = tpu.memref_slice %arg18[%dma_wait3A_260, %dma_wait3A_261] : memref<4x128xi32, #tpu.memory_space<vmem>> -> memref<1x128xi32, #tpu.memory_space<vmem>>
    %dma_wait3A_263 = tpu.memref_squeeze %dma_wait3A_262 : memref<1x128xi32, #tpu.memory_space<vmem>> -> memref<128xi32, #tpu.memory_space<vmem>>
    %dma_wait3A_264 = arith.constant 0 : i32
    %dma_wait3A_265 = tpu.memref_slice %arg17[%dma_wait3A_259, %dma_wait3A_264] : memref<4x128xi32, #tpu.memory_space<vmem>> -> memref<1x128xi32, #tpu.memory_space<vmem>>
    %dma_wait3A_266 = tpu.memref_squeeze %dma_wait3A_265 : memref<1x128xi32, #tpu.memory_space<vmem>> -> memref<128xi32, #tpu.memory_space<vmem>>
    %dma_wait3A_267 = arith.constant 0 : i32
    %dma_wait3A_268 = tpu.memref_slice %arg11[%dma_wait3A_267] : memref<100000xi32, #tpu.memory_space<hbm>> -> memref<100000xi32, #tpu.memory_space<hbm>>
    tpu.wait_indirect_dma semaphore(%arg22 : memref<!tpu.dma_semaphore, #tpu.memory_space<semaphore_mem>>) src(%dma_wait3A_268 : memref<100000xi32, #tpu.memory_space<hbm>>) dst(%dma_wait3A_263 : memref<128xi32, #tpu.memory_space<vmem>>)
    %dma_wait3A_269 = arith.constant 2 : i32
    %dma_wait3A_270 = arith.constant 2 : i32
    %dma_wait3A_271 = arith.constant 0 : i32
    %dma_wait3A_272 = tpu.memref_slice %arg18[%dma_wait3A_270, %dma_wait3A_271] : memref<4x128xi32, #tpu.memory_space<vmem>> -> memref<1x128xi32, #tpu.memory_space<vmem>>
    %dma_wait3A_273 = tpu.memref_squeeze %dma_wait3A_272 : memref<1x128xi32, #tpu.memory_space<vmem>> -> memref<128xi32, #tpu.memory_space<vmem>>
    %dma_wait3A_274 = arith.constant 0 : i32
    %dma_wait3A_275 = tpu.memref_slice %arg17[%dma_wait3A_269, %dma_wait3A_274] : memref<4x128xi32, #tpu.memory_space<vmem>> -> memref<1x128xi32, #tpu.memory_space<vmem>>
    %dma_wait3A_276 = tpu.memref_squeeze %dma_wait3A_275 : memref<1x128xi32, #tpu.memory_space<vmem>> -> memref<128xi32, #tpu.memory_space<vmem>>
    %dma_wait3A_277 = arith.constant 0 : i32
    %dma_wait3A_278 = tpu.memref_slice %arg11[%dma_wait3A_277] : memref<100000xi32, #tpu.memory_space<hbm>> -> memref<100000xi32, #tpu.memory_space<hbm>>
    tpu.wait_indirect_dma semaphore(%arg22 : memref<!tpu.dma_semaphore, #tpu.memory_space<semaphore_mem>>) src(%dma_wait3A_278 : memref<100000xi32, #tpu.memory_space<hbm>>) dst(%dma_wait3A_273 : memref<128xi32, #tpu.memory_space<vmem>>)
    %dma_wait3A_279 = arith.constant 3 : i32
    %dma_wait3A_280 = arith.constant 3 : i32
    %dma_wait3A_281 = arith.constant 0 : i32
    %dma_wait3A_282 = tpu.memref_slice %arg18[%dma_wait3A_280, %dma_wait3A_281] : memref<4x128xi32, #tpu.memory_space<vmem>> -> memref<1x128xi32, #tpu.memory_space<vmem>>
    %dma_wait3A_283 = tpu.memref_squeeze %dma_wait3A_282 : memref<1x128xi32, #tpu.memory_space<vmem>> -> memref<128xi32, #tpu.memory_space<vmem>>
    %dma_wait3A_284 = arith.constant 0 : i32
    %dma_wait3A_285 = tpu.memref_slice %arg17[%dma_wait3A_279, %dma_wait3A_284] : memref<4x128xi32, #tpu.memory_space<vmem>> -> memref<1x128xi32, #tpu.memory_space<vmem>>
    %dma_wait3A_286 = tpu.memref_squeeze %dma_wait3A_285 : memref<1x128xi32, #tpu.memory_space<vmem>> -> memref<128xi32, #tpu.memory_space<vmem>>
    %dma_wait3A_287 = arith.constant 0 : i32
    %dma_wait3A_288 = tpu.memref_slice %arg11[%dma_wait3A_287] : memref<100000xi32, #tpu.memory_space<hbm>> -> memref<100000xi32, #tpu.memory_space<hbm>>
    tpu.wait_indirect_dma semaphore(%arg22 : memref<!tpu.dma_semaphore, #tpu.memory_space<semaphore_mem>>) src(%dma_wait3A_288 : memref<100000xi32, #tpu.memory_space<hbm>>) dst(%dma_wait3A_283 : memref<128xi32, #tpu.memory_space<vmem>>)
    %dma_wait3A_289 = arith.constant 0 : i32
    %dma_wait3A_290 = arith.constant 0 : i32
    %dma_wait3A_291 = arith.constant 0 : i32
    %dma_wait3A_292 = tpu.memref_slice %arg19[%dma_wait3A_290, %dma_wait3A_291] : memref<16x128xi32, #tpu.memory_space<vmem>> -> memref<1x128xi32, #tpu.memory_space<vmem>>
    %dma_wait3A_293 = tpu.memref_squeeze %dma_wait3A_292 : memref<1x128xi32, #tpu.memory_space<vmem>> -> memref<128xi32, #tpu.memory_space<vmem>>
    %dma_wait3A_294 = arith.constant 0 : i32
    %dma_wait3A_295 = tpu.memref_slice %arg17[%dma_wait3A_289, %dma_wait3A_294] : memref<4x128xi32, #tpu.memory_space<vmem>> -> memref<1x128xi32, #tpu.memory_space<vmem>>
    %dma_wait3A_296 = tpu.memref_squeeze %dma_wait3A_295 : memref<1x128xi32, #tpu.memory_space<vmem>> -> memref<128xi32, #tpu.memory_space<vmem>>
    %dma_wait3A_297 = arith.constant 0 : i32
    %dma_wait3A_298 = tpu.memref_slice %arg7[%dma_wait3A_297] : memref<100000xi32, #tpu.memory_space<hbm>> -> memref<100000xi32, #tpu.memory_space<hbm>>
    tpu.wait_indirect_dma semaphore(%arg22 : memref<!tpu.dma_semaphore, #tpu.memory_space<semaphore_mem>>) src(%dma_wait3A_298 : memref<100000xi32, #tpu.memory_space<hbm>>) dst(%dma_wait3A_293 : memref<128xi32, #tpu.memory_space<vmem>>)
    %dma_wait3A_299 = arith.constant 0 : i32
    %dma_wait3A_300 = arith.constant 1 : i32
    %dma_wait3A_301 = arith.constant 0 : i32
    %dma_wait3A_302 = tpu.memref_slice %arg19[%dma_wait3A_300, %dma_wait3A_301] : memref<16x128xi32, #tpu.memory_space<vmem>> -> memref<1x128xi32, #tpu.memory_space<vmem>>
    %dma_wait3A_303 = tpu.memref_squeeze %dma_wait3A_302 : memref<1x128xi32, #tpu.memory_space<vmem>> -> memref<128xi32, #tpu.memory_space<vmem>>
    %dma_wait3A_304 = arith.constant 0 : i32
    %dma_wait3A_305 = tpu.memref_slice %arg17[%dma_wait3A_299, %dma_wait3A_304] : memref<4x128xi32, #tpu.memory_space<vmem>> -> memref<1x128xi32, #tpu.memory_space<vmem>>
    %dma_wait3A_306 = tpu.memref_squeeze %dma_wait3A_305 : memref<1x128xi32, #tpu.memory_space<vmem>> -> memref<128xi32, #tpu.memory_space<vmem>>
    %dma_wait3A_307 = arith.constant 0 : i32
    %dma_wait3A_308 = tpu.memref_slice %arg8[%dma_wait3A_307] : memref<100000xi32, #tpu.memory_space<hbm>> -> memref<100000xi32, #tpu.memory_space<hbm>>
    tpu.wait_indirect_dma semaphore(%arg22 : memref<!tpu.dma_semaphore, #tpu.memory_space<semaphore_mem>>) src(%dma_wait3A_308 : memref<100000xi32, #tpu.memory_space<hbm>>) dst(%dma_wait3A_303 : memref<128xi32, #tpu.memory_space<vmem>>)
    %dma_wait3A_309 = arith.constant 0 : i32
    %dma_wait3A_310 = arith.constant 2 : i32
    %dma_wait3A_311 = arith.constant 0 : i32
    %dma_wait3A_312 = tpu.memref_slice %arg19[%dma_wait3A_310, %dma_wait3A_311] : memref<16x128xi32, #tpu.memory_space<vmem>> -> memref<1x128xi32, #tpu.memory_space<vmem>>
    %dma_wait3A_313 = tpu.memref_squeeze %dma_wait3A_312 : memref<1x128xi32, #tpu.memory_space<vmem>> -> memref<128xi32, #tpu.memory_space<vmem>>
    %dma_wait3A_314 = arith.constant 0 : i32
    %dma_wait3A_315 = tpu.memref_slice %arg17[%dma_wait3A_309, %dma_wait3A_314] : memref<4x128xi32, #tpu.memory_space<vmem>> -> memref<1x128xi32, #tpu.memory_space<vmem>>
    %dma_wait3A_316 = tpu.memref_squeeze %dma_wait3A_315 : memref<1x128xi32, #tpu.memory_space<vmem>> -> memref<128xi32, #tpu.memory_space<vmem>>
    %dma_wait3A_317 = arith.constant 0 : i32
    %dma_wait3A_318 = tpu.memref_slice %arg9[%dma_wait3A_317] : memref<100000xi32, #tpu.memory_space<hbm>> -> memref<100000xi32, #tpu.memory_space<hbm>>
    tpu.wait_indirect_dma semaphore(%arg22 : memref<!tpu.dma_semaphore, #tpu.memory_space<semaphore_mem>>) src(%dma_wait3A_318 : memref<100000xi32, #tpu.memory_space<hbm>>) dst(%dma_wait3A_313 : memref<128xi32, #tpu.memory_space<vmem>>)
    %dma_wait3A_319 = arith.constant 0 : i32
    %dma_wait3A_320 = arith.constant 3 : i32
    %dma_wait3A_321 = arith.constant 0 : i32
    %dma_wait3A_322 = tpu.memref_slice %arg19[%dma_wait3A_320, %dma_wait3A_321] : memref<16x128xi32, #tpu.memory_space<vmem>> -> memref<1x128xi32, #tpu.memory_space<vmem>>
    %dma_wait3A_323 = tpu.memref_squeeze %dma_wait3A_322 : memref<1x128xi32, #tpu.memory_space<vmem>> -> memref<128xi32, #tpu.memory_space<vmem>>
    %dma_wait3A_324 = arith.constant 0 : i32
    %dma_wait3A_325 = tpu.memref_slice %arg17[%dma_wait3A_319, %dma_wait3A_324] : memref<4x128xi32, #tpu.memory_space<vmem>> -> memref<1x128xi32, #tpu.memory_space<vmem>>
    %dma_wait3A_326 = tpu.memref_squeeze %dma_wait3A_325 : memref<1x128xi32, #tpu.memory_space<vmem>> -> memref<128xi32, #tpu.memory_space<vmem>>
    %dma_wait3A_327 = arith.constant 0 : i32
    %dma_wait3A_328 = tpu.memref_slice %arg10[%dma_wait3A_327] : memref<100000xi32, #tpu.memory_space<hbm>> -> memref<100000xi32, #tpu.memory_space<hbm>>
    tpu.wait_indirect_dma semaphore(%arg22 : memref<!tpu.dma_semaphore, #tpu.memory_space<semaphore_mem>>) src(%dma_wait3A_328 : memref<100000xi32, #tpu.memory_space<hbm>>) dst(%dma_wait3A_323 : memref<128xi32, #tpu.memory_space<vmem>>)
    %dma_wait3A_329 = arith.constant 1 : i32
    %dma_wait3A_330 = arith.constant 4 : i32
    %dma_wait3A_331 = arith.constant 0 : i32
    %dma_wait3A_332 = tpu.memref_slice %arg19[%dma_wait3A_330, %dma_wait3A_331] : memref<16x128xi32, #tpu.memory_space<vmem>> -> memref<1x128xi32, #tpu.memory_space<vmem>>
    %dma_wait3A_333 = tpu.memref_squeeze %dma_wait3A_332 : memref<1x128xi32, #tpu.memory_space<vmem>> -> memref<128xi32, #tpu.memory_space<vmem>>
    %dma_wait3A_334 = arith.constant 0 : i32
    %dma_wait3A_335 = tpu.memref_slice %arg17[%dma_wait3A_329, %dma_wait3A_334] : memref<4x128xi32, #tpu.memory_space<vmem>> -> memref<1x128xi32, #tpu.memory_space<vmem>>
    %dma_wait3A_336 = tpu.memref_squeeze %dma_wait3A_335 : memref<1x128xi32, #tpu.memory_space<vmem>> -> memref<128xi32, #tpu.memory_space<vmem>>
    %dma_wait3A_337 = arith.constant 0 : i32
    %dma_wait3A_338 = tpu.memref_slice %arg7[%dma_wait3A_337] : memref<100000xi32, #tpu.memory_space<hbm>> -> memref<100000xi32, #tpu.memory_space<hbm>>
    tpu.wait_indirect_dma semaphore(%arg22 : memref<!tpu.dma_semaphore, #tpu.memory_space<semaphore_mem>>) src(%dma_wait3A_338 : memref<100000xi32, #tpu.memory_space<hbm>>) dst(%dma_wait3A_333 : memref<128xi32, #tpu.memory_space<vmem>>)
    %dma_wait3A_339 = arith.constant 1 : i32
    %dma_wait3A_340 = arith.constant 5 : i32
    %dma_wait3A_341 = arith.constant 0 : i32
    %dma_wait3A_342 = tpu.memref_slice %arg19[%dma_wait3A_340, %dma_wait3A_341] : memref<16x128xi32, #tpu.memory_space<vmem>> -> memref<1x128xi32, #tpu.memory_space<vmem>>
    %dma_wait3A_343 = tpu.memref_squeeze %dma_wait3A_342 : memref<1x128xi32, #tpu.memory_space<vmem>> -> memref<128xi32, #tpu.memory_space<vmem>>
    %dma_wait3A_344 = arith.constant 0 : i32
    %dma_wait3A_345 = tpu.memref_slice %arg17[%dma_wait3A_339, %dma_wait3A_344] : memref<4x128xi32, #tpu.memory_space<vmem>> -> memref<1x128xi32, #tpu.memory_space<vmem>>
    %dma_wait3A_346 = tpu.memref_squeeze %dma_wait3A_345 : memref<1x128xi32, #tpu.memory_space<vmem>> -> memref<128xi32, #tpu.memory_space<vmem>>
    %dma_wait3A_347 = arith.constant 0 : i32
    %dma_wait3A_348 = tpu.memref_slice %arg8[%dma_wait3A_347] : memref<100000xi32, #tpu.memory_space<hbm>> -> memref<100000xi32, #tpu.memory_space<hbm>>
    tpu.wait_indirect_dma semaphore(%arg22 : memref<!tpu.dma_semaphore, #tpu.memory_space<semaphore_mem>>) src(%dma_wait3A_348 : memref<100000xi32, #tpu.memory_space<hbm>>) dst(%dma_wait3A_343 : memref<128xi32, #tpu.memory_space<vmem>>)
    %dma_wait3A_349 = arith.constant 1 : i32
    %dma_wait3A_350 = arith.constant 6 : i32
    %dma_wait3A_351 = arith.constant 0 : i32
    %dma_wait3A_352 = tpu.memref_slice %arg19[%dma_wait3A_350, %dma_wait3A_351] : memref<16x128xi32, #tpu.memory_space<vmem>> -> memref<1x128xi32, #tpu.memory_space<vmem>>
    %dma_wait3A_353 = tpu.memref_squeeze %dma_wait3A_352 : memref<1x128xi32, #tpu.memory_space<vmem>> -> memref<128xi32, #tpu.memory_space<vmem>>
    %dma_wait3A_354 = arith.constant 0 : i32
    %dma_wait3A_355 = tpu.memref_slice %arg17[%dma_wait3A_349, %dma_wait3A_354] : memref<4x128xi32, #tpu.memory_space<vmem>> -> memref<1x128xi32, #tpu.memory_space<vmem>>
    %dma_wait3A_356 = tpu.memref_squeeze %dma_wait3A_355 : memref<1x128xi32, #tpu.memory_space<vmem>> -> memref<128xi32, #tpu.memory_space<vmem>>
    %dma_wait3A_357 = arith.constant 0 : i32
    %dma_wait3A_358 = tpu.memref_slice %arg9[%dma_wait3A_357] : memref<100000xi32, #tpu.memory_space<hbm>> -> memref<100000xi32, #tpu.memory_space<hbm>>
    tpu.wait_indirect_dma semaphore(%arg22 : memref<!tpu.dma_semaphore, #tpu.memory_space<semaphore_mem>>) src(%dma_wait3A_358 : memref<100000xi32, #tpu.memory_space<hbm>>) dst(%dma_wait3A_353 : memref<128xi32, #tpu.memory_space<vmem>>)
    %dma_wait3A_359 = arith.constant 1 : i32
    %dma_wait3A_360 = arith.constant 7 : i32
    %dma_wait3A_361 = arith.constant 0 : i32
    %dma_wait3A_362 = tpu.memref_slice %arg19[%dma_wait3A_360, %dma_wait3A_361] : memref<16x128xi32, #tpu.memory_space<vmem>> -> memref<1x128xi32, #tpu.memory_space<vmem>>
    %dma_wait3A_363 = tpu.memref_squeeze %dma_wait3A_362 : memref<1x128xi32, #tpu.memory_space<vmem>> -> memref<128xi32, #tpu.memory_space<vmem>>
    %dma_wait3A_364 = arith.constant 0 : i32
    %dma_wait3A_365 = tpu.memref_slice %arg17[%dma_wait3A_359, %dma_wait3A_364] : memref<4x128xi32, #tpu.memory_space<vmem>> -> memref<1x128xi32, #tpu.memory_space<vmem>>
    %dma_wait3A_366 = tpu.memref_squeeze %dma_wait3A_365 : memref<1x128xi32, #tpu.memory_space<vmem>> -> memref<128xi32, #tpu.memory_space<vmem>>
    %dma_wait3A_367 = arith.constant 0 : i32
    %dma_wait3A_368 = tpu.memref_slice %arg10[%dma_wait3A_367] : memref<100000xi32, #tpu.memory_space<hbm>> -> memref<100000xi32, #tpu.memory_space<hbm>>
    tpu.wait_indirect_dma semaphore(%arg22 : memref<!tpu.dma_semaphore, #tpu.memory_space<semaphore_mem>>) src(%dma_wait3A_368 : memref<100000xi32, #tpu.memory_space<hbm>>) dst(%dma_wait3A_363 : memref<128xi32, #tpu.memory_space<vmem>>)
    %dma_wait3A_369 = arith.constant 2 : i32
    %dma_wait3A_370 = arith.constant 8 : i32
    %dma_wait3A_371 = arith.constant 0 : i32
    %dma_wait3A_372 = tpu.memref_slice %arg19[%dma_wait3A_370, %dma_wait3A_371] : memref<16x128xi32, #tpu.memory_space<vmem>> -> memref<1x128xi32, #tpu.memory_space<vmem>>
    %dma_wait3A_373 = tpu.memref_squeeze %dma_wait3A_372 : memref<1x128xi32, #tpu.memory_space<vmem>> -> memref<128xi32, #tpu.memory_space<vmem>>
    %dma_wait3A_374 = arith.constant 0 : i32
    %dma_wait3A_375 = tpu.memref_slice %arg17[%dma_wait3A_369, %dma_wait3A_374] : memref<4x128xi32, #tpu.memory_space<vmem>> -> memref<1x128xi32, #tpu.memory_space<vmem>>
    %dma_wait3A_376 = tpu.memref_squeeze %dma_wait3A_375 : memref<1x128xi32, #tpu.memory_space<vmem>> -> memref<128xi32, #tpu.memory_space<vmem>>
    %dma_wait3A_377 = arith.constant 0 : i32
    %dma_wait3A_378 = tpu.memref_slice %arg7[%dma_wait3A_377] : memref<100000xi32, #tpu.memory_space<hbm>> -> memref<100000xi32, #tpu.memory_space<hbm>>
    tpu.wait_indirect_dma semaphore(%arg22 : memref<!tpu.dma_semaphore, #tpu.memory_space<semaphore_mem>>) src(%dma_wait3A_378 : memref<100000xi32, #tpu.memory_space<hbm>>) dst(%dma_wait3A_373 : memref<128xi32, #tpu.memory_space<vmem>>)
    %dma_wait3A_379 = arith.constant 2 : i32
    %dma_wait3A_380 = arith.constant 9 : i32
    %dma_wait3A_381 = arith.constant 0 : i32
    %dma_wait3A_382 = tpu.memref_slice %arg19[%dma_wait3A_380, %dma_wait3A_381] : memref<16x128xi32, #tpu.memory_space<vmem>> -> memref<1x128xi32, #tpu.memory_space<vmem>>
    %dma_wait3A_383 = tpu.memref_squeeze %dma_wait3A_382 : memref<1x128xi32, #tpu.memory_space<vmem>> -> memref<128xi32, #tpu.memory_space<vmem>>
    %dma_wait3A_384 = arith.constant 0 : i32
    %dma_wait3A_385 = tpu.memref_slice %arg17[%dma_wait3A_379, %dma_wait3A_384] : memref<4x128xi32, #tpu.memory_space<vmem>> -> memref<1x128xi32, #tpu.memory_space<vmem>>
    %dma_wait3A_386 = tpu.memref_squeeze %dma_wait3A_385 : memref<1x128xi32, #tpu.memory_space<vmem>> -> memref<128xi32, #tpu.memory_space<vmem>>
    %dma_wait3A_387 = arith.constant 0 : i32
    %dma_wait3A_388 = tpu.memref_slice %arg8[%dma_wait3A_387] : memref<100000xi32, #tpu.memory_space<hbm>> -> memref<100000xi32, #tpu.memory_space<hbm>>
    tpu.wait_indirect_dma semaphore(%arg22 : memref<!tpu.dma_semaphore, #tpu.memory_space<semaphore_mem>>) src(%dma_wait3A_388 : memref<100000xi32, #tpu.memory_space<hbm>>) dst(%dma_wait3A_383 : memref<128xi32, #tpu.memory_space<vmem>>)
    %dma_wait3A_389 = arith.constant 2 : i32
    %dma_wait3A_390 = arith.constant 10 : i32
    %dma_wait3A_391 = arith.constant 0 : i32
    %dma_wait3A_392 = tpu.memref_slice %arg19[%dma_wait3A_390, %dma_wait3A_391] : memref<16x128xi32, #tpu.memory_space<vmem>> -> memref<1x128xi32, #tpu.memory_space<vmem>>
    %dma_wait3A_393 = tpu.memref_squeeze %dma_wait3A_392 : memref<1x128xi32, #tpu.memory_space<vmem>> -> memref<128xi32, #tpu.memory_space<vmem>>
    %dma_wait3A_394 = arith.constant 0 : i32
    %dma_wait3A_395 = tpu.memref_slice %arg17[%dma_wait3A_389, %dma_wait3A_394] : memref<4x128xi32, #tpu.memory_space<vmem>> -> memref<1x128xi32, #tpu.memory_space<vmem>>
    %dma_wait3A_396 = tpu.memref_squeeze %dma_wait3A_395 : memref<1x128xi32, #tpu.memory_space<vmem>> -> memref<128xi32, #tpu.memory_space<vmem>>
    %dma_wait3A_397 = arith.constant 0 : i32
    %dma_wait3A_398 = tpu.memref_slice %arg9[%dma_wait3A_397] : memref<100000xi32, #tpu.memory_space<hbm>> -> memref<100000xi32, #tpu.memory_space<hbm>>
    tpu.wait_indirect_dma semaphore(%arg22 : memref<!tpu.dma_semaphore, #tpu.memory_space<semaphore_mem>>) src(%dma_wait3A_398 : memref<100000xi32, #tpu.memory_space<hbm>>) dst(%dma_wait3A_393 : memref<128xi32, #tpu.memory_space<vmem>>)
    %dma_wait3A_399 = arith.constant 2 : i32
    %dma_wait3A_400 = arith.constant 11 : i32
    %dma_wait3A_401 = arith.constant 0 : i32
    %dma_wait3A_402 = tpu.memref_slice %arg19[%dma_wait3A_400, %dma_wait3A_401] : memref<16x128xi32, #tpu.memory_space<vmem>> -> memref<1x128xi32, #tpu.memory_space<vmem>>
    %dma_wait3A_403 = tpu.memref_squeeze %dma_wait3A_402 : memref<1x128xi32, #tpu.memory_space<vmem>> -> memref<128xi32, #tpu.memory_space<vmem>>
    %dma_wait3A_404 = arith.constant 0 : i32
    %dma_wait3A_405 = tpu.memref_slice %arg17[%dma_wait3A_399, %dma_wait3A_404] : memref<4x128xi32, #tpu.memory_space<vmem>> -> memref<1x128xi32, #tpu.memory_space<vmem>>
    %dma_wait3A_406 = tpu.memref_squeeze %dma_wait3A_405 : memref<1x128xi32, #tpu.memory_space<vmem>> -> memref<128xi32, #tpu.memory_space<vmem>>
    %dma_wait3A_407 = arith.constant 0 : i32
    %dma_wait3A_408 = tpu.memref_slice %arg10[%dma_wait3A_407] : memref<100000xi32, #tpu.memory_space<hbm>> -> memref<100000xi32, #tpu.memory_space<hbm>>
    tpu.wait_indirect_dma semaphore(%arg22 : memref<!tpu.dma_semaphore, #tpu.memory_space<semaphore_mem>>) src(%dma_wait3A_408 : memref<100000xi32, #tpu.memory_space<hbm>>) dst(%dma_wait3A_403 : memref<128xi32, #tpu.memory_space<vmem>>)
    %dma_wait3A_409 = arith.constant 3 : i32
    %dma_wait3A_410 = arith.constant 12 : i32
    %dma_wait3A_411 = arith.constant 0 : i32
    %dma_wait3A_412 = tpu.memref_slice %arg19[%dma_wait3A_410, %dma_wait3A_411] : memref<16x128xi32, #tpu.memory_space<vmem>> -> memref<1x128xi32, #tpu.memory_space<vmem>>
    %dma_wait3A_413 = tpu.memref_squeeze %dma_wait3A_412 : memref<1x128xi32, #tpu.memory_space<vmem>> -> memref<128xi32, #tpu.memory_space<vmem>>
    %dma_wait3A_414 = arith.constant 0 : i32
    %dma_wait3A_415 = tpu.memref_slice %arg17[%dma_wait3A_409, %dma_wait3A_414] : memref<4x128xi32, #tpu.memory_space<vmem>> -> memref<1x128xi32, #tpu.memory_space<vmem>>
    %dma_wait3A_416 = tpu.memref_squeeze %dma_wait3A_415 : memref<1x128xi32, #tpu.memory_space<vmem>> -> memref<128xi32, #tpu.memory_space<vmem>>
    %dma_wait3A_417 = arith.constant 0 : i32
    %dma_wait3A_418 = tpu.memref_slice %arg7[%dma_wait3A_417] : memref<100000xi32, #tpu.memory_space<hbm>> -> memref<100000xi32, #tpu.memory_space<hbm>>
    tpu.wait_indirect_dma semaphore(%arg22 : memref<!tpu.dma_semaphore, #tpu.memory_space<semaphore_mem>>) src(%dma_wait3A_418 : memref<100000xi32, #tpu.memory_space<hbm>>) dst(%dma_wait3A_413 : memref<128xi32, #tpu.memory_space<vmem>>)
    %dma_wait3A_419 = arith.constant 3 : i32
    %dma_wait3A_420 = arith.constant 13 : i32
    %dma_wait3A_421 = arith.constant 0 : i32
    %dma_wait3A_422 = tpu.memref_slice %arg19[%dma_wait3A_420, %dma_wait3A_421] : memref<16x128xi32, #tpu.memory_space<vmem>> -> memref<1x128xi32, #tpu.memory_space<vmem>>
    %dma_wait3A_423 = tpu.memref_squeeze %dma_wait3A_422 : memref<1x128xi32, #tpu.memory_space<vmem>> -> memref<128xi32, #tpu.memory_space<vmem>>
    %dma_wait3A_424 = arith.constant 0 : i32
    %dma_wait3A_425 = tpu.memref_slice %arg17[%dma_wait3A_419, %dma_wait3A_424] : memref<4x128xi32, #tpu.memory_space<vmem>> -> memref<1x128xi32, #tpu.memory_space<vmem>>
    %dma_wait3A_426 = tpu.memref_squeeze %dma_wait3A_425 : memref<1x128xi32, #tpu.memory_space<vmem>> -> memref<128xi32, #tpu.memory_space<vmem>>
    %dma_wait3A_427 = arith.constant 0 : i32
    %dma_wait3A_428 = tpu.memref_slice %arg8[%dma_wait3A_427] : memref<100000xi32, #tpu.memory_space<hbm>> -> memref<100000xi32, #tpu.memory_space<hbm>>
    tpu.wait_indirect_dma semaphore(%arg22 : memref<!tpu.dma_semaphore, #tpu.memory_space<semaphore_mem>>) src(%dma_wait3A_428 : memref<100000xi32, #tpu.memory_space<hbm>>) dst(%dma_wait3A_423 : memref<128xi32, #tpu.memory_space<vmem>>)
    %dma_wait3A_429 = arith.constant 3 : i32
    %dma_wait3A_430 = arith.constant 14 : i32
    %dma_wait3A_431 = arith.constant 0 : i32
    %dma_wait3A_432 = tpu.memref_slice %arg19[%dma_wait3A_430, %dma_wait3A_431] : memref<16x128xi32, #tpu.memory_space<vmem>> -> memref<1x128xi32, #tpu.memory_space<vmem>>
    %dma_wait3A_433 = tpu.memref_squeeze %dma_wait3A_432 : memref<1x128xi32, #tpu.memory_space<vmem>> -> memref<128xi32, #tpu.memory_space<vmem>>
    %dma_wait3A_434 = arith.constant 0 : i32
    %dma_wait3A_435 = tpu.memref_slice %arg17[%dma_wait3A_429, %dma_wait3A_434] : memref<4x128xi32, #tpu.memory_space<vmem>> -> memref<1x128xi32, #tpu.memory_space<vmem>>
    %dma_wait3A_436 = tpu.memref_squeeze %dma_wait3A_435 : memref<1x128xi32, #tpu.memory_space<vmem>> -> memref<128xi32, #tpu.memory_space<vmem>>
    %dma_wait3A_437 = arith.constant 0 : i32
    %dma_wait3A_438 = tpu.memref_slice %arg9[%dma_wait3A_437] : memref<100000xi32, #tpu.memory_space<hbm>> -> memref<100000xi32, #tpu.memory_space<hbm>>
    tpu.wait_indirect_dma semaphore(%arg22 : memref<!tpu.dma_semaphore, #tpu.memory_space<semaphore_mem>>) src(%dma_wait3A_438 : memref<100000xi32, #tpu.memory_space<hbm>>) dst(%dma_wait3A_433 : memref<128xi32, #tpu.memory_space<vmem>>)
    %dma_wait3A_439 = arith.constant 3 : i32
    %dma_wait3A_440 = arith.constant 15 : i32
    %dma_wait3A_441 = arith.constant 0 : i32
    %dma_wait3A_442 = tpu.memref_slice %arg19[%dma_wait3A_440, %dma_wait3A_441] : memref<16x128xi32, #tpu.memory_space<vmem>> -> memref<1x128xi32, #tpu.memory_space<vmem>>
    %dma_wait3A_443 = tpu.memref_squeeze %dma_wait3A_442 : memref<1x128xi32, #tpu.memory_space<vmem>> -> memref<128xi32, #tpu.memory_space<vmem>>
    %dma_wait3A_444 = arith.constant 0 : i32
    %dma_wait3A_445 = tpu.memref_slice %arg17[%dma_wait3A_439, %dma_wait3A_444] : memref<4x128xi32, #tpu.memory_space<vmem>> -> memref<1x128xi32, #tpu.memory_space<vmem>>
    %dma_wait3A_446 = tpu.memref_squeeze %dma_wait3A_445 : memref<1x128xi32, #tpu.memory_space<vmem>> -> memref<128xi32, #tpu.memory_space<vmem>>
    %dma_wait3A_447 = arith.constant 0 : i32
    %dma_wait3A_448 = tpu.memref_slice %arg10[%dma_wait3A_447] : memref<100000xi32, #tpu.memory_space<hbm>> -> memref<100000xi32, #tpu.memory_space<hbm>>
    tpu.wait_indirect_dma semaphore(%arg22 : memref<!tpu.dma_semaphore, #tpu.memory_space<semaphore_mem>>) src(%dma_wait3A_448 : memref<100000xi32, #tpu.memory_space<hbm>>) dst(%dma_wait3A_443 : memref<128xi32, #tpu.memory_space<vmem>>)
    %scan3A = arith.constant 0 : i32
    %scan3A_449 = arith.constant 0 : i32
    %scan3A_450 = arith.constant 2 : i32
    %scan3A_451 = arith.addi %scan3A_449, %scan3A_450 : i32
    %scan3A_452 = arith.constant 1 : i32
    scf.for %scan3A_504 = %scan3A_449 to %scan3A_451 step %scan3A_452  : i32 {
      %mul3A_505 = arith.constant 4 : i32
      %mul3A_506 = arith.muli %mul3A_505, %scan3A_504 : i32
      %add3A_507 = arith.constant 0 : i32
      %add3A_508 = arith.addi %mul3A_506, %add3A_507 : i32
      %mul3A_509 = arith.constant 4 : i32
      %mul3A_510 = arith.muli %mul3A_509, %add3A_508 : i32
      %add3A_511 = arith.constant 0 : i32
      %add3A_512 = arith.addi %mul3A_510, %add3A_511 : i32
      %dma_start3A_513 = arith.constant 0 : i32
      %dma_start3A_514 = tpu.memref_slice %arg20[%add3A_512, %dma_start3A_513] : memref<64x128xi32, #tpu.memory_space<vmem>> -> memref<1x128xi32, #tpu.memory_space<vmem>>
      %dma_start3A_515 = tpu.memref_squeeze %dma_start3A_514 : memref<1x128xi32, #tpu.memory_space<vmem>> -> memref<128xi32, #tpu.memory_space<vmem>>
      %dma_start3A_516 = arith.constant 0 : i32
      %dma_start3A_517 = tpu.memref_slice %arg19[%add3A_508, %dma_start3A_516] : memref<16x128xi32, #tpu.memory_space<vmem>> -> memref<1x128xi32, #tpu.memory_space<vmem>>
      %dma_start3A_518 = tpu.memref_squeeze %dma_start3A_517 : memref<1x128xi32, #tpu.memory_space<vmem>> -> memref<128xi32, #tpu.memory_space<vmem>>
      %dma_start3A_519 = arith.constant 0 : i32
      %dma_start3A_520 = tpu.memref_slice %arg3[%dma_start3A_519] : memref<50000xi32, #tpu.memory_space<hbm>> -> memref<50000xi32, #tpu.memory_space<hbm>>
      tpu.enqueue_indirect_dma source(%dma_start3A_520 : memref<50000xi32, #tpu.memory_space<hbm>>) target(%dma_start3A_515 : memref<128xi32, #tpu.memory_space<vmem>>) offsets(%dma_start3A_518 : memref<128xi32, #tpu.memory_space<vmem>>) semaphore(%arg22 : memref<!tpu.dma_semaphore, #tpu.memory_space<semaphore_mem>>)
      %mul3A_521 = arith.constant 4 : i32
      %mul3A_522 = arith.muli %mul3A_521, %add3A_508 : i32
      %add3A_523 = arith.constant 1 : i32
      %add3A_524 = arith.addi %mul3A_522, %add3A_523 : i32
      %dma_start3A_525 = arith.constant 0 : i32
      %dma_start3A_526 = tpu.memref_slice %arg20[%add3A_524, %dma_start3A_525] : memref<64x128xi32, #tpu.memory_space<vmem>> -> memref<1x128xi32, #tpu.memory_space<vmem>>
      %dma_start3A_527 = tpu.memref_squeeze %dma_start3A_526 : memref<1x128xi32, #tpu.memory_space<vmem>> -> memref<128xi32, #tpu.memory_space<vmem>>
      %dma_start3A_528 = arith.constant 0 : i32
      %dma_start3A_529 = tpu.memref_slice %arg19[%add3A_508, %dma_start3A_528] : memref<16x128xi32, #tpu.memory_space<vmem>> -> memref<1x128xi32, #tpu.memory_space<vmem>>
      %dma_start3A_530 = tpu.memref_squeeze %dma_start3A_529 : memref<1x128xi32, #tpu.memory_space<vmem>> -> memref<128xi32, #tpu.memory_space<vmem>>
      %dma_start3A_531 = arith.constant 0 : i32
      %dma_start3A_532 = tpu.memref_slice %arg4[%dma_start3A_531] : memref<50000xi32, #tpu.memory_space<hbm>> -> memref<50000xi32, #tpu.memory_space<hbm>>
      tpu.enqueue_indirect_dma source(%dma_start3A_532 : memref<50000xi32, #tpu.memory_space<hbm>>) target(%dma_start3A_527 : memref<128xi32, #tpu.memory_space<vmem>>) offsets(%dma_start3A_530 : memref<128xi32, #tpu.memory_space<vmem>>) semaphore(%arg22 : memref<!tpu.dma_semaphore, #tpu.memory_space<semaphore_mem>>)
      %mul3A_533 = arith.constant 4 : i32
      %mul3A_534 = arith.muli %mul3A_533, %add3A_508 : i32
      %add3A_535 = arith.constant 2 : i32
      %add3A_536 = arith.addi %mul3A_534, %add3A_535 : i32
      %dma_start3A_537 = arith.constant 0 : i32
      %dma_start3A_538 = tpu.memref_slice %arg20[%add3A_536, %dma_start3A_537] : memref<64x128xi32, #tpu.memory_space<vmem>> -> memref<1x128xi32, #tpu.memory_space<vmem>>
      %dma_start3A_539 = tpu.memref_squeeze %dma_start3A_538 : memref<1x128xi32, #tpu.memory_space<vmem>> -> memref<128xi32, #tpu.memory_space<vmem>>
      %dma_start3A_540 = arith.constant 0 : i32
      %dma_start3A_541 = tpu.memref_slice %arg19[%add3A_508, %dma_start3A_540] : memref<16x128xi32, #tpu.memory_space<vmem>> -> memref<1x128xi32, #tpu.memory_space<vmem>>
      %dma_start3A_542 = tpu.memref_squeeze %dma_start3A_541 : memref<1x128xi32, #tpu.memory_space<vmem>> -> memref<128xi32, #tpu.memory_space<vmem>>
      %dma_start3A_543 = arith.constant 0 : i32
      %dma_start3A_544 = tpu.memref_slice %arg5[%dma_start3A_543] : memref<50000xi32, #tpu.memory_space<hbm>> -> memref<50000xi32, #tpu.memory_space<hbm>>
      tpu.enqueue_indirect_dma source(%dma_start3A_544 : memref<50000xi32, #tpu.memory_space<hbm>>) target(%dma_start3A_539 : memref<128xi32, #tpu.memory_space<vmem>>) offsets(%dma_start3A_542 : memref<128xi32, #tpu.memory_space<vmem>>) semaphore(%arg22 : memref<!tpu.dma_semaphore, #tpu.memory_space<semaphore_mem>>)
      %mul3A_545 = arith.constant 4 : i32
      %mul3A_546 = arith.muli %mul3A_545, %add3A_508 : i32
      %add3A_547 = arith.constant 3 : i32
      %add3A_548 = arith.addi %mul3A_546, %add3A_547 : i32
      %dma_start3A_549 = arith.constant 0 : i32
      %dma_start3A_550 = tpu.memref_slice %arg20[%add3A_548, %dma_start3A_549] : memref<64x128xi32, #tpu.memory_space<vmem>> -> memref<1x128xi32, #tpu.memory_space<vmem>>
      %dma_start3A_551 = tpu.memref_squeeze %dma_start3A_550 : memref<1x128xi32, #tpu.memory_space<vmem>> -> memref<128xi32, #tpu.memory_space<vmem>>
      %dma_start3A_552 = arith.constant 0 : i32
      %dma_start3A_553 = tpu.memref_slice %arg19[%add3A_508, %dma_start3A_552] : memref<16x128xi32, #tpu.memory_space<vmem>> -> memref<1x128xi32, #tpu.memory_space<vmem>>
      %dma_start3A_554 = tpu.memref_squeeze %dma_start3A_553 : memref<1x128xi32, #tpu.memory_space<vmem>> -> memref<128xi32, #tpu.memory_space<vmem>>
      %dma_start3A_555 = arith.constant 0 : i32
      %dma_start3A_556 = tpu.memref_slice %arg6[%dma_start3A_555] : memref<50000xi32, #tpu.memory_space<hbm>> -> memref<50000xi32, #tpu.memory_space<hbm>>
      tpu.enqueue_indirect_dma source(%dma_start3A_556 : memref<50000xi32, #tpu.memory_space<hbm>>) target(%dma_start3A_551 : memref<128xi32, #tpu.memory_space<vmem>>) offsets(%dma_start3A_554 : memref<128xi32, #tpu.memory_space<vmem>>) semaphore(%arg22 : memref<!tpu.dma_semaphore, #tpu.memory_space<semaphore_mem>>)
      %mul3A_557 = arith.constant 4 : i32
      %mul3A_558 = arith.muli %mul3A_557, %scan3A_504 : i32
      %add3A_559 = arith.constant 1 : i32
      %add3A_560 = arith.addi %mul3A_558, %add3A_559 : i32
      %mul3A_561 = arith.constant 4 : i32
      %mul3A_562 = arith.muli %mul3A_561, %add3A_560 : i32
      %add3A_563 = arith.constant 0 : i32
      %add3A_564 = arith.addi %mul3A_562, %add3A_563 : i32
      %dma_start3A_565 = arith.constant 0 : i32
      %dma_start3A_566 = tpu.memref_slice %arg20[%add3A_564, %dma_start3A_565] : memref<64x128xi32, #tpu.memory_space<vmem>> -> memref<1x128xi32, #tpu.memory_space<vmem>>
      %dma_start3A_567 = tpu.memref_squeeze %dma_start3A_566 : memref<1x128xi32, #tpu.memory_space<vmem>> -> memref<128xi32, #tpu.memory_space<vmem>>
      %dma_start3A_568 = arith.constant 0 : i32
      %dma_start3A_569 = tpu.memref_slice %arg19[%add3A_560, %dma_start3A_568] : memref<16x128xi32, #tpu.memory_space<vmem>> -> memref<1x128xi32, #tpu.memory_space<vmem>>
      %dma_start3A_570 = tpu.memref_squeeze %dma_start3A_569 : memref<1x128xi32, #tpu.memory_space<vmem>> -> memref<128xi32, #tpu.memory_space<vmem>>
      %dma_start3A_571 = arith.constant 0 : i32
      %dma_start3A_572 = tpu.memref_slice %arg3[%dma_start3A_571] : memref<50000xi32, #tpu.memory_space<hbm>> -> memref<50000xi32, #tpu.memory_space<hbm>>
      tpu.enqueue_indirect_dma source(%dma_start3A_572 : memref<50000xi32, #tpu.memory_space<hbm>>) target(%dma_start3A_567 : memref<128xi32, #tpu.memory_space<vmem>>) offsets(%dma_start3A_570 : memref<128xi32, #tpu.memory_space<vmem>>) semaphore(%arg22 : memref<!tpu.dma_semaphore, #tpu.memory_space<semaphore_mem>>)
      %mul3A_573 = arith.constant 4 : i32
      %mul3A_574 = arith.muli %mul3A_573, %add3A_560 : i32
      %add3A_575 = arith.constant 1 : i32
      %add3A_576 = arith.addi %mul3A_574, %add3A_575 : i32
      %dma_start3A_577 = arith.constant 0 : i32
      %dma_start3A_578 = tpu.memref_slice %arg20[%add3A_576, %dma_start3A_577] : memref<64x128xi32, #tpu.memory_space<vmem>> -> memref<1x128xi32, #tpu.memory_space<vmem>>
      %dma_start3A_579 = tpu.memref_squeeze %dma_start3A_578 : memref<1x128xi32, #tpu.memory_space<vmem>> -> memref<128xi32, #tpu.memory_space<vmem>>
      %dma_start3A_580 = arith.constant 0 : i32
      %dma_start3A_581 = tpu.memref_slice %arg19[%add3A_560, %dma_start3A_580] : memref<16x128xi32, #tpu.memory_space<vmem>> -> memref<1x128xi32, #tpu.memory_space<vmem>>
      %dma_start3A_582 = tpu.memref_squeeze %dma_start3A_581 : memref<1x128xi32, #tpu.memory_space<vmem>> -> memref<128xi32, #tpu.memory_space<vmem>>
      %dma_start3A_583 = arith.constant 0 : i32
      %dma_start3A_584 = tpu.memref_slice %arg4[%dma_start3A_583] : memref<50000xi32, #tpu.memory_space<hbm>> -> memref<50000xi32, #tpu.memory_space<hbm>>
      tpu.enqueue_indirect_dma source(%dma_start3A_584 : memref<50000xi32, #tpu.memory_space<hbm>>) target(%dma_start3A_579 : memref<128xi32, #tpu.memory_space<vmem>>) offsets(%dma_start3A_582 : memref<128xi32, #tpu.memory_space<vmem>>) semaphore(%arg22 : memref<!tpu.dma_semaphore, #tpu.memory_space<semaphore_mem>>)
      %mul3A_585 = arith.constant 4 : i32
      %mul3A_586 = arith.muli %mul3A_585, %add3A_560 : i32
      %add3A_587 = arith.constant 2 : i32
      %add3A_588 = arith.addi %mul3A_586, %add3A_587 : i32
      %dma_start3A_589 = arith.constant 0 : i32
      %dma_start3A_590 = tpu.memref_slice %arg20[%add3A_588, %dma_start3A_589] : memref<64x128xi32, #tpu.memory_space<vmem>> -> memref<1x128xi32, #tpu.memory_space<vmem>>
      %dma_start3A_591 = tpu.memref_squeeze %dma_start3A_590 : memref<1x128xi32, #tpu.memory_space<vmem>> -> memref<128xi32, #tpu.memory_space<vmem>>
      %dma_start3A_592 = arith.constant 0 : i32
      %dma_start3A_593 = tpu.memref_slice %arg19[%add3A_560, %dma_start3A_592] : memref<16x128xi32, #tpu.memory_space<vmem>> -> memref<1x128xi32, #tpu.memory_space<vmem>>
      %dma_start3A_594 = tpu.memref_squeeze %dma_start3A_593 : memref<1x128xi32, #tpu.memory_space<vmem>> -> memref<128xi32, #tpu.memory_space<vmem>>
      %dma_start3A_595 = arith.constant 0 : i32
      %dma_start3A_596 = tpu.memref_slice %arg5[%dma_start3A_595] : memref<50000xi32, #tpu.memory_space<hbm>> -> memref<50000xi32, #tpu.memory_space<hbm>>
      tpu.enqueue_indirect_dma source(%dma_start3A_596 : memref<50000xi32, #tpu.memory_space<hbm>>) target(%dma_start3A_591 : memref<128xi32, #tpu.memory_space<vmem>>) offsets(%dma_start3A_594 : memref<128xi32, #tpu.memory_space<vmem>>) semaphore(%arg22 : memref<!tpu.dma_semaphore, #tpu.memory_space<semaphore_mem>>)
      %mul3A_597 = arith.constant 4 : i32
      %mul3A_598 = arith.muli %mul3A_597, %add3A_560 : i32
      %add3A_599 = arith.constant 3 : i32
      %add3A_600 = arith.addi %mul3A_598, %add3A_599 : i32
      %dma_start3A_601 = arith.constant 0 : i32
      %dma_start3A_602 = tpu.memref_slice %arg20[%add3A_600, %dma_start3A_601] : memref<64x128xi32, #tpu.memory_space<vmem>> -> memref<1x128xi32, #tpu.memory_space<vmem>>
      %dma_start3A_603 = tpu.memref_squeeze %dma_start3A_602 : memref<1x128xi32, #tpu.memory_space<vmem>> -> memref<128xi32, #tpu.memory_space<vmem>>
      %dma_start3A_604 = arith.constant 0 : i32
      %dma_start3A_605 = tpu.memref_slice %arg19[%add3A_560, %dma_start3A_604] : memref<16x128xi32, #tpu.memory_space<vmem>> -> memref<1x128xi32, #tpu.memory_space<vmem>>
      %dma_start3A_606 = tpu.memref_squeeze %dma_start3A_605 : memref<1x128xi32, #tpu.memory_space<vmem>> -> memref<128xi32, #tpu.memory_space<vmem>>
      %dma_start3A_607 = arith.constant 0 : i32
      %dma_start3A_608 = tpu.memref_slice %arg6[%dma_start3A_607] : memref<50000xi32, #tpu.memory_space<hbm>> -> memref<50000xi32, #tpu.memory_space<hbm>>
      tpu.enqueue_indirect_dma source(%dma_start3A_608 : memref<50000xi32, #tpu.memory_space<hbm>>) target(%dma_start3A_603 : memref<128xi32, #tpu.memory_space<vmem>>) offsets(%dma_start3A_606 : memref<128xi32, #tpu.memory_space<vmem>>) semaphore(%arg22 : memref<!tpu.dma_semaphore, #tpu.memory_space<semaphore_mem>>)
      %mul3A_609 = arith.constant 4 : i32
      %mul3A_610 = arith.muli %mul3A_609, %scan3A_504 : i32
      %add3A_611 = arith.constant 2 : i32
      %add3A_612 = arith.addi %mul3A_610, %add3A_611 : i32
      %mul3A_613 = arith.constant 4 : i32
      %mul3A_614 = arith.muli %mul3A_613, %add3A_612 : i32
      %add3A_615 = arith.constant 0 : i32
      %add3A_616 = arith.addi %mul3A_614, %add3A_615 : i32
      %dma_start3A_617 = arith.constant 0 : i32
      %dma_start3A_618 = tpu.memref_slice %arg20[%add3A_616, %dma_start3A_617] : memref<64x128xi32, #tpu.memory_space<vmem>> -> memref<1x128xi32, #tpu.memory_space<vmem>>
      %dma_start3A_619 = tpu.memref_squeeze %dma_start3A_618 : memref<1x128xi32, #tpu.memory_space<vmem>> -> memref<128xi32, #tpu.memory_space<vmem>>
      %dma_start3A_620 = arith.constant 0 : i32
      %dma_start3A_621 = tpu.memref_slice %arg19[%add3A_612, %dma_start3A_620] : memref<16x128xi32, #tpu.memory_space<vmem>> -> memref<1x128xi32, #tpu.memory_space<vmem>>
      %dma_start3A_622 = tpu.memref_squeeze %dma_start3A_621 : memref<1x128xi32, #tpu.memory_space<vmem>> -> memref<128xi32, #tpu.memory_space<vmem>>
      %dma_start3A_623 = arith.constant 0 : i32
      %dma_start3A_624 = tpu.memref_slice %arg3[%dma_start3A_623] : memref<50000xi32, #tpu.memory_space<hbm>> -> memref<50000xi32, #tpu.memory_space<hbm>>
      tpu.enqueue_indirect_dma source(%dma_start3A_624 : memref<50000xi32, #tpu.memory_space<hbm>>) target(%dma_start3A_619 : memref<128xi32, #tpu.memory_space<vmem>>) offsets(%dma_start3A_622 : memref<128xi32, #tpu.memory_space<vmem>>) semaphore(%arg22 : memref<!tpu.dma_semaphore, #tpu.memory_space<semaphore_mem>>)
      %mul3A_625 = arith.constant 4 : i32
      %mul3A_626 = arith.muli %mul3A_625, %add3A_612 : i32
      %add3A_627 = arith.constant 1 : i32
      %add3A_628 = arith.addi %mul3A_626, %add3A_627 : i32
      %dma_start3A_629 = arith.constant 0 : i32
      %dma_start3A_630 = tpu.memref_slice %arg20[%add3A_628, %dma_start3A_629] : memref<64x128xi32, #tpu.memory_space<vmem>> -> memref<1x128xi32, #tpu.memory_space<vmem>>
      %dma_start3A_631 = tpu.memref_squeeze %dma_start3A_630 : memref<1x128xi32, #tpu.memory_space<vmem>> -> memref<128xi32, #tpu.memory_space<vmem>>
      %dma_start3A_632 = arith.constant 0 : i32
      %dma_start3A_633 = tpu.memref_slice %arg19[%add3A_612, %dma_start3A_632] : memref<16x128xi32, #tpu.memory_space<vmem>> -> memref<1x128xi32, #tpu.memory_space<vmem>>
      %dma_start3A_634 = tpu.memref_squeeze %dma_start3A_633 : memref<1x128xi32, #tpu.memory_space<vmem>> -> memref<128xi32, #tpu.memory_space<vmem>>
      %dma_start3A_635 = arith.constant 0 : i32
      %dma_start3A_636 = tpu.memref_slice %arg4[%dma_start3A_635] : memref<50000xi32, #tpu.memory_space<hbm>> -> memref<50000xi32, #tpu.memory_space<hbm>>
      tpu.enqueue_indirect_dma source(%dma_start3A_636 : memref<50000xi32, #tpu.memory_space<hbm>>) target(%dma_start3A_631 : memref<128xi32, #tpu.memory_space<vmem>>) offsets(%dma_start3A_634 : memref<128xi32, #tpu.memory_space<vmem>>) semaphore(%arg22 : memref<!tpu.dma_semaphore, #tpu.memory_space<semaphore_mem>>)
      %mul3A_637 = arith.constant 4 : i32
      %mul3A_638 = arith.muli %mul3A_637, %add3A_612 : i32
      %add3A_639 = arith.constant 2 : i32
      %add3A_640 = arith.addi %mul3A_638, %add3A_639 : i32
      %dma_start3A_641 = arith.constant 0 : i32
      %dma_start3A_642 = tpu.memref_slice %arg20[%add3A_640, %dma_start3A_641] : memref<64x128xi32, #tpu.memory_space<vmem>> -> memref<1x128xi32, #tpu.memory_space<vmem>>
      %dma_start3A_643 = tpu.memref_squeeze %dma_start3A_642 : memref<1x128xi32, #tpu.memory_space<vmem>> -> memref<128xi32, #tpu.memory_space<vmem>>
      %dma_start3A_644 = arith.constant 0 : i32
      %dma_start3A_645 = tpu.memref_slice %arg19[%add3A_612, %dma_start3A_644] : memref<16x128xi32, #tpu.memory_space<vmem>> -> memref<1x128xi32, #tpu.memory_space<vmem>>
      %dma_start3A_646 = tpu.memref_squeeze %dma_start3A_645 : memref<1x128xi32, #tpu.memory_space<vmem>> -> memref<128xi32, #tpu.memory_space<vmem>>
      %dma_start3A_647 = arith.constant 0 : i32
      %dma_start3A_648 = tpu.memref_slice %arg5[%dma_start3A_647] : memref<50000xi32, #tpu.memory_space<hbm>> -> memref<50000xi32, #tpu.memory_space<hbm>>
      tpu.enqueue_indirect_dma source(%dma_start3A_648 : memref<50000xi32, #tpu.memory_space<hbm>>) target(%dma_start3A_643 : memref<128xi32, #tpu.memory_space<vmem>>) offsets(%dma_start3A_646 : memref<128xi32, #tpu.memory_space<vmem>>) semaphore(%arg22 : memref<!tpu.dma_semaphore, #tpu.memory_space<semaphore_mem>>)
      %mul3A_649 = arith.constant 4 : i32
      %mul3A_650 = arith.muli %mul3A_649, %add3A_612 : i32
      %add3A_651 = arith.constant 3 : i32
      %add3A_652 = arith.addi %mul3A_650, %add3A_651 : i32
      %dma_start3A_653 = arith.constant 0 : i32
      %dma_start3A_654 = tpu.memref_slice %arg20[%add3A_652, %dma_start3A_653] : memref<64x128xi32, #tpu.memory_space<vmem>> -> memref<1x128xi32, #tpu.memory_space<vmem>>
      %dma_start3A_655 = tpu.memref_squeeze %dma_start3A_654 : memref<1x128xi32, #tpu.memory_space<vmem>> -> memref<128xi32, #tpu.memory_space<vmem>>
      %dma_start3A_656 = arith.constant 0 : i32
      %dma_start3A_657 = tpu.memref_slice %arg19[%add3A_612, %dma_start3A_656] : memref<16x128xi32, #tpu.memory_space<vmem>> -> memref<1x128xi32, #tpu.memory_space<vmem>>
      %dma_start3A_658 = tpu.memref_squeeze %dma_start3A_657 : memref<1x128xi32, #tpu.memory_space<vmem>> -> memref<128xi32, #tpu.memory_space<vmem>>
      %dma_start3A_659 = arith.constant 0 : i32
      %dma_start3A_660 = tpu.memref_slice %arg6[%dma_start3A_659] : memref<50000xi32, #tpu.memory_space<hbm>> -> memref<50000xi32, #tpu.memory_space<hbm>>
      tpu.enqueue_indirect_dma source(%dma_start3A_660 : memref<50000xi32, #tpu.memory_space<hbm>>) target(%dma_start3A_655 : memref<128xi32, #tpu.memory_space<vmem>>) offsets(%dma_start3A_658 : memref<128xi32, #tpu.memory_space<vmem>>) semaphore(%arg22 : memref<!tpu.dma_semaphore, #tpu.memory_space<semaphore_mem>>)
      %mul3A_661 = arith.constant 4 : i32
      %mul3A_662 = arith.muli %mul3A_661, %scan3A_504 : i32
      %add3A_663 = arith.constant 3 : i32
      %add3A_664 = arith.addi %mul3A_662, %add3A_663 : i32
      %mul3A_665 = arith.constant 4 : i32
      %mul3A_666 = arith.muli %mul3A_665, %add3A_664 : i32
      %add3A_667 = arith.constant 0 : i32
      %add3A_668 = arith.addi %mul3A_666, %add3A_667 : i32
      %dma_start3A_669 = arith.constant 0 : i32
      %dma_start3A_670 = tpu.memref_slice %arg20[%add3A_668, %dma_start3A_669] : memref<64x128xi32, #tpu.memory_space<vmem>> -> memref<1x128xi32, #tpu.memory_space<vmem>>
      %dma_start3A_671 = tpu.memref_squeeze %dma_start3A_670 : memref<1x128xi32, #tpu.memory_space<vmem>> -> memref<128xi32, #tpu.memory_space<vmem>>
      %dma_start3A_672 = arith.constant 0 : i32
      %dma_start3A_673 = tpu.memref_slice %arg19[%add3A_664, %dma_start3A_672] : memref<16x128xi32, #tpu.memory_space<vmem>> -> memref<1x128xi32, #tpu.memory_space<vmem>>
      %dma_start3A_674 = tpu.memref_squeeze %dma_start3A_673 : memref<1x128xi32, #tpu.memory_space<vmem>> -> memref<128xi32, #tpu.memory_space<vmem>>
      %dma_start3A_675 = arith.constant 0 : i32
      %dma_start3A_676 = tpu.memref_slice %arg3[%dma_start3A_675] : memref<50000xi32, #tpu.memory_space<hbm>> -> memref<50000xi32, #tpu.memory_space<hbm>>
      tpu.enqueue_indirect_dma source(%dma_start3A_676 : memref<50000xi32, #tpu.memory_space<hbm>>) target(%dma_start3A_671 : memref<128xi32, #tpu.memory_space<vmem>>) offsets(%dma_start3A_674 : memref<128xi32, #tpu.memory_space<vmem>>) semaphore(%arg22 : memref<!tpu.dma_semaphore, #tpu.memory_space<semaphore_mem>>)
      %mul3A_677 = arith.constant 4 : i32
      %mul3A_678 = arith.muli %mul3A_677, %add3A_664 : i32
      %add3A_679 = arith.constant 1 : i32
      %add3A_680 = arith.addi %mul3A_678, %add3A_679 : i32
      %dma_start3A_681 = arith.constant 0 : i32
      %dma_start3A_682 = tpu.memref_slice %arg20[%add3A_680, %dma_start3A_681] : memref<64x128xi32, #tpu.memory_space<vmem>> -> memref<1x128xi32, #tpu.memory_space<vmem>>
      %dma_start3A_683 = tpu.memref_squeeze %dma_start3A_682 : memref<1x128xi32, #tpu.memory_space<vmem>> -> memref<128xi32, #tpu.memory_space<vmem>>
      %dma_start3A_684 = arith.constant 0 : i32
      %dma_start3A_685 = tpu.memref_slice %arg19[%add3A_664, %dma_start3A_684] : memref<16x128xi32, #tpu.memory_space<vmem>> -> memref<1x128xi32, #tpu.memory_space<vmem>>
      %dma_start3A_686 = tpu.memref_squeeze %dma_start3A_685 : memref<1x128xi32, #tpu.memory_space<vmem>> -> memref<128xi32, #tpu.memory_space<vmem>>
      %dma_start3A_687 = arith.constant 0 : i32
      %dma_start3A_688 = tpu.memref_slice %arg4[%dma_start3A_687] : memref<50000xi32, #tpu.memory_space<hbm>> -> memref<50000xi32, #tpu.memory_space<hbm>>
      tpu.enqueue_indirect_dma source(%dma_start3A_688 : memref<50000xi32, #tpu.memory_space<hbm>>) target(%dma_start3A_683 : memref<128xi32, #tpu.memory_space<vmem>>) offsets(%dma_start3A_686 : memref<128xi32, #tpu.memory_space<vmem>>) semaphore(%arg22 : memref<!tpu.dma_semaphore, #tpu.memory_space<semaphore_mem>>)
      %mul3A_689 = arith.constant 4 : i32
      %mul3A_690 = arith.muli %mul3A_689, %add3A_664 : i32
      %add3A_691 = arith.constant 2 : i32
      %add3A_692 = arith.addi %mul3A_690, %add3A_691 : i32
      %dma_start3A_693 = arith.constant 0 : i32
      %dma_start3A_694 = tpu.memref_slice %arg20[%add3A_692, %dma_start3A_693] : memref<64x128xi32, #tpu.memory_space<vmem>> -> memref<1x128xi32, #tpu.memory_space<vmem>>
      %dma_start3A_695 = tpu.memref_squeeze %dma_start3A_694 : memref<1x128xi32, #tpu.memory_space<vmem>> -> memref<128xi32, #tpu.memory_space<vmem>>
      %dma_start3A_696 = arith.constant 0 : i32
      %dma_start3A_697 = tpu.memref_slice %arg19[%add3A_664, %dma_start3A_696] : memref<16x128xi32, #tpu.memory_space<vmem>> -> memref<1x128xi32, #tpu.memory_space<vmem>>
      %dma_start3A_698 = tpu.memref_squeeze %dma_start3A_697 : memref<1x128xi32, #tpu.memory_space<vmem>> -> memref<128xi32, #tpu.memory_space<vmem>>
      %dma_start3A_699 = arith.constant 0 : i32
      %dma_start3A_700 = tpu.memref_slice %arg5[%dma_start3A_699] : memref<50000xi32, #tpu.memory_space<hbm>> -> memref<50000xi32, #tpu.memory_space<hbm>>
      tpu.enqueue_indirect_dma source(%dma_start3A_700 : memref<50000xi32, #tpu.memory_space<hbm>>) target(%dma_start3A_695 : memref<128xi32, #tpu.memory_space<vmem>>) offsets(%dma_start3A_698 : memref<128xi32, #tpu.memory_space<vmem>>) semaphore(%arg22 : memref<!tpu.dma_semaphore, #tpu.memory_space<semaphore_mem>>)
      %mul3A_701 = arith.constant 4 : i32
      %mul3A_702 = arith.muli %mul3A_701, %add3A_664 : i32
      %add3A_703 = arith.constant 3 : i32
      %add3A_704 = arith.addi %mul3A_702, %add3A_703 : i32
      %dma_start3A_705 = arith.constant 0 : i32
      %dma_start3A_706 = tpu.memref_slice %arg20[%add3A_704, %dma_start3A_705] : memref<64x128xi32, #tpu.memory_space<vmem>> -> memref<1x128xi32, #tpu.memory_space<vmem>>
      %dma_start3A_707 = tpu.memref_squeeze %dma_start3A_706 : memref<1x128xi32, #tpu.memory_space<vmem>> -> memref<128xi32, #tpu.memory_space<vmem>>
      %dma_start3A_708 = arith.constant 0 : i32
      %dma_start3A_709 = tpu.memref_slice %arg19[%add3A_664, %dma_start3A_708] : memref<16x128xi32, #tpu.memory_space<vmem>> -> memref<1x128xi32, #tpu.memory_space<vmem>>
      %dma_start3A_710 = tpu.memref_squeeze %dma_start3A_709 : memref<1x128xi32, #tpu.memory_space<vmem>> -> memref<128xi32, #tpu.memory_space<vmem>>
      %dma_start3A_711 = arith.constant 0 : i32
      %dma_start3A_712 = tpu.memref_slice %arg6[%dma_start3A_711] : memref<50000xi32, #tpu.memory_space<hbm>> -> memref<50000xi32, #tpu.memory_space<hbm>>
      tpu.enqueue_indirect_dma source(%dma_start3A_712 : memref<50000xi32, #tpu.memory_space<hbm>>) target(%dma_start3A_707 : memref<128xi32, #tpu.memory_space<vmem>>) offsets(%dma_start3A_710 : memref<128xi32, #tpu.memory_space<vmem>>) semaphore(%arg22 : memref<!tpu.dma_semaphore, #tpu.memory_space<semaphore_mem>>)
    }
    %scan3A_453 = arith.constant 2 : i32
    %scan3A_454 = arith.constant 0 : i32
    %scan3A_455 = arith.constant 0 : i32
    %scan3A_456 = arith.constant 2 : i32
    %scan3A_457 = arith.addi %scan3A_455, %scan3A_456 : i32
    %scan3A_458 = arith.constant 1 : i32
    scf.for %scan3A_504 = %scan3A_455 to %scan3A_457 step %scan3A_458  : i32 {
      %mul3A_505 = arith.constant 4 : i32
      %mul3A_506 = arith.muli %mul3A_505, %scan3A_504 : i32
      %add3A_507 = arith.constant 0 : i32
      %add3A_508 = arith.addi %mul3A_506, %add3A_507 : i32
      %mul3A_509 = arith.constant 4 : i32
      %mul3A_510 = arith.muli %mul3A_509, %add3A_508 : i32
      %add3A_511 = arith.constant 0 : i32
      %add3A_512 = arith.addi %mul3A_510, %add3A_511 : i32
      %dma_wait3A_513 = arith.constant 0 : i32
      %dma_wait3A_514 = tpu.memref_slice %arg20[%add3A_512, %dma_wait3A_513] : memref<64x128xi32, #tpu.memory_space<vmem>> -> memref<1x128xi32, #tpu.memory_space<vmem>>
      %dma_wait3A_515 = tpu.memref_squeeze %dma_wait3A_514 : memref<1x128xi32, #tpu.memory_space<vmem>> -> memref<128xi32, #tpu.memory_space<vmem>>
      %dma_wait3A_516 = arith.constant 0 : i32
      %dma_wait3A_517 = tpu.memref_slice %arg19[%add3A_508, %dma_wait3A_516] : memref<16x128xi32, #tpu.memory_space<vmem>> -> memref<1x128xi32, #tpu.memory_space<vmem>>
      %dma_wait3A_518 = tpu.memref_squeeze %dma_wait3A_517 : memref<1x128xi32, #tpu.memory_space<vmem>> -> memref<128xi32, #tpu.memory_space<vmem>>
      %dma_wait3A_519 = arith.constant 0 : i32
      %dma_wait3A_520 = tpu.memref_slice %arg3[%dma_wait3A_519] : memref<50000xi32, #tpu.memory_space<hbm>> -> memref<50000xi32, #tpu.memory_space<hbm>>
      tpu.wait_indirect_dma semaphore(%arg22 : memref<!tpu.dma_semaphore, #tpu.memory_space<semaphore_mem>>) src(%dma_wait3A_520 : memref<50000xi32, #tpu.memory_space<hbm>>) dst(%dma_wait3A_515 : memref<128xi32, #tpu.memory_space<vmem>>)
      %mul3A_521 = arith.constant 4 : i32
      %mul3A_522 = arith.muli %mul3A_521, %add3A_508 : i32
      %add3A_523 = arith.constant 1 : i32
      %add3A_524 = arith.addi %mul3A_522, %add3A_523 : i32
      %dma_wait3A_525 = arith.constant 0 : i32
      %dma_wait3A_526 = tpu.memref_slice %arg20[%add3A_524, %dma_wait3A_525] : memref<64x128xi32, #tpu.memory_space<vmem>> -> memref<1x128xi32, #tpu.memory_space<vmem>>
      %dma_wait3A_527 = tpu.memref_squeeze %dma_wait3A_526 : memref<1x128xi32, #tpu.memory_space<vmem>> -> memref<128xi32, #tpu.memory_space<vmem>>
      %dma_wait3A_528 = arith.constant 0 : i32
      %dma_wait3A_529 = tpu.memref_slice %arg19[%add3A_508, %dma_wait3A_528] : memref<16x128xi32, #tpu.memory_space<vmem>> -> memref<1x128xi32, #tpu.memory_space<vmem>>
      %dma_wait3A_530 = tpu.memref_squeeze %dma_wait3A_529 : memref<1x128xi32, #tpu.memory_space<vmem>> -> memref<128xi32, #tpu.memory_space<vmem>>
      %dma_wait3A_531 = arith.constant 0 : i32
      %dma_wait3A_532 = tpu.memref_slice %arg4[%dma_wait3A_531] : memref<50000xi32, #tpu.memory_space<hbm>> -> memref<50000xi32, #tpu.memory_space<hbm>>
      tpu.wait_indirect_dma semaphore(%arg22 : memref<!tpu.dma_semaphore, #tpu.memory_space<semaphore_mem>>) src(%dma_wait3A_532 : memref<50000xi32, #tpu.memory_space<hbm>>) dst(%dma_wait3A_527 : memref<128xi32, #tpu.memory_space<vmem>>)
      %mul3A_533 = arith.constant 4 : i32
      %mul3A_534 = arith.muli %mul3A_533, %add3A_508 : i32
      %add3A_535 = arith.constant 2 : i32
      %add3A_536 = arith.addi %mul3A_534, %add3A_535 : i32
      %dma_wait3A_537 = arith.constant 0 : i32
      %dma_wait3A_538 = tpu.memref_slice %arg20[%add3A_536, %dma_wait3A_537] : memref<64x128xi32, #tpu.memory_space<vmem>> -> memref<1x128xi32, #tpu.memory_space<vmem>>
      %dma_wait3A_539 = tpu.memref_squeeze %dma_wait3A_538 : memref<1x128xi32, #tpu.memory_space<vmem>> -> memref<128xi32, #tpu.memory_space<vmem>>
      %dma_wait3A_540 = arith.constant 0 : i32
      %dma_wait3A_541 = tpu.memref_slice %arg19[%add3A_508, %dma_wait3A_540] : memref<16x128xi32, #tpu.memory_space<vmem>> -> memref<1x128xi32, #tpu.memory_space<vmem>>
      %dma_wait3A_542 = tpu.memref_squeeze %dma_wait3A_541 : memref<1x128xi32, #tpu.memory_space<vmem>> -> memref<128xi32, #tpu.memory_space<vmem>>
      %dma_wait3A_543 = arith.constant 0 : i32
      %dma_wait3A_544 = tpu.memref_slice %arg5[%dma_wait3A_543] : memref<50000xi32, #tpu.memory_space<hbm>> -> memref<50000xi32, #tpu.memory_space<hbm>>
      tpu.wait_indirect_dma semaphore(%arg22 : memref<!tpu.dma_semaphore, #tpu.memory_space<semaphore_mem>>) src(%dma_wait3A_544 : memref<50000xi32, #tpu.memory_space<hbm>>) dst(%dma_wait3A_539 : memref<128xi32, #tpu.memory_space<vmem>>)
      %mul3A_545 = arith.constant 4 : i32
      %mul3A_546 = arith.muli %mul3A_545, %add3A_508 : i32
      %add3A_547 = arith.constant 3 : i32
      %add3A_548 = arith.addi %mul3A_546, %add3A_547 : i32
      %dma_wait3A_549 = arith.constant 0 : i32
      %dma_wait3A_550 = tpu.memref_slice %arg20[%add3A_548, %dma_wait3A_549] : memref<64x128xi32, #tpu.memory_space<vmem>> -> memref<1x128xi32, #tpu.memory_space<vmem>>
      %dma_wait3A_551 = tpu.memref_squeeze %dma_wait3A_550 : memref<1x128xi32, #tpu.memory_space<vmem>> -> memref<128xi32, #tpu.memory_space<vmem>>
      %dma_wait3A_552 = arith.constant 0 : i32
      %dma_wait3A_553 = tpu.memref_slice %arg19[%add3A_508, %dma_wait3A_552] : memref<16x128xi32, #tpu.memory_space<vmem>> -> memref<1x128xi32, #tpu.memory_space<vmem>>
      %dma_wait3A_554 = tpu.memref_squeeze %dma_wait3A_553 : memref<1x128xi32, #tpu.memory_space<vmem>> -> memref<128xi32, #tpu.memory_space<vmem>>
      %dma_wait3A_555 = arith.constant 0 : i32
      %dma_wait3A_556 = tpu.memref_slice %arg6[%dma_wait3A_555] : memref<50000xi32, #tpu.memory_space<hbm>> -> memref<50000xi32, #tpu.memory_space<hbm>>
      tpu.wait_indirect_dma semaphore(%arg22 : memref<!tpu.dma_semaphore, #tpu.memory_space<semaphore_mem>>) src(%dma_wait3A_556 : memref<50000xi32, #tpu.memory_space<hbm>>) dst(%dma_wait3A_551 : memref<128xi32, #tpu.memory_space<vmem>>)
      %mul3A_557 = arith.constant 4 : i32
      %mul3A_558 = arith.muli %mul3A_557, %scan3A_504 : i32
      %add3A_559 = arith.constant 1 : i32
      %add3A_560 = arith.addi %mul3A_558, %add3A_559 : i32
      %mul3A_561 = arith.constant 4 : i32
      %mul3A_562 = arith.muli %mul3A_561, %add3A_560 : i32
      %add3A_563 = arith.constant 0 : i32
      %add3A_564 = arith.addi %mul3A_562, %add3A_563 : i32
      %dma_wait3A_565 = arith.constant 0 : i32
      %dma_wait3A_566 = tpu.memref_slice %arg20[%add3A_564, %dma_wait3A_565] : memref<64x128xi32, #tpu.memory_space<vmem>> -> memref<1x128xi32, #tpu.memory_space<vmem>>
      %dma_wait3A_567 = tpu.memref_squeeze %dma_wait3A_566 : memref<1x128xi32, #tpu.memory_space<vmem>> -> memref<128xi32, #tpu.memory_space<vmem>>
      %dma_wait3A_568 = arith.constant 0 : i32
      %dma_wait3A_569 = tpu.memref_slice %arg19[%add3A_560, %dma_wait3A_568] : memref<16x128xi32, #tpu.memory_space<vmem>> -> memref<1x128xi32, #tpu.memory_space<vmem>>
      %dma_wait3A_570 = tpu.memref_squeeze %dma_wait3A_569 : memref<1x128xi32, #tpu.memory_space<vmem>> -> memref<128xi32, #tpu.memory_space<vmem>>
      %dma_wait3A_571 = arith.constant 0 : i32
      %dma_wait3A_572 = tpu.memref_slice %arg3[%dma_wait3A_571] : memref<50000xi32, #tpu.memory_space<hbm>> -> memref<50000xi32, #tpu.memory_space<hbm>>
      tpu.wait_indirect_dma semaphore(%arg22 : memref<!tpu.dma_semaphore, #tpu.memory_space<semaphore_mem>>) src(%dma_wait3A_572 : memref<50000xi32, #tpu.memory_space<hbm>>) dst(%dma_wait3A_567 : memref<128xi32, #tpu.memory_space<vmem>>)
      %mul3A_573 = arith.constant 4 : i32
      %mul3A_574 = arith.muli %mul3A_573, %add3A_560 : i32
      %add3A_575 = arith.constant 1 : i32
      %add3A_576 = arith.addi %mul3A_574, %add3A_575 : i32
      %dma_wait3A_577 = arith.constant 0 : i32
      %dma_wait3A_578 = tpu.memref_slice %arg20[%add3A_576, %dma_wait3A_577] : memref<64x128xi32, #tpu.memory_space<vmem>> -> memref<1x128xi32, #tpu.memory_space<vmem>>
      %dma_wait3A_579 = tpu.memref_squeeze %dma_wait3A_578 : memref<1x128xi32, #tpu.memory_space<vmem>> -> memref<128xi32, #tpu.memory_space<vmem>>
      %dma_wait3A_580 = arith.constant 0 : i32
      %dma_wait3A_581 = tpu.memref_slice %arg19[%add3A_560, %dma_wait3A_580] : memref<16x128xi32, #tpu.memory_space<vmem>> -> memref<1x128xi32, #tpu.memory_space<vmem>>
      %dma_wait3A_582 = tpu.memref_squeeze %dma_wait3A_581 : memref<1x128xi32, #tpu.memory_space<vmem>> -> memref<128xi32, #tpu.memory_space<vmem>>
      %dma_wait3A_583 = arith.constant 0 : i32
      %dma_wait3A_584 = tpu.memref_slice %arg4[%dma_wait3A_583] : memref<50000xi32, #tpu.memory_space<hbm>> -> memref<50000xi32, #tpu.memory_space<hbm>>
      tpu.wait_indirect_dma semaphore(%arg22 : memref<!tpu.dma_semaphore, #tpu.memory_space<semaphore_mem>>) src(%dma_wait3A_584 : memref<50000xi32, #tpu.memory_space<hbm>>) dst(%dma_wait3A_579 : memref<128xi32, #tpu.memory_space<vmem>>)
      %mul3A_585 = arith.constant 4 : i32
      %mul3A_586 = arith.muli %mul3A_585, %add3A_560 : i32
      %add3A_587 = arith.constant 2 : i32
      %add3A_588 = arith.addi %mul3A_586, %add3A_587 : i32
      %dma_wait3A_589 = arith.constant 0 : i32
      %dma_wait3A_590 = tpu.memref_slice %arg20[%add3A_588, %dma_wait3A_589] : memref<64x128xi32, #tpu.memory_space<vmem>> -> memref<1x128xi32, #tpu.memory_space<vmem>>
      %dma_wait3A_591 = tpu.memref_squeeze %dma_wait3A_590 : memref<1x128xi32, #tpu.memory_space<vmem>> -> memref<128xi32, #tpu.memory_space<vmem>>
      %dma_wait3A_592 = arith.constant 0 : i32
      %dma_wait3A_593 = tpu.memref_slice %arg19[%add3A_560, %dma_wait3A_592] : memref<16x128xi32, #tpu.memory_space<vmem>> -> memref<1x128xi32, #tpu.memory_space<vmem>>
      %dma_wait3A_594 = tpu.memref_squeeze %dma_wait3A_593 : memref<1x128xi32, #tpu.memory_space<vmem>> -> memref<128xi32, #tpu.memory_space<vmem>>
      %dma_wait3A_595 = arith.constant 0 : i32
      %dma_wait3A_596 = tpu.memref_slice %arg5[%dma_wait3A_595] : memref<50000xi32, #tpu.memory_space<hbm>> -> memref<50000xi32, #tpu.memory_space<hbm>>
      tpu.wait_indirect_dma semaphore(%arg22 : memref<!tpu.dma_semaphore, #tpu.memory_space<semaphore_mem>>) src(%dma_wait3A_596 : memref<50000xi32, #tpu.memory_space<hbm>>) dst(%dma_wait3A_591 : memref<128xi32, #tpu.memory_space<vmem>>)
      %mul3A_597 = arith.constant 4 : i32
      %mul3A_598 = arith.muli %mul3A_597, %add3A_560 : i32
      %add3A_599 = arith.constant 3 : i32
      %add3A_600 = arith.addi %mul3A_598, %add3A_599 : i32
      %dma_wait3A_601 = arith.constant 0 : i32
      %dma_wait3A_602 = tpu.memref_slice %arg20[%add3A_600, %dma_wait3A_601] : memref<64x128xi32, #tpu.memory_space<vmem>> -> memref<1x128xi32, #tpu.memory_space<vmem>>
      %dma_wait3A_603 = tpu.memref_squeeze %dma_wait3A_602 : memref<1x128xi32, #tpu.memory_space<vmem>> -> memref<128xi32, #tpu.memory_space<vmem>>
      %dma_wait3A_604 = arith.constant 0 : i32
      %dma_wait3A_605 = tpu.memref_slice %arg19[%add3A_560, %dma_wait3A_604] : memref<16x128xi32, #tpu.memory_space<vmem>> -> memref<1x128xi32, #tpu.memory_space<vmem>>
      %dma_wait3A_606 = tpu.memref_squeeze %dma_wait3A_605 : memref<1x128xi32, #tpu.memory_space<vmem>> -> memref<128xi32, #tpu.memory_space<vmem>>
      %dma_wait3A_607 = arith.constant 0 : i32
      %dma_wait3A_608 = tpu.memref_slice %arg6[%dma_wait3A_607] : memref<50000xi32, #tpu.memory_space<hbm>> -> memref<50000xi32, #tpu.memory_space<hbm>>
      tpu.wait_indirect_dma semaphore(%arg22 : memref<!tpu.dma_semaphore, #tpu.memory_space<semaphore_mem>>) src(%dma_wait3A_608 : memref<50000xi32, #tpu.memory_space<hbm>>) dst(%dma_wait3A_603 : memref<128xi32, #tpu.memory_space<vmem>>)
      %mul3A_609 = arith.constant 4 : i32
      %mul3A_610 = arith.muli %mul3A_609, %scan3A_504 : i32
      %add3A_611 = arith.constant 2 : i32
      %add3A_612 = arith.addi %mul3A_610, %add3A_611 : i32
      %mul3A_613 = arith.constant 4 : i32
      %mul3A_614 = arith.muli %mul3A_613, %add3A_612 : i32
      %add3A_615 = arith.constant 0 : i32
      %add3A_616 = arith.addi %mul3A_614, %add3A_615 : i32
      %dma_wait3A_617 = arith.constant 0 : i32
      %dma_wait3A_618 = tpu.memref_slice %arg20[%add3A_616, %dma_wait3A_617] : memref<64x128xi32, #tpu.memory_space<vmem>> -> memref<1x128xi32, #tpu.memory_space<vmem>>
      %dma_wait3A_619 = tpu.memref_squeeze %dma_wait3A_618 : memref<1x128xi32, #tpu.memory_space<vmem>> -> memref<128xi32, #tpu.memory_space<vmem>>
      %dma_wait3A_620 = arith.constant 0 : i32
      %dma_wait3A_621 = tpu.memref_slice %arg19[%add3A_612, %dma_wait3A_620] : memref<16x128xi32, #tpu.memory_space<vmem>> -> memref<1x128xi32, #tpu.memory_space<vmem>>
      %dma_wait3A_622 = tpu.memref_squeeze %dma_wait3A_621 : memref<1x128xi32, #tpu.memory_space<vmem>> -> memref<128xi32, #tpu.memory_space<vmem>>
      %dma_wait3A_623 = arith.constant 0 : i32
      %dma_wait3A_624 = tpu.memref_slice %arg3[%dma_wait3A_623] : memref<50000xi32, #tpu.memory_space<hbm>> -> memref<50000xi32, #tpu.memory_space<hbm>>
      tpu.wait_indirect_dma semaphore(%arg22 : memref<!tpu.dma_semaphore, #tpu.memory_space<semaphore_mem>>) src(%dma_wait3A_624 : memref<50000xi32, #tpu.memory_space<hbm>>) dst(%dma_wait3A_619 : memref<128xi32, #tpu.memory_space<vmem>>)
      %mul3A_625 = arith.constant 4 : i32
      %mul3A_626 = arith.muli %mul3A_625, %add3A_612 : i32
      %add3A_627 = arith.constant 1 : i32
      %add3A_628 = arith.addi %mul3A_626, %add3A_627 : i32
      %dma_wait3A_629 = arith.constant 0 : i32
      %dma_wait3A_630 = tpu.memref_slice %arg20[%add3A_628, %dma_wait3A_629] : memref<64x128xi32, #tpu.memory_space<vmem>> -> memref<1x128xi32, #tpu.memory_space<vmem>>
      %dma_wait3A_631 = tpu.memref_squeeze %dma_wait3A_630 : memref<1x128xi32, #tpu.memory_space<vmem>> -> memref<128xi32, #tpu.memory_space<vmem>>
      %dma_wait3A_632 = arith.constant 0 : i32
      %dma_wait3A_633 = tpu.memref_slice %arg19[%add3A_612, %dma_wait3A_632] : memref<16x128xi32, #tpu.memory_space<vmem>> -> memref<1x128xi32, #tpu.memory_space<vmem>>
      %dma_wait3A_634 = tpu.memref_squeeze %dma_wait3A_633 : memref<1x128xi32, #tpu.memory_space<vmem>> -> memref<128xi32, #tpu.memory_space<vmem>>
      %dma_wait3A_635 = arith.constant 0 : i32
      %dma_wait3A_636 = tpu.memref_slice %arg4[%dma_wait3A_635] : memref<50000xi32, #tpu.memory_space<hbm>> -> memref<50000xi32, #tpu.memory_space<hbm>>
      tpu.wait_indirect_dma semaphore(%arg22 : memref<!tpu.dma_semaphore, #tpu.memory_space<semaphore_mem>>) src(%dma_wait3A_636 : memref<50000xi32, #tpu.memory_space<hbm>>) dst(%dma_wait3A_631 : memref<128xi32, #tpu.memory_space<vmem>>)
      %mul3A_637 = arith.constant 4 : i32
      %mul3A_638 = arith.muli %mul3A_637, %add3A_612 : i32
      %add3A_639 = arith.constant 2 : i32
      %add3A_640 = arith.addi %mul3A_638, %add3A_639 : i32
      %dma_wait3A_641 = arith.constant 0 : i32
      %dma_wait3A_642 = tpu.memref_slice %arg20[%add3A_640, %dma_wait3A_641] : memref<64x128xi32, #tpu.memory_space<vmem>> -> memref<1x128xi32, #tpu.memory_space<vmem>>
      %dma_wait3A_643 = tpu.memref_squeeze %dma_wait3A_642 : memref<1x128xi32, #tpu.memory_space<vmem>> -> memref<128xi32, #tpu.memory_space<vmem>>
      %dma_wait3A_644 = arith.constant 0 : i32
      %dma_wait3A_645 = tpu.memref_slice %arg19[%add3A_612, %dma_wait3A_644] : memref<16x128xi32, #tpu.memory_space<vmem>> -> memref<1x128xi32, #tpu.memory_space<vmem>>
      %dma_wait3A_646 = tpu.memref_squeeze %dma_wait3A_645 : memref<1x128xi32, #tpu.memory_space<vmem>> -> memref<128xi32, #tpu.memory_space<vmem>>
      %dma_wait3A_647 = arith.constant 0 : i32
      %dma_wait3A_648 = tpu.memref_slice %arg5[%dma_wait3A_647] : memref<50000xi32, #tpu.memory_space<hbm>> -> memref<50000xi32, #tpu.memory_space<hbm>>
      tpu.wait_indirect_dma semaphore(%arg22 : memref<!tpu.dma_semaphore, #tpu.memory_space<semaphore_mem>>) src(%dma_wait3A_648 : memref<50000xi32, #tpu.memory_space<hbm>>) dst(%dma_wait3A_643 : memref<128xi32, #tpu.memory_space<vmem>>)
      %mul3A_649 = arith.constant 4 : i32
      %mul3A_650 = arith.muli %mul3A_649, %add3A_612 : i32
      %add3A_651 = arith.constant 3 : i32
      %add3A_652 = arith.addi %mul3A_650, %add3A_651 : i32
      %dma_wait3A_653 = arith.constant 0 : i32
      %dma_wait3A_654 = tpu.memref_slice %arg20[%add3A_652, %dma_wait3A_653] : memref<64x128xi32, #tpu.memory_space<vmem>> -> memref<1x128xi32, #tpu.memory_space<vmem>>
      %dma_wait3A_655 = tpu.memref_squeeze %dma_wait3A_654 : memref<1x128xi32, #tpu.memory_space<vmem>> -> memref<128xi32, #tpu.memory_space<vmem>>
      %dma_wait3A_656 = arith.constant 0 : i32
      %dma_wait3A_657 = tpu.memref_slice %arg19[%add3A_612, %dma_wait3A_656] : memref<16x128xi32, #tpu.memory_space<vmem>> -> memref<1x128xi32, #tpu.memory_space<vmem>>
      %dma_wait3A_658 = tpu.memref_squeeze %dma_wait3A_657 : memref<1x128xi32, #tpu.memory_space<vmem>> -> memref<128xi32, #tpu.memory_space<vmem>>
      %dma_wait3A_659 = arith.constant 0 : i32
      %dma_wait3A_660 = tpu.memref_slice %arg6[%dma_wait3A_659] : memref<50000xi32, #tpu.memory_space<hbm>> -> memref<50000xi32, #tpu.memory_space<hbm>>
      tpu.wait_indirect_dma semaphore(%arg22 : memref<!tpu.dma_semaphore, #tpu.memory_space<semaphore_mem>>) src(%dma_wait3A_660 : memref<50000xi32, #tpu.memory_space<hbm>>) dst(%dma_wait3A_655 : memref<128xi32, #tpu.memory_space<vmem>>)
      %mul3A_661 = arith.constant 4 : i32
      %mul3A_662 = arith.muli %mul3A_661, %scan3A_504 : i32
      %add3A_663 = arith.constant 3 : i32
      %add3A_664 = arith.addi %mul3A_662, %add3A_663 : i32
      %mul3A_665 = arith.constant 4 : i32
      %mul3A_666 = arith.muli %mul3A_665, %add3A_664 : i32
      %add3A_667 = arith.constant 0 : i32
      %add3A_668 = arith.addi %mul3A_666, %add3A_667 : i32
      %dma_wait3A_669 = arith.constant 0 : i32
      %dma_wait3A_670 = tpu.memref_slice %arg20[%add3A_668, %dma_wait3A_669] : memref<64x128xi32, #tpu.memory_space<vmem>> -> memref<1x128xi32, #tpu.memory_space<vmem>>
      %dma_wait3A_671 = tpu.memref_squeeze %dma_wait3A_670 : memref<1x128xi32, #tpu.memory_space<vmem>> -> memref<128xi32, #tpu.memory_space<vmem>>
      %dma_wait3A_672 = arith.constant 0 : i32
      %dma_wait3A_673 = tpu.memref_slice %arg19[%add3A_664, %dma_wait3A_672] : memref<16x128xi32, #tpu.memory_space<vmem>> -> memref<1x128xi32, #tpu.memory_space<vmem>>
      %dma_wait3A_674 = tpu.memref_squeeze %dma_wait3A_673 : memref<1x128xi32, #tpu.memory_space<vmem>> -> memref<128xi32, #tpu.memory_space<vmem>>
      %dma_wait3A_675 = arith.constant 0 : i32
      %dma_wait3A_676 = tpu.memref_slice %arg3[%dma_wait3A_675] : memref<50000xi32, #tpu.memory_space<hbm>> -> memref<50000xi32, #tpu.memory_space<hbm>>
      tpu.wait_indirect_dma semaphore(%arg22 : memref<!tpu.dma_semaphore, #tpu.memory_space<semaphore_mem>>) src(%dma_wait3A_676 : memref<50000xi32, #tpu.memory_space<hbm>>) dst(%dma_wait3A_671 : memref<128xi32, #tpu.memory_space<vmem>>)
      %mul3A_677 = arith.constant 4 : i32
      %mul3A_678 = arith.muli %mul3A_677, %add3A_664 : i32
      %add3A_679 = arith.constant 1 : i32
      %add3A_680 = arith.addi %mul3A_678, %add3A_679 : i32
      %dma_wait3A_681 = arith.constant 0 : i32
      %dma_wait3A_682 = tpu.memref_slice %arg20[%add3A_680, %dma_wait3A_681] : memref<64x128xi32, #tpu.memory_space<vmem>> -> memref<1x128xi32, #tpu.memory_space<vmem>>
      %dma_wait3A_683 = tpu.memref_squeeze %dma_wait3A_682 : memref<1x128xi32, #tpu.memory_space<vmem>> -> memref<128xi32, #tpu.memory_space<vmem>>
      %dma_wait3A_684 = arith.constant 0 : i32
      %dma_wait3A_685 = tpu.memref_slice %arg19[%add3A_664, %dma_wait3A_684] : memref<16x128xi32, #tpu.memory_space<vmem>> -> memref<1x128xi32, #tpu.memory_space<vmem>>
      %dma_wait3A_686 = tpu.memref_squeeze %dma_wait3A_685 : memref<1x128xi32, #tpu.memory_space<vmem>> -> memref<128xi32, #tpu.memory_space<vmem>>
      %dma_wait3A_687 = arith.constant 0 : i32
      %dma_wait3A_688 = tpu.memref_slice %arg4[%dma_wait3A_687] : memref<50000xi32, #tpu.memory_space<hbm>> -> memref<50000xi32, #tpu.memory_space<hbm>>
      tpu.wait_indirect_dma semaphore(%arg22 : memref<!tpu.dma_semaphore, #tpu.memory_space<semaphore_mem>>) src(%dma_wait3A_688 : memref<50000xi32, #tpu.memory_space<hbm>>) dst(%dma_wait3A_683 : memref<128xi32, #tpu.memory_space<vmem>>)
      %mul3A_689 = arith.constant 4 : i32
      %mul3A_690 = arith.muli %mul3A_689, %add3A_664 : i32
      %add3A_691 = arith.constant 2 : i32
      %add3A_692 = arith.addi %mul3A_690, %add3A_691 : i32
      %dma_wait3A_693 = arith.constant 0 : i32
      %dma_wait3A_694 = tpu.memref_slice %arg20[%add3A_692, %dma_wait3A_693] : memref<64x128xi32, #tpu.memory_space<vmem>> -> memref<1x128xi32, #tpu.memory_space<vmem>>
      %dma_wait3A_695 = tpu.memref_squeeze %dma_wait3A_694 : memref<1x128xi32, #tpu.memory_space<vmem>> -> memref<128xi32, #tpu.memory_space<vmem>>
      %dma_wait3A_696 = arith.constant 0 : i32
      %dma_wait3A_697 = tpu.memref_slice %arg19[%add3A_664, %dma_wait3A_696] : memref<16x128xi32, #tpu.memory_space<vmem>> -> memref<1x128xi32, #tpu.memory_space<vmem>>
      %dma_wait3A_698 = tpu.memref_squeeze %dma_wait3A_697 : memref<1x128xi32, #tpu.memory_space<vmem>> -> memref<128xi32, #tpu.memory_space<vmem>>
      %dma_wait3A_699 = arith.constant 0 : i32
      %dma_wait3A_700 = tpu.memref_slice %arg5[%dma_wait3A_699] : memref<50000xi32, #tpu.memory_space<hbm>> -> memref<50000xi32, #tpu.memory_space<hbm>>
      tpu.wait_indirect_dma semaphore(%arg22 : memref<!tpu.dma_semaphore, #tpu.memory_space<semaphore_mem>>) src(%dma_wait3A_700 : memref<50000xi32, #tpu.memory_space<hbm>>) dst(%dma_wait3A_695 : memref<128xi32, #tpu.memory_space<vmem>>)
      %mul3A_701 = arith.constant 4 : i32
      %mul3A_702 = arith.muli %mul3A_701, %add3A_664 : i32
      %add3A_703 = arith.constant 3 : i32
      %add3A_704 = arith.addi %mul3A_702, %add3A_703 : i32
      %dma_wait3A_705 = arith.constant 0 : i32
      %dma_wait3A_706 = tpu.memref_slice %arg20[%add3A_704, %dma_wait3A_705] : memref<64x128xi32, #tpu.memory_space<vmem>> -> memref<1x128xi32, #tpu.memory_space<vmem>>
      %dma_wait3A_707 = tpu.memref_squeeze %dma_wait3A_706 : memref<1x128xi32, #tpu.memory_space<vmem>> -> memref<128xi32, #tpu.memory_space<vmem>>
      %dma_wait3A_708 = arith.constant 0 : i32
      %dma_wait3A_709 = tpu.memref_slice %arg19[%add3A_664, %dma_wait3A_708] : memref<16x128xi32, #tpu.memory_space<vmem>> -> memref<1x128xi32, #tpu.memory_space<vmem>>
      %dma_wait3A_710 = tpu.memref_squeeze %dma_wait3A_709 : memref<1x128xi32, #tpu.memory_space<vmem>> -> memref<128xi32, #tpu.memory_space<vmem>>
      %dma_wait3A_711 = arith.constant 0 : i32
      %dma_wait3A_712 = tpu.memref_slice %arg6[%dma_wait3A_711] : memref<50000xi32, #tpu.memory_space<hbm>> -> memref<50000xi32, #tpu.memory_space<hbm>>
      tpu.wait_indirect_dma semaphore(%arg22 : memref<!tpu.dma_semaphore, #tpu.memory_space<semaphore_mem>>) src(%dma_wait3A_712 : memref<50000xi32, #tpu.memory_space<hbm>>) dst(%dma_wait3A_707 : memref<128xi32, #tpu.memory_space<vmem>>)
    }
    %scan3A_459 = arith.constant 2 : i32
    %scan3A_460 = arith.constant 0 : i32
    %scan3A_461 = arith.constant 2 : i32
    %scan3A_462 = arith.constant 2 : i32
    %scan3A_463 = arith.addi %scan3A_461, %scan3A_462 : i32
    %scan3A_464 = arith.constant 1 : i32
    scf.for %scan3A_504 = %scan3A_461 to %scan3A_463 step %scan3A_464  : i32 {
      %mul3A_505 = arith.constant 4 : i32
      %mul3A_506 = arith.muli %mul3A_505, %scan3A_504 : i32
      %add3A_507 = arith.constant 0 : i32
      %add3A_508 = arith.addi %mul3A_506, %add3A_507 : i32
      %mul3A_509 = arith.constant 4 : i32
      %mul3A_510 = arith.muli %mul3A_509, %add3A_508 : i32
      %add3A_511 = arith.constant 0 : i32
      %add3A_512 = arith.addi %mul3A_510, %add3A_511 : i32
      %dma_start3A_513 = arith.constant 0 : i32
      %dma_start3A_514 = tpu.memref_slice %arg20[%add3A_512, %dma_start3A_513] : memref<64x128xi32, #tpu.memory_space<vmem>> -> memref<1x128xi32, #tpu.memory_space<vmem>>
      %dma_start3A_515 = tpu.memref_squeeze %dma_start3A_514 : memref<1x128xi32, #tpu.memory_space<vmem>> -> memref<128xi32, #tpu.memory_space<vmem>>
      %dma_start3A_516 = arith.constant 0 : i32
      %dma_start3A_517 = tpu.memref_slice %arg19[%add3A_508, %dma_start3A_516] : memref<16x128xi32, #tpu.memory_space<vmem>> -> memref<1x128xi32, #tpu.memory_space<vmem>>
      %dma_start3A_518 = tpu.memref_squeeze %dma_start3A_517 : memref<1x128xi32, #tpu.memory_space<vmem>> -> memref<128xi32, #tpu.memory_space<vmem>>
      %dma_start3A_519 = arith.constant 0 : i32
      %dma_start3A_520 = tpu.memref_slice %arg3[%dma_start3A_519] : memref<50000xi32, #tpu.memory_space<hbm>> -> memref<50000xi32, #tpu.memory_space<hbm>>
      tpu.enqueue_indirect_dma source(%dma_start3A_520 : memref<50000xi32, #tpu.memory_space<hbm>>) target(%dma_start3A_515 : memref<128xi32, #tpu.memory_space<vmem>>) offsets(%dma_start3A_518 : memref<128xi32, #tpu.memory_space<vmem>>) semaphore(%arg22 : memref<!tpu.dma_semaphore, #tpu.memory_space<semaphore_mem>>)
      %mul3A_521 = arith.constant 4 : i32
      %mul3A_522 = arith.muli %mul3A_521, %add3A_508 : i32
      %add3A_523 = arith.constant 1 : i32
      %add3A_524 = arith.addi %mul3A_522, %add3A_523 : i32
      %dma_start3A_525 = arith.constant 0 : i32
      %dma_start3A_526 = tpu.memref_slice %arg20[%add3A_524, %dma_start3A_525] : memref<64x128xi32, #tpu.memory_space<vmem>> -> memref<1x128xi32, #tpu.memory_space<vmem>>
      %dma_start3A_527 = tpu.memref_squeeze %dma_start3A_526 : memref<1x128xi32, #tpu.memory_space<vmem>> -> memref<128xi32, #tpu.memory_space<vmem>>
      %dma_start3A_528 = arith.constant 0 : i32
      %dma_start3A_529 = tpu.memref_slice %arg19[%add3A_508, %dma_start3A_528] : memref<16x128xi32, #tpu.memory_space<vmem>> -> memref<1x128xi32, #tpu.memory_space<vmem>>
      %dma_start3A_530 = tpu.memref_squeeze %dma_start3A_529 : memref<1x128xi32, #tpu.memory_space<vmem>> -> memref<128xi32, #tpu.memory_space<vmem>>
      %dma_start3A_531 = arith.constant 0 : i32
      %dma_start3A_532 = tpu.memref_slice %arg4[%dma_start3A_531] : memref<50000xi32, #tpu.memory_space<hbm>> -> memref<50000xi32, #tpu.memory_space<hbm>>
      tpu.enqueue_indirect_dma source(%dma_start3A_532 : memref<50000xi32, #tpu.memory_space<hbm>>) target(%dma_start3A_527 : memref<128xi32, #tpu.memory_space<vmem>>) offsets(%dma_start3A_530 : memref<128xi32, #tpu.memory_space<vmem>>) semaphore(%arg22 : memref<!tpu.dma_semaphore, #tpu.memory_space<semaphore_mem>>)
      %mul3A_533 = arith.constant 4 : i32
      %mul3A_534 = arith.muli %mul3A_533, %add3A_508 : i32
      %add3A_535 = arith.constant 2 : i32
      %add3A_536 = arith.addi %mul3A_534, %add3A_535 : i32
      %dma_start3A_537 = arith.constant 0 : i32
      %dma_start3A_538 = tpu.memref_slice %arg20[%add3A_536, %dma_start3A_537] : memref<64x128xi32, #tpu.memory_space<vmem>> -> memref<1x128xi32, #tpu.memory_space<vmem>>
      %dma_start3A_539 = tpu.memref_squeeze %dma_start3A_538 : memref<1x128xi32, #tpu.memory_space<vmem>> -> memref<128xi32, #tpu.memory_space<vmem>>
      %dma_start3A_540 = arith.constant 0 : i32
      %dma_start3A_541 = tpu.memref_slice %arg19[%add3A_508, %dma_start3A_540] : memref<16x128xi32, #tpu.memory_space<vmem>> -> memref<1x128xi32, #tpu.memory_space<vmem>>
      %dma_start3A_542 = tpu.memref_squeeze %dma_start3A_541 : memref<1x128xi32, #tpu.memory_space<vmem>> -> memref<128xi32, #tpu.memory_space<vmem>>
      %dma_start3A_543 = arith.constant 0 : i32
      %dma_start3A_544 = tpu.memref_slice %arg5[%dma_start3A_543] : memref<50000xi32, #tpu.memory_space<hbm>> -> memref<50000xi32, #tpu.memory_space<hbm>>
      tpu.enqueue_indirect_dma source(%dma_start3A_544 : memref<50000xi32, #tpu.memory_space<hbm>>) target(%dma_start3A_539 : memref<128xi32, #tpu.memory_space<vmem>>) offsets(%dma_start3A_542 : memref<128xi32, #tpu.memory_space<vmem>>) semaphore(%arg22 : memref<!tpu.dma_semaphore, #tpu.memory_space<semaphore_mem>>)
      %mul3A_545 = arith.constant 4 : i32
      %mul3A_546 = arith.muli %mul3A_545, %add3A_508 : i32
      %add3A_547 = arith.constant 3 : i32
      %add3A_548 = arith.addi %mul3A_546, %add3A_547 : i32
      %dma_start3A_549 = arith.constant 0 : i32
      %dma_start3A_550 = tpu.memref_slice %arg20[%add3A_548, %dma_start3A_549] : memref<64x128xi32, #tpu.memory_space<vmem>> -> memref<1x128xi32, #tpu.memory_space<vmem>>
      %dma_start3A_551 = tpu.memref_squeeze %dma_start3A_550 : memref<1x128xi32, #tpu.memory_space<vmem>> -> memref<128xi32, #tpu.memory_space<vmem>>
      %dma_start3A_552 = arith.constant 0 : i32
      %dma_start3A_553 = tpu.memref_slice %arg19[%add3A_508, %dma_start3A_552] : memref<16x128xi32, #tpu.memory_space<vmem>> -> memref<1x128xi32, #tpu.memory_space<vmem>>
      %dma_start3A_554 = tpu.memref_squeeze %dma_start3A_553 : memref<1x128xi32, #tpu.memory_space<vmem>> -> memref<128xi32, #tpu.memory_space<vmem>>
      %dma_start3A_555 = arith.constant 0 : i32
      %dma_start3A_556 = tpu.memref_slice %arg6[%dma_start3A_555] : memref<50000xi32, #tpu.memory_space<hbm>> -> memref<50000xi32, #tpu.memory_space<hbm>>
      tpu.enqueue_indirect_dma source(%dma_start3A_556 : memref<50000xi32, #tpu.memory_space<hbm>>) target(%dma_start3A_551 : memref<128xi32, #tpu.memory_space<vmem>>) offsets(%dma_start3A_554 : memref<128xi32, #tpu.memory_space<vmem>>) semaphore(%arg22 : memref<!tpu.dma_semaphore, #tpu.memory_space<semaphore_mem>>)
      %mul3A_557 = arith.constant 4 : i32
      %mul3A_558 = arith.muli %mul3A_557, %scan3A_504 : i32
      %add3A_559 = arith.constant 1 : i32
      %add3A_560 = arith.addi %mul3A_558, %add3A_559 : i32
      %mul3A_561 = arith.constant 4 : i32
      %mul3A_562 = arith.muli %mul3A_561, %add3A_560 : i32
      %add3A_563 = arith.constant 0 : i32
      %add3A_564 = arith.addi %mul3A_562, %add3A_563 : i32
      %dma_start3A_565 = arith.constant 0 : i32
      %dma_start3A_566 = tpu.memref_slice %arg20[%add3A_564, %dma_start3A_565] : memref<64x128xi32, #tpu.memory_space<vmem>> -> memref<1x128xi32, #tpu.memory_space<vmem>>
      %dma_start3A_567 = tpu.memref_squeeze %dma_start3A_566 : memref<1x128xi32, #tpu.memory_space<vmem>> -> memref<128xi32, #tpu.memory_space<vmem>>
      %dma_start3A_568 = arith.constant 0 : i32
      %dma_start3A_569 = tpu.memref_slice %arg19[%add3A_560, %dma_start3A_568] : memref<16x128xi32, #tpu.memory_space<vmem>> -> memref<1x128xi32, #tpu.memory_space<vmem>>
      %dma_start3A_570 = tpu.memref_squeeze %dma_start3A_569 : memref<1x128xi32, #tpu.memory_space<vmem>> -> memref<128xi32, #tpu.memory_space<vmem>>
      %dma_start3A_571 = arith.constant 0 : i32
      %dma_start3A_572 = tpu.memref_slice %arg3[%dma_start3A_571] : memref<50000xi32, #tpu.memory_space<hbm>> -> memref<50000xi32, #tpu.memory_space<hbm>>
      tpu.enqueue_indirect_dma source(%dma_start3A_572 : memref<50000xi32, #tpu.memory_space<hbm>>) target(%dma_start3A_567 : memref<128xi32, #tpu.memory_space<vmem>>) offsets(%dma_start3A_570 : memref<128xi32, #tpu.memory_space<vmem>>) semaphore(%arg22 : memref<!tpu.dma_semaphore, #tpu.memory_space<semaphore_mem>>)
      %mul3A_573 = arith.constant 4 : i32
      %mul3A_574 = arith.muli %mul3A_573, %add3A_560 : i32
      %add3A_575 = arith.constant 1 : i32
      %add3A_576 = arith.addi %mul3A_574, %add3A_575 : i32
      %dma_start3A_577 = arith.constant 0 : i32
      %dma_start3A_578 = tpu.memref_slice %arg20[%add3A_576, %dma_start3A_577] : memref<64x128xi32, #tpu.memory_space<vmem>> -> memref<1x128xi32, #tpu.memory_space<vmem>>
      %dma_start3A_579 = tpu.memref_squeeze %dma_start3A_578 : memref<1x128xi32, #tpu.memory_space<vmem>> -> memref<128xi32, #tpu.memory_space<vmem>>
      %dma_start3A_580 = arith.constant 0 : i32
      %dma_start3A_581 = tpu.memref_slice %arg19[%add3A_560, %dma_start3A_580] : memref<16x128xi32, #tpu.memory_space<vmem>> -> memref<1x128xi32, #tpu.memory_space<vmem>>
      %dma_start3A_582 = tpu.memref_squeeze %dma_start3A_581 : memref<1x128xi32, #tpu.memory_space<vmem>> -> memref<128xi32, #tpu.memory_space<vmem>>
      %dma_start3A_583 = arith.constant 0 : i32
      %dma_start3A_584 = tpu.memref_slice %arg4[%dma_start3A_583] : memref<50000xi32, #tpu.memory_space<hbm>> -> memref<50000xi32, #tpu.memory_space<hbm>>
      tpu.enqueue_indirect_dma source(%dma_start3A_584 : memref<50000xi32, #tpu.memory_space<hbm>>) target(%dma_start3A_579 : memref<128xi32, #tpu.memory_space<vmem>>) offsets(%dma_start3A_582 : memref<128xi32, #tpu.memory_space<vmem>>) semaphore(%arg22 : memref<!tpu.dma_semaphore, #tpu.memory_space<semaphore_mem>>)
      %mul3A_585 = arith.constant 4 : i32
      %mul3A_586 = arith.muli %mul3A_585, %add3A_560 : i32
      %add3A_587 = arith.constant 2 : i32
      %add3A_588 = arith.addi %mul3A_586, %add3A_587 : i32
      %dma_start3A_589 = arith.constant 0 : i32
      %dma_start3A_590 = tpu.memref_slice %arg20[%add3A_588, %dma_start3A_589] : memref<64x128xi32, #tpu.memory_space<vmem>> -> memref<1x128xi32, #tpu.memory_space<vmem>>
      %dma_start3A_591 = tpu.memref_squeeze %dma_start3A_590 : memref<1x128xi32, #tpu.memory_space<vmem>> -> memref<128xi32, #tpu.memory_space<vmem>>
      %dma_start3A_592 = arith.constant 0 : i32
      %dma_start3A_593 = tpu.memref_slice %arg19[%add3A_560, %dma_start3A_592] : memref<16x128xi32, #tpu.memory_space<vmem>> -> memref<1x128xi32, #tpu.memory_space<vmem>>
      %dma_start3A_594 = tpu.memref_squeeze %dma_start3A_593 : memref<1x128xi32, #tpu.memory_space<vmem>> -> memref<128xi32, #tpu.memory_space<vmem>>
      %dma_start3A_595 = arith.constant 0 : i32
      %dma_start3A_596 = tpu.memref_slice %arg5[%dma_start3A_595] : memref<50000xi32, #tpu.memory_space<hbm>> -> memref<50000xi32, #tpu.memory_space<hbm>>
      tpu.enqueue_indirect_dma source(%dma_start3A_596 : memref<50000xi32, #tpu.memory_space<hbm>>) target(%dma_start3A_591 : memref<128xi32, #tpu.memory_space<vmem>>) offsets(%dma_start3A_594 : memref<128xi32, #tpu.memory_space<vmem>>) semaphore(%arg22 : memref<!tpu.dma_semaphore, #tpu.memory_space<semaphore_mem>>)
      %mul3A_597 = arith.constant 4 : i32
      %mul3A_598 = arith.muli %mul3A_597, %add3A_560 : i32
      %add3A_599 = arith.constant 3 : i32
      %add3A_600 = arith.addi %mul3A_598, %add3A_599 : i32
      %dma_start3A_601 = arith.constant 0 : i32
      %dma_start3A_602 = tpu.memref_slice %arg20[%add3A_600, %dma_start3A_601] : memref<64x128xi32, #tpu.memory_space<vmem>> -> memref<1x128xi32, #tpu.memory_space<vmem>>
      %dma_start3A_603 = tpu.memref_squeeze %dma_start3A_602 : memref<1x128xi32, #tpu.memory_space<vmem>> -> memref<128xi32, #tpu.memory_space<vmem>>
      %dma_start3A_604 = arith.constant 0 : i32
      %dma_start3A_605 = tpu.memref_slice %arg19[%add3A_560, %dma_start3A_604] : memref<16x128xi32, #tpu.memory_space<vmem>> -> memref<1x128xi32, #tpu.memory_space<vmem>>
      %dma_start3A_606 = tpu.memref_squeeze %dma_start3A_605 : memref<1x128xi32, #tpu.memory_space<vmem>> -> memref<128xi32, #tpu.memory_space<vmem>>
      %dma_start3A_607 = arith.constant 0 : i32
      %dma_start3A_608 = tpu.memref_slice %arg6[%dma_start3A_607] : memref<50000xi32, #tpu.memory_space<hbm>> -> memref<50000xi32, #tpu.memory_space<hbm>>
      tpu.enqueue_indirect_dma source(%dma_start3A_608 : memref<50000xi32, #tpu.memory_space<hbm>>) target(%dma_start3A_603 : memref<128xi32, #tpu.memory_space<vmem>>) offsets(%dma_start3A_606 : memref<128xi32, #tpu.memory_space<vmem>>) semaphore(%arg22 : memref<!tpu.dma_semaphore, #tpu.memory_space<semaphore_mem>>)
      %mul3A_609 = arith.constant 4 : i32
      %mul3A_610 = arith.muli %mul3A_609, %scan3A_504 : i32
      %add3A_611 = arith.constant 2 : i32
      %add3A_612 = arith.addi %mul3A_610, %add3A_611 : i32
      %mul3A_613 = arith.constant 4 : i32
      %mul3A_614 = arith.muli %mul3A_613, %add3A_612 : i32
      %add3A_615 = arith.constant 0 : i32
      %add3A_616 = arith.addi %mul3A_614, %add3A_615 : i32
      %dma_start3A_617 = arith.constant 0 : i32
      %dma_start3A_618 = tpu.memref_slice %arg20[%add3A_616, %dma_start3A_617] : memref<64x128xi32, #tpu.memory_space<vmem>> -> memref<1x128xi32, #tpu.memory_space<vmem>>
      %dma_start3A_619 = tpu.memref_squeeze %dma_start3A_618 : memref<1x128xi32, #tpu.memory_space<vmem>> -> memref<128xi32, #tpu.memory_space<vmem>>
      %dma_start3A_620 = arith.constant 0 : i32
      %dma_start3A_621 = tpu.memref_slice %arg19[%add3A_612, %dma_start3A_620] : memref<16x128xi32, #tpu.memory_space<vmem>> -> memref<1x128xi32, #tpu.memory_space<vmem>>
      %dma_start3A_622 = tpu.memref_squeeze %dma_start3A_621 : memref<1x128xi32, #tpu.memory_space<vmem>> -> memref<128xi32, #tpu.memory_space<vmem>>
      %dma_start3A_623 = arith.constant 0 : i32
      %dma_start3A_624 = tpu.memref_slice %arg3[%dma_start3A_623] : memref<50000xi32, #tpu.memory_space<hbm>> -> memref<50000xi32, #tpu.memory_space<hbm>>
      tpu.enqueue_indirect_dma source(%dma_start3A_624 : memref<50000xi32, #tpu.memory_space<hbm>>) target(%dma_start3A_619 : memref<128xi32, #tpu.memory_space<vmem>>) offsets(%dma_start3A_622 : memref<128xi32, #tpu.memory_space<vmem>>) semaphore(%arg22 : memref<!tpu.dma_semaphore, #tpu.memory_space<semaphore_mem>>)
      %mul3A_625 = arith.constant 4 : i32
      %mul3A_626 = arith.muli %mul3A_625, %add3A_612 : i32
      %add3A_627 = arith.constant 1 : i32
      %add3A_628 = arith.addi %mul3A_626, %add3A_627 : i32
      %dma_start3A_629 = arith.constant 0 : i32
      %dma_start3A_630 = tpu.memref_slice %arg20[%add3A_628, %dma_start3A_629] : memref<64x128xi32, #tpu.memory_space<vmem>> -> memref<1x128xi32, #tpu.memory_space<vmem>>
      %dma_start3A_631 = tpu.memref_squeeze %dma_start3A_630 : memref<1x128xi32, #tpu.memory_space<vmem>> -> memref<128xi32, #tpu.memory_space<vmem>>
      %dma_start3A_632 = arith.constant 0 : i32
      %dma_start3A_633 = tpu.memref_slice %arg19[%add3A_612, %dma_start3A_632] : memref<16x128xi32, #tpu.memory_space<vmem>> -> memref<1x128xi32, #tpu.memory_space<vmem>>
      %dma_start3A_634 = tpu.memref_squeeze %dma_start3A_633 : memref<1x128xi32, #tpu.memory_space<vmem>> -> memref<128xi32, #tpu.memory_space<vmem>>
      %dma_start3A_635 = arith.constant 0 : i32
      %dma_start3A_636 = tpu.memref_slice %arg4[%dma_start3A_635] : memref<50000xi32, #tpu.memory_space<hbm>> -> memref<50000xi32, #tpu.memory_space<hbm>>
      tpu.enqueue_indirect_dma source(%dma_start3A_636 : memref<50000xi32, #tpu.memory_space<hbm>>) target(%dma_start3A_631 : memref<128xi32, #tpu.memory_space<vmem>>) offsets(%dma_start3A_634 : memref<128xi32, #tpu.memory_space<vmem>>) semaphore(%arg22 : memref<!tpu.dma_semaphore, #tpu.memory_space<semaphore_mem>>)
      %mul3A_637 = arith.constant 4 : i32
      %mul3A_638 = arith.muli %mul3A_637, %add3A_612 : i32
      %add3A_639 = arith.constant 2 : i32
      %add3A_640 = arith.addi %mul3A_638, %add3A_639 : i32
      %dma_start3A_641 = arith.constant 0 : i32
      %dma_start3A_642 = tpu.memref_slice %arg20[%add3A_640, %dma_start3A_641] : memref<64x128xi32, #tpu.memory_space<vmem>> -> memref<1x128xi32, #tpu.memory_space<vmem>>
      %dma_start3A_643 = tpu.memref_squeeze %dma_start3A_642 : memref<1x128xi32, #tpu.memory_space<vmem>> -> memref<128xi32, #tpu.memory_space<vmem>>
      %dma_start3A_644 = arith.constant 0 : i32
      %dma_start3A_645 = tpu.memref_slice %arg19[%add3A_612, %dma_start3A_644] : memref<16x128xi32, #tpu.memory_space<vmem>> -> memref<1x128xi32, #tpu.memory_space<vmem>>
      %dma_start3A_646 = tpu.memref_squeeze %dma_start3A_645 : memref<1x128xi32, #tpu.memory_space<vmem>> -> memref<128xi32, #tpu.memory_space<vmem>>
      %dma_start3A_647 = arith.constant 0 : i32
      %dma_start3A_648 = tpu.memref_slice %arg5[%dma_start3A_647] : memref<50000xi32, #tpu.memory_space<hbm>> -> memref<50000xi32, #tpu.memory_space<hbm>>
      tpu.enqueue_indirect_dma source(%dma_start3A_648 : memref<50000xi32, #tpu.memory_space<hbm>>) target(%dma_start3A_643 : memref<128xi32, #tpu.memory_space<vmem>>) offsets(%dma_start3A_646 : memref<128xi32, #tpu.memory_space<vmem>>) semaphore(%arg22 : memref<!tpu.dma_semaphore, #tpu.memory_space<semaphore_mem>>)
      %mul3A_649 = arith.constant 4 : i32
      %mul3A_650 = arith.muli %mul3A_649, %add3A_612 : i32
      %add3A_651 = arith.constant 3 : i32
      %add3A_652 = arith.addi %mul3A_650, %add3A_651 : i32
      %dma_start3A_653 = arith.constant 0 : i32
      %dma_start3A_654 = tpu.memref_slice %arg20[%add3A_652, %dma_start3A_653] : memref<64x128xi32, #tpu.memory_space<vmem>> -> memref<1x128xi32, #tpu.memory_space<vmem>>
      %dma_start3A_655 = tpu.memref_squeeze %dma_start3A_654 : memref<1x128xi32, #tpu.memory_space<vmem>> -> memref<128xi32, #tpu.memory_space<vmem>>
      %dma_start3A_656 = arith.constant 0 : i32
      %dma_start3A_657 = tpu.memref_slice %arg19[%add3A_612, %dma_start3A_656] : memref<16x128xi32, #tpu.memory_space<vmem>> -> memref<1x128xi32, #tpu.memory_space<vmem>>
      %dma_start3A_658 = tpu.memref_squeeze %dma_start3A_657 : memref<1x128xi32, #tpu.memory_space<vmem>> -> memref<128xi32, #tpu.memory_space<vmem>>
      %dma_start3A_659 = arith.constant 0 : i32
      %dma_start3A_660 = tpu.memref_slice %arg6[%dma_start3A_659] : memref<50000xi32, #tpu.memory_space<hbm>> -> memref<50000xi32, #tpu.memory_space<hbm>>
      tpu.enqueue_indirect_dma source(%dma_start3A_660 : memref<50000xi32, #tpu.memory_space<hbm>>) target(%dma_start3A_655 : memref<128xi32, #tpu.memory_space<vmem>>) offsets(%dma_start3A_658 : memref<128xi32, #tpu.memory_space<vmem>>) semaphore(%arg22 : memref<!tpu.dma_semaphore, #tpu.memory_space<semaphore_mem>>)
      %mul3A_661 = arith.constant 4 : i32
      %mul3A_662 = arith.muli %mul3A_661, %scan3A_504 : i32
      %add3A_663 = arith.constant 3 : i32
      %add3A_664 = arith.addi %mul3A_662, %add3A_663 : i32
      %mul3A_665 = arith.constant 4 : i32
      %mul3A_666 = arith.muli %mul3A_665, %add3A_664 : i32
      %add3A_667 = arith.constant 0 : i32
      %add3A_668 = arith.addi %mul3A_666, %add3A_667 : i32
      %dma_start3A_669 = arith.constant 0 : i32
      %dma_start3A_670 = tpu.memref_slice %arg20[%add3A_668, %dma_start3A_669] : memref<64x128xi32, #tpu.memory_space<vmem>> -> memref<1x128xi32, #tpu.memory_space<vmem>>
      %dma_start3A_671 = tpu.memref_squeeze %dma_start3A_670 : memref<1x128xi32, #tpu.memory_space<vmem>> -> memref<128xi32, #tpu.memory_space<vmem>>
      %dma_start3A_672 = arith.constant 0 : i32
      %dma_start3A_673 = tpu.memref_slice %arg19[%add3A_664, %dma_start3A_672] : memref<16x128xi32, #tpu.memory_space<vmem>> -> memref<1x128xi32, #tpu.memory_space<vmem>>
      %dma_start3A_674 = tpu.memref_squeeze %dma_start3A_673 : memref<1x128xi32, #tpu.memory_space<vmem>> -> memref<128xi32, #tpu.memory_space<vmem>>
      %dma_start3A_675 = arith.constant 0 : i32
      %dma_start3A_676 = tpu.memref_slice %arg3[%dma_start3A_675] : memref<50000xi32, #tpu.memory_space<hbm>> -> memref<50000xi32, #tpu.memory_space<hbm>>
      tpu.enqueue_indirect_dma source(%dma_start3A_676 : memref<50000xi32, #tpu.memory_space<hbm>>) target(%dma_start3A_671 : memref<128xi32, #tpu.memory_space<vmem>>) offsets(%dma_start3A_674 : memref<128xi32, #tpu.memory_space<vmem>>) semaphore(%arg22 : memref<!tpu.dma_semaphore, #tpu.memory_space<semaphore_mem>>)
      %mul3A_677 = arith.constant 4 : i32
      %mul3A_678 = arith.muli %mul3A_677, %add3A_664 : i32
      %add3A_679 = arith.constant 1 : i32
      %add3A_680 = arith.addi %mul3A_678, %add3A_679 : i32
      %dma_start3A_681 = arith.constant 0 : i32
      %dma_start3A_682 = tpu.memref_slice %arg20[%add3A_680, %dma_start3A_681] : memref<64x128xi32, #tpu.memory_space<vmem>> -> memref<1x128xi32, #tpu.memory_space<vmem>>
      %dma_start3A_683 = tpu.memref_squeeze %dma_start3A_682 : memref<1x128xi32, #tpu.memory_space<vmem>> -> memref<128xi32, #tpu.memory_space<vmem>>
      %dma_start3A_684 = arith.constant 0 : i32
      %dma_start3A_685 = tpu.memref_slice %arg19[%add3A_664, %dma_start3A_684] : memref<16x128xi32, #tpu.memory_space<vmem>> -> memref<1x128xi32, #tpu.memory_space<vmem>>
      %dma_start3A_686 = tpu.memref_squeeze %dma_start3A_685 : memref<1x128xi32, #tpu.memory_space<vmem>> -> memref<128xi32, #tpu.memory_space<vmem>>
      %dma_start3A_687 = arith.constant 0 : i32
      %dma_start3A_688 = tpu.memref_slice %arg4[%dma_start3A_687] : memref<50000xi32, #tpu.memory_space<hbm>> -> memref<50000xi32, #tpu.memory_space<hbm>>
      tpu.enqueue_indirect_dma source(%dma_start3A_688 : memref<50000xi32, #tpu.memory_space<hbm>>) target(%dma_start3A_683 : memref<128xi32, #tpu.memory_space<vmem>>) offsets(%dma_start3A_686 : memref<128xi32, #tpu.memory_space<vmem>>) semaphore(%arg22 : memref<!tpu.dma_semaphore, #tpu.memory_space<semaphore_mem>>)
      %mul3A_689 = arith.constant 4 : i32
      %mul3A_690 = arith.muli %mul3A_689, %add3A_664 : i32
      %add3A_691 = arith.constant 2 : i32
      %add3A_692 = arith.addi %mul3A_690, %add3A_691 : i32
      %dma_start3A_693 = arith.constant 0 : i32
      %dma_start3A_694 = tpu.memref_slice %arg20[%add3A_692, %dma_start3A_693] : memref<64x128xi32, #tpu.memory_space<vmem>> -> memref<1x128xi32, #tpu.memory_space<vmem>>
      %dma_start3A_695 = tpu.memref_squeeze %dma_start3A_694 : memref<1x128xi32, #tpu.memory_space<vmem>> -> memref<128xi32, #tpu.memory_space<vmem>>
      %dma_start3A_696 = arith.constant 0 : i32
      %dma_start3A_697 = tpu.memref_slice %arg19[%add3A_664, %dma_start3A_696] : memref<16x128xi32, #tpu.memory_space<vmem>> -> memref<1x128xi32, #tpu.memory_space<vmem>>
      %dma_start3A_698 = tpu.memref_squeeze %dma_start3A_697 : memref<1x128xi32, #tpu.memory_space<vmem>> -> memref<128xi32, #tpu.memory_space<vmem>>
      %dma_start3A_699 = arith.constant 0 : i32
      %dma_start3A_700 = tpu.memref_slice %arg5[%dma_start3A_699] : memref<50000xi32, #tpu.memory_space<hbm>> -> memref<50000xi32, #tpu.memory_space<hbm>>
      tpu.enqueue_indirect_dma source(%dma_start3A_700 : memref<50000xi32, #tpu.memory_space<hbm>>) target(%dma_start3A_695 : memref<128xi32, #tpu.memory_space<vmem>>) offsets(%dma_start3A_698 : memref<128xi32, #tpu.memory_space<vmem>>) semaphore(%arg22 : memref<!tpu.dma_semaphore, #tpu.memory_space<semaphore_mem>>)
      %mul3A_701 = arith.constant 4 : i32
      %mul3A_702 = arith.muli %mul3A_701, %add3A_664 : i32
      %add3A_703 = arith.constant 3 : i32
      %add3A_704 = arith.addi %mul3A_702, %add3A_703 : i32
      %dma_start3A_705 = arith.constant 0 : i32
      %dma_start3A_706 = tpu.memref_slice %arg20[%add3A_704, %dma_start3A_705] : memref<64x128xi32, #tpu.memory_space<vmem>> -> memref<1x128xi32, #tpu.memory_space<vmem>>
      %dma_start3A_707 = tpu.memref_squeeze %dma_start3A_706 : memref<1x128xi32, #tpu.memory_space<vmem>> -> memref<128xi32, #tpu.memory_space<vmem>>
      %dma_start3A_708 = arith.constant 0 : i32
      %dma_start3A_709 = tpu.memref_slice %arg19[%add3A_664, %dma_start3A_708] : memref<16x128xi32, #tpu.memory_space<vmem>> -> memref<1x128xi32, #tpu.memory_space<vmem>>
      %dma_start3A_710 = tpu.memref_squeeze %dma_start3A_709 : memref<1x128xi32, #tpu.memory_space<vmem>> -> memref<128xi32, #tpu.memory_space<vmem>>
      %dma_start3A_711 = arith.constant 0 : i32
      %dma_start3A_712 = tpu.memref_slice %arg6[%dma_start3A_711] : memref<50000xi32, #tpu.memory_space<hbm>> -> memref<50000xi32, #tpu.memory_space<hbm>>
      tpu.enqueue_indirect_dma source(%dma_start3A_712 : memref<50000xi32, #tpu.memory_space<hbm>>) target(%dma_start3A_707 : memref<128xi32, #tpu.memory_space<vmem>>) offsets(%dma_start3A_710 : memref<128xi32, #tpu.memory_space<vmem>>) semaphore(%arg22 : memref<!tpu.dma_semaphore, #tpu.memory_space<semaphore_mem>>)
    }
    %scan3A_465 = arith.constant 2 : i32
    %scan3A_466 = arith.constant 0 : i32
    %scan3A_467 = arith.constant 2 : i32
    %scan3A_468 = arith.constant 2 : i32
    %scan3A_469 = arith.addi %scan3A_467, %scan3A_468 : i32
    %scan3A_470 = arith.constant 1 : i32
    scf.for %scan3A_504 = %scan3A_467 to %scan3A_469 step %scan3A_470  : i32 {
      %mul3A_505 = arith.constant 4 : i32
      %mul3A_506 = arith.muli %mul3A_505, %scan3A_504 : i32
      %add3A_507 = arith.constant 0 : i32
      %add3A_508 = arith.addi %mul3A_506, %add3A_507 : i32
      %mul3A_509 = arith.constant 4 : i32
      %mul3A_510 = arith.muli %mul3A_509, %add3A_508 : i32
      %add3A_511 = arith.constant 0 : i32
      %add3A_512 = arith.addi %mul3A_510, %add3A_511 : i32
      %dma_wait3A_513 = arith.constant 0 : i32
      %dma_wait3A_514 = tpu.memref_slice %arg20[%add3A_512, %dma_wait3A_513] : memref<64x128xi32, #tpu.memory_space<vmem>> -> memref<1x128xi32, #tpu.memory_space<vmem>>
      %dma_wait3A_515 = tpu.memref_squeeze %dma_wait3A_514 : memref<1x128xi32, #tpu.memory_space<vmem>> -> memref<128xi32, #tpu.memory_space<vmem>>
      %dma_wait3A_516 = arith.constant 0 : i32
      %dma_wait3A_517 = tpu.memref_slice %arg19[%add3A_508, %dma_wait3A_516] : memref<16x128xi32, #tpu.memory_space<vmem>> -> memref<1x128xi32, #tpu.memory_space<vmem>>
      %dma_wait3A_518 = tpu.memref_squeeze %dma_wait3A_517 : memref<1x128xi32, #tpu.memory_space<vmem>> -> memref<128xi32, #tpu.memory_space<vmem>>
      %dma_wait3A_519 = arith.constant 0 : i32
      %dma_wait3A_520 = tpu.memref_slice %arg3[%dma_wait3A_519] : memref<50000xi32, #tpu.memory_space<hbm>> -> memref<50000xi32, #tpu.memory_space<hbm>>
      tpu.wait_indirect_dma semaphore(%arg22 : memref<!tpu.dma_semaphore, #tpu.memory_space<semaphore_mem>>) src(%dma_wait3A_520 : memref<50000xi32, #tpu.memory_space<hbm>>) dst(%dma_wait3A_515 : memref<128xi32, #tpu.memory_space<vmem>>)
      %mul3A_521 = arith.constant 4 : i32
      %mul3A_522 = arith.muli %mul3A_521, %add3A_508 : i32
      %add3A_523 = arith.constant 1 : i32
      %add3A_524 = arith.addi %mul3A_522, %add3A_523 : i32
      %dma_wait3A_525 = arith.constant 0 : i32
      %dma_wait3A_526 = tpu.memref_slice %arg20[%add3A_524, %dma_wait3A_525] : memref<64x128xi32, #tpu.memory_space<vmem>> -> memref<1x128xi32, #tpu.memory_space<vmem>>
      %dma_wait3A_527 = tpu.memref_squeeze %dma_wait3A_526 : memref<1x128xi32, #tpu.memory_space<vmem>> -> memref<128xi32, #tpu.memory_space<vmem>>
      %dma_wait3A_528 = arith.constant 0 : i32
      %dma_wait3A_529 = tpu.memref_slice %arg19[%add3A_508, %dma_wait3A_528] : memref<16x128xi32, #tpu.memory_space<vmem>> -> memref<1x128xi32, #tpu.memory_space<vmem>>
      %dma_wait3A_530 = tpu.memref_squeeze %dma_wait3A_529 : memref<1x128xi32, #tpu.memory_space<vmem>> -> memref<128xi32, #tpu.memory_space<vmem>>
      %dma_wait3A_531 = arith.constant 0 : i32
      %dma_wait3A_532 = tpu.memref_slice %arg4[%dma_wait3A_531] : memref<50000xi32, #tpu.memory_space<hbm>> -> memref<50000xi32, #tpu.memory_space<hbm>>
      tpu.wait_indirect_dma semaphore(%arg22 : memref<!tpu.dma_semaphore, #tpu.memory_space<semaphore_mem>>) src(%dma_wait3A_532 : memref<50000xi32, #tpu.memory_space<hbm>>) dst(%dma_wait3A_527 : memref<128xi32, #tpu.memory_space<vmem>>)
      %mul3A_533 = arith.constant 4 : i32
      %mul3A_534 = arith.muli %mul3A_533, %add3A_508 : i32
      %add3A_535 = arith.constant 2 : i32
      %add3A_536 = arith.addi %mul3A_534, %add3A_535 : i32
      %dma_wait3A_537 = arith.constant 0 : i32
      %dma_wait3A_538 = tpu.memref_slice %arg20[%add3A_536, %dma_wait3A_537] : memref<64x128xi32, #tpu.memory_space<vmem>> -> memref<1x128xi32, #tpu.memory_space<vmem>>
      %dma_wait3A_539 = tpu.memref_squeeze %dma_wait3A_538 : memref<1x128xi32, #tpu.memory_space<vmem>> -> memref<128xi32, #tpu.memory_space<vmem>>
      %dma_wait3A_540 = arith.constant 0 : i32
      %dma_wait3A_541 = tpu.memref_slice %arg19[%add3A_508, %dma_wait3A_540] : memref<16x128xi32, #tpu.memory_space<vmem>> -> memref<1x128xi32, #tpu.memory_space<vmem>>
      %dma_wait3A_542 = tpu.memref_squeeze %dma_wait3A_541 : memref<1x128xi32, #tpu.memory_space<vmem>> -> memref<128xi32, #tpu.memory_space<vmem>>
      %dma_wait3A_543 = arith.constant 0 : i32
      %dma_wait3A_544 = tpu.memref_slice %arg5[%dma_wait3A_543] : memref<50000xi32, #tpu.memory_space<hbm>> -> memref<50000xi32, #tpu.memory_space<hbm>>
      tpu.wait_indirect_dma semaphore(%arg22 : memref<!tpu.dma_semaphore, #tpu.memory_space<semaphore_mem>>) src(%dma_wait3A_544 : memref<50000xi32, #tpu.memory_space<hbm>>) dst(%dma_wait3A_539 : memref<128xi32, #tpu.memory_space<vmem>>)
      %mul3A_545 = arith.constant 4 : i32
      %mul3A_546 = arith.muli %mul3A_545, %add3A_508 : i32
      %add3A_547 = arith.constant 3 : i32
      %add3A_548 = arith.addi %mul3A_546, %add3A_547 : i32
      %dma_wait3A_549 = arith.constant 0 : i32
      %dma_wait3A_550 = tpu.memref_slice %arg20[%add3A_548, %dma_wait3A_549] : memref<64x128xi32, #tpu.memory_space<vmem>> -> memref<1x128xi32, #tpu.memory_space<vmem>>
      %dma_wait3A_551 = tpu.memref_squeeze %dma_wait3A_550 : memref<1x128xi32, #tpu.memory_space<vmem>> -> memref<128xi32, #tpu.memory_space<vmem>>
      %dma_wait3A_552 = arith.constant 0 : i32
      %dma_wait3A_553 = tpu.memref_slice %arg19[%add3A_508, %dma_wait3A_552] : memref<16x128xi32, #tpu.memory_space<vmem>> -> memref<1x128xi32, #tpu.memory_space<vmem>>
      %dma_wait3A_554 = tpu.memref_squeeze %dma_wait3A_553 : memref<1x128xi32, #tpu.memory_space<vmem>> -> memref<128xi32, #tpu.memory_space<vmem>>
      %dma_wait3A_555 = arith.constant 0 : i32
      %dma_wait3A_556 = tpu.memref_slice %arg6[%dma_wait3A_555] : memref<50000xi32, #tpu.memory_space<hbm>> -> memref<50000xi32, #tpu.memory_space<hbm>>
      tpu.wait_indirect_dma semaphore(%arg22 : memref<!tpu.dma_semaphore, #tpu.memory_space<semaphore_mem>>) src(%dma_wait3A_556 : memref<50000xi32, #tpu.memory_space<hbm>>) dst(%dma_wait3A_551 : memref<128xi32, #tpu.memory_space<vmem>>)
      %mul3A_557 = arith.constant 4 : i32
      %mul3A_558 = arith.muli %mul3A_557, %scan3A_504 : i32
      %add3A_559 = arith.constant 1 : i32
      %add3A_560 = arith.addi %mul3A_558, %add3A_559 : i32
      %mul3A_561 = arith.constant 4 : i32
      %mul3A_562 = arith.muli %mul3A_561, %add3A_560 : i32
      %add3A_563 = arith.constant 0 : i32
      %add3A_564 = arith.addi %mul3A_562, %add3A_563 : i32
      %dma_wait3A_565 = arith.constant 0 : i32
      %dma_wait3A_566 = tpu.memref_slice %arg20[%add3A_564, %dma_wait3A_565] : memref<64x128xi32, #tpu.memory_space<vmem>> -> memref<1x128xi32, #tpu.memory_space<vmem>>
      %dma_wait3A_567 = tpu.memref_squeeze %dma_wait3A_566 : memref<1x128xi32, #tpu.memory_space<vmem>> -> memref<128xi32, #tpu.memory_space<vmem>>
      %dma_wait3A_568 = arith.constant 0 : i32
      %dma_wait3A_569 = tpu.memref_slice %arg19[%add3A_560, %dma_wait3A_568] : memref<16x128xi32, #tpu.memory_space<vmem>> -> memref<1x128xi32, #tpu.memory_space<vmem>>
      %dma_wait3A_570 = tpu.memref_squeeze %dma_wait3A_569 : memref<1x128xi32, #tpu.memory_space<vmem>> -> memref<128xi32, #tpu.memory_space<vmem>>
      %dma_wait3A_571 = arith.constant 0 : i32
      %dma_wait3A_572 = tpu.memref_slice %arg3[%dma_wait3A_571] : memref<50000xi32, #tpu.memory_space<hbm>> -> memref<50000xi32, #tpu.memory_space<hbm>>
      tpu.wait_indirect_dma semaphore(%arg22 : memref<!tpu.dma_semaphore, #tpu.memory_space<semaphore_mem>>) src(%dma_wait3A_572 : memref<50000xi32, #tpu.memory_space<hbm>>) dst(%dma_wait3A_567 : memref<128xi32, #tpu.memory_space<vmem>>)
      %mul3A_573 = arith.constant 4 : i32
      %mul3A_574 = arith.muli %mul3A_573, %add3A_560 : i32
      %add3A_575 = arith.constant 1 : i32
      %add3A_576 = arith.addi %mul3A_574, %add3A_575 : i32
      %dma_wait3A_577 = arith.constant 0 : i32
      %dma_wait3A_578 = tpu.memref_slice %arg20[%add3A_576, %dma_wait3A_577] : memref<64x128xi32, #tpu.memory_space<vmem>> -> memref<1x128xi32, #tpu.memory_space<vmem>>
      %dma_wait3A_579 = tpu.memref_squeeze %dma_wait3A_578 : memref<1x128xi32, #tpu.memory_space<vmem>> -> memref<128xi32, #tpu.memory_space<vmem>>
      %dma_wait3A_580 = arith.constant 0 : i32
      %dma_wait3A_581 = tpu.memref_slice %arg19[%add3A_560, %dma_wait3A_580] : memref<16x128xi32, #tpu.memory_space<vmem>> -> memref<1x128xi32, #tpu.memory_space<vmem>>
      %dma_wait3A_582 = tpu.memref_squeeze %dma_wait3A_581 : memref<1x128xi32, #tpu.memory_space<vmem>> -> memref<128xi32, #tpu.memory_space<vmem>>
      %dma_wait3A_583 = arith.constant 0 : i32
      %dma_wait3A_584 = tpu.memref_slice %arg4[%dma_wait3A_583] : memref<50000xi32, #tpu.memory_space<hbm>> -> memref<50000xi32, #tpu.memory_space<hbm>>
      tpu.wait_indirect_dma semaphore(%arg22 : memref<!tpu.dma_semaphore, #tpu.memory_space<semaphore_mem>>) src(%dma_wait3A_584 : memref<50000xi32, #tpu.memory_space<hbm>>) dst(%dma_wait3A_579 : memref<128xi32, #tpu.memory_space<vmem>>)
      %mul3A_585 = arith.constant 4 : i32
      %mul3A_586 = arith.muli %mul3A_585, %add3A_560 : i32
      %add3A_587 = arith.constant 2 : i32
      %add3A_588 = arith.addi %mul3A_586, %add3A_587 : i32
      %dma_wait3A_589 = arith.constant 0 : i32
      %dma_wait3A_590 = tpu.memref_slice %arg20[%add3A_588, %dma_wait3A_589] : memref<64x128xi32, #tpu.memory_space<vmem>> -> memref<1x128xi32, #tpu.memory_space<vmem>>
      %dma_wait3A_591 = tpu.memref_squeeze %dma_wait3A_590 : memref<1x128xi32, #tpu.memory_space<vmem>> -> memref<128xi32, #tpu.memory_space<vmem>>
      %dma_wait3A_592 = arith.constant 0 : i32
      %dma_wait3A_593 = tpu.memref_slice %arg19[%add3A_560, %dma_wait3A_592] : memref<16x128xi32, #tpu.memory_space<vmem>> -> memref<1x128xi32, #tpu.memory_space<vmem>>
      %dma_wait3A_594 = tpu.memref_squeeze %dma_wait3A_593 : memref<1x128xi32, #tpu.memory_space<vmem>> -> memref<128xi32, #tpu.memory_space<vmem>>
      %dma_wait3A_595 = arith.constant 0 : i32
      %dma_wait3A_596 = tpu.memref_slice %arg5[%dma_wait3A_595] : memref<50000xi32, #tpu.memory_space<hbm>> -> memref<50000xi32, #tpu.memory_space<hbm>>
      tpu.wait_indirect_dma semaphore(%arg22 : memref<!tpu.dma_semaphore, #tpu.memory_space<semaphore_mem>>) src(%dma_wait3A_596 : memref<50000xi32, #tpu.memory_space<hbm>>) dst(%dma_wait3A_591 : memref<128xi32, #tpu.memory_space<vmem>>)
      %mul3A_597 = arith.constant 4 : i32
      %mul3A_598 = arith.muli %mul3A_597, %add3A_560 : i32
      %add3A_599 = arith.constant 3 : i32
      %add3A_600 = arith.addi %mul3A_598, %add3A_599 : i32
      %dma_wait3A_601 = arith.constant 0 : i32
      %dma_wait3A_602 = tpu.memref_slice %arg20[%add3A_600, %dma_wait3A_601] : memref<64x128xi32, #tpu.memory_space<vmem>> -> memref<1x128xi32, #tpu.memory_space<vmem>>
      %dma_wait3A_603 = tpu.memref_squeeze %dma_wait3A_602 : memref<1x128xi32, #tpu.memory_space<vmem>> -> memref<128xi32, #tpu.memory_space<vmem>>
      %dma_wait3A_604 = arith.constant 0 : i32
      %dma_wait3A_605 = tpu.memref_slice %arg19[%add3A_560, %dma_wait3A_604] : memref<16x128xi32, #tpu.memory_space<vmem>> -> memref<1x128xi32, #tpu.memory_space<vmem>>
      %dma_wait3A_606 = tpu.memref_squeeze %dma_wait3A_605 : memref<1x128xi32, #tpu.memory_space<vmem>> -> memref<128xi32, #tpu.memory_space<vmem>>
      %dma_wait3A_607 = arith.constant 0 : i32
      %dma_wait3A_608 = tpu.memref_slice %arg6[%dma_wait3A_607] : memref<50000xi32, #tpu.memory_space<hbm>> -> memref<50000xi32, #tpu.memory_space<hbm>>
      tpu.wait_indirect_dma semaphore(%arg22 : memref<!tpu.dma_semaphore, #tpu.memory_space<semaphore_mem>>) src(%dma_wait3A_608 : memref<50000xi32, #tpu.memory_space<hbm>>) dst(%dma_wait3A_603 : memref<128xi32, #tpu.memory_space<vmem>>)
      %mul3A_609 = arith.constant 4 : i32
      %mul3A_610 = arith.muli %mul3A_609, %scan3A_504 : i32
      %add3A_611 = arith.constant 2 : i32
      %add3A_612 = arith.addi %mul3A_610, %add3A_611 : i32
      %mul3A_613 = arith.constant 4 : i32
      %mul3A_614 = arith.muli %mul3A_613, %add3A_612 : i32
      %add3A_615 = arith.constant 0 : i32
      %add3A_616 = arith.addi %mul3A_614, %add3A_615 : i32
      %dma_wait3A_617 = arith.constant 0 : i32
      %dma_wait3A_618 = tpu.memref_slice %arg20[%add3A_616, %dma_wait3A_617] : memref<64x128xi32, #tpu.memory_space<vmem>> -> memref<1x128xi32, #tpu.memory_space<vmem>>
      %dma_wait3A_619 = tpu.memref_squeeze %dma_wait3A_618 : memref<1x128xi32, #tpu.memory_space<vmem>> -> memref<128xi32, #tpu.memory_space<vmem>>
      %dma_wait3A_620 = arith.constant 0 : i32
      %dma_wait3A_621 = tpu.memref_slice %arg19[%add3A_612, %dma_wait3A_620] : memref<16x128xi32, #tpu.memory_space<vmem>> -> memref<1x128xi32, #tpu.memory_space<vmem>>
      %dma_wait3A_622 = tpu.memref_squeeze %dma_wait3A_621 : memref<1x128xi32, #tpu.memory_space<vmem>> -> memref<128xi32, #tpu.memory_space<vmem>>
      %dma_wait3A_623 = arith.constant 0 : i32
      %dma_wait3A_624 = tpu.memref_slice %arg3[%dma_wait3A_623] : memref<50000xi32, #tpu.memory_space<hbm>> -> memref<50000xi32, #tpu.memory_space<hbm>>
      tpu.wait_indirect_dma semaphore(%arg22 : memref<!tpu.dma_semaphore, #tpu.memory_space<semaphore_mem>>) src(%dma_wait3A_624 : memref<50000xi32, #tpu.memory_space<hbm>>) dst(%dma_wait3A_619 : memref<128xi32, #tpu.memory_space<vmem>>)
      %mul3A_625 = arith.constant 4 : i32
      %mul3A_626 = arith.muli %mul3A_625, %add3A_612 : i32
      %add3A_627 = arith.constant 1 : i32
      %add3A_628 = arith.addi %mul3A_626, %add3A_627 : i32
      %dma_wait3A_629 = arith.constant 0 : i32
      %dma_wait3A_630 = tpu.memref_slice %arg20[%add3A_628, %dma_wait3A_629] : memref<64x128xi32, #tpu.memory_space<vmem>> -> memref<1x128xi32, #tpu.memory_space<vmem>>
      %dma_wait3A_631 = tpu.memref_squeeze %dma_wait3A_630 : memref<1x128xi32, #tpu.memory_space<vmem>> -> memref<128xi32, #tpu.memory_space<vmem>>
      %dma_wait3A_632 = arith.constant 0 : i32
      %dma_wait3A_633 = tpu.memref_slice %arg19[%add3A_612, %dma_wait3A_632] : memref<16x128xi32, #tpu.memory_space<vmem>> -> memref<1x128xi32, #tpu.memory_space<vmem>>
      %dma_wait3A_634 = tpu.memref_squeeze %dma_wait3A_633 : memref<1x128xi32, #tpu.memory_space<vmem>> -> memref<128xi32, #tpu.memory_space<vmem>>
      %dma_wait3A_635 = arith.constant 0 : i32
      %dma_wait3A_636 = tpu.memref_slice %arg4[%dma_wait3A_635] : memref<50000xi32, #tpu.memory_space<hbm>> -> memref<50000xi32, #tpu.memory_space<hbm>>
      tpu.wait_indirect_dma semaphore(%arg22 : memref<!tpu.dma_semaphore, #tpu.memory_space<semaphore_mem>>) src(%dma_wait3A_636 : memref<50000xi32, #tpu.memory_space<hbm>>) dst(%dma_wait3A_631 : memref<128xi32, #tpu.memory_space<vmem>>)
      %mul3A_637 = arith.constant 4 : i32
      %mul3A_638 = arith.muli %mul3A_637, %add3A_612 : i32
      %add3A_639 = arith.constant 2 : i32
      %add3A_640 = arith.addi %mul3A_638, %add3A_639 : i32
      %dma_wait3A_641 = arith.constant 0 : i32
      %dma_wait3A_642 = tpu.memref_slice %arg20[%add3A_640, %dma_wait3A_641] : memref<64x128xi32, #tpu.memory_space<vmem>> -> memref<1x128xi32, #tpu.memory_space<vmem>>
      %dma_wait3A_643 = tpu.memref_squeeze %dma_wait3A_642 : memref<1x128xi32, #tpu.memory_space<vmem>> -> memref<128xi32, #tpu.memory_space<vmem>>
      %dma_wait3A_644 = arith.constant 0 : i32
      %dma_wait3A_645 = tpu.memref_slice %arg19[%add3A_612, %dma_wait3A_644] : memref<16x128xi32, #tpu.memory_space<vmem>> -> memref<1x128xi32, #tpu.memory_space<vmem>>
      %dma_wait3A_646 = tpu.memref_squeeze %dma_wait3A_645 : memref<1x128xi32, #tpu.memory_space<vmem>> -> memref<128xi32, #tpu.memory_space<vmem>>
      %dma_wait3A_647 = arith.constant 0 : i32
      %dma_wait3A_648 = tpu.memref_slice %arg5[%dma_wait3A_647] : memref<50000xi32, #tpu.memory_space<hbm>> -> memref<50000xi32, #tpu.memory_space<hbm>>
      tpu.wait_indirect_dma semaphore(%arg22 : memref<!tpu.dma_semaphore, #tpu.memory_space<semaphore_mem>>) src(%dma_wait3A_648 : memref<50000xi32, #tpu.memory_space<hbm>>) dst(%dma_wait3A_643 : memref<128xi32, #tpu.memory_space<vmem>>)
      %mul3A_649 = arith.constant 4 : i32
      %mul3A_650 = arith.muli %mul3A_649, %add3A_612 : i32
      %add3A_651 = arith.constant 3 : i32
      %add3A_652 = arith.addi %mul3A_650, %add3A_651 : i32
      %dma_wait3A_653 = arith.constant 0 : i32
      %dma_wait3A_654 = tpu.memref_slice %arg20[%add3A_652, %dma_wait3A_653] : memref<64x128xi32, #tpu.memory_space<vmem>> -> memref<1x128xi32, #tpu.memory_space<vmem>>
      %dma_wait3A_655 = tpu.memref_squeeze %dma_wait3A_654 : memref<1x128xi32, #tpu.memory_space<vmem>> -> memref<128xi32, #tpu.memory_space<vmem>>
      %dma_wait3A_656 = arith.constant 0 : i32
      %dma_wait3A_657 = tpu.memref_slice %arg19[%add3A_612, %dma_wait3A_656] : memref<16x128xi32, #tpu.memory_space<vmem>> -> memref<1x128xi32, #tpu.memory_space<vmem>>
      %dma_wait3A_658 = tpu.memref_squeeze %dma_wait3A_657 : memref<1x128xi32, #tpu.memory_space<vmem>> -> memref<128xi32, #tpu.memory_space<vmem>>
      %dma_wait3A_659 = arith.constant 0 : i32
      %dma_wait3A_660 = tpu.memref_slice %arg6[%dma_wait3A_659] : memref<50000xi32, #tpu.memory_space<hbm>> -> memref<50000xi32, #tpu.memory_space<hbm>>
      tpu.wait_indirect_dma semaphore(%arg22 : memref<!tpu.dma_semaphore, #tpu.memory_space<semaphore_mem>>) src(%dma_wait3A_660 : memref<50000xi32, #tpu.memory_space<hbm>>) dst(%dma_wait3A_655 : memref<128xi32, #tpu.memory_space<vmem>>)
      %mul3A_661 = arith.constant 4 : i32
      %mul3A_662 = arith.muli %mul3A_661, %scan3A_504 : i32
      %add3A_663 = arith.constant 3 : i32
      %add3A_664 = arith.addi %mul3A_662, %add3A_663 : i32
      %mul3A_665 = arith.constant 4 : i32
      %mul3A_666 = arith.muli %mul3A_665, %add3A_664 : i32
      %add3A_667 = arith.constant 0 : i32
      %add3A_668 = arith.addi %mul3A_666, %add3A_667 : i32
      %dma_wait3A_669 = arith.constant 0 : i32
      %dma_wait3A_670 = tpu.memref_slice %arg20[%add3A_668, %dma_wait3A_669] : memref<64x128xi32, #tpu.memory_space<vmem>> -> memref<1x128xi32, #tpu.memory_space<vmem>>
      %dma_wait3A_671 = tpu.memref_squeeze %dma_wait3A_670 : memref<1x128xi32, #tpu.memory_space<vmem>> -> memref<128xi32, #tpu.memory_space<vmem>>
      %dma_wait3A_672 = arith.constant 0 : i32
      %dma_wait3A_673 = tpu.memref_slice %arg19[%add3A_664, %dma_wait3A_672] : memref<16x128xi32, #tpu.memory_space<vmem>> -> memref<1x128xi32, #tpu.memory_space<vmem>>
      %dma_wait3A_674 = tpu.memref_squeeze %dma_wait3A_673 : memref<1x128xi32, #tpu.memory_space<vmem>> -> memref<128xi32, #tpu.memory_space<vmem>>
      %dma_wait3A_675 = arith.constant 0 : i32
      %dma_wait3A_676 = tpu.memref_slice %arg3[%dma_wait3A_675] : memref<50000xi32, #tpu.memory_space<hbm>> -> memref<50000xi32, #tpu.memory_space<hbm>>
      tpu.wait_indirect_dma semaphore(%arg22 : memref<!tpu.dma_semaphore, #tpu.memory_space<semaphore_mem>>) src(%dma_wait3A_676 : memref<50000xi32, #tpu.memory_space<hbm>>) dst(%dma_wait3A_671 : memref<128xi32, #tpu.memory_space<vmem>>)
      %mul3A_677 = arith.constant 4 : i32
      %mul3A_678 = arith.muli %mul3A_677, %add3A_664 : i32
      %add3A_679 = arith.constant 1 : i32
      %add3A_680 = arith.addi %mul3A_678, %add3A_679 : i32
      %dma_wait3A_681 = arith.constant 0 : i32
      %dma_wait3A_682 = tpu.memref_slice %arg20[%add3A_680, %dma_wait3A_681] : memref<64x128xi32, #tpu.memory_space<vmem>> -> memref<1x128xi32, #tpu.memory_space<vmem>>
      %dma_wait3A_683 = tpu.memref_squeeze %dma_wait3A_682 : memref<1x128xi32, #tpu.memory_space<vmem>> -> memref<128xi32, #tpu.memory_space<vmem>>
      %dma_wait3A_684 = arith.constant 0 : i32
      %dma_wait3A_685 = tpu.memref_slice %arg19[%add3A_664, %dma_wait3A_684] : memref<16x128xi32, #tpu.memory_space<vmem>> -> memref<1x128xi32, #tpu.memory_space<vmem>>
      %dma_wait3A_686 = tpu.memref_squeeze %dma_wait3A_685 : memref<1x128xi32, #tpu.memory_space<vmem>> -> memref<128xi32, #tpu.memory_space<vmem>>
      %dma_wait3A_687 = arith.constant 0 : i32
      %dma_wait3A_688 = tpu.memref_slice %arg4[%dma_wait3A_687] : memref<50000xi32, #tpu.memory_space<hbm>> -> memref<50000xi32, #tpu.memory_space<hbm>>
      tpu.wait_indirect_dma semaphore(%arg22 : memref<!tpu.dma_semaphore, #tpu.memory_space<semaphore_mem>>) src(%dma_wait3A_688 : memref<50000xi32, #tpu.memory_space<hbm>>) dst(%dma_wait3A_683 : memref<128xi32, #tpu.memory_space<vmem>>)
      %mul3A_689 = arith.constant 4 : i32
      %mul3A_690 = arith.muli %mul3A_689, %add3A_664 : i32
      %add3A_691 = arith.constant 2 : i32
      %add3A_692 = arith.addi %mul3A_690, %add3A_691 : i32
      %dma_wait3A_693 = arith.constant 0 : i32
      %dma_wait3A_694 = tpu.memref_slice %arg20[%add3A_692, %dma_wait3A_693] : memref<64x128xi32, #tpu.memory_space<vmem>> -> memref<1x128xi32, #tpu.memory_space<vmem>>
      %dma_wait3A_695 = tpu.memref_squeeze %dma_wait3A_694 : memref<1x128xi32, #tpu.memory_space<vmem>> -> memref<128xi32, #tpu.memory_space<vmem>>
      %dma_wait3A_696 = arith.constant 0 : i32
      %dma_wait3A_697 = tpu.memref_slice %arg19[%add3A_664, %dma_wait3A_696] : memref<16x128xi32, #tpu.memory_space<vmem>> -> memref<1x128xi32, #tpu.memory_space<vmem>>
      %dma_wait3A_698 = tpu.memref_squeeze %dma_wait3A_697 : memref<1x128xi32, #tpu.memory_space<vmem>> -> memref<128xi32, #tpu.memory_space<vmem>>
      %dma_wait3A_699 = arith.constant 0 : i32
      %dma_wait3A_700 = tpu.memref_slice %arg5[%dma_wait3A_699] : memref<50000xi32, #tpu.memory_space<hbm>> -> memref<50000xi32, #tpu.memory_space<hbm>>
      tpu.wait_indirect_dma semaphore(%arg22 : memref<!tpu.dma_semaphore, #tpu.memory_space<semaphore_mem>>) src(%dma_wait3A_700 : memref<50000xi32, #tpu.memory_space<hbm>>) dst(%dma_wait3A_695 : memref<128xi32, #tpu.memory_space<vmem>>)
      %mul3A_701 = arith.constant 4 : i32
      %mul3A_702 = arith.muli %mul3A_701, %add3A_664 : i32
      %add3A_703 = arith.constant 3 : i32
      %add3A_704 = arith.addi %mul3A_702, %add3A_703 : i32
      %dma_wait3A_705 = arith.constant 0 : i32
      %dma_wait3A_706 = tpu.memref_slice %arg20[%add3A_704, %dma_wait3A_705] : memref<64x128xi32, #tpu.memory_space<vmem>> -> memref<1x128xi32, #tpu.memory_space<vmem>>
      %dma_wait3A_707 = tpu.memref_squeeze %dma_wait3A_706 : memref<1x128xi32, #tpu.memory_space<vmem>> -> memref<128xi32, #tpu.memory_space<vmem>>
      %dma_wait3A_708 = arith.constant 0 : i32
      %dma_wait3A_709 = tpu.memref_slice %arg19[%add3A_664, %dma_wait3A_708] : memref<16x128xi32, #tpu.memory_space<vmem>> -> memref<1x128xi32, #tpu.memory_space<vmem>>
      %dma_wait3A_710 = tpu.memref_squeeze %dma_wait3A_709 : memref<1x128xi32, #tpu.memory_space<vmem>> -> memref<128xi32, #tpu.memory_space<vmem>>
      %dma_wait3A_711 = arith.constant 0 : i32
      %dma_wait3A_712 = tpu.memref_slice %arg6[%dma_wait3A_711] : memref<50000xi32, #tpu.memory_space<hbm>> -> memref<50000xi32, #tpu.memory_space<hbm>>
      tpu.wait_indirect_dma semaphore(%arg22 : memref<!tpu.dma_semaphore, #tpu.memory_space<semaphore_mem>>) src(%dma_wait3A_712 : memref<50000xi32, #tpu.memory_space<hbm>>) dst(%dma_wait3A_707 : memref<128xi32, #tpu.memory_space<vmem>>)
    }
    %scan3A_471 = arith.constant 2 : i32
    %scan3A_472 = arith.constant 0 : i32
    %scan3A_473 = arith.constant 0 : i32
    %scan3A_474 = arith.constant 2 : i32
    %scan3A_475 = arith.addi %scan3A_473, %scan3A_474 : i32
    %scan3A_476 = arith.constant 1 : i32
    scf.for %scan3A_504 = %scan3A_473 to %scan3A_475 step %scan3A_476  : i32 {
      %mul3A_505 = arith.constant 4 : i32
      %mul3A_506 = arith.muli %mul3A_505, %scan3A_504 : i32
      %add3A_507 = arith.constant 0 : i32
      %add3A_508 = arith.addi %mul3A_506, %add3A_507 : i32
      %mul3A_509 = arith.constant 4 : i32
      %mul3A_510 = arith.muli %mul3A_509, %add3A_508 : i32
      %add3A_511 = arith.constant 0 : i32
      %add3A_512 = arith.addi %mul3A_510, %add3A_511 : i32
      %mul3A_513 = arith.constant 4 : i32
      %mul3A_514 = arith.muli %mul3A_513, %add3A_508 : i32
      %add3A_515 = arith.constant 0 : i32
      %add3A_516 = arith.addi %mul3A_514, %add3A_515 : i32
      %dma_start3A_517 = arith.constant 0 : i32
      %dma_start3A_518 = tpu.memref_slice %arg21[%add3A_516, %dma_start3A_517] : memref<64x128xi32, #tpu.memory_space<vmem>> -> memref<1x128xi32, #tpu.memory_space<vmem>>
      %dma_start3A_519 = tpu.memref_squeeze %dma_start3A_518 : memref<1x128xi32, #tpu.memory_space<vmem>> -> memref<128xi32, #tpu.memory_space<vmem>>
      %dma_start3A_520 = arith.constant 0 : i32
      %dma_start3A_521 = tpu.memref_slice %arg20[%add3A_512, %dma_start3A_520] : memref<64x128xi32, #tpu.memory_space<vmem>> -> memref<1x128xi32, #tpu.memory_space<vmem>>
      %dma_start3A_522 = tpu.memref_squeeze %dma_start3A_521 : memref<1x128xi32, #tpu.memory_space<vmem>> -> memref<128xi32, #tpu.memory_space<vmem>>
      %dma_start3A_523 = arith.constant 0 : i32
      %dma_start3A_524 = tpu.memref_slice %arg11[%dma_start3A_523] : memref<100000xi32, #tpu.memory_space<hbm>> -> memref<100000xi32, #tpu.memory_space<hbm>>
      tpu.enqueue_indirect_dma source(%dma_start3A_524 : memref<100000xi32, #tpu.memory_space<hbm>>) target(%dma_start3A_519 : memref<128xi32, #tpu.memory_space<vmem>>) offsets(%dma_start3A_522 : memref<128xi32, #tpu.memory_space<vmem>>) semaphore(%arg22 : memref<!tpu.dma_semaphore, #tpu.memory_space<semaphore_mem>>)
      %mul3A_525 = arith.constant 4 : i32
      %mul3A_526 = arith.muli %mul3A_525, %add3A_508 : i32
      %add3A_527 = arith.constant 1 : i32
      %add3A_528 = arith.addi %mul3A_526, %add3A_527 : i32
      %mul3A_529 = arith.constant 4 : i32
      %mul3A_530 = arith.muli %mul3A_529, %add3A_508 : i32
      %add3A_531 = arith.constant 1 : i32
      %add3A_532 = arith.addi %mul3A_530, %add3A_531 : i32
      %dma_start3A_533 = arith.constant 0 : i32
      %dma_start3A_534 = tpu.memref_slice %arg21[%add3A_532, %dma_start3A_533] : memref<64x128xi32, #tpu.memory_space<vmem>> -> memref<1x128xi32, #tpu.memory_space<vmem>>
      %dma_start3A_535 = tpu.memref_squeeze %dma_start3A_534 : memref<1x128xi32, #tpu.memory_space<vmem>> -> memref<128xi32, #tpu.memory_space<vmem>>
      %dma_start3A_536 = arith.constant 0 : i32
      %dma_start3A_537 = tpu.memref_slice %arg20[%add3A_528, %dma_start3A_536] : memref<64x128xi32, #tpu.memory_space<vmem>> -> memref<1x128xi32, #tpu.memory_space<vmem>>
      %dma_start3A_538 = tpu.memref_squeeze %dma_start3A_537 : memref<1x128xi32, #tpu.memory_space<vmem>> -> memref<128xi32, #tpu.memory_space<vmem>>
      %dma_start3A_539 = arith.constant 0 : i32
      %dma_start3A_540 = tpu.memref_slice %arg11[%dma_start3A_539] : memref<100000xi32, #tpu.memory_space<hbm>> -> memref<100000xi32, #tpu.memory_space<hbm>>
      tpu.enqueue_indirect_dma source(%dma_start3A_540 : memref<100000xi32, #tpu.memory_space<hbm>>) target(%dma_start3A_535 : memref<128xi32, #tpu.memory_space<vmem>>) offsets(%dma_start3A_538 : memref<128xi32, #tpu.memory_space<vmem>>) semaphore(%arg22 : memref<!tpu.dma_semaphore, #tpu.memory_space<semaphore_mem>>)
      %mul3A_541 = arith.constant 4 : i32
      %mul3A_542 = arith.muli %mul3A_541, %add3A_508 : i32
      %add3A_543 = arith.constant 2 : i32
      %add3A_544 = arith.addi %mul3A_542, %add3A_543 : i32
      %mul3A_545 = arith.constant 4 : i32
      %mul3A_546 = arith.muli %mul3A_545, %add3A_508 : i32
      %add3A_547 = arith.constant 2 : i32
      %add3A_548 = arith.addi %mul3A_546, %add3A_547 : i32
      %dma_start3A_549 = arith.constant 0 : i32
      %dma_start3A_550 = tpu.memref_slice %arg21[%add3A_548, %dma_start3A_549] : memref<64x128xi32, #tpu.memory_space<vmem>> -> memref<1x128xi32, #tpu.memory_space<vmem>>
      %dma_start3A_551 = tpu.memref_squeeze %dma_start3A_550 : memref<1x128xi32, #tpu.memory_space<vmem>> -> memref<128xi32, #tpu.memory_space<vmem>>
      %dma_start3A_552 = arith.constant 0 : i32
      %dma_start3A_553 = tpu.memref_slice %arg20[%add3A_544, %dma_start3A_552] : memref<64x128xi32, #tpu.memory_space<vmem>> -> memref<1x128xi32, #tpu.memory_space<vmem>>
      %dma_start3A_554 = tpu.memref_squeeze %dma_start3A_553 : memref<1x128xi32, #tpu.memory_space<vmem>> -> memref<128xi32, #tpu.memory_space<vmem>>
      %dma_start3A_555 = arith.constant 0 : i32
      %dma_start3A_556 = tpu.memref_slice %arg11[%dma_start3A_555] : memref<100000xi32, #tpu.memory_space<hbm>> -> memref<100000xi32, #tpu.memory_space<hbm>>
      tpu.enqueue_indirect_dma source(%dma_start3A_556 : memref<100000xi32, #tpu.memory_space<hbm>>) target(%dma_start3A_551 : memref<128xi32, #tpu.memory_space<vmem>>) offsets(%dma_start3A_554 : memref<128xi32, #tpu.memory_space<vmem>>) semaphore(%arg22 : memref<!tpu.dma_semaphore, #tpu.memory_space<semaphore_mem>>)
      %mul3A_557 = arith.constant 4 : i32
      %mul3A_558 = arith.muli %mul3A_557, %add3A_508 : i32
      %add3A_559 = arith.constant 3 : i32
      %add3A_560 = arith.addi %mul3A_558, %add3A_559 : i32
      %mul3A_561 = arith.constant 4 : i32
      %mul3A_562 = arith.muli %mul3A_561, %add3A_508 : i32
      %add3A_563 = arith.constant 3 : i32
      %add3A_564 = arith.addi %mul3A_562, %add3A_563 : i32
      %dma_start3A_565 = arith.constant 0 : i32
      %dma_start3A_566 = tpu.memref_slice %arg21[%add3A_564, %dma_start3A_565] : memref<64x128xi32, #tpu.memory_space<vmem>> -> memref<1x128xi32, #tpu.memory_space<vmem>>
      %dma_start3A_567 = tpu.memref_squeeze %dma_start3A_566 : memref<1x128xi32, #tpu.memory_space<vmem>> -> memref<128xi32, #tpu.memory_space<vmem>>
      %dma_start3A_568 = arith.constant 0 : i32
      %dma_start3A_569 = tpu.memref_slice %arg20[%add3A_560, %dma_start3A_568] : memref<64x128xi32, #tpu.memory_space<vmem>> -> memref<1x128xi32, #tpu.memory_space<vmem>>
      %dma_start3A_570 = tpu.memref_squeeze %dma_start3A_569 : memref<1x128xi32, #tpu.memory_space<vmem>> -> memref<128xi32, #tpu.memory_space<vmem>>
      %dma_start3A_571 = arith.constant 0 : i32
      %dma_start3A_572 = tpu.memref_slice %arg11[%dma_start3A_571] : memref<100000xi32, #tpu.memory_space<hbm>> -> memref<100000xi32, #tpu.memory_space<hbm>>
      tpu.enqueue_indirect_dma source(%dma_start3A_572 : memref<100000xi32, #tpu.memory_space<hbm>>) target(%dma_start3A_567 : memref<128xi32, #tpu.memory_space<vmem>>) offsets(%dma_start3A_570 : memref<128xi32, #tpu.memory_space<vmem>>) semaphore(%arg22 : memref<!tpu.dma_semaphore, #tpu.memory_space<semaphore_mem>>)
      %mul3A_573 = arith.constant 4 : i32
      %mul3A_574 = arith.muli %mul3A_573, %scan3A_504 : i32
      %add3A_575 = arith.constant 1 : i32
      %add3A_576 = arith.addi %mul3A_574, %add3A_575 : i32
      %mul3A_577 = arith.constant 4 : i32
      %mul3A_578 = arith.muli %mul3A_577, %add3A_576 : i32
      %add3A_579 = arith.constant 0 : i32
      %add3A_580 = arith.addi %mul3A_578, %add3A_579 : i32
      %mul3A_581 = arith.constant 4 : i32
      %mul3A_582 = arith.muli %mul3A_581, %add3A_576 : i32
      %add3A_583 = arith.constant 0 : i32
      %add3A_584 = arith.addi %mul3A_582, %add3A_583 : i32
      %dma_start3A_585 = arith.constant 0 : i32
      %dma_start3A_586 = tpu.memref_slice %arg21[%add3A_584, %dma_start3A_585] : memref<64x128xi32, #tpu.memory_space<vmem>> -> memref<1x128xi32, #tpu.memory_space<vmem>>
      %dma_start3A_587 = tpu.memref_squeeze %dma_start3A_586 : memref<1x128xi32, #tpu.memory_space<vmem>> -> memref<128xi32, #tpu.memory_space<vmem>>
      %dma_start3A_588 = arith.constant 0 : i32
      %dma_start3A_589 = tpu.memref_slice %arg20[%add3A_580, %dma_start3A_588] : memref<64x128xi32, #tpu.memory_space<vmem>> -> memref<1x128xi32, #tpu.memory_space<vmem>>
      %dma_start3A_590 = tpu.memref_squeeze %dma_start3A_589 : memref<1x128xi32, #tpu.memory_space<vmem>> -> memref<128xi32, #tpu.memory_space<vmem>>
      %dma_start3A_591 = arith.constant 0 : i32
      %dma_start3A_592 = tpu.memref_slice %arg11[%dma_start3A_591] : memref<100000xi32, #tpu.memory_space<hbm>> -> memref<100000xi32, #tpu.memory_space<hbm>>
      tpu.enqueue_indirect_dma source(%dma_start3A_592 : memref<100000xi32, #tpu.memory_space<hbm>>) target(%dma_start3A_587 : memref<128xi32, #tpu.memory_space<vmem>>) offsets(%dma_start3A_590 : memref<128xi32, #tpu.memory_space<vmem>>) semaphore(%arg22 : memref<!tpu.dma_semaphore, #tpu.memory_space<semaphore_mem>>)
      %mul3A_593 = arith.constant 4 : i32
      %mul3A_594 = arith.muli %mul3A_593, %add3A_576 : i32
      %add3A_595 = arith.constant 1 : i32
      %add3A_596 = arith.addi %mul3A_594, %add3A_595 : i32
      %mul3A_597 = arith.constant 4 : i32
      %mul3A_598 = arith.muli %mul3A_597, %add3A_576 : i32
      %add3A_599 = arith.constant 1 : i32
      %add3A_600 = arith.addi %mul3A_598, %add3A_599 : i32
      %dma_start3A_601 = arith.constant 0 : i32
      %dma_start3A_602 = tpu.memref_slice %arg21[%add3A_600, %dma_start3A_601] : memref<64x128xi32, #tpu.memory_space<vmem>> -> memref<1x128xi32, #tpu.memory_space<vmem>>
      %dma_start3A_603 = tpu.memref_squeeze %dma_start3A_602 : memref<1x128xi32, #tpu.memory_space<vmem>> -> memref<128xi32, #tpu.memory_space<vmem>>
      %dma_start3A_604 = arith.constant 0 : i32
      %dma_start3A_605 = tpu.memref_slice %arg20[%add3A_596, %dma_start3A_604] : memref<64x128xi32, #tpu.memory_space<vmem>> -> memref<1x128xi32, #tpu.memory_space<vmem>>
      %dma_start3A_606 = tpu.memref_squeeze %dma_start3A_605 : memref<1x128xi32, #tpu.memory_space<vmem>> -> memref<128xi32, #tpu.memory_space<vmem>>
      %dma_start3A_607 = arith.constant 0 : i32
      %dma_start3A_608 = tpu.memref_slice %arg11[%dma_start3A_607] : memref<100000xi32, #tpu.memory_space<hbm>> -> memref<100000xi32, #tpu.memory_space<hbm>>
      tpu.enqueue_indirect_dma source(%dma_start3A_608 : memref<100000xi32, #tpu.memory_space<hbm>>) target(%dma_start3A_603 : memref<128xi32, #tpu.memory_space<vmem>>) offsets(%dma_start3A_606 : memref<128xi32, #tpu.memory_space<vmem>>) semaphore(%arg22 : memref<!tpu.dma_semaphore, #tpu.memory_space<semaphore_mem>>)
      %mul3A_609 = arith.constant 4 : i32
      %mul3A_610 = arith.muli %mul3A_609, %add3A_576 : i32
      %add3A_611 = arith.constant 2 : i32
      %add3A_612 = arith.addi %mul3A_610, %add3A_611 : i32
      %mul3A_613 = arith.constant 4 : i32
      %mul3A_614 = arith.muli %mul3A_613, %add3A_576 : i32
      %add3A_615 = arith.constant 2 : i32
      %add3A_616 = arith.addi %mul3A_614, %add3A_615 : i32
      %dma_start3A_617 = arith.constant 0 : i32
      %dma_start3A_618 = tpu.memref_slice %arg21[%add3A_616, %dma_start3A_617] : memref<64x128xi32, #tpu.memory_space<vmem>> -> memref<1x128xi32, #tpu.memory_space<vmem>>
      %dma_start3A_619 = tpu.memref_squeeze %dma_start3A_618 : memref<1x128xi32, #tpu.memory_space<vmem>> -> memref<128xi32, #tpu.memory_space<vmem>>
      %dma_start3A_620 = arith.constant 0 : i32
      %dma_start3A_621 = tpu.memref_slice %arg20[%add3A_612, %dma_start3A_620] : memref<64x128xi32, #tpu.memory_space<vmem>> -> memref<1x128xi32, #tpu.memory_space<vmem>>
      %dma_start3A_622 = tpu.memref_squeeze %dma_start3A_621 : memref<1x128xi32, #tpu.memory_space<vmem>> -> memref<128xi32, #tpu.memory_space<vmem>>
      %dma_start3A_623 = arith.constant 0 : i32
      %dma_start3A_624 = tpu.memref_slice %arg11[%dma_start3A_623] : memref<100000xi32, #tpu.memory_space<hbm>> -> memref<100000xi32, #tpu.memory_space<hbm>>
      tpu.enqueue_indirect_dma source(%dma_start3A_624 : memref<100000xi32, #tpu.memory_space<hbm>>) target(%dma_start3A_619 : memref<128xi32, #tpu.memory_space<vmem>>) offsets(%dma_start3A_622 : memref<128xi32, #tpu.memory_space<vmem>>) semaphore(%arg22 : memref<!tpu.dma_semaphore, #tpu.memory_space<semaphore_mem>>)
      %mul3A_625 = arith.constant 4 : i32
      %mul3A_626 = arith.muli %mul3A_625, %add3A_576 : i32
      %add3A_627 = arith.constant 3 : i32
      %add3A_628 = arith.addi %mul3A_626, %add3A_627 : i32
      %mul3A_629 = arith.constant 4 : i32
      %mul3A_630 = arith.muli %mul3A_629, %add3A_576 : i32
      %add3A_631 = arith.constant 3 : i32
      %add3A_632 = arith.addi %mul3A_630, %add3A_631 : i32
      %dma_start3A_633 = arith.constant 0 : i32
      %dma_start3A_634 = tpu.memref_slice %arg21[%add3A_632, %dma_start3A_633] : memref<64x128xi32, #tpu.memory_space<vmem>> -> memref<1x128xi32, #tpu.memory_space<vmem>>
      %dma_start3A_635 = tpu.memref_squeeze %dma_start3A_634 : memref<1x128xi32, #tpu.memory_space<vmem>> -> memref<128xi32, #tpu.memory_space<vmem>>
      %dma_start3A_636 = arith.constant 0 : i32
      %dma_start3A_637 = tpu.memref_slice %arg20[%add3A_628, %dma_start3A_636] : memref<64x128xi32, #tpu.memory_space<vmem>> -> memref<1x128xi32, #tpu.memory_space<vmem>>
      %dma_start3A_638 = tpu.memref_squeeze %dma_start3A_637 : memref<1x128xi32, #tpu.memory_space<vmem>> -> memref<128xi32, #tpu.memory_space<vmem>>
      %dma_start3A_639 = arith.constant 0 : i32
      %dma_start3A_640 = tpu.memref_slice %arg11[%dma_start3A_639] : memref<100000xi32, #tpu.memory_space<hbm>> -> memref<100000xi32, #tpu.memory_space<hbm>>
      tpu.enqueue_indirect_dma source(%dma_start3A_640 : memref<100000xi32, #tpu.memory_space<hbm>>) target(%dma_start3A_635 : memref<128xi32, #tpu.memory_space<vmem>>) offsets(%dma_start3A_638 : memref<128xi32, #tpu.memory_space<vmem>>) semaphore(%arg22 : memref<!tpu.dma_semaphore, #tpu.memory_space<semaphore_mem>>)
      %mul3A_641 = arith.constant 4 : i32
      %mul3A_642 = arith.muli %mul3A_641, %scan3A_504 : i32
      %add3A_643 = arith.constant 2 : i32
      %add3A_644 = arith.addi %mul3A_642, %add3A_643 : i32
      %mul3A_645 = arith.constant 4 : i32
      %mul3A_646 = arith.muli %mul3A_645, %add3A_644 : i32
      %add3A_647 = arith.constant 0 : i32
      %add3A_648 = arith.addi %mul3A_646, %add3A_647 : i32
      %mul3A_649 = arith.constant 4 : i32
      %mul3A_650 = arith.muli %mul3A_649, %add3A_644 : i32
      %add3A_651 = arith.constant 0 : i32
      %add3A_652 = arith.addi %mul3A_650, %add3A_651 : i32
      %dma_start3A_653 = arith.constant 0 : i32
      %dma_start3A_654 = tpu.memref_slice %arg21[%add3A_652, %dma_start3A_653] : memref<64x128xi32, #tpu.memory_space<vmem>> -> memref<1x128xi32, #tpu.memory_space<vmem>>
      %dma_start3A_655 = tpu.memref_squeeze %dma_start3A_654 : memref<1x128xi32, #tpu.memory_space<vmem>> -> memref<128xi32, #tpu.memory_space<vmem>>
      %dma_start3A_656 = arith.constant 0 : i32
      %dma_start3A_657 = tpu.memref_slice %arg20[%add3A_648, %dma_start3A_656] : memref<64x128xi32, #tpu.memory_space<vmem>> -> memref<1x128xi32, #tpu.memory_space<vmem>>
      %dma_start3A_658 = tpu.memref_squeeze %dma_start3A_657 : memref<1x128xi32, #tpu.memory_space<vmem>> -> memref<128xi32, #tpu.memory_space<vmem>>
      %dma_start3A_659 = arith.constant 0 : i32
      %dma_start3A_660 = tpu.memref_slice %arg11[%dma_start3A_659] : memref<100000xi32, #tpu.memory_space<hbm>> -> memref<100000xi32, #tpu.memory_space<hbm>>
      tpu.enqueue_indirect_dma source(%dma_start3A_660 : memref<100000xi32, #tpu.memory_space<hbm>>) target(%dma_start3A_655 : memref<128xi32, #tpu.memory_space<vmem>>) offsets(%dma_start3A_658 : memref<128xi32, #tpu.memory_space<vmem>>) semaphore(%arg22 : memref<!tpu.dma_semaphore, #tpu.memory_space<semaphore_mem>>)
      %mul3A_661 = arith.constant 4 : i32
      %mul3A_662 = arith.muli %mul3A_661, %add3A_644 : i32
      %add3A_663 = arith.constant 1 : i32
      %add3A_664 = arith.addi %mul3A_662, %add3A_663 : i32
      %mul3A_665 = arith.constant 4 : i32
      %mul3A_666 = arith.muli %mul3A_665, %add3A_644 : i32
      %add3A_667 = arith.constant 1 : i32
      %add3A_668 = arith.addi %mul3A_666, %add3A_667 : i32
      %dma_start3A_669 = arith.constant 0 : i32
      %dma_start3A_670 = tpu.memref_slice %arg21[%add3A_668, %dma_start3A_669] : memref<64x128xi32, #tpu.memory_space<vmem>> -> memref<1x128xi32, #tpu.memory_space<vmem>>
      %dma_start3A_671 = tpu.memref_squeeze %dma_start3A_670 : memref<1x128xi32, #tpu.memory_space<vmem>> -> memref<128xi32, #tpu.memory_space<vmem>>
      %dma_start3A_672 = arith.constant 0 : i32
      %dma_start3A_673 = tpu.memref_slice %arg20[%add3A_664, %dma_start3A_672] : memref<64x128xi32, #tpu.memory_space<vmem>> -> memref<1x128xi32, #tpu.memory_space<vmem>>
      %dma_start3A_674 = tpu.memref_squeeze %dma_start3A_673 : memref<1x128xi32, #tpu.memory_space<vmem>> -> memref<128xi32, #tpu.memory_space<vmem>>
      %dma_start3A_675 = arith.constant 0 : i32
      %dma_start3A_676 = tpu.memref_slice %arg11[%dma_start3A_675] : memref<100000xi32, #tpu.memory_space<hbm>> -> memref<100000xi32, #tpu.memory_space<hbm>>
      tpu.enqueue_indirect_dma source(%dma_start3A_676 : memref<100000xi32, #tpu.memory_space<hbm>>) target(%dma_start3A_671 : memref<128xi32, #tpu.memory_space<vmem>>) offsets(%dma_start3A_674 : memref<128xi32, #tpu.memory_space<vmem>>) semaphore(%arg22 : memref<!tpu.dma_semaphore, #tpu.memory_space<semaphore_mem>>)
      %mul3A_677 = arith.constant 4 : i32
      %mul3A_678 = arith.muli %mul3A_677, %add3A_644 : i32
      %add3A_679 = arith.constant 2 : i32
      %add3A_680 = arith.addi %mul3A_678, %add3A_679 : i32
      %mul3A_681 = arith.constant 4 : i32
      %mul3A_682 = arith.muli %mul3A_681, %add3A_644 : i32
      %add3A_683 = arith.constant 2 : i32
      %add3A_684 = arith.addi %mul3A_682, %add3A_683 : i32
      %dma_start3A_685 = arith.constant 0 : i32
      %dma_start3A_686 = tpu.memref_slice %arg21[%add3A_684, %dma_start3A_685] : memref<64x128xi32, #tpu.memory_space<vmem>> -> memref<1x128xi32, #tpu.memory_space<vmem>>
      %dma_start3A_687 = tpu.memref_squeeze %dma_start3A_686 : memref<1x128xi32, #tpu.memory_space<vmem>> -> memref<128xi32, #tpu.memory_space<vmem>>
      %dma_start3A_688 = arith.constant 0 : i32
      %dma_start3A_689 = tpu.memref_slice %arg20[%add3A_680, %dma_start3A_688] : memref<64x128xi32, #tpu.memory_space<vmem>> -> memref<1x128xi32, #tpu.memory_space<vmem>>
      %dma_start3A_690 = tpu.memref_squeeze %dma_start3A_689 : memref<1x128xi32, #tpu.memory_space<vmem>> -> memref<128xi32, #tpu.memory_space<vmem>>
      %dma_start3A_691 = arith.constant 0 : i32
      %dma_start3A_692 = tpu.memref_slice %arg11[%dma_start3A_691] : memref<100000xi32, #tpu.memory_space<hbm>> -> memref<100000xi32, #tpu.memory_space<hbm>>
      tpu.enqueue_indirect_dma source(%dma_start3A_692 : memref<100000xi32, #tpu.memory_space<hbm>>) target(%dma_start3A_687 : memref<128xi32, #tpu.memory_space<vmem>>) offsets(%dma_start3A_690 : memref<128xi32, #tpu.memory_space<vmem>>) semaphore(%arg22 : memref<!tpu.dma_semaphore, #tpu.memory_space<semaphore_mem>>)
      %mul3A_693 = arith.constant 4 : i32
      %mul3A_694 = arith.muli %mul3A_693, %add3A_644 : i32
      %add3A_695 = arith.constant 3 : i32
      %add3A_696 = arith.addi %mul3A_694, %add3A_695 : i32
      %mul3A_697 = arith.constant 4 : i32
      %mul3A_698 = arith.muli %mul3A_697, %add3A_644 : i32
      %add3A_699 = arith.constant 3 : i32
      %add3A_700 = arith.addi %mul3A_698, %add3A_699 : i32
      %dma_start3A_701 = arith.constant 0 : i32
      %dma_start3A_702 = tpu.memref_slice %arg21[%add3A_700, %dma_start3A_701] : memref<64x128xi32, #tpu.memory_space<vmem>> -> memref<1x128xi32, #tpu.memory_space<vmem>>
      %dma_start3A_703 = tpu.memref_squeeze %dma_start3A_702 : memref<1x128xi32, #tpu.memory_space<vmem>> -> memref<128xi32, #tpu.memory_space<vmem>>
      %dma_start3A_704 = arith.constant 0 : i32
      %dma_start3A_705 = tpu.memref_slice %arg20[%add3A_696, %dma_start3A_704] : memref<64x128xi32, #tpu.memory_space<vmem>> -> memref<1x128xi32, #tpu.memory_space<vmem>>
      %dma_start3A_706 = tpu.memref_squeeze %dma_start3A_705 : memref<1x128xi32, #tpu.memory_space<vmem>> -> memref<128xi32, #tpu.memory_space<vmem>>
      %dma_start3A_707 = arith.constant 0 : i32
      %dma_start3A_708 = tpu.memref_slice %arg11[%dma_start3A_707] : memref<100000xi32, #tpu.memory_space<hbm>> -> memref<100000xi32, #tpu.memory_space<hbm>>
      tpu.enqueue_indirect_dma source(%dma_start3A_708 : memref<100000xi32, #tpu.memory_space<hbm>>) target(%dma_start3A_703 : memref<128xi32, #tpu.memory_space<vmem>>) offsets(%dma_start3A_706 : memref<128xi32, #tpu.memory_space<vmem>>) semaphore(%arg22 : memref<!tpu.dma_semaphore, #tpu.memory_space<semaphore_mem>>)
      %mul3A_709 = arith.constant 4 : i32
      %mul3A_710 = arith.muli %mul3A_709, %scan3A_504 : i32
      %add3A_711 = arith.constant 3 : i32
      %add3A_712 = arith.addi %mul3A_710, %add3A_711 : i32
      %mul3A_713 = arith.constant 4 : i32
      %mul3A_714 = arith.muli %mul3A_713, %add3A_712 : i32
      %add3A_715 = arith.constant 0 : i32
      %add3A_716 = arith.addi %mul3A_714, %add3A_715 : i32
      %mul3A_717 = arith.constant 4 : i32
      %mul3A_718 = arith.muli %mul3A_717, %add3A_712 : i32
      %add3A_719 = arith.constant 0 : i32
      %add3A_720 = arith.addi %mul3A_718, %add3A_719 : i32
      %dma_start3A_721 = arith.constant 0 : i32
      %dma_start3A_722 = tpu.memref_slice %arg21[%add3A_720, %dma_start3A_721] : memref<64x128xi32, #tpu.memory_space<vmem>> -> memref<1x128xi32, #tpu.memory_space<vmem>>
      %dma_start3A_723 = tpu.memref_squeeze %dma_start3A_722 : memref<1x128xi32, #tpu.memory_space<vmem>> -> memref<128xi32, #tpu.memory_space<vmem>>
      %dma_start3A_724 = arith.constant 0 : i32
      %dma_start3A_725 = tpu.memref_slice %arg20[%add3A_716, %dma_start3A_724] : memref<64x128xi32, #tpu.memory_space<vmem>> -> memref<1x128xi32, #tpu.memory_space<vmem>>
      %dma_start3A_726 = tpu.memref_squeeze %dma_start3A_725 : memref<1x128xi32, #tpu.memory_space<vmem>> -> memref<128xi32, #tpu.memory_space<vmem>>
      %dma_start3A_727 = arith.constant 0 : i32
      %dma_start3A_728 = tpu.memref_slice %arg11[%dma_start3A_727] : memref<100000xi32, #tpu.memory_space<hbm>> -> memref<100000xi32, #tpu.memory_space<hbm>>
      tpu.enqueue_indirect_dma source(%dma_start3A_728 : memref<100000xi32, #tpu.memory_space<hbm>>) target(%dma_start3A_723 : memref<128xi32, #tpu.memory_space<vmem>>) offsets(%dma_start3A_726 : memref<128xi32, #tpu.memory_space<vmem>>) semaphore(%arg22 : memref<!tpu.dma_semaphore, #tpu.memory_space<semaphore_mem>>)
      %mul3A_729 = arith.constant 4 : i32
      %mul3A_730 = arith.muli %mul3A_729, %add3A_712 : i32
      %add3A_731 = arith.constant 1 : i32
      %add3A_732 = arith.addi %mul3A_730, %add3A_731 : i32
      %mul3A_733 = arith.constant 4 : i32
      %mul3A_734 = arith.muli %mul3A_733, %add3A_712 : i32
      %add3A_735 = arith.constant 1 : i32
      %add3A_736 = arith.addi %mul3A_734, %add3A_735 : i32
      %dma_start3A_737 = arith.constant 0 : i32
      %dma_start3A_738 = tpu.memref_slice %arg21[%add3A_736, %dma_start3A_737] : memref<64x128xi32, #tpu.memory_space<vmem>> -> memref<1x128xi32, #tpu.memory_space<vmem>>
      %dma_start3A_739 = tpu.memref_squeeze %dma_start3A_738 : memref<1x128xi32, #tpu.memory_space<vmem>> -> memref<128xi32, #tpu.memory_space<vmem>>
      %dma_start3A_740 = arith.constant 0 : i32
      %dma_start3A_741 = tpu.memref_slice %arg20[%add3A_732, %dma_start3A_740] : memref<64x128xi32, #tpu.memory_space<vmem>> -> memref<1x128xi32, #tpu.memory_space<vmem>>
      %dma_start3A_742 = tpu.memref_squeeze %dma_start3A_741 : memref<1x128xi32, #tpu.memory_space<vmem>> -> memref<128xi32, #tpu.memory_space<vmem>>
      %dma_start3A_743 = arith.constant 0 : i32
      %dma_start3A_744 = tpu.memref_slice %arg11[%dma_start3A_743] : memref<100000xi32, #tpu.memory_space<hbm>> -> memref<100000xi32, #tpu.memory_space<hbm>>
      tpu.enqueue_indirect_dma source(%dma_start3A_744 : memref<100000xi32, #tpu.memory_space<hbm>>) target(%dma_start3A_739 : memref<128xi32, #tpu.memory_space<vmem>>) offsets(%dma_start3A_742 : memref<128xi32, #tpu.memory_space<vmem>>) semaphore(%arg22 : memref<!tpu.dma_semaphore, #tpu.memory_space<semaphore_mem>>)
      %mul3A_745 = arith.constant 4 : i32
      %mul3A_746 = arith.muli %mul3A_745, %add3A_712 : i32
      %add3A_747 = arith.constant 2 : i32
      %add3A_748 = arith.addi %mul3A_746, %add3A_747 : i32
      %mul3A_749 = arith.constant 4 : i32
      %mul3A_750 = arith.muli %mul3A_749, %add3A_712 : i32
      %add3A_751 = arith.constant 2 : i32
      %add3A_752 = arith.addi %mul3A_750, %add3A_751 : i32
      %dma_start3A_753 = arith.constant 0 : i32
      %dma_start3A_754 = tpu.memref_slice %arg21[%add3A_752, %dma_start3A_753] : memref<64x128xi32, #tpu.memory_space<vmem>> -> memref<1x128xi32, #tpu.memory_space<vmem>>
      %dma_start3A_755 = tpu.memref_squeeze %dma_start3A_754 : memref<1x128xi32, #tpu.memory_space<vmem>> -> memref<128xi32, #tpu.memory_space<vmem>>
      %dma_start3A_756 = arith.constant 0 : i32
      %dma_start3A_757 = tpu.memref_slice %arg20[%add3A_748, %dma_start3A_756] : memref<64x128xi32, #tpu.memory_space<vmem>> -> memref<1x128xi32, #tpu.memory_space<vmem>>
      %dma_start3A_758 = tpu.memref_squeeze %dma_start3A_757 : memref<1x128xi32, #tpu.memory_space<vmem>> -> memref<128xi32, #tpu.memory_space<vmem>>
      %dma_start3A_759 = arith.constant 0 : i32
      %dma_start3A_760 = tpu.memref_slice %arg11[%dma_start3A_759] : memref<100000xi32, #tpu.memory_space<hbm>> -> memref<100000xi32, #tpu.memory_space<hbm>>
      tpu.enqueue_indirect_dma source(%dma_start3A_760 : memref<100000xi32, #tpu.memory_space<hbm>>) target(%dma_start3A_755 : memref<128xi32, #tpu.memory_space<vmem>>) offsets(%dma_start3A_758 : memref<128xi32, #tpu.memory_space<vmem>>) semaphore(%arg22 : memref<!tpu.dma_semaphore, #tpu.memory_space<semaphore_mem>>)
      %mul3A_761 = arith.constant 4 : i32
      %mul3A_762 = arith.muli %mul3A_761, %add3A_712 : i32
      %add3A_763 = arith.constant 3 : i32
      %add3A_764 = arith.addi %mul3A_762, %add3A_763 : i32
      %mul3A_765 = arith.constant 4 : i32
      %mul3A_766 = arith.muli %mul3A_765, %add3A_712 : i32
      %add3A_767 = arith.constant 3 : i32
      %add3A_768 = arith.addi %mul3A_766, %add3A_767 : i32
      %dma_start3A_769 = arith.constant 0 : i32
      %dma_start3A_770 = tpu.memref_slice %arg21[%add3A_768, %dma_start3A_769] : memref<64x128xi32, #tpu.memory_space<vmem>> -> memref<1x128xi32, #tpu.memory_space<vmem>>
      %dma_start3A_771 = tpu.memref_squeeze %dma_start3A_770 : memref<1x128xi32, #tpu.memory_space<vmem>> -> memref<128xi32, #tpu.memory_space<vmem>>
      %dma_start3A_772 = arith.constant 0 : i32
      %dma_start3A_773 = tpu.memref_slice %arg20[%add3A_764, %dma_start3A_772] : memref<64x128xi32, #tpu.memory_space<vmem>> -> memref<1x128xi32, #tpu.memory_space<vmem>>
      %dma_start3A_774 = tpu.memref_squeeze %dma_start3A_773 : memref<1x128xi32, #tpu.memory_space<vmem>> -> memref<128xi32, #tpu.memory_space<vmem>>
      %dma_start3A_775 = arith.constant 0 : i32
      %dma_start3A_776 = tpu.memref_slice %arg11[%dma_start3A_775] : memref<100000xi32, #tpu.memory_space<hbm>> -> memref<100000xi32, #tpu.memory_space<hbm>>
      tpu.enqueue_indirect_dma source(%dma_start3A_776 : memref<100000xi32, #tpu.memory_space<hbm>>) target(%dma_start3A_771 : memref<128xi32, #tpu.memory_space<vmem>>) offsets(%dma_start3A_774 : memref<128xi32, #tpu.memory_space<vmem>>) semaphore(%arg22 : memref<!tpu.dma_semaphore, #tpu.memory_space<semaphore_mem>>)
    }
    %scan3A_477 = arith.constant 2 : i32
    %scan3A_478 = arith.constant 0 : i32
    %scan3A_479 = arith.constant 0 : i32
    %scan3A_480 = arith.constant 2 : i32
    %scan3A_481 = arith.addi %scan3A_479, %scan3A_480 : i32
    %scan3A_482 = arith.constant 1 : i32
    scf.for %scan3A_504 = %scan3A_479 to %scan3A_481 step %scan3A_482  : i32 {
      %mul3A_505 = arith.constant 4 : i32
      %mul3A_506 = arith.muli %mul3A_505, %scan3A_504 : i32
      %add3A_507 = arith.constant 0 : i32
      %add3A_508 = arith.addi %mul3A_506, %add3A_507 : i32
      %mul3A_509 = arith.constant 4 : i32
      %mul3A_510 = arith.muli %mul3A_509, %add3A_508 : i32
      %add3A_511 = arith.constant 0 : i32
      %add3A_512 = arith.addi %mul3A_510, %add3A_511 : i32
      %mul3A_513 = arith.constant 4 : i32
      %mul3A_514 = arith.muli %mul3A_513, %add3A_508 : i32
      %add3A_515 = arith.constant 0 : i32
      %add3A_516 = arith.addi %mul3A_514, %add3A_515 : i32
      %dma_wait3A_517 = arith.constant 0 : i32
      %dma_wait3A_518 = tpu.memref_slice %arg21[%add3A_516, %dma_wait3A_517] : memref<64x128xi32, #tpu.memory_space<vmem>> -> memref<1x128xi32, #tpu.memory_space<vmem>>
      %dma_wait3A_519 = tpu.memref_squeeze %dma_wait3A_518 : memref<1x128xi32, #tpu.memory_space<vmem>> -> memref<128xi32, #tpu.memory_space<vmem>>
      %dma_wait3A_520 = arith.constant 0 : i32
      %dma_wait3A_521 = tpu.memref_slice %arg20[%add3A_512, %dma_wait3A_520] : memref<64x128xi32, #tpu.memory_space<vmem>> -> memref<1x128xi32, #tpu.memory_space<vmem>>
      %dma_wait3A_522 = tpu.memref_squeeze %dma_wait3A_521 : memref<1x128xi32, #tpu.memory_space<vmem>> -> memref<128xi32, #tpu.memory_space<vmem>>
      %dma_wait3A_523 = arith.constant 0 : i32
      %dma_wait3A_524 = tpu.memref_slice %arg11[%dma_wait3A_523] : memref<100000xi32, #tpu.memory_space<hbm>> -> memref<100000xi32, #tpu.memory_space<hbm>>
      tpu.wait_indirect_dma semaphore(%arg22 : memref<!tpu.dma_semaphore, #tpu.memory_space<semaphore_mem>>) src(%dma_wait3A_524 : memref<100000xi32, #tpu.memory_space<hbm>>) dst(%dma_wait3A_519 : memref<128xi32, #tpu.memory_space<vmem>>)
      %mul3A_525 = arith.constant 4 : i32
      %mul3A_526 = arith.muli %mul3A_525, %add3A_508 : i32
      %add3A_527 = arith.constant 1 : i32
      %add3A_528 = arith.addi %mul3A_526, %add3A_527 : i32
      %mul3A_529 = arith.constant 4 : i32
      %mul3A_530 = arith.muli %mul3A_529, %add3A_508 : i32
      %add3A_531 = arith.constant 1 : i32
      %add3A_532 = arith.addi %mul3A_530, %add3A_531 : i32
      %dma_wait3A_533 = arith.constant 0 : i32
      %dma_wait3A_534 = tpu.memref_slice %arg21[%add3A_532, %dma_wait3A_533] : memref<64x128xi32, #tpu.memory_space<vmem>> -> memref<1x128xi32, #tpu.memory_space<vmem>>
      %dma_wait3A_535 = tpu.memref_squeeze %dma_wait3A_534 : memref<1x128xi32, #tpu.memory_space<vmem>> -> memref<128xi32, #tpu.memory_space<vmem>>
      %dma_wait3A_536 = arith.constant 0 : i32
      %dma_wait3A_537 = tpu.memref_slice %arg20[%add3A_528, %dma_wait3A_536] : memref<64x128xi32, #tpu.memory_space<vmem>> -> memref<1x128xi32, #tpu.memory_space<vmem>>
      %dma_wait3A_538 = tpu.memref_squeeze %dma_wait3A_537 : memref<1x128xi32, #tpu.memory_space<vmem>> -> memref<128xi32, #tpu.memory_space<vmem>>
      %dma_wait3A_539 = arith.constant 0 : i32
      %dma_wait3A_540 = tpu.memref_slice %arg11[%dma_wait3A_539] : memref<100000xi32, #tpu.memory_space<hbm>> -> memref<100000xi32, #tpu.memory_space<hbm>>
      tpu.wait_indirect_dma semaphore(%arg22 : memref<!tpu.dma_semaphore, #tpu.memory_space<semaphore_mem>>) src(%dma_wait3A_540 : memref<100000xi32, #tpu.memory_space<hbm>>) dst(%dma_wait3A_535 : memref<128xi32, #tpu.memory_space<vmem>>)
      %mul3A_541 = arith.constant 4 : i32
      %mul3A_542 = arith.muli %mul3A_541, %add3A_508 : i32
      %add3A_543 = arith.constant 2 : i32
      %add3A_544 = arith.addi %mul3A_542, %add3A_543 : i32
      %mul3A_545 = arith.constant 4 : i32
      %mul3A_546 = arith.muli %mul3A_545, %add3A_508 : i32
      %add3A_547 = arith.constant 2 : i32
      %add3A_548 = arith.addi %mul3A_546, %add3A_547 : i32
      %dma_wait3A_549 = arith.constant 0 : i32
      %dma_wait3A_550 = tpu.memref_slice %arg21[%add3A_548, %dma_wait3A_549] : memref<64x128xi32, #tpu.memory_space<vmem>> -> memref<1x128xi32, #tpu.memory_space<vmem>>
      %dma_wait3A_551 = tpu.memref_squeeze %dma_wait3A_550 : memref<1x128xi32, #tpu.memory_space<vmem>> -> memref<128xi32, #tpu.memory_space<vmem>>
      %dma_wait3A_552 = arith.constant 0 : i32
      %dma_wait3A_553 = tpu.memref_slice %arg20[%add3A_544, %dma_wait3A_552] : memref<64x128xi32, #tpu.memory_space<vmem>> -> memref<1x128xi32, #tpu.memory_space<vmem>>
      %dma_wait3A_554 = tpu.memref_squeeze %dma_wait3A_553 : memref<1x128xi32, #tpu.memory_space<vmem>> -> memref<128xi32, #tpu.memory_space<vmem>>
      %dma_wait3A_555 = arith.constant 0 : i32
      %dma_wait3A_556 = tpu.memref_slice %arg11[%dma_wait3A_555] : memref<100000xi32, #tpu.memory_space<hbm>> -> memref<100000xi32, #tpu.memory_space<hbm>>
      tpu.wait_indirect_dma semaphore(%arg22 : memref<!tpu.dma_semaphore, #tpu.memory_space<semaphore_mem>>) src(%dma_wait3A_556 : memref<100000xi32, #tpu.memory_space<hbm>>) dst(%dma_wait3A_551 : memref<128xi32, #tpu.memory_space<vmem>>)
      %mul3A_557 = arith.constant 4 : i32
      %mul3A_558 = arith.muli %mul3A_557, %add3A_508 : i32
      %add3A_559 = arith.constant 3 : i32
      %add3A_560 = arith.addi %mul3A_558, %add3A_559 : i32
      %mul3A_561 = arith.constant 4 : i32
      %mul3A_562 = arith.muli %mul3A_561, %add3A_508 : i32
      %add3A_563 = arith.constant 3 : i32
      %add3A_564 = arith.addi %mul3A_562, %add3A_563 : i32
      %dma_wait3A_565 = arith.constant 0 : i32
      %dma_wait3A_566 = tpu.memref_slice %arg21[%add3A_564, %dma_wait3A_565] : memref<64x128xi32, #tpu.memory_space<vmem>> -> memref<1x128xi32, #tpu.memory_space<vmem>>
      %dma_wait3A_567 = tpu.memref_squeeze %dma_wait3A_566 : memref<1x128xi32, #tpu.memory_space<vmem>> -> memref<128xi32, #tpu.memory_space<vmem>>
      %dma_wait3A_568 = arith.constant 0 : i32
      %dma_wait3A_569 = tpu.memref_slice %arg20[%add3A_560, %dma_wait3A_568] : memref<64x128xi32, #tpu.memory_space<vmem>> -> memref<1x128xi32, #tpu.memory_space<vmem>>
      %dma_wait3A_570 = tpu.memref_squeeze %dma_wait3A_569 : memref<1x128xi32, #tpu.memory_space<vmem>> -> memref<128xi32, #tpu.memory_space<vmem>>
      %dma_wait3A_571 = arith.constant 0 : i32
      %dma_wait3A_572 = tpu.memref_slice %arg11[%dma_wait3A_571] : memref<100000xi32, #tpu.memory_space<hbm>> -> memref<100000xi32, #tpu.memory_space<hbm>>
      tpu.wait_indirect_dma semaphore(%arg22 : memref<!tpu.dma_semaphore, #tpu.memory_space<semaphore_mem>>) src(%dma_wait3A_572 : memref<100000xi32, #tpu.memory_space<hbm>>) dst(%dma_wait3A_567 : memref<128xi32, #tpu.memory_space<vmem>>)
      %mul3A_573 = arith.constant 4 : i32
      %mul3A_574 = arith.muli %mul3A_573, %scan3A_504 : i32
      %add3A_575 = arith.constant 1 : i32
      %add3A_576 = arith.addi %mul3A_574, %add3A_575 : i32
      %mul3A_577 = arith.constant 4 : i32
      %mul3A_578 = arith.muli %mul3A_577, %add3A_576 : i32
      %add3A_579 = arith.constant 0 : i32
      %add3A_580 = arith.addi %mul3A_578, %add3A_579 : i32
      %mul3A_581 = arith.constant 4 : i32
      %mul3A_582 = arith.muli %mul3A_581, %add3A_576 : i32
      %add3A_583 = arith.constant 0 : i32
      %add3A_584 = arith.addi %mul3A_582, %add3A_583 : i32
      %dma_wait3A_585 = arith.constant 0 : i32
      %dma_wait3A_586 = tpu.memref_slice %arg21[%add3A_584, %dma_wait3A_585] : memref<64x128xi32, #tpu.memory_space<vmem>> -> memref<1x128xi32, #tpu.memory_space<vmem>>
      %dma_wait3A_587 = tpu.memref_squeeze %dma_wait3A_586 : memref<1x128xi32, #tpu.memory_space<vmem>> -> memref<128xi32, #tpu.memory_space<vmem>>
      %dma_wait3A_588 = arith.constant 0 : i32
      %dma_wait3A_589 = tpu.memref_slice %arg20[%add3A_580, %dma_wait3A_588] : memref<64x128xi32, #tpu.memory_space<vmem>> -> memref<1x128xi32, #tpu.memory_space<vmem>>
      %dma_wait3A_590 = tpu.memref_squeeze %dma_wait3A_589 : memref<1x128xi32, #tpu.memory_space<vmem>> -> memref<128xi32, #tpu.memory_space<vmem>>
      %dma_wait3A_591 = arith.constant 0 : i32
      %dma_wait3A_592 = tpu.memref_slice %arg11[%dma_wait3A_591] : memref<100000xi32, #tpu.memory_space<hbm>> -> memref<100000xi32, #tpu.memory_space<hbm>>
      tpu.wait_indirect_dma semaphore(%arg22 : memref<!tpu.dma_semaphore, #tpu.memory_space<semaphore_mem>>) src(%dma_wait3A_592 : memref<100000xi32, #tpu.memory_space<hbm>>) dst(%dma_wait3A_587 : memref<128xi32, #tpu.memory_space<vmem>>)
      %mul3A_593 = arith.constant 4 : i32
      %mul3A_594 = arith.muli %mul3A_593, %add3A_576 : i32
      %add3A_595 = arith.constant 1 : i32
      %add3A_596 = arith.addi %mul3A_594, %add3A_595 : i32
      %mul3A_597 = arith.constant 4 : i32
      %mul3A_598 = arith.muli %mul3A_597, %add3A_576 : i32
      %add3A_599 = arith.constant 1 : i32
      %add3A_600 = arith.addi %mul3A_598, %add3A_599 : i32
      %dma_wait3A_601 = arith.constant 0 : i32
      %dma_wait3A_602 = tpu.memref_slice %arg21[%add3A_600, %dma_wait3A_601] : memref<64x128xi32, #tpu.memory_space<vmem>> -> memref<1x128xi32, #tpu.memory_space<vmem>>
      %dma_wait3A_603 = tpu.memref_squeeze %dma_wait3A_602 : memref<1x128xi32, #tpu.memory_space<vmem>> -> memref<128xi32, #tpu.memory_space<vmem>>
      %dma_wait3A_604 = arith.constant 0 : i32
      %dma_wait3A_605 = tpu.memref_slice %arg20[%add3A_596, %dma_wait3A_604] : memref<64x128xi32, #tpu.memory_space<vmem>> -> memref<1x128xi32, #tpu.memory_space<vmem>>
      %dma_wait3A_606 = tpu.memref_squeeze %dma_wait3A_605 : memref<1x128xi32, #tpu.memory_space<vmem>> -> memref<128xi32, #tpu.memory_space<vmem>>
      %dma_wait3A_607 = arith.constant 0 : i32
      %dma_wait3A_608 = tpu.memref_slice %arg11[%dma_wait3A_607] : memref<100000xi32, #tpu.memory_space<hbm>> -> memref<100000xi32, #tpu.memory_space<hbm>>
      tpu.wait_indirect_dma semaphore(%arg22 : memref<!tpu.dma_semaphore, #tpu.memory_space<semaphore_mem>>) src(%dma_wait3A_608 : memref<100000xi32, #tpu.memory_space<hbm>>) dst(%dma_wait3A_603 : memref<128xi32, #tpu.memory_space<vmem>>)
      %mul3A_609 = arith.constant 4 : i32
      %mul3A_610 = arith.muli %mul3A_609, %add3A_576 : i32
      %add3A_611 = arith.constant 2 : i32
      %add3A_612 = arith.addi %mul3A_610, %add3A_611 : i32
      %mul3A_613 = arith.constant 4 : i32
      %mul3A_614 = arith.muli %mul3A_613, %add3A_576 : i32
      %add3A_615 = arith.constant 2 : i32
      %add3A_616 = arith.addi %mul3A_614, %add3A_615 : i32
      %dma_wait3A_617 = arith.constant 0 : i32
      %dma_wait3A_618 = tpu.memref_slice %arg21[%add3A_616, %dma_wait3A_617] : memref<64x128xi32, #tpu.memory_space<vmem>> -> memref<1x128xi32, #tpu.memory_space<vmem>>
      %dma_wait3A_619 = tpu.memref_squeeze %dma_wait3A_618 : memref<1x128xi32, #tpu.memory_space<vmem>> -> memref<128xi32, #tpu.memory_space<vmem>>
      %dma_wait3A_620 = arith.constant 0 : i32
      %dma_wait3A_621 = tpu.memref_slice %arg20[%add3A_612, %dma_wait3A_620] : memref<64x128xi32, #tpu.memory_space<vmem>> -> memref<1x128xi32, #tpu.memory_space<vmem>>
      %dma_wait3A_622 = tpu.memref_squeeze %dma_wait3A_621 : memref<1x128xi32, #tpu.memory_space<vmem>> -> memref<128xi32, #tpu.memory_space<vmem>>
      %dma_wait3A_623 = arith.constant 0 : i32
      %dma_wait3A_624 = tpu.memref_slice %arg11[%dma_wait3A_623] : memref<100000xi32, #tpu.memory_space<hbm>> -> memref<100000xi32, #tpu.memory_space<hbm>>
      tpu.wait_indirect_dma semaphore(%arg22 : memref<!tpu.dma_semaphore, #tpu.memory_space<semaphore_mem>>) src(%dma_wait3A_624 : memref<100000xi32, #tpu.memory_space<hbm>>) dst(%dma_wait3A_619 : memref<128xi32, #tpu.memory_space<vmem>>)
      %mul3A_625 = arith.constant 4 : i32
      %mul3A_626 = arith.muli %mul3A_625, %add3A_576 : i32
      %add3A_627 = arith.constant 3 : i32
      %add3A_628 = arith.addi %mul3A_626, %add3A_627 : i32
      %mul3A_629 = arith.constant 4 : i32
      %mul3A_630 = arith.muli %mul3A_629, %add3A_576 : i32
      %add3A_631 = arith.constant 3 : i32
      %add3A_632 = arith.addi %mul3A_630, %add3A_631 : i32
      %dma_wait3A_633 = arith.constant 0 : i32
      %dma_wait3A_634 = tpu.memref_slice %arg21[%add3A_632, %dma_wait3A_633] : memref<64x128xi32, #tpu.memory_space<vmem>> -> memref<1x128xi32, #tpu.memory_space<vmem>>
      %dma_wait3A_635 = tpu.memref_squeeze %dma_wait3A_634 : memref<1x128xi32, #tpu.memory_space<vmem>> -> memref<128xi32, #tpu.memory_space<vmem>>
      %dma_wait3A_636 = arith.constant 0 : i32
      %dma_wait3A_637 = tpu.memref_slice %arg20[%add3A_628, %dma_wait3A_636] : memref<64x128xi32, #tpu.memory_space<vmem>> -> memref<1x128xi32, #tpu.memory_space<vmem>>
      %dma_wait3A_638 = tpu.memref_squeeze %dma_wait3A_637 : memref<1x128xi32, #tpu.memory_space<vmem>> -> memref<128xi32, #tpu.memory_space<vmem>>
      %dma_wait3A_639 = arith.constant 0 : i32
      %dma_wait3A_640 = tpu.memref_slice %arg11[%dma_wait3A_639] : memref<100000xi32, #tpu.memory_space<hbm>> -> memref<100000xi32, #tpu.memory_space<hbm>>
      tpu.wait_indirect_dma semaphore(%arg22 : memref<!tpu.dma_semaphore, #tpu.memory_space<semaphore_mem>>) src(%dma_wait3A_640 : memref<100000xi32, #tpu.memory_space<hbm>>) dst(%dma_wait3A_635 : memref<128xi32, #tpu.memory_space<vmem>>)
      %mul3A_641 = arith.constant 4 : i32
      %mul3A_642 = arith.muli %mul3A_641, %scan3A_504 : i32
      %add3A_643 = arith.constant 2 : i32
      %add3A_644 = arith.addi %mul3A_642, %add3A_643 : i32
      %mul3A_645 = arith.constant 4 : i32
      %mul3A_646 = arith.muli %mul3A_645, %add3A_644 : i32
      %add3A_647 = arith.constant 0 : i32
      %add3A_648 = arith.addi %mul3A_646, %add3A_647 : i32
      %mul3A_649 = arith.constant 4 : i32
      %mul3A_650 = arith.muli %mul3A_649, %add3A_644 : i32
      %add3A_651 = arith.constant 0 : i32
      %add3A_652 = arith.addi %mul3A_650, %add3A_651 : i32
      %dma_wait3A_653 = arith.constant 0 : i32
      %dma_wait3A_654 = tpu.memref_slice %arg21[%add3A_652, %dma_wait3A_653] : memref<64x128xi32, #tpu.memory_space<vmem>> -> memref<1x128xi32, #tpu.memory_space<vmem>>
      %dma_wait3A_655 = tpu.memref_squeeze %dma_wait3A_654 : memref<1x128xi32, #tpu.memory_space<vmem>> -> memref<128xi32, #tpu.memory_space<vmem>>
      %dma_wait3A_656 = arith.constant 0 : i32
      %dma_wait3A_657 = tpu.memref_slice %arg20[%add3A_648, %dma_wait3A_656] : memref<64x128xi32, #tpu.memory_space<vmem>> -> memref<1x128xi32, #tpu.memory_space<vmem>>
      %dma_wait3A_658 = tpu.memref_squeeze %dma_wait3A_657 : memref<1x128xi32, #tpu.memory_space<vmem>> -> memref<128xi32, #tpu.memory_space<vmem>>
      %dma_wait3A_659 = arith.constant 0 : i32
      %dma_wait3A_660 = tpu.memref_slice %arg11[%dma_wait3A_659] : memref<100000xi32, #tpu.memory_space<hbm>> -> memref<100000xi32, #tpu.memory_space<hbm>>
      tpu.wait_indirect_dma semaphore(%arg22 : memref<!tpu.dma_semaphore, #tpu.memory_space<semaphore_mem>>) src(%dma_wait3A_660 : memref<100000xi32, #tpu.memory_space<hbm>>) dst(%dma_wait3A_655 : memref<128xi32, #tpu.memory_space<vmem>>)
      %mul3A_661 = arith.constant 4 : i32
      %mul3A_662 = arith.muli %mul3A_661, %add3A_644 : i32
      %add3A_663 = arith.constant 1 : i32
      %add3A_664 = arith.addi %mul3A_662, %add3A_663 : i32
      %mul3A_665 = arith.constant 4 : i32
      %mul3A_666 = arith.muli %mul3A_665, %add3A_644 : i32
      %add3A_667 = arith.constant 1 : i32
      %add3A_668 = arith.addi %mul3A_666, %add3A_667 : i32
      %dma_wait3A_669 = arith.constant 0 : i32
      %dma_wait3A_670 = tpu.memref_slice %arg21[%add3A_668, %dma_wait3A_669] : memref<64x128xi32, #tpu.memory_space<vmem>> -> memref<1x128xi32, #tpu.memory_space<vmem>>
      %dma_wait3A_671 = tpu.memref_squeeze %dma_wait3A_670 : memref<1x128xi32, #tpu.memory_space<vmem>> -> memref<128xi32, #tpu.memory_space<vmem>>
      %dma_wait3A_672 = arith.constant 0 : i32
      %dma_wait3A_673 = tpu.memref_slice %arg20[%add3A_664, %dma_wait3A_672] : memref<64x128xi32, #tpu.memory_space<vmem>> -> memref<1x128xi32, #tpu.memory_space<vmem>>
      %dma_wait3A_674 = tpu.memref_squeeze %dma_wait3A_673 : memref<1x128xi32, #tpu.memory_space<vmem>> -> memref<128xi32, #tpu.memory_space<vmem>>
      %dma_wait3A_675 = arith.constant 0 : i32
      %dma_wait3A_676 = tpu.memref_slice %arg11[%dma_wait3A_675] : memref<100000xi32, #tpu.memory_space<hbm>> -> memref<100000xi32, #tpu.memory_space<hbm>>
      tpu.wait_indirect_dma semaphore(%arg22 : memref<!tpu.dma_semaphore, #tpu.memory_space<semaphore_mem>>) src(%dma_wait3A_676 : memref<100000xi32, #tpu.memory_space<hbm>>) dst(%dma_wait3A_671 : memref<128xi32, #tpu.memory_space<vmem>>)
      %mul3A_677 = arith.constant 4 : i32
      %mul3A_678 = arith.muli %mul3A_677, %add3A_644 : i32
      %add3A_679 = arith.constant 2 : i32
      %add3A_680 = arith.addi %mul3A_678, %add3A_679 : i32
      %mul3A_681 = arith.constant 4 : i32
      %mul3A_682 = arith.muli %mul3A_681, %add3A_644 : i32
      %add3A_683 = arith.constant 2 : i32
      %add3A_684 = arith.addi %mul3A_682, %add3A_683 : i32
      %dma_wait3A_685 = arith.constant 0 : i32
      %dma_wait3A_686 = tpu.memref_slice %arg21[%add3A_684, %dma_wait3A_685] : memref<64x128xi32, #tpu.memory_space<vmem>> -> memref<1x128xi32, #tpu.memory_space<vmem>>
      %dma_wait3A_687 = tpu.memref_squeeze %dma_wait3A_686 : memref<1x128xi32, #tpu.memory_space<vmem>> -> memref<128xi32, #tpu.memory_space<vmem>>
      %dma_wait3A_688 = arith.constant 0 : i32
      %dma_wait3A_689 = tpu.memref_slice %arg20[%add3A_680, %dma_wait3A_688] : memref<64x128xi32, #tpu.memory_space<vmem>> -> memref<1x128xi32, #tpu.memory_space<vmem>>
      %dma_wait3A_690 = tpu.memref_squeeze %dma_wait3A_689 : memref<1x128xi32, #tpu.memory_space<vmem>> -> memref<128xi32, #tpu.memory_space<vmem>>
      %dma_wait3A_691 = arith.constant 0 : i32
      %dma_wait3A_692 = tpu.memref_slice %arg11[%dma_wait3A_691] : memref<100000xi32, #tpu.memory_space<hbm>> -> memref<100000xi32, #tpu.memory_space<hbm>>
      tpu.wait_indirect_dma semaphore(%arg22 : memref<!tpu.dma_semaphore, #tpu.memory_space<semaphore_mem>>) src(%dma_wait3A_692 : memref<100000xi32, #tpu.memory_space<hbm>>) dst(%dma_wait3A_687 : memref<128xi32, #tpu.memory_space<vmem>>)
      %mul3A_693 = arith.constant 4 : i32
      %mul3A_694 = arith.muli %mul3A_693, %add3A_644 : i32
      %add3A_695 = arith.constant 3 : i32
      %add3A_696 = arith.addi %mul3A_694, %add3A_695 : i32
      %mul3A_697 = arith.constant 4 : i32
      %mul3A_698 = arith.muli %mul3A_697, %add3A_644 : i32
      %add3A_699 = arith.constant 3 : i32
      %add3A_700 = arith.addi %mul3A_698, %add3A_699 : i32
      %dma_wait3A_701 = arith.constant 0 : i32
      %dma_wait3A_702 = tpu.memref_slice %arg21[%add3A_700, %dma_wait3A_701] : memref<64x128xi32, #tpu.memory_space<vmem>> -> memref<1x128xi32, #tpu.memory_space<vmem>>
      %dma_wait3A_703 = tpu.memref_squeeze %dma_wait3A_702 : memref<1x128xi32, #tpu.memory_space<vmem>> -> memref<128xi32, #tpu.memory_space<vmem>>
      %dma_wait3A_704 = arith.constant 0 : i32
      %dma_wait3A_705 = tpu.memref_slice %arg20[%add3A_696, %dma_wait3A_704] : memref<64x128xi32, #tpu.memory_space<vmem>> -> memref<1x128xi32, #tpu.memory_space<vmem>>
      %dma_wait3A_706 = tpu.memref_squeeze %dma_wait3A_705 : memref<1x128xi32, #tpu.memory_space<vmem>> -> memref<128xi32, #tpu.memory_space<vmem>>
      %dma_wait3A_707 = arith.constant 0 : i32
      %dma_wait3A_708 = tpu.memref_slice %arg11[%dma_wait3A_707] : memref<100000xi32, #tpu.memory_space<hbm>> -> memref<100000xi32, #tpu.memory_space<hbm>>
      tpu.wait_indirect_dma semaphore(%arg22 : memref<!tpu.dma_semaphore, #tpu.memory_space<semaphore_mem>>) src(%dma_wait3A_708 : memref<100000xi32, #tpu.memory_space<hbm>>) dst(%dma_wait3A_703 : memref<128xi32, #tpu.memory_space<vmem>>)
      %mul3A_709 = arith.constant 4 : i32
      %mul3A_710 = arith.muli %mul3A_709, %scan3A_504 : i32
      %add3A_711 = arith.constant 3 : i32
      %add3A_712 = arith.addi %mul3A_710, %add3A_711 : i32
      %mul3A_713 = arith.constant 4 : i32
      %mul3A_714 = arith.muli %mul3A_713, %add3A_712 : i32
      %add3A_715 = arith.constant 0 : i32
      %add3A_716 = arith.addi %mul3A_714, %add3A_715 : i32
      %mul3A_717 = arith.constant 4 : i32
      %mul3A_718 = arith.muli %mul3A_717, %add3A_712 : i32
      %add3A_719 = arith.constant 0 : i32
      %add3A_720 = arith.addi %mul3A_718, %add3A_719 : i32
      %dma_wait3A_721 = arith.constant 0 : i32
      %dma_wait3A_722 = tpu.memref_slice %arg21[%add3A_720, %dma_wait3A_721] : memref<64x128xi32, #tpu.memory_space<vmem>> -> memref<1x128xi32, #tpu.memory_space<vmem>>
      %dma_wait3A_723 = tpu.memref_squeeze %dma_wait3A_722 : memref<1x128xi32, #tpu.memory_space<vmem>> -> memref<128xi32, #tpu.memory_space<vmem>>
      %dma_wait3A_724 = arith.constant 0 : i32
      %dma_wait3A_725 = tpu.memref_slice %arg20[%add3A_716, %dma_wait3A_724] : memref<64x128xi32, #tpu.memory_space<vmem>> -> memref<1x128xi32, #tpu.memory_space<vmem>>
      %dma_wait3A_726 = tpu.memref_squeeze %dma_wait3A_725 : memref<1x128xi32, #tpu.memory_space<vmem>> -> memref<128xi32, #tpu.memory_space<vmem>>
      %dma_wait3A_727 = arith.constant 0 : i32
      %dma_wait3A_728 = tpu.memref_slice %arg11[%dma_wait3A_727] : memref<100000xi32, #tpu.memory_space<hbm>> -> memref<100000xi32, #tpu.memory_space<hbm>>
      tpu.wait_indirect_dma semaphore(%arg22 : memref<!tpu.dma_semaphore, #tpu.memory_space<semaphore_mem>>) src(%dma_wait3A_728 : memref<100000xi32, #tpu.memory_space<hbm>>) dst(%dma_wait3A_723 : memref<128xi32, #tpu.memory_space<vmem>>)
      %mul3A_729 = arith.constant 4 : i32
      %mul3A_730 = arith.muli %mul3A_729, %add3A_712 : i32
      %add3A_731 = arith.constant 1 : i32
      %add3A_732 = arith.addi %mul3A_730, %add3A_731 : i32
      %mul3A_733 = arith.constant 4 : i32
      %mul3A_734 = arith.muli %mul3A_733, %add3A_712 : i32
      %add3A_735 = arith.constant 1 : i32
      %add3A_736 = arith.addi %mul3A_734, %add3A_735 : i32
      %dma_wait3A_737 = arith.constant 0 : i32
      %dma_wait3A_738 = tpu.memref_slice %arg21[%add3A_736, %dma_wait3A_737] : memref<64x128xi32, #tpu.memory_space<vmem>> -> memref<1x128xi32, #tpu.memory_space<vmem>>
      %dma_wait3A_739 = tpu.memref_squeeze %dma_wait3A_738 : memref<1x128xi32, #tpu.memory_space<vmem>> -> memref<128xi32, #tpu.memory_space<vmem>>
      %dma_wait3A_740 = arith.constant 0 : i32
      %dma_wait3A_741 = tpu.memref_slice %arg20[%add3A_732, %dma_wait3A_740] : memref<64x128xi32, #tpu.memory_space<vmem>> -> memref<1x128xi32, #tpu.memory_space<vmem>>
      %dma_wait3A_742 = tpu.memref_squeeze %dma_wait3A_741 : memref<1x128xi32, #tpu.memory_space<vmem>> -> memref<128xi32, #tpu.memory_space<vmem>>
      %dma_wait3A_743 = arith.constant 0 : i32
      %dma_wait3A_744 = tpu.memref_slice %arg11[%dma_wait3A_743] : memref<100000xi32, #tpu.memory_space<hbm>> -> memref<100000xi32, #tpu.memory_space<hbm>>
      tpu.wait_indirect_dma semaphore(%arg22 : memref<!tpu.dma_semaphore, #tpu.memory_space<semaphore_mem>>) src(%dma_wait3A_744 : memref<100000xi32, #tpu.memory_space<hbm>>) dst(%dma_wait3A_739 : memref<128xi32, #tpu.memory_space<vmem>>)
      %mul3A_745 = arith.constant 4 : i32
      %mul3A_746 = arith.muli %mul3A_745, %add3A_712 : i32
      %add3A_747 = arith.constant 2 : i32
      %add3A_748 = arith.addi %mul3A_746, %add3A_747 : i32
      %mul3A_749 = arith.constant 4 : i32
      %mul3A_750 = arith.muli %mul3A_749, %add3A_712 : i32
      %add3A_751 = arith.constant 2 : i32
      %add3A_752 = arith.addi %mul3A_750, %add3A_751 : i32
      %dma_wait3A_753 = arith.constant 0 : i32
      %dma_wait3A_754 = tpu.memref_slice %arg21[%add3A_752, %dma_wait3A_753] : memref<64x128xi32, #tpu.memory_space<vmem>> -> memref<1x128xi32, #tpu.memory_space<vmem>>
      %dma_wait3A_755 = tpu.memref_squeeze %dma_wait3A_754 : memref<1x128xi32, #tpu.memory_space<vmem>> -> memref<128xi32, #tpu.memory_space<vmem>>
      %dma_wait3A_756 = arith.constant 0 : i32
      %dma_wait3A_757 = tpu.memref_slice %arg20[%add3A_748, %dma_wait3A_756] : memref<64x128xi32, #tpu.memory_space<vmem>> -> memref<1x128xi32, #tpu.memory_space<vmem>>
      %dma_wait3A_758 = tpu.memref_squeeze %dma_wait3A_757 : memref<1x128xi32, #tpu.memory_space<vmem>> -> memref<128xi32, #tpu.memory_space<vmem>>
      %dma_wait3A_759 = arith.constant 0 : i32
      %dma_wait3A_760 = tpu.memref_slice %arg11[%dma_wait3A_759] : memref<100000xi32, #tpu.memory_space<hbm>> -> memref<100000xi32, #tpu.memory_space<hbm>>
      tpu.wait_indirect_dma semaphore(%arg22 : memref<!tpu.dma_semaphore, #tpu.memory_space<semaphore_mem>>) src(%dma_wait3A_760 : memref<100000xi32, #tpu.memory_space<hbm>>) dst(%dma_wait3A_755 : memref<128xi32, #tpu.memory_space<vmem>>)
      %mul3A_761 = arith.constant 4 : i32
      %mul3A_762 = arith.muli %mul3A_761, %add3A_712 : i32
      %add3A_763 = arith.constant 3 : i32
      %add3A_764 = arith.addi %mul3A_762, %add3A_763 : i32
      %mul3A_765 = arith.constant 4 : i32
      %mul3A_766 = arith.muli %mul3A_765, %add3A_712 : i32
      %add3A_767 = arith.constant 3 : i32
      %add3A_768 = arith.addi %mul3A_766, %add3A_767 : i32
      %dma_wait3A_769 = arith.constant 0 : i32
      %dma_wait3A_770 = tpu.memref_slice %arg21[%add3A_768, %dma_wait3A_769] : memref<64x128xi32, #tpu.memory_space<vmem>> -> memref<1x128xi32, #tpu.memory_space<vmem>>
      %dma_wait3A_771 = tpu.memref_squeeze %dma_wait3A_770 : memref<1x128xi32, #tpu.memory_space<vmem>> -> memref<128xi32, #tpu.memory_space<vmem>>
      %dma_wait3A_772 = arith.constant 0 : i32
      %dma_wait3A_773 = tpu.memref_slice %arg20[%add3A_764, %dma_wait3A_772] : memref<64x128xi32, #tpu.memory_space<vmem>> -> memref<1x128xi32, #tpu.memory_space<vmem>>
      %dma_wait3A_774 = tpu.memref_squeeze %dma_wait3A_773 : memref<1x128xi32, #tpu.memory_space<vmem>> -> memref<128xi32, #tpu.memory_space<vmem>>
      %dma_wait3A_775 = arith.constant 0 : i32
      %dma_wait3A_776 = tpu.memref_slice %arg11[%dma_wait3A_775] : memref<100000xi32, #tpu.memory_space<hbm>> -> memref<100000xi32, #tpu.memory_space<hbm>>
      tpu.wait_indirect_dma semaphore(%arg22 : memref<!tpu.dma_semaphore, #tpu.memory_space<semaphore_mem>>) src(%dma_wait3A_776 : memref<100000xi32, #tpu.memory_space<hbm>>) dst(%dma_wait3A_771 : memref<128xi32, #tpu.memory_space<vmem>>)
    }
    %scan3A_483 = arith.constant 2 : i32
    %scan3A_484 = arith.constant 0 : i32
    %scan3A_485 = arith.constant 2 : i32
    %scan3A_486 = arith.constant 2 : i32
    %scan3A_487 = arith.addi %scan3A_485, %scan3A_486 : i32
    %scan3A_488 = arith.constant 1 : i32
    scf.for %scan3A_504 = %scan3A_485 to %scan3A_487 step %scan3A_488  : i32 {
      %mul3A_505 = arith.constant 4 : i32
      %mul3A_506 = arith.muli %mul3A_505, %scan3A_504 : i32
      %add3A_507 = arith.constant 0 : i32
      %add3A_508 = arith.addi %mul3A_506, %add3A_507 : i32
      %mul3A_509 = arith.constant 4 : i32
      %mul3A_510 = arith.muli %mul3A_509, %add3A_508 : i32
      %add3A_511 = arith.constant 0 : i32
      %add3A_512 = arith.addi %mul3A_510, %add3A_511 : i32
      %mul3A_513 = arith.constant 4 : i32
      %mul3A_514 = arith.muli %mul3A_513, %add3A_508 : i32
      %add3A_515 = arith.constant 0 : i32
      %add3A_516 = arith.addi %mul3A_514, %add3A_515 : i32
      %dma_start3A_517 = arith.constant 0 : i32
      %dma_start3A_518 = tpu.memref_slice %arg21[%add3A_516, %dma_start3A_517] : memref<64x128xi32, #tpu.memory_space<vmem>> -> memref<1x128xi32, #tpu.memory_space<vmem>>
      %dma_start3A_519 = tpu.memref_squeeze %dma_start3A_518 : memref<1x128xi32, #tpu.memory_space<vmem>> -> memref<128xi32, #tpu.memory_space<vmem>>
      %dma_start3A_520 = arith.constant 0 : i32
      %dma_start3A_521 = tpu.memref_slice %arg20[%add3A_512, %dma_start3A_520] : memref<64x128xi32, #tpu.memory_space<vmem>> -> memref<1x128xi32, #tpu.memory_space<vmem>>
      %dma_start3A_522 = tpu.memref_squeeze %dma_start3A_521 : memref<1x128xi32, #tpu.memory_space<vmem>> -> memref<128xi32, #tpu.memory_space<vmem>>
      %dma_start3A_523 = arith.constant 0 : i32
      %dma_start3A_524 = tpu.memref_slice %arg11[%dma_start3A_523] : memref<100000xi32, #tpu.memory_space<hbm>> -> memref<100000xi32, #tpu.memory_space<hbm>>
      tpu.enqueue_indirect_dma source(%dma_start3A_524 : memref<100000xi32, #tpu.memory_space<hbm>>) target(%dma_start3A_519 : memref<128xi32, #tpu.memory_space<vmem>>) offsets(%dma_start3A_522 : memref<128xi32, #tpu.memory_space<vmem>>) semaphore(%arg22 : memref<!tpu.dma_semaphore, #tpu.memory_space<semaphore_mem>>)
      %mul3A_525 = arith.constant 4 : i32
      %mul3A_526 = arith.muli %mul3A_525, %add3A_508 : i32
      %add3A_527 = arith.constant 1 : i32
      %add3A_528 = arith.addi %mul3A_526, %add3A_527 : i32
      %mul3A_529 = arith.constant 4 : i32
      %mul3A_530 = arith.muli %mul3A_529, %add3A_508 : i32
      %add3A_531 = arith.constant 1 : i32
      %add3A_532 = arith.addi %mul3A_530, %add3A_531 : i32
      %dma_start3A_533 = arith.constant 0 : i32
      %dma_start3A_534 = tpu.memref_slice %arg21[%add3A_532, %dma_start3A_533] : memref<64x128xi32, #tpu.memory_space<vmem>> -> memref<1x128xi32, #tpu.memory_space<vmem>>
      %dma_start3A_535 = tpu.memref_squeeze %dma_start3A_534 : memref<1x128xi32, #tpu.memory_space<vmem>> -> memref<128xi32, #tpu.memory_space<vmem>>
      %dma_start3A_536 = arith.constant 0 : i32
      %dma_start3A_537 = tpu.memref_slice %arg20[%add3A_528, %dma_start3A_536] : memref<64x128xi32, #tpu.memory_space<vmem>> -> memref<1x128xi32, #tpu.memory_space<vmem>>
      %dma_start3A_538 = tpu.memref_squeeze %dma_start3A_537 : memref<1x128xi32, #tpu.memory_space<vmem>> -> memref<128xi32, #tpu.memory_space<vmem>>
      %dma_start3A_539 = arith.constant 0 : i32
      %dma_start3A_540 = tpu.memref_slice %arg11[%dma_start3A_539] : memref<100000xi32, #tpu.memory_space<hbm>> -> memref<100000xi32, #tpu.memory_space<hbm>>
      tpu.enqueue_indirect_dma source(%dma_start3A_540 : memref<100000xi32, #tpu.memory_space<hbm>>) target(%dma_start3A_535 : memref<128xi32, #tpu.memory_space<vmem>>) offsets(%dma_start3A_538 : memref<128xi32, #tpu.memory_space<vmem>>) semaphore(%arg22 : memref<!tpu.dma_semaphore, #tpu.memory_space<semaphore_mem>>)
      %mul3A_541 = arith.constant 4 : i32
      %mul3A_542 = arith.muli %mul3A_541, %add3A_508 : i32
      %add3A_543 = arith.constant 2 : i32
      %add3A_544 = arith.addi %mul3A_542, %add3A_543 : i32
      %mul3A_545 = arith.constant 4 : i32
      %mul3A_546 = arith.muli %mul3A_545, %add3A_508 : i32
      %add3A_547 = arith.constant 2 : i32
      %add3A_548 = arith.addi %mul3A_546, %add3A_547 : i32
      %dma_start3A_549 = arith.constant 0 : i32
      %dma_start3A_550 = tpu.memref_slice %arg21[%add3A_548, %dma_start3A_549] : memref<64x128xi32, #tpu.memory_space<vmem>> -> memref<1x128xi32, #tpu.memory_space<vmem>>
      %dma_start3A_551 = tpu.memref_squeeze %dma_start3A_550 : memref<1x128xi32, #tpu.memory_space<vmem>> -> memref<128xi32, #tpu.memory_space<vmem>>
      %dma_start3A_552 = arith.constant 0 : i32
      %dma_start3A_553 = tpu.memref_slice %arg20[%add3A_544, %dma_start3A_552] : memref<64x128xi32, #tpu.memory_space<vmem>> -> memref<1x128xi32, #tpu.memory_space<vmem>>
      %dma_start3A_554 = tpu.memref_squeeze %dma_start3A_553 : memref<1x128xi32, #tpu.memory_space<vmem>> -> memref<128xi32, #tpu.memory_space<vmem>>
      %dma_start3A_555 = arith.constant 0 : i32
      %dma_start3A_556 = tpu.memref_slice %arg11[%dma_start3A_555] : memref<100000xi32, #tpu.memory_space<hbm>> -> memref<100000xi32, #tpu.memory_space<hbm>>
      tpu.enqueue_indirect_dma source(%dma_start3A_556 : memref<100000xi32, #tpu.memory_space<hbm>>) target(%dma_start3A_551 : memref<128xi32, #tpu.memory_space<vmem>>) offsets(%dma_start3A_554 : memref<128xi32, #tpu.memory_space<vmem>>) semaphore(%arg22 : memref<!tpu.dma_semaphore, #tpu.memory_space<semaphore_mem>>)
      %mul3A_557 = arith.constant 4 : i32
      %mul3A_558 = arith.muli %mul3A_557, %add3A_508 : i32
      %add3A_559 = arith.constant 3 : i32
      %add3A_560 = arith.addi %mul3A_558, %add3A_559 : i32
      %mul3A_561 = arith.constant 4 : i32
      %mul3A_562 = arith.muli %mul3A_561, %add3A_508 : i32
      %add3A_563 = arith.constant 3 : i32
      %add3A_564 = arith.addi %mul3A_562, %add3A_563 : i32
      %dma_start3A_565 = arith.constant 0 : i32
      %dma_start3A_566 = tpu.memref_slice %arg21[%add3A_564, %dma_start3A_565] : memref<64x128xi32, #tpu.memory_space<vmem>> -> memref<1x128xi32, #tpu.memory_space<vmem>>
      %dma_start3A_567 = tpu.memref_squeeze %dma_start3A_566 : memref<1x128xi32, #tpu.memory_space<vmem>> -> memref<128xi32, #tpu.memory_space<vmem>>
      %dma_start3A_568 = arith.constant 0 : i32
      %dma_start3A_569 = tpu.memref_slice %arg20[%add3A_560, %dma_start3A_568] : memref<64x128xi32, #tpu.memory_space<vmem>> -> memref<1x128xi32, #tpu.memory_space<vmem>>
      %dma_start3A_570 = tpu.memref_squeeze %dma_start3A_569 : memref<1x128xi32, #tpu.memory_space<vmem>> -> memref<128xi32, #tpu.memory_space<vmem>>
      %dma_start3A_571 = arith.constant 0 : i32
      %dma_start3A_572 = tpu.memref_slice %arg11[%dma_start3A_571] : memref<100000xi32, #tpu.memory_space<hbm>> -> memref<100000xi32, #tpu.memory_space<hbm>>
      tpu.enqueue_indirect_dma source(%dma_start3A_572 : memref<100000xi32, #tpu.memory_space<hbm>>) target(%dma_start3A_567 : memref<128xi32, #tpu.memory_space<vmem>>) offsets(%dma_start3A_570 : memref<128xi32, #tpu.memory_space<vmem>>) semaphore(%arg22 : memref<!tpu.dma_semaphore, #tpu.memory_space<semaphore_mem>>)
      %mul3A_573 = arith.constant 4 : i32
      %mul3A_574 = arith.muli %mul3A_573, %scan3A_504 : i32
      %add3A_575 = arith.constant 1 : i32
      %add3A_576 = arith.addi %mul3A_574, %add3A_575 : i32
      %mul3A_577 = arith.constant 4 : i32
      %mul3A_578 = arith.muli %mul3A_577, %add3A_576 : i32
      %add3A_579 = arith.constant 0 : i32
      %add3A_580 = arith.addi %mul3A_578, %add3A_579 : i32
      %mul3A_581 = arith.constant 4 : i32
      %mul3A_582 = arith.muli %mul3A_581, %add3A_576 : i32
      %add3A_583 = arith.constant 0 : i32
      %add3A_584 = arith.addi %mul3A_582, %add3A_583 : i32
      %dma_start3A_585 = arith.constant 0 : i32
      %dma_start3A_586 = tpu.memref_slice %arg21[%add3A_584, %dma_start3A_585] : memref<64x128xi32, #tpu.memory_space<vmem>> -> memref<1x128xi32, #tpu.memory_space<vmem>>
      %dma_start3A_587 = tpu.memref_squeeze %dma_start3A_586 : memref<1x128xi32, #tpu.memory_space<vmem>> -> memref<128xi32, #tpu.memory_space<vmem>>
      %dma_start3A_588 = arith.constant 0 : i32
      %dma_start3A_589 = tpu.memref_slice %arg20[%add3A_580, %dma_start3A_588] : memref<64x128xi32, #tpu.memory_space<vmem>> -> memref<1x128xi32, #tpu.memory_space<vmem>>
      %dma_start3A_590 = tpu.memref_squeeze %dma_start3A_589 : memref<1x128xi32, #tpu.memory_space<vmem>> -> memref<128xi32, #tpu.memory_space<vmem>>
      %dma_start3A_591 = arith.constant 0 : i32
      %dma_start3A_592 = tpu.memref_slice %arg11[%dma_start3A_591] : memref<100000xi32, #tpu.memory_space<hbm>> -> memref<100000xi32, #tpu.memory_space<hbm>>
      tpu.enqueue_indirect_dma source(%dma_start3A_592 : memref<100000xi32, #tpu.memory_space<hbm>>) target(%dma_start3A_587 : memref<128xi32, #tpu.memory_space<vmem>>) offsets(%dma_start3A_590 : memref<128xi32, #tpu.memory_space<vmem>>) semaphore(%arg22 : memref<!tpu.dma_semaphore, #tpu.memory_space<semaphore_mem>>)
      %mul3A_593 = arith.constant 4 : i32
      %mul3A_594 = arith.muli %mul3A_593, %add3A_576 : i32
      %add3A_595 = arith.constant 1 : i32
      %add3A_596 = arith.addi %mul3A_594, %add3A_595 : i32
      %mul3A_597 = arith.constant 4 : i32
      %mul3A_598 = arith.muli %mul3A_597, %add3A_576 : i32
      %add3A_599 = arith.constant 1 : i32
      %add3A_600 = arith.addi %mul3A_598, %add3A_599 : i32
      %dma_start3A_601 = arith.constant 0 : i32
      %dma_start3A_602 = tpu.memref_slice %arg21[%add3A_600, %dma_start3A_601] : memref<64x128xi32, #tpu.memory_space<vmem>> -> memref<1x128xi32, #tpu.memory_space<vmem>>
      %dma_start3A_603 = tpu.memref_squeeze %dma_start3A_602 : memref<1x128xi32, #tpu.memory_space<vmem>> -> memref<128xi32, #tpu.memory_space<vmem>>
      %dma_start3A_604 = arith.constant 0 : i32
      %dma_start3A_605 = tpu.memref_slice %arg20[%add3A_596, %dma_start3A_604] : memref<64x128xi32, #tpu.memory_space<vmem>> -> memref<1x128xi32, #tpu.memory_space<vmem>>
      %dma_start3A_606 = tpu.memref_squeeze %dma_start3A_605 : memref<1x128xi32, #tpu.memory_space<vmem>> -> memref<128xi32, #tpu.memory_space<vmem>>
      %dma_start3A_607 = arith.constant 0 : i32
      %dma_start3A_608 = tpu.memref_slice %arg11[%dma_start3A_607] : memref<100000xi32, #tpu.memory_space<hbm>> -> memref<100000xi32, #tpu.memory_space<hbm>>
      tpu.enqueue_indirect_dma source(%dma_start3A_608 : memref<100000xi32, #tpu.memory_space<hbm>>) target(%dma_start3A_603 : memref<128xi32, #tpu.memory_space<vmem>>) offsets(%dma_start3A_606 : memref<128xi32, #tpu.memory_space<vmem>>) semaphore(%arg22 : memref<!tpu.dma_semaphore, #tpu.memory_space<semaphore_mem>>)
      %mul3A_609 = arith.constant 4 : i32
      %mul3A_610 = arith.muli %mul3A_609, %add3A_576 : i32
      %add3A_611 = arith.constant 2 : i32
      %add3A_612 = arith.addi %mul3A_610, %add3A_611 : i32
      %mul3A_613 = arith.constant 4 : i32
      %mul3A_614 = arith.muli %mul3A_613, %add3A_576 : i32
      %add3A_615 = arith.constant 2 : i32
      %add3A_616 = arith.addi %mul3A_614, %add3A_615 : i32
      %dma_start3A_617 = arith.constant 0 : i32
      %dma_start3A_618 = tpu.memref_slice %arg21[%add3A_616, %dma_start3A_617] : memref<64x128xi32, #tpu.memory_space<vmem>> -> memref<1x128xi32, #tpu.memory_space<vmem>>
      %dma_start3A_619 = tpu.memref_squeeze %dma_start3A_618 : memref<1x128xi32, #tpu.memory_space<vmem>> -> memref<128xi32, #tpu.memory_space<vmem>>
      %dma_start3A_620 = arith.constant 0 : i32
      %dma_start3A_621 = tpu.memref_slice %arg20[%add3A_612, %dma_start3A_620] : memref<64x128xi32, #tpu.memory_space<vmem>> -> memref<1x128xi32, #tpu.memory_space<vmem>>
      %dma_start3A_622 = tpu.memref_squeeze %dma_start3A_621 : memref<1x128xi32, #tpu.memory_space<vmem>> -> memref<128xi32, #tpu.memory_space<vmem>>
      %dma_start3A_623 = arith.constant 0 : i32
      %dma_start3A_624 = tpu.memref_slice %arg11[%dma_start3A_623] : memref<100000xi32, #tpu.memory_space<hbm>> -> memref<100000xi32, #tpu.memory_space<hbm>>
      tpu.enqueue_indirect_dma source(%dma_start3A_624 : memref<100000xi32, #tpu.memory_space<hbm>>) target(%dma_start3A_619 : memref<128xi32, #tpu.memory_space<vmem>>) offsets(%dma_start3A_622 : memref<128xi32, #tpu.memory_space<vmem>>) semaphore(%arg22 : memref<!tpu.dma_semaphore, #tpu.memory_space<semaphore_mem>>)
      %mul3A_625 = arith.constant 4 : i32
      %mul3A_626 = arith.muli %mul3A_625, %add3A_576 : i32
      %add3A_627 = arith.constant 3 : i32
      %add3A_628 = arith.addi %mul3A_626, %add3A_627 : i32
      %mul3A_629 = arith.constant 4 : i32
      %mul3A_630 = arith.muli %mul3A_629, %add3A_576 : i32
      %add3A_631 = arith.constant 3 : i32
      %add3A_632 = arith.addi %mul3A_630, %add3A_631 : i32
      %dma_start3A_633 = arith.constant 0 : i32
      %dma_start3A_634 = tpu.memref_slice %arg21[%add3A_632, %dma_start3A_633] : memref<64x128xi32, #tpu.memory_space<vmem>> -> memref<1x128xi32, #tpu.memory_space<vmem>>
      %dma_start3A_635 = tpu.memref_squeeze %dma_start3A_634 : memref<1x128xi32, #tpu.memory_space<vmem>> -> memref<128xi32, #tpu.memory_space<vmem>>
      %dma_start3A_636 = arith.constant 0 : i32
      %dma_start3A_637 = tpu.memref_slice %arg20[%add3A_628, %dma_start3A_636] : memref<64x128xi32, #tpu.memory_space<vmem>> -> memref<1x128xi32, #tpu.memory_space<vmem>>
      %dma_start3A_638 = tpu.memref_squeeze %dma_start3A_637 : memref<1x128xi32, #tpu.memory_space<vmem>> -> memref<128xi32, #tpu.memory_space<vmem>>
      %dma_start3A_639 = arith.constant 0 : i32
      %dma_start3A_640 = tpu.memref_slice %arg11[%dma_start3A_639] : memref<100000xi32, #tpu.memory_space<hbm>> -> memref<100000xi32, #tpu.memory_space<hbm>>
      tpu.enqueue_indirect_dma source(%dma_start3A_640 : memref<100000xi32, #tpu.memory_space<hbm>>) target(%dma_start3A_635 : memref<128xi32, #tpu.memory_space<vmem>>) offsets(%dma_start3A_638 : memref<128xi32, #tpu.memory_space<vmem>>) semaphore(%arg22 : memref<!tpu.dma_semaphore, #tpu.memory_space<semaphore_mem>>)
      %mul3A_641 = arith.constant 4 : i32
      %mul3A_642 = arith.muli %mul3A_641, %scan3A_504 : i32
      %add3A_643 = arith.constant 2 : i32
      %add3A_644 = arith.addi %mul3A_642, %add3A_643 : i32
      %mul3A_645 = arith.constant 4 : i32
      %mul3A_646 = arith.muli %mul3A_645, %add3A_644 : i32
      %add3A_647 = arith.constant 0 : i32
      %add3A_648 = arith.addi %mul3A_646, %add3A_647 : i32
      %mul3A_649 = arith.constant 4 : i32
      %mul3A_650 = arith.muli %mul3A_649, %add3A_644 : i32
      %add3A_651 = arith.constant 0 : i32
      %add3A_652 = arith.addi %mul3A_650, %add3A_651 : i32
      %dma_start3A_653 = arith.constant 0 : i32
      %dma_start3A_654 = tpu.memref_slice %arg21[%add3A_652, %dma_start3A_653] : memref<64x128xi32, #tpu.memory_space<vmem>> -> memref<1x128xi32, #tpu.memory_space<vmem>>
      %dma_start3A_655 = tpu.memref_squeeze %dma_start3A_654 : memref<1x128xi32, #tpu.memory_space<vmem>> -> memref<128xi32, #tpu.memory_space<vmem>>
      %dma_start3A_656 = arith.constant 0 : i32
      %dma_start3A_657 = tpu.memref_slice %arg20[%add3A_648, %dma_start3A_656] : memref<64x128xi32, #tpu.memory_space<vmem>> -> memref<1x128xi32, #tpu.memory_space<vmem>>
      %dma_start3A_658 = tpu.memref_squeeze %dma_start3A_657 : memref<1x128xi32, #tpu.memory_space<vmem>> -> memref<128xi32, #tpu.memory_space<vmem>>
      %dma_start3A_659 = arith.constant 0 : i32
      %dma_start3A_660 = tpu.memref_slice %arg11[%dma_start3A_659] : memref<100000xi32, #tpu.memory_space<hbm>> -> memref<100000xi32, #tpu.memory_space<hbm>>
      tpu.enqueue_indirect_dma source(%dma_start3A_660 : memref<100000xi32, #tpu.memory_space<hbm>>) target(%dma_start3A_655 : memref<128xi32, #tpu.memory_space<vmem>>) offsets(%dma_start3A_658 : memref<128xi32, #tpu.memory_space<vmem>>) semaphore(%arg22 : memref<!tpu.dma_semaphore, #tpu.memory_space<semaphore_mem>>)
      %mul3A_661 = arith.constant 4 : i32
      %mul3A_662 = arith.muli %mul3A_661, %add3A_644 : i32
      %add3A_663 = arith.constant 1 : i32
      %add3A_664 = arith.addi %mul3A_662, %add3A_663 : i32
      %mul3A_665 = arith.constant 4 : i32
      %mul3A_666 = arith.muli %mul3A_665, %add3A_644 : i32
      %add3A_667 = arith.constant 1 : i32
      %add3A_668 = arith.addi %mul3A_666, %add3A_667 : i32
      %dma_start3A_669 = arith.constant 0 : i32
      %dma_start3A_670 = tpu.memref_slice %arg21[%add3A_668, %dma_start3A_669] : memref<64x128xi32, #tpu.memory_space<vmem>> -> memref<1x128xi32, #tpu.memory_space<vmem>>
      %dma_start3A_671 = tpu.memref_squeeze %dma_start3A_670 : memref<1x128xi32, #tpu.memory_space<vmem>> -> memref<128xi32, #tpu.memory_space<vmem>>
      %dma_start3A_672 = arith.constant 0 : i32
      %dma_start3A_673 = tpu.memref_slice %arg20[%add3A_664, %dma_start3A_672] : memref<64x128xi32, #tpu.memory_space<vmem>> -> memref<1x128xi32, #tpu.memory_space<vmem>>
      %dma_start3A_674 = tpu.memref_squeeze %dma_start3A_673 : memref<1x128xi32, #tpu.memory_space<vmem>> -> memref<128xi32, #tpu.memory_space<vmem>>
      %dma_start3A_675 = arith.constant 0 : i32
      %dma_start3A_676 = tpu.memref_slice %arg11[%dma_start3A_675] : memref<100000xi32, #tpu.memory_space<hbm>> -> memref<100000xi32, #tpu.memory_space<hbm>>
      tpu.enqueue_indirect_dma source(%dma_start3A_676 : memref<100000xi32, #tpu.memory_space<hbm>>) target(%dma_start3A_671 : memref<128xi32, #tpu.memory_space<vmem>>) offsets(%dma_start3A_674 : memref<128xi32, #tpu.memory_space<vmem>>) semaphore(%arg22 : memref<!tpu.dma_semaphore, #tpu.memory_space<semaphore_mem>>)
      %mul3A_677 = arith.constant 4 : i32
      %mul3A_678 = arith.muli %mul3A_677, %add3A_644 : i32
      %add3A_679 = arith.constant 2 : i32
      %add3A_680 = arith.addi %mul3A_678, %add3A_679 : i32
      %mul3A_681 = arith.constant 4 : i32
      %mul3A_682 = arith.muli %mul3A_681, %add3A_644 : i32
      %add3A_683 = arith.constant 2 : i32
      %add3A_684 = arith.addi %mul3A_682, %add3A_683 : i32
      %dma_start3A_685 = arith.constant 0 : i32
      %dma_start3A_686 = tpu.memref_slice %arg21[%add3A_684, %dma_start3A_685] : memref<64x128xi32, #tpu.memory_space<vmem>> -> memref<1x128xi32, #tpu.memory_space<vmem>>
      %dma_start3A_687 = tpu.memref_squeeze %dma_start3A_686 : memref<1x128xi32, #tpu.memory_space<vmem>> -> memref<128xi32, #tpu.memory_space<vmem>>
      %dma_start3A_688 = arith.constant 0 : i32
      %dma_start3A_689 = tpu.memref_slice %arg20[%add3A_680, %dma_start3A_688] : memref<64x128xi32, #tpu.memory_space<vmem>> -> memref<1x128xi32, #tpu.memory_space<vmem>>
      %dma_start3A_690 = tpu.memref_squeeze %dma_start3A_689 : memref<1x128xi32, #tpu.memory_space<vmem>> -> memref<128xi32, #tpu.memory_space<vmem>>
      %dma_start3A_691 = arith.constant 0 : i32
      %dma_start3A_692 = tpu.memref_slice %arg11[%dma_start3A_691] : memref<100000xi32, #tpu.memory_space<hbm>> -> memref<100000xi32, #tpu.memory_space<hbm>>
      tpu.enqueue_indirect_dma source(%dma_start3A_692 : memref<100000xi32, #tpu.memory_space<hbm>>) target(%dma_start3A_687 : memref<128xi32, #tpu.memory_space<vmem>>) offsets(%dma_start3A_690 : memref<128xi32, #tpu.memory_space<vmem>>) semaphore(%arg22 : memref<!tpu.dma_semaphore, #tpu.memory_space<semaphore_mem>>)
      %mul3A_693 = arith.constant 4 : i32
      %mul3A_694 = arith.muli %mul3A_693, %add3A_644 : i32
      %add3A_695 = arith.constant 3 : i32
      %add3A_696 = arith.addi %mul3A_694, %add3A_695 : i32
      %mul3A_697 = arith.constant 4 : i32
      %mul3A_698 = arith.muli %mul3A_697, %add3A_644 : i32
      %add3A_699 = arith.constant 3 : i32
      %add3A_700 = arith.addi %mul3A_698, %add3A_699 : i32
      %dma_start3A_701 = arith.constant 0 : i32
      %dma_start3A_702 = tpu.memref_slice %arg21[%add3A_700, %dma_start3A_701] : memref<64x128xi32, #tpu.memory_space<vmem>> -> memref<1x128xi32, #tpu.memory_space<vmem>>
      %dma_start3A_703 = tpu.memref_squeeze %dma_start3A_702 : memref<1x128xi32, #tpu.memory_space<vmem>> -> memref<128xi32, #tpu.memory_space<vmem>>
      %dma_start3A_704 = arith.constant 0 : i32
      %dma_start3A_705 = tpu.memref_slice %arg20[%add3A_696, %dma_start3A_704] : memref<64x128xi32, #tpu.memory_space<vmem>> -> memref<1x128xi32, #tpu.memory_space<vmem>>
      %dma_start3A_706 = tpu.memref_squeeze %dma_start3A_705 : memref<1x128xi32, #tpu.memory_space<vmem>> -> memref<128xi32, #tpu.memory_space<vmem>>
      %dma_start3A_707 = arith.constant 0 : i32
      %dma_start3A_708 = tpu.memref_slice %arg11[%dma_start3A_707] : memref<100000xi32, #tpu.memory_space<hbm>> -> memref<100000xi32, #tpu.memory_space<hbm>>
      tpu.enqueue_indirect_dma source(%dma_start3A_708 : memref<100000xi32, #tpu.memory_space<hbm>>) target(%dma_start3A_703 : memref<128xi32, #tpu.memory_space<vmem>>) offsets(%dma_start3A_706 : memref<128xi32, #tpu.memory_space<vmem>>) semaphore(%arg22 : memref<!tpu.dma_semaphore, #tpu.memory_space<semaphore_mem>>)
      %mul3A_709 = arith.constant 4 : i32
      %mul3A_710 = arith.muli %mul3A_709, %scan3A_504 : i32
      %add3A_711 = arith.constant 3 : i32
      %add3A_712 = arith.addi %mul3A_710, %add3A_711 : i32
      %mul3A_713 = arith.constant 4 : i32
      %mul3A_714 = arith.muli %mul3A_713, %add3A_712 : i32
      %add3A_715 = arith.constant 0 : i32
      %add3A_716 = arith.addi %mul3A_714, %add3A_715 : i32
      %mul3A_717 = arith.constant 4 : i32
      %mul3A_718 = arith.muli %mul3A_717, %add3A_712 : i32
      %add3A_719 = arith.constant 0 : i32
      %add3A_720 = arith.addi %mul3A_718, %add3A_719 : i32
      %dma_start3A_721 = arith.constant 0 : i32
      %dma_start3A_722 = tpu.memref_slice %arg21[%add3A_720, %dma_start3A_721] : memref<64x128xi32, #tpu.memory_space<vmem>> -> memref<1x128xi32, #tpu.memory_space<vmem>>
      %dma_start3A_723 = tpu.memref_squeeze %dma_start3A_722 : memref<1x128xi32, #tpu.memory_space<vmem>> -> memref<128xi32, #tpu.memory_space<vmem>>
      %dma_start3A_724 = arith.constant 0 : i32
      %dma_start3A_725 = tpu.memref_slice %arg20[%add3A_716, %dma_start3A_724] : memref<64x128xi32, #tpu.memory_space<vmem>> -> memref<1x128xi32, #tpu.memory_space<vmem>>
      %dma_start3A_726 = tpu.memref_squeeze %dma_start3A_725 : memref<1x128xi32, #tpu.memory_space<vmem>> -> memref<128xi32, #tpu.memory_space<vmem>>
      %dma_start3A_727 = arith.constant 0 : i32
      %dma_start3A_728 = tpu.memref_slice %arg11[%dma_start3A_727] : memref<100000xi32, #tpu.memory_space<hbm>> -> memref<100000xi32, #tpu.memory_space<hbm>>
      tpu.enqueue_indirect_dma source(%dma_start3A_728 : memref<100000xi32, #tpu.memory_space<hbm>>) target(%dma_start3A_723 : memref<128xi32, #tpu.memory_space<vmem>>) offsets(%dma_start3A_726 : memref<128xi32, #tpu.memory_space<vmem>>) semaphore(%arg22 : memref<!tpu.dma_semaphore, #tpu.memory_space<semaphore_mem>>)
      %mul3A_729 = arith.constant 4 : i32
      %mul3A_730 = arith.muli %mul3A_729, %add3A_712 : i32
      %add3A_731 = arith.constant 1 : i32
      %add3A_732 = arith.addi %mul3A_730, %add3A_731 : i32
      %mul3A_733 = arith.constant 4 : i32
      %mul3A_734 = arith.muli %mul3A_733, %add3A_712 : i32
      %add3A_735 = arith.constant 1 : i32
      %add3A_736 = arith.addi %mul3A_734, %add3A_735 : i32
      %dma_start3A_737 = arith.constant 0 : i32
      %dma_start3A_738 = tpu.memref_slice %arg21[%add3A_736, %dma_start3A_737] : memref<64x128xi32, #tpu.memory_space<vmem>> -> memref<1x128xi32, #tpu.memory_space<vmem>>
      %dma_start3A_739 = tpu.memref_squeeze %dma_start3A_738 : memref<1x128xi32, #tpu.memory_space<vmem>> -> memref<128xi32, #tpu.memory_space<vmem>>
      %dma_start3A_740 = arith.constant 0 : i32
      %dma_start3A_741 = tpu.memref_slice %arg20[%add3A_732, %dma_start3A_740] : memref<64x128xi32, #tpu.memory_space<vmem>> -> memref<1x128xi32, #tpu.memory_space<vmem>>
      %dma_start3A_742 = tpu.memref_squeeze %dma_start3A_741 : memref<1x128xi32, #tpu.memory_space<vmem>> -> memref<128xi32, #tpu.memory_space<vmem>>
      %dma_start3A_743 = arith.constant 0 : i32
      %dma_start3A_744 = tpu.memref_slice %arg11[%dma_start3A_743] : memref<100000xi32, #tpu.memory_space<hbm>> -> memref<100000xi32, #tpu.memory_space<hbm>>
      tpu.enqueue_indirect_dma source(%dma_start3A_744 : memref<100000xi32, #tpu.memory_space<hbm>>) target(%dma_start3A_739 : memref<128xi32, #tpu.memory_space<vmem>>) offsets(%dma_start3A_742 : memref<128xi32, #tpu.memory_space<vmem>>) semaphore(%arg22 : memref<!tpu.dma_semaphore, #tpu.memory_space<semaphore_mem>>)
      %mul3A_745 = arith.constant 4 : i32
      %mul3A_746 = arith.muli %mul3A_745, %add3A_712 : i32
      %add3A_747 = arith.constant 2 : i32
      %add3A_748 = arith.addi %mul3A_746, %add3A_747 : i32
      %mul3A_749 = arith.constant 4 : i32
      %mul3A_750 = arith.muli %mul3A_749, %add3A_712 : i32
      %add3A_751 = arith.constant 2 : i32
      %add3A_752 = arith.addi %mul3A_750, %add3A_751 : i32
      %dma_start3A_753 = arith.constant 0 : i32
      %dma_start3A_754 = tpu.memref_slice %arg21[%add3A_752, %dma_start3A_753] : memref<64x128xi32, #tpu.memory_space<vmem>> -> memref<1x128xi32, #tpu.memory_space<vmem>>
      %dma_start3A_755 = tpu.memref_squeeze %dma_start3A_754 : memref<1x128xi32, #tpu.memory_space<vmem>> -> memref<128xi32, #tpu.memory_space<vmem>>
      %dma_start3A_756 = arith.constant 0 : i32
      %dma_start3A_757 = tpu.memref_slice %arg20[%add3A_748, %dma_start3A_756] : memref<64x128xi32, #tpu.memory_space<vmem>> -> memref<1x128xi32, #tpu.memory_space<vmem>>
      %dma_start3A_758 = tpu.memref_squeeze %dma_start3A_757 : memref<1x128xi32, #tpu.memory_space<vmem>> -> memref<128xi32, #tpu.memory_space<vmem>>
      %dma_start3A_759 = arith.constant 0 : i32
      %dma_start3A_760 = tpu.memref_slice %arg11[%dma_start3A_759] : memref<100000xi32, #tpu.memory_space<hbm>> -> memref<100000xi32, #tpu.memory_space<hbm>>
      tpu.enqueue_indirect_dma source(%dma_start3A_760 : memref<100000xi32, #tpu.memory_space<hbm>>) target(%dma_start3A_755 : memref<128xi32, #tpu.memory_space<vmem>>) offsets(%dma_start3A_758 : memref<128xi32, #tpu.memory_space<vmem>>) semaphore(%arg22 : memref<!tpu.dma_semaphore, #tpu.memory_space<semaphore_mem>>)
      %mul3A_761 = arith.constant 4 : i32
      %mul3A_762 = arith.muli %mul3A_761, %add3A_712 : i32
      %add3A_763 = arith.constant 3 : i32
      %add3A_764 = arith.addi %mul3A_762, %add3A_763 : i32
      %mul3A_765 = arith.constant 4 : i32
      %mul3A_766 = arith.muli %mul3A_765, %add3A_712 : i32
      %add3A_767 = arith.constant 3 : i32
      %add3A_768 = arith.addi %mul3A_766, %add3A_767 : i32
      %dma_start3A_769 = arith.constant 0 : i32
      %dma_start3A_770 = tpu.memref_slice %arg21[%add3A_768, %dma_start3A_769] : memref<64x128xi32, #tpu.memory_space<vmem>> -> memref<1x128xi32, #tpu.memory_space<vmem>>
      %dma_start3A_771 = tpu.memref_squeeze %dma_start3A_770 : memref<1x128xi32, #tpu.memory_space<vmem>> -> memref<128xi32, #tpu.memory_space<vmem>>
      %dma_start3A_772 = arith.constant 0 : i32
      %dma_start3A_773 = tpu.memref_slice %arg20[%add3A_764, %dma_start3A_772] : memref<64x128xi32, #tpu.memory_space<vmem>> -> memref<1x128xi32, #tpu.memory_space<vmem>>
      %dma_start3A_774 = tpu.memref_squeeze %dma_start3A_773 : memref<1x128xi32, #tpu.memory_space<vmem>> -> memref<128xi32, #tpu.memory_space<vmem>>
      %dma_start3A_775 = arith.constant 0 : i32
      %dma_start3A_776 = tpu.memref_slice %arg11[%dma_start3A_775] : memref<100000xi32, #tpu.memory_space<hbm>> -> memref<100000xi32, #tpu.memory_space<hbm>>
      tpu.enqueue_indirect_dma source(%dma_start3A_776 : memref<100000xi32, #tpu.memory_space<hbm>>) target(%dma_start3A_771 : memref<128xi32, #tpu.memory_space<vmem>>) offsets(%dma_start3A_774 : memref<128xi32, #tpu.memory_space<vmem>>) semaphore(%arg22 : memref<!tpu.dma_semaphore, #tpu.memory_space<semaphore_mem>>)
    }
    %scan3A_489 = arith.constant 2 : i32
    %scan3A_490 = arith.constant 0 : i32
    %scan3A_491 = arith.constant 2 : i32
    %scan3A_492 = arith.constant 2 : i32
    %scan3A_493 = arith.addi %scan3A_491, %scan3A_492 : i32
    %scan3A_494 = arith.constant 1 : i32
    scf.for %scan3A_504 = %scan3A_491 to %scan3A_493 step %scan3A_494  : i32 {
      %mul3A_505 = arith.constant 4 : i32
      %mul3A_506 = arith.muli %mul3A_505, %scan3A_504 : i32
      %add3A_507 = arith.constant 0 : i32
      %add3A_508 = arith.addi %mul3A_506, %add3A_507 : i32
      %mul3A_509 = arith.constant 4 : i32
      %mul3A_510 = arith.muli %mul3A_509, %add3A_508 : i32
      %add3A_511 = arith.constant 0 : i32
      %add3A_512 = arith.addi %mul3A_510, %add3A_511 : i32
      %mul3A_513 = arith.constant 4 : i32
      %mul3A_514 = arith.muli %mul3A_513, %add3A_508 : i32
      %add3A_515 = arith.constant 0 : i32
      %add3A_516 = arith.addi %mul3A_514, %add3A_515 : i32
      %dma_wait3A_517 = arith.constant 0 : i32
      %dma_wait3A_518 = tpu.memref_slice %arg21[%add3A_516, %dma_wait3A_517] : memref<64x128xi32, #tpu.memory_space<vmem>> -> memref<1x128xi32, #tpu.memory_space<vmem>>
      %dma_wait3A_519 = tpu.memref_squeeze %dma_wait3A_518 : memref<1x128xi32, #tpu.memory_space<vmem>> -> memref<128xi32, #tpu.memory_space<vmem>>
      %dma_wait3A_520 = arith.constant 0 : i32
      %dma_wait3A_521 = tpu.memref_slice %arg20[%add3A_512, %dma_wait3A_520] : memref<64x128xi32, #tpu.memory_space<vmem>> -> memref<1x128xi32, #tpu.memory_space<vmem>>
      %dma_wait3A_522 = tpu.memref_squeeze %dma_wait3A_521 : memref<1x128xi32, #tpu.memory_space<vmem>> -> memref<128xi32, #tpu.memory_space<vmem>>
      %dma_wait3A_523 = arith.constant 0 : i32
      %dma_wait3A_524 = tpu.memref_slice %arg11[%dma_wait3A_523] : memref<100000xi32, #tpu.memory_space<hbm>> -> memref<100000xi32, #tpu.memory_space<hbm>>
      tpu.wait_indirect_dma semaphore(%arg22 : memref<!tpu.dma_semaphore, #tpu.memory_space<semaphore_mem>>) src(%dma_wait3A_524 : memref<100000xi32, #tpu.memory_space<hbm>>) dst(%dma_wait3A_519 : memref<128xi32, #tpu.memory_space<vmem>>)
      %mul3A_525 = arith.constant 4 : i32
      %mul3A_526 = arith.muli %mul3A_525, %add3A_508 : i32
      %add3A_527 = arith.constant 1 : i32
      %add3A_528 = arith.addi %mul3A_526, %add3A_527 : i32
      %mul3A_529 = arith.constant 4 : i32
      %mul3A_530 = arith.muli %mul3A_529, %add3A_508 : i32
      %add3A_531 = arith.constant 1 : i32
      %add3A_532 = arith.addi %mul3A_530, %add3A_531 : i32
      %dma_wait3A_533 = arith.constant 0 : i32
      %dma_wait3A_534 = tpu.memref_slice %arg21[%add3A_532, %dma_wait3A_533] : memref<64x128xi32, #tpu.memory_space<vmem>> -> memref<1x128xi32, #tpu.memory_space<vmem>>
      %dma_wait3A_535 = tpu.memref_squeeze %dma_wait3A_534 : memref<1x128xi32, #tpu.memory_space<vmem>> -> memref<128xi32, #tpu.memory_space<vmem>>
      %dma_wait3A_536 = arith.constant 0 : i32
      %dma_wait3A_537 = tpu.memref_slice %arg20[%add3A_528, %dma_wait3A_536] : memref<64x128xi32, #tpu.memory_space<vmem>> -> memref<1x128xi32, #tpu.memory_space<vmem>>
      %dma_wait3A_538 = tpu.memref_squeeze %dma_wait3A_537 : memref<1x128xi32, #tpu.memory_space<vmem>> -> memref<128xi32, #tpu.memory_space<vmem>>
      %dma_wait3A_539 = arith.constant 0 : i32
      %dma_wait3A_540 = tpu.memref_slice %arg11[%dma_wait3A_539] : memref<100000xi32, #tpu.memory_space<hbm>> -> memref<100000xi32, #tpu.memory_space<hbm>>
      tpu.wait_indirect_dma semaphore(%arg22 : memref<!tpu.dma_semaphore, #tpu.memory_space<semaphore_mem>>) src(%dma_wait3A_540 : memref<100000xi32, #tpu.memory_space<hbm>>) dst(%dma_wait3A_535 : memref<128xi32, #tpu.memory_space<vmem>>)
      %mul3A_541 = arith.constant 4 : i32
      %mul3A_542 = arith.muli %mul3A_541, %add3A_508 : i32
      %add3A_543 = arith.constant 2 : i32
      %add3A_544 = arith.addi %mul3A_542, %add3A_543 : i32
      %mul3A_545 = arith.constant 4 : i32
      %mul3A_546 = arith.muli %mul3A_545, %add3A_508 : i32
      %add3A_547 = arith.constant 2 : i32
      %add3A_548 = arith.addi %mul3A_546, %add3A_547 : i32
      %dma_wait3A_549 = arith.constant 0 : i32
      %dma_wait3A_550 = tpu.memref_slice %arg21[%add3A_548, %dma_wait3A_549] : memref<64x128xi32, #tpu.memory_space<vmem>> -> memref<1x128xi32, #tpu.memory_space<vmem>>
      %dma_wait3A_551 = tpu.memref_squeeze %dma_wait3A_550 : memref<1x128xi32, #tpu.memory_space<vmem>> -> memref<128xi32, #tpu.memory_space<vmem>>
      %dma_wait3A_552 = arith.constant 0 : i32
      %dma_wait3A_553 = tpu.memref_slice %arg20[%add3A_544, %dma_wait3A_552] : memref<64x128xi32, #tpu.memory_space<vmem>> -> memref<1x128xi32, #tpu.memory_space<vmem>>
      %dma_wait3A_554 = tpu.memref_squeeze %dma_wait3A_553 : memref<1x128xi32, #tpu.memory_space<vmem>> -> memref<128xi32, #tpu.memory_space<vmem>>
      %dma_wait3A_555 = arith.constant 0 : i32
      %dma_wait3A_556 = tpu.memref_slice %arg11[%dma_wait3A_555] : memref<100000xi32, #tpu.memory_space<hbm>> -> memref<100000xi32, #tpu.memory_space<hbm>>
      tpu.wait_indirect_dma semaphore(%arg22 : memref<!tpu.dma_semaphore, #tpu.memory_space<semaphore_mem>>) src(%dma_wait3A_556 : memref<100000xi32, #tpu.memory_space<hbm>>) dst(%dma_wait3A_551 : memref<128xi32, #tpu.memory_space<vmem>>)
      %mul3A_557 = arith.constant 4 : i32
      %mul3A_558 = arith.muli %mul3A_557, %add3A_508 : i32
      %add3A_559 = arith.constant 3 : i32
      %add3A_560 = arith.addi %mul3A_558, %add3A_559 : i32
      %mul3A_561 = arith.constant 4 : i32
      %mul3A_562 = arith.muli %mul3A_561, %add3A_508 : i32
      %add3A_563 = arith.constant 3 : i32
      %add3A_564 = arith.addi %mul3A_562, %add3A_563 : i32
      %dma_wait3A_565 = arith.constant 0 : i32
      %dma_wait3A_566 = tpu.memref_slice %arg21[%add3A_564, %dma_wait3A_565] : memref<64x128xi32, #tpu.memory_space<vmem>> -> memref<1x128xi32, #tpu.memory_space<vmem>>
      %dma_wait3A_567 = tpu.memref_squeeze %dma_wait3A_566 : memref<1x128xi32, #tpu.memory_space<vmem>> -> memref<128xi32, #tpu.memory_space<vmem>>
      %dma_wait3A_568 = arith.constant 0 : i32
      %dma_wait3A_569 = tpu.memref_slice %arg20[%add3A_560, %dma_wait3A_568] : memref<64x128xi32, #tpu.memory_space<vmem>> -> memref<1x128xi32, #tpu.memory_space<vmem>>
      %dma_wait3A_570 = tpu.memref_squeeze %dma_wait3A_569 : memref<1x128xi32, #tpu.memory_space<vmem>> -> memref<128xi32, #tpu.memory_space<vmem>>
      %dma_wait3A_571 = arith.constant 0 : i32
      %dma_wait3A_572 = tpu.memref_slice %arg11[%dma_wait3A_571] : memref<100000xi32, #tpu.memory_space<hbm>> -> memref<100000xi32, #tpu.memory_space<hbm>>
      tpu.wait_indirect_dma semaphore(%arg22 : memref<!tpu.dma_semaphore, #tpu.memory_space<semaphore_mem>>) src(%dma_wait3A_572 : memref<100000xi32, #tpu.memory_space<hbm>>) dst(%dma_wait3A_567 : memref<128xi32, #tpu.memory_space<vmem>>)
      %mul3A_573 = arith.constant 4 : i32
      %mul3A_574 = arith.muli %mul3A_573, %scan3A_504 : i32
      %add3A_575 = arith.constant 1 : i32
      %add3A_576 = arith.addi %mul3A_574, %add3A_575 : i32
      %mul3A_577 = arith.constant 4 : i32
      %mul3A_578 = arith.muli %mul3A_577, %add3A_576 : i32
      %add3A_579 = arith.constant 0 : i32
      %add3A_580 = arith.addi %mul3A_578, %add3A_579 : i32
      %mul3A_581 = arith.constant 4 : i32
      %mul3A_582 = arith.muli %mul3A_581, %add3A_576 : i32
      %add3A_583 = arith.constant 0 : i32
      %add3A_584 = arith.addi %mul3A_582, %add3A_583 : i32
      %dma_wait3A_585 = arith.constant 0 : i32
      %dma_wait3A_586 = tpu.memref_slice %arg21[%add3A_584, %dma_wait3A_585] : memref<64x128xi32, #tpu.memory_space<vmem>> -> memref<1x128xi32, #tpu.memory_space<vmem>>
      %dma_wait3A_587 = tpu.memref_squeeze %dma_wait3A_586 : memref<1x128xi32, #tpu.memory_space<vmem>> -> memref<128xi32, #tpu.memory_space<vmem>>
      %dma_wait3A_588 = arith.constant 0 : i32
      %dma_wait3A_589 = tpu.memref_slice %arg20[%add3A_580, %dma_wait3A_588] : memref<64x128xi32, #tpu.memory_space<vmem>> -> memref<1x128xi32, #tpu.memory_space<vmem>>
      %dma_wait3A_590 = tpu.memref_squeeze %dma_wait3A_589 : memref<1x128xi32, #tpu.memory_space<vmem>> -> memref<128xi32, #tpu.memory_space<vmem>>
      %dma_wait3A_591 = arith.constant 0 : i32
      %dma_wait3A_592 = tpu.memref_slice %arg11[%dma_wait3A_591] : memref<100000xi32, #tpu.memory_space<hbm>> -> memref<100000xi32, #tpu.memory_space<hbm>>
      tpu.wait_indirect_dma semaphore(%arg22 : memref<!tpu.dma_semaphore, #tpu.memory_space<semaphore_mem>>) src(%dma_wait3A_592 : memref<100000xi32, #tpu.memory_space<hbm>>) dst(%dma_wait3A_587 : memref<128xi32, #tpu.memory_space<vmem>>)
      %mul3A_593 = arith.constant 4 : i32
      %mul3A_594 = arith.muli %mul3A_593, %add3A_576 : i32
      %add3A_595 = arith.constant 1 : i32
      %add3A_596 = arith.addi %mul3A_594, %add3A_595 : i32
      %mul3A_597 = arith.constant 4 : i32
      %mul3A_598 = arith.muli %mul3A_597, %add3A_576 : i32
      %add3A_599 = arith.constant 1 : i32
      %add3A_600 = arith.addi %mul3A_598, %add3A_599 : i32
      %dma_wait3A_601 = arith.constant 0 : i32
      %dma_wait3A_602 = tpu.memref_slice %arg21[%add3A_600, %dma_wait3A_601] : memref<64x128xi32, #tpu.memory_space<vmem>> -> memref<1x128xi32, #tpu.memory_space<vmem>>
      %dma_wait3A_603 = tpu.memref_squeeze %dma_wait3A_602 : memref<1x128xi32, #tpu.memory_space<vmem>> -> memref<128xi32, #tpu.memory_space<vmem>>
      %dma_wait3A_604 = arith.constant 0 : i32
      %dma_wait3A_605 = tpu.memref_slice %arg20[%add3A_596, %dma_wait3A_604] : memref<64x128xi32, #tpu.memory_space<vmem>> -> memref<1x128xi32, #tpu.memory_space<vmem>>
      %dma_wait3A_606 = tpu.memref_squeeze %dma_wait3A_605 : memref<1x128xi32, #tpu.memory_space<vmem>> -> memref<128xi32, #tpu.memory_space<vmem>>
      %dma_wait3A_607 = arith.constant 0 : i32
      %dma_wait3A_608 = tpu.memref_slice %arg11[%dma_wait3A_607] : memref<100000xi32, #tpu.memory_space<hbm>> -> memref<100000xi32, #tpu.memory_space<hbm>>
      tpu.wait_indirect_dma semaphore(%arg22 : memref<!tpu.dma_semaphore, #tpu.memory_space<semaphore_mem>>) src(%dma_wait3A_608 : memref<100000xi32, #tpu.memory_space<hbm>>) dst(%dma_wait3A_603 : memref<128xi32, #tpu.memory_space<vmem>>)
      %mul3A_609 = arith.constant 4 : i32
      %mul3A_610 = arith.muli %mul3A_609, %add3A_576 : i32
      %add3A_611 = arith.constant 2 : i32
      %add3A_612 = arith.addi %mul3A_610, %add3A_611 : i32
      %mul3A_613 = arith.constant 4 : i32
      %mul3A_614 = arith.muli %mul3A_613, %add3A_576 : i32
      %add3A_615 = arith.constant 2 : i32
      %add3A_616 = arith.addi %mul3A_614, %add3A_615 : i32
      %dma_wait3A_617 = arith.constant 0 : i32
      %dma_wait3A_618 = tpu.memref_slice %arg21[%add3A_616, %dma_wait3A_617] : memref<64x128xi32, #tpu.memory_space<vmem>> -> memref<1x128xi32, #tpu.memory_space<vmem>>
      %dma_wait3A_619 = tpu.memref_squeeze %dma_wait3A_618 : memref<1x128xi32, #tpu.memory_space<vmem>> -> memref<128xi32, #tpu.memory_space<vmem>>
      %dma_wait3A_620 = arith.constant 0 : i32
      %dma_wait3A_621 = tpu.memref_slice %arg20[%add3A_612, %dma_wait3A_620] : memref<64x128xi32, #tpu.memory_space<vmem>> -> memref<1x128xi32, #tpu.memory_space<vmem>>
      %dma_wait3A_622 = tpu.memref_squeeze %dma_wait3A_621 : memref<1x128xi32, #tpu.memory_space<vmem>> -> memref<128xi32, #tpu.memory_space<vmem>>
      %dma_wait3A_623 = arith.constant 0 : i32
      %dma_wait3A_624 = tpu.memref_slice %arg11[%dma_wait3A_623] : memref<100000xi32, #tpu.memory_space<hbm>> -> memref<100000xi32, #tpu.memory_space<hbm>>
      tpu.wait_indirect_dma semaphore(%arg22 : memref<!tpu.dma_semaphore, #tpu.memory_space<semaphore_mem>>) src(%dma_wait3A_624 : memref<100000xi32, #tpu.memory_space<hbm>>) dst(%dma_wait3A_619 : memref<128xi32, #tpu.memory_space<vmem>>)
      %mul3A_625 = arith.constant 4 : i32
      %mul3A_626 = arith.muli %mul3A_625, %add3A_576 : i32
      %add3A_627 = arith.constant 3 : i32
      %add3A_628 = arith.addi %mul3A_626, %add3A_627 : i32
      %mul3A_629 = arith.constant 4 : i32
      %mul3A_630 = arith.muli %mul3A_629, %add3A_576 : i32
      %add3A_631 = arith.constant 3 : i32
      %add3A_632 = arith.addi %mul3A_630, %add3A_631 : i32
      %dma_wait3A_633 = arith.constant 0 : i32
      %dma_wait3A_634 = tpu.memref_slice %arg21[%add3A_632, %dma_wait3A_633] : memref<64x128xi32, #tpu.memory_space<vmem>> -> memref<1x128xi32, #tpu.memory_space<vmem>>
      %dma_wait3A_635 = tpu.memref_squeeze %dma_wait3A_634 : memref<1x128xi32, #tpu.memory_space<vmem>> -> memref<128xi32, #tpu.memory_space<vmem>>
      %dma_wait3A_636 = arith.constant 0 : i32
      %dma_wait3A_637 = tpu.memref_slice %arg20[%add3A_628, %dma_wait3A_636] : memref<64x128xi32, #tpu.memory_space<vmem>> -> memref<1x128xi32, #tpu.memory_space<vmem>>
      %dma_wait3A_638 = tpu.memref_squeeze %dma_wait3A_637 : memref<1x128xi32, #tpu.memory_space<vmem>> -> memref<128xi32, #tpu.memory_space<vmem>>
      %dma_wait3A_639 = arith.constant 0 : i32
      %dma_wait3A_640 = tpu.memref_slice %arg11[%dma_wait3A_639] : memref<100000xi32, #tpu.memory_space<hbm>> -> memref<100000xi32, #tpu.memory_space<hbm>>
      tpu.wait_indirect_dma semaphore(%arg22 : memref<!tpu.dma_semaphore, #tpu.memory_space<semaphore_mem>>) src(%dma_wait3A_640 : memref<100000xi32, #tpu.memory_space<hbm>>) dst(%dma_wait3A_635 : memref<128xi32, #tpu.memory_space<vmem>>)
      %mul3A_641 = arith.constant 4 : i32
      %mul3A_642 = arith.muli %mul3A_641, %scan3A_504 : i32
      %add3A_643 = arith.constant 2 : i32
      %add3A_644 = arith.addi %mul3A_642, %add3A_643 : i32
      %mul3A_645 = arith.constant 4 : i32
      %mul3A_646 = arith.muli %mul3A_645, %add3A_644 : i32
      %add3A_647 = arith.constant 0 : i32
      %add3A_648 = arith.addi %mul3A_646, %add3A_647 : i32
      %mul3A_649 = arith.constant 4 : i32
      %mul3A_650 = arith.muli %mul3A_649, %add3A_644 : i32
      %add3A_651 = arith.constant 0 : i32
      %add3A_652 = arith.addi %mul3A_650, %add3A_651 : i32
      %dma_wait3A_653 = arith.constant 0 : i32
      %dma_wait3A_654 = tpu.memref_slice %arg21[%add3A_652, %dma_wait3A_653] : memref<64x128xi32, #tpu.memory_space<vmem>> -> memref<1x128xi32, #tpu.memory_space<vmem>>
      %dma_wait3A_655 = tpu.memref_squeeze %dma_wait3A_654 : memref<1x128xi32, #tpu.memory_space<vmem>> -> memref<128xi32, #tpu.memory_space<vmem>>
      %dma_wait3A_656 = arith.constant 0 : i32
      %dma_wait3A_657 = tpu.memref_slice %arg20[%add3A_648, %dma_wait3A_656] : memref<64x128xi32, #tpu.memory_space<vmem>> -> memref<1x128xi32, #tpu.memory_space<vmem>>
      %dma_wait3A_658 = tpu.memref_squeeze %dma_wait3A_657 : memref<1x128xi32, #tpu.memory_space<vmem>> -> memref<128xi32, #tpu.memory_space<vmem>>
      %dma_wait3A_659 = arith.constant 0 : i32
      %dma_wait3A_660 = tpu.memref_slice %arg11[%dma_wait3A_659] : memref<100000xi32, #tpu.memory_space<hbm>> -> memref<100000xi32, #tpu.memory_space<hbm>>
      tpu.wait_indirect_dma semaphore(%arg22 : memref<!tpu.dma_semaphore, #tpu.memory_space<semaphore_mem>>) src(%dma_wait3A_660 : memref<100000xi32, #tpu.memory_space<hbm>>) dst(%dma_wait3A_655 : memref<128xi32, #tpu.memory_space<vmem>>)
      %mul3A_661 = arith.constant 4 : i32
      %mul3A_662 = arith.muli %mul3A_661, %add3A_644 : i32
      %add3A_663 = arith.constant 1 : i32
      %add3A_664 = arith.addi %mul3A_662, %add3A_663 : i32
      %mul3A_665 = arith.constant 4 : i32
      %mul3A_666 = arith.muli %mul3A_665, %add3A_644 : i32
      %add3A_667 = arith.constant 1 : i32
      %add3A_668 = arith.addi %mul3A_666, %add3A_667 : i32
      %dma_wait3A_669 = arith.constant 0 : i32
      %dma_wait3A_670 = tpu.memref_slice %arg21[%add3A_668, %dma_wait3A_669] : memref<64x128xi32, #tpu.memory_space<vmem>> -> memref<1x128xi32, #tpu.memory_space<vmem>>
      %dma_wait3A_671 = tpu.memref_squeeze %dma_wait3A_670 : memref<1x128xi32, #tpu.memory_space<vmem>> -> memref<128xi32, #tpu.memory_space<vmem>>
      %dma_wait3A_672 = arith.constant 0 : i32
      %dma_wait3A_673 = tpu.memref_slice %arg20[%add3A_664, %dma_wait3A_672] : memref<64x128xi32, #tpu.memory_space<vmem>> -> memref<1x128xi32, #tpu.memory_space<vmem>>
      %dma_wait3A_674 = tpu.memref_squeeze %dma_wait3A_673 : memref<1x128xi32, #tpu.memory_space<vmem>> -> memref<128xi32, #tpu.memory_space<vmem>>
      %dma_wait3A_675 = arith.constant 0 : i32
      %dma_wait3A_676 = tpu.memref_slice %arg11[%dma_wait3A_675] : memref<100000xi32, #tpu.memory_space<hbm>> -> memref<100000xi32, #tpu.memory_space<hbm>>
      tpu.wait_indirect_dma semaphore(%arg22 : memref<!tpu.dma_semaphore, #tpu.memory_space<semaphore_mem>>) src(%dma_wait3A_676 : memref<100000xi32, #tpu.memory_space<hbm>>) dst(%dma_wait3A_671 : memref<128xi32, #tpu.memory_space<vmem>>)
      %mul3A_677 = arith.constant 4 : i32
      %mul3A_678 = arith.muli %mul3A_677, %add3A_644 : i32
      %add3A_679 = arith.constant 2 : i32
      %add3A_680 = arith.addi %mul3A_678, %add3A_679 : i32
      %mul3A_681 = arith.constant 4 : i32
      %mul3A_682 = arith.muli %mul3A_681, %add3A_644 : i32
      %add3A_683 = arith.constant 2 : i32
      %add3A_684 = arith.addi %mul3A_682, %add3A_683 : i32
      %dma_wait3A_685 = arith.constant 0 : i32
      %dma_wait3A_686 = tpu.memref_slice %arg21[%add3A_684, %dma_wait3A_685] : memref<64x128xi32, #tpu.memory_space<vmem>> -> memref<1x128xi32, #tpu.memory_space<vmem>>
      %dma_wait3A_687 = tpu.memref_squeeze %dma_wait3A_686 : memref<1x128xi32, #tpu.memory_space<vmem>> -> memref<128xi32, #tpu.memory_space<vmem>>
      %dma_wait3A_688 = arith.constant 0 : i32
      %dma_wait3A_689 = tpu.memref_slice %arg20[%add3A_680, %dma_wait3A_688] : memref<64x128xi32, #tpu.memory_space<vmem>> -> memref<1x128xi32, #tpu.memory_space<vmem>>
      %dma_wait3A_690 = tpu.memref_squeeze %dma_wait3A_689 : memref<1x128xi32, #tpu.memory_space<vmem>> -> memref<128xi32, #tpu.memory_space<vmem>>
      %dma_wait3A_691 = arith.constant 0 : i32
      %dma_wait3A_692 = tpu.memref_slice %arg11[%dma_wait3A_691] : memref<100000xi32, #tpu.memory_space<hbm>> -> memref<100000xi32, #tpu.memory_space<hbm>>
      tpu.wait_indirect_dma semaphore(%arg22 : memref<!tpu.dma_semaphore, #tpu.memory_space<semaphore_mem>>) src(%dma_wait3A_692 : memref<100000xi32, #tpu.memory_space<hbm>>) dst(%dma_wait3A_687 : memref<128xi32, #tpu.memory_space<vmem>>)
      %mul3A_693 = arith.constant 4 : i32
      %mul3A_694 = arith.muli %mul3A_693, %add3A_644 : i32
      %add3A_695 = arith.constant 3 : i32
      %add3A_696 = arith.addi %mul3A_694, %add3A_695 : i32
      %mul3A_697 = arith.constant 4 : i32
      %mul3A_698 = arith.muli %mul3A_697, %add3A_644 : i32
      %add3A_699 = arith.constant 3 : i32
      %add3A_700 = arith.addi %mul3A_698, %add3A_699 : i32
      %dma_wait3A_701 = arith.constant 0 : i32
      %dma_wait3A_702 = tpu.memref_slice %arg21[%add3A_700, %dma_wait3A_701] : memref<64x128xi32, #tpu.memory_space<vmem>> -> memref<1x128xi32, #tpu.memory_space<vmem>>
      %dma_wait3A_703 = tpu.memref_squeeze %dma_wait3A_702 : memref<1x128xi32, #tpu.memory_space<vmem>> -> memref<128xi32, #tpu.memory_space<vmem>>
      %dma_wait3A_704 = arith.constant 0 : i32
      %dma_wait3A_705 = tpu.memref_slice %arg20[%add3A_696, %dma_wait3A_704] : memref<64x128xi32, #tpu.memory_space<vmem>> -> memref<1x128xi32, #tpu.memory_space<vmem>>
      %dma_wait3A_706 = tpu.memref_squeeze %dma_wait3A_705 : memref<1x128xi32, #tpu.memory_space<vmem>> -> memref<128xi32, #tpu.memory_space<vmem>>
      %dma_wait3A_707 = arith.constant 0 : i32
      %dma_wait3A_708 = tpu.memref_slice %arg11[%dma_wait3A_707] : memref<100000xi32, #tpu.memory_space<hbm>> -> memref<100000xi32, #tpu.memory_space<hbm>>
      tpu.wait_indirect_dma semaphore(%arg22 : memref<!tpu.dma_semaphore, #tpu.memory_space<semaphore_mem>>) src(%dma_wait3A_708 : memref<100000xi32, #tpu.memory_space<hbm>>) dst(%dma_wait3A_703 : memref<128xi32, #tpu.memory_space<vmem>>)
      %mul3A_709 = arith.constant 4 : i32
      %mul3A_710 = arith.muli %mul3A_709, %scan3A_504 : i32
      %add3A_711 = arith.constant 3 : i32
      %add3A_712 = arith.addi %mul3A_710, %add3A_711 : i32
      %mul3A_713 = arith.constant 4 : i32
      %mul3A_714 = arith.muli %mul3A_713, %add3A_712 : i32
      %add3A_715 = arith.constant 0 : i32
      %add3A_716 = arith.addi %mul3A_714, %add3A_715 : i32
      %mul3A_717 = arith.constant 4 : i32
      %mul3A_718 = arith.muli %mul3A_717, %add3A_712 : i32
      %add3A_719 = arith.constant 0 : i32
      %add3A_720 = arith.addi %mul3A_718, %add3A_719 : i32
      %dma_wait3A_721 = arith.constant 0 : i32
      %dma_wait3A_722 = tpu.memref_slice %arg21[%add3A_720, %dma_wait3A_721] : memref<64x128xi32, #tpu.memory_space<vmem>> -> memref<1x128xi32, #tpu.memory_space<vmem>>
      %dma_wait3A_723 = tpu.memref_squeeze %dma_wait3A_722 : memref<1x128xi32, #tpu.memory_space<vmem>> -> memref<128xi32, #tpu.memory_space<vmem>>
      %dma_wait3A_724 = arith.constant 0 : i32
      %dma_wait3A_725 = tpu.memref_slice %arg20[%add3A_716, %dma_wait3A_724] : memref<64x128xi32, #tpu.memory_space<vmem>> -> memref<1x128xi32, #tpu.memory_space<vmem>>
      %dma_wait3A_726 = tpu.memref_squeeze %dma_wait3A_725 : memref<1x128xi32, #tpu.memory_space<vmem>> -> memref<128xi32, #tpu.memory_space<vmem>>
      %dma_wait3A_727 = arith.constant 0 : i32
      %dma_wait3A_728 = tpu.memref_slice %arg11[%dma_wait3A_727] : memref<100000xi32, #tpu.memory_space<hbm>> -> memref<100000xi32, #tpu.memory_space<hbm>>
      tpu.wait_indirect_dma semaphore(%arg22 : memref<!tpu.dma_semaphore, #tpu.memory_space<semaphore_mem>>) src(%dma_wait3A_728 : memref<100000xi32, #tpu.memory_space<hbm>>) dst(%dma_wait3A_723 : memref<128xi32, #tpu.memory_space<vmem>>)
      %mul3A_729 = arith.constant 4 : i32
      %mul3A_730 = arith.muli %mul3A_729, %add3A_712 : i32
      %add3A_731 = arith.constant 1 : i32
      %add3A_732 = arith.addi %mul3A_730, %add3A_731 : i32
      %mul3A_733 = arith.constant 4 : i32
      %mul3A_734 = arith.muli %mul3A_733, %add3A_712 : i32
      %add3A_735 = arith.constant 1 : i32
      %add3A_736 = arith.addi %mul3A_734, %add3A_735 : i32
      %dma_wait3A_737 = arith.constant 0 : i32
      %dma_wait3A_738 = tpu.memref_slice %arg21[%add3A_736, %dma_wait3A_737] : memref<64x128xi32, #tpu.memory_space<vmem>> -> memref<1x128xi32, #tpu.memory_space<vmem>>
      %dma_wait3A_739 = tpu.memref_squeeze %dma_wait3A_738 : memref<1x128xi32, #tpu.memory_space<vmem>> -> memref<128xi32, #tpu.memory_space<vmem>>
      %dma_wait3A_740 = arith.constant 0 : i32
      %dma_wait3A_741 = tpu.memref_slice %arg20[%add3A_732, %dma_wait3A_740] : memref<64x128xi32, #tpu.memory_space<vmem>> -> memref<1x128xi32, #tpu.memory_space<vmem>>
      %dma_wait3A_742 = tpu.memref_squeeze %dma_wait3A_741 : memref<1x128xi32, #tpu.memory_space<vmem>> -> memref<128xi32, #tpu.memory_space<vmem>>
      %dma_wait3A_743 = arith.constant 0 : i32
      %dma_wait3A_744 = tpu.memref_slice %arg11[%dma_wait3A_743] : memref<100000xi32, #tpu.memory_space<hbm>> -> memref<100000xi32, #tpu.memory_space<hbm>>
      tpu.wait_indirect_dma semaphore(%arg22 : memref<!tpu.dma_semaphore, #tpu.memory_space<semaphore_mem>>) src(%dma_wait3A_744 : memref<100000xi32, #tpu.memory_space<hbm>>) dst(%dma_wait3A_739 : memref<128xi32, #tpu.memory_space<vmem>>)
      %mul3A_745 = arith.constant 4 : i32
      %mul3A_746 = arith.muli %mul3A_745, %add3A_712 : i32
      %add3A_747 = arith.constant 2 : i32
      %add3A_748 = arith.addi %mul3A_746, %add3A_747 : i32
      %mul3A_749 = arith.constant 4 : i32
      %mul3A_750 = arith.muli %mul3A_749, %add3A_712 : i32
      %add3A_751 = arith.constant 2 : i32
      %add3A_752 = arith.addi %mul3A_750, %add3A_751 : i32
      %dma_wait3A_753 = arith.constant 0 : i32
      %dma_wait3A_754 = tpu.memref_slice %arg21[%add3A_752, %dma_wait3A_753] : memref<64x128xi32, #tpu.memory_space<vmem>> -> memref<1x128xi32, #tpu.memory_space<vmem>>
      %dma_wait3A_755 = tpu.memref_squeeze %dma_wait3A_754 : memref<1x128xi32, #tpu.memory_space<vmem>> -> memref<128xi32, #tpu.memory_space<vmem>>
      %dma_wait3A_756 = arith.constant 0 : i32
      %dma_wait3A_757 = tpu.memref_slice %arg20[%add3A_748, %dma_wait3A_756] : memref<64x128xi32, #tpu.memory_space<vmem>> -> memref<1x128xi32, #tpu.memory_space<vmem>>
      %dma_wait3A_758 = tpu.memref_squeeze %dma_wait3A_757 : memref<1x128xi32, #tpu.memory_space<vmem>> -> memref<128xi32, #tpu.memory_space<vmem>>
      %dma_wait3A_759 = arith.constant 0 : i32
      %dma_wait3A_760 = tpu.memref_slice %arg11[%dma_wait3A_759] : memref<100000xi32, #tpu.memory_space<hbm>> -> memref<100000xi32, #tpu.memory_space<hbm>>
      tpu.wait_indirect_dma semaphore(%arg22 : memref<!tpu.dma_semaphore, #tpu.memory_space<semaphore_mem>>) src(%dma_wait3A_760 : memref<100000xi32, #tpu.memory_space<hbm>>) dst(%dma_wait3A_755 : memref<128xi32, #tpu.memory_space<vmem>>)
      %mul3A_761 = arith.constant 4 : i32
      %mul3A_762 = arith.muli %mul3A_761, %add3A_712 : i32
      %add3A_763 = arith.constant 3 : i32
      %add3A_764 = arith.addi %mul3A_762, %add3A_763 : i32
      %mul3A_765 = arith.constant 4 : i32
      %mul3A_766 = arith.muli %mul3A_765, %add3A_712 : i32
      %add3A_767 = arith.constant 3 : i32
      %add3A_768 = arith.addi %mul3A_766, %add3A_767 : i32
      %dma_wait3A_769 = arith.constant 0 : i32
      %dma_wait3A_770 = tpu.memref_slice %arg21[%add3A_768, %dma_wait3A_769] : memref<64x128xi32, #tpu.memory_space<vmem>> -> memref<1x128xi32, #tpu.memory_space<vmem>>
      %dma_wait3A_771 = tpu.memref_squeeze %dma_wait3A_770 : memref<1x128xi32, #tpu.memory_space<vmem>> -> memref<128xi32, #tpu.memory_space<vmem>>
      %dma_wait3A_772 = arith.constant 0 : i32
      %dma_wait3A_773 = tpu.memref_slice %arg20[%add3A_764, %dma_wait3A_772] : memref<64x128xi32, #tpu.memory_space<vmem>> -> memref<1x128xi32, #tpu.memory_space<vmem>>
      %dma_wait3A_774 = tpu.memref_squeeze %dma_wait3A_773 : memref<1x128xi32, #tpu.memory_space<vmem>> -> memref<128xi32, #tpu.memory_space<vmem>>
      %dma_wait3A_775 = arith.constant 0 : i32
      %dma_wait3A_776 = tpu.memref_slice %arg11[%dma_wait3A_775] : memref<100000xi32, #tpu.memory_space<hbm>> -> memref<100000xi32, #tpu.memory_space<hbm>>
      tpu.wait_indirect_dma semaphore(%arg22 : memref<!tpu.dma_semaphore, #tpu.memory_space<semaphore_mem>>) src(%dma_wait3A_776 : memref<100000xi32, #tpu.memory_space<hbm>>) dst(%dma_wait3A_771 : memref<128xi32, #tpu.memory_space<vmem>>)
    }
    %scan3A_495 = arith.constant 2 : i32
    %mul3A_496 = arith.constant 4 : i32
    %mul3A_497 = arith.muli %add3A, %mul3A_496 : i32
    "tpu.region"() ({
      %run_scoped3A = tpu.sem_alloc : memref<!tpu.dma_semaphore, #tpu.memory_space<semaphore_mem>>
      %dma_start3A_504 = arith.constant 0 : i32
      %dma_start3A_505 = tpu.memref_slice %arg12[%mul3A_497, %dma_start3A_504] : memref<128x128xi32, #tpu.memory_space<hbm>> -> memref<4x128xi32, #tpu.memory_space<hbm>>
      %dma_start3A_506 = arith.constant 0 : i32
      %dma_start3A_507 = tpu.memref_slice %arg12[%mul3A_497, %dma_start3A_506] : memref<128x128xi32, #tpu.memory_space<hbm>> -> memref<4x128xi32, #tpu.memory_space<hbm>>
      tpu.enqueue_dma source(%arg17 : memref<4x128xi32, #tpu.memory_space<vmem>>) target(%dma_start3A_507 : memref<4x128xi32, #tpu.memory_space<hbm>>) target_semaphore(%run_scoped3A : memref<!tpu.dma_semaphore, #tpu.memory_space<semaphore_mem>>)
      %dma_wait3A_508 = arith.constant 0 : i32
      %dma_wait3A_509 = tpu.memref_slice %arg12[%mul3A_497, %dma_wait3A_508] : memref<128x128xi32, #tpu.memory_space<hbm>> -> memref<4x128xi32, #tpu.memory_space<hbm>>
      %dma_wait3A_510 = arith.constant 0 : i32
      %dma_wait3A_511 = tpu.memref_slice %arg12[%mul3A_497, %dma_wait3A_510] : memref<128x128xi32, #tpu.memory_space<hbm>> -> memref<4x128xi32, #tpu.memory_space<hbm>>
      tpu.wait_dma2 semaphore(%run_scoped3A : memref<!tpu.dma_semaphore, #tpu.memory_space<semaphore_mem>>) src(%arg17 : memref<4x128xi32, #tpu.memory_space<vmem>>) dst(%dma_wait3A_511 : memref<4x128xi32, #tpu.memory_space<hbm>>)
      tpu.yield
    }) : () -> ()
    %mul3A_498 = arith.constant 4 : i32
    %mul3A_499 = arith.muli %add3A, %mul3A_498 : i32
    "tpu.region"() ({
      %run_scoped3A = tpu.sem_alloc : memref<!tpu.dma_semaphore, #tpu.memory_space<semaphore_mem>>
      %dma_start3A_504 = arith.constant 0 : i32
      %dma_start3A_505 = tpu.memref_slice %arg13[%mul3A_499, %dma_start3A_504] : memref<128x128xi32, #tpu.memory_space<hbm>> -> memref<4x128xi32, #tpu.memory_space<hbm>>
      %dma_start3A_506 = arith.constant 0 : i32
      %dma_start3A_507 = tpu.memref_slice %arg13[%mul3A_499, %dma_start3A_506] : memref<128x128xi32, #tpu.memory_space<hbm>> -> memref<4x128xi32, #tpu.memory_space<hbm>>
      tpu.enqueue_dma source(%arg18 : memref<4x128xi32, #tpu.memory_space<vmem>>) target(%dma_start3A_507 : memref<4x128xi32, #tpu.memory_space<hbm>>) target_semaphore(%run_scoped3A : memref<!tpu.dma_semaphore, #tpu.memory_space<semaphore_mem>>)
      %dma_wait3A_508 = arith.constant 0 : i32
      %dma_wait3A_509 = tpu.memref_slice %arg13[%mul3A_499, %dma_wait3A_508] : memref<128x128xi32, #tpu.memory_space<hbm>> -> memref<4x128xi32, #tpu.memory_space<hbm>>
      %dma_wait3A_510 = arith.constant 0 : i32
      %dma_wait3A_511 = tpu.memref_slice %arg13[%mul3A_499, %dma_wait3A_510] : memref<128x128xi32, #tpu.memory_space<hbm>> -> memref<4x128xi32, #tpu.memory_space<hbm>>
      tpu.wait_dma2 semaphore(%run_scoped3A : memref<!tpu.dma_semaphore, #tpu.memory_space<semaphore_mem>>) src(%arg18 : memref<4x128xi32, #tpu.memory_space<vmem>>) dst(%dma_wait3A_511 : memref<4x128xi32, #tpu.memory_space<hbm>>)
      tpu.yield
    }) : () -> ()
    %mul3A_500 = arith.constant 64 : i32
    %mul3A_501 = arith.muli %add3A, %mul3A_500 : i32
    "tpu.region"() ({
      %run_scoped3A = tpu.sem_alloc : memref<!tpu.dma_semaphore, #tpu.memory_space<semaphore_mem>>
      %dma_start3A_504 = arith.constant 0 : i32
      %dma_start3A_505 = tpu.memref_slice %arg14[%mul3A_501, %dma_start3A_504] : memref<2048x128xi32, #tpu.memory_space<hbm>> -> memref<64x128xi32, #tpu.memory_space<hbm>>
      %dma_start3A_506 = arith.constant 0 : i32
      %dma_start3A_507 = tpu.memref_slice %arg14[%mul3A_501, %dma_start3A_506] : memref<2048x128xi32, #tpu.memory_space<hbm>> -> memref<64x128xi32, #tpu.memory_space<hbm>>
      tpu.enqueue_dma source(%arg20 : memref<64x128xi32, #tpu.memory_space<vmem>>) target(%dma_start3A_507 : memref<64x128xi32, #tpu.memory_space<hbm>>) target_semaphore(%run_scoped3A : memref<!tpu.dma_semaphore, #tpu.memory_space<semaphore_mem>>)
      %dma_wait3A_508 = arith.constant 0 : i32
      %dma_wait3A_509 = tpu.memref_slice %arg14[%mul3A_501, %dma_wait3A_508] : memref<2048x128xi32, #tpu.memory_space<hbm>> -> memref<64x128xi32, #tpu.memory_space<hbm>>
      %dma_wait3A_510 = arith.constant 0 : i32
      %dma_wait3A_511 = tpu.memref_slice %arg14[%mul3A_501, %dma_wait3A_510] : memref<2048x128xi32, #tpu.memory_space<hbm>> -> memref<64x128xi32, #tpu.memory_space<hbm>>
      tpu.wait_dma2 semaphore(%run_scoped3A : memref<!tpu.dma_semaphore, #tpu.memory_space<semaphore_mem>>) src(%arg20 : memref<64x128xi32, #tpu.memory_space<vmem>>) dst(%dma_wait3A_511 : memref<64x128xi32, #tpu.memory_space<hbm>>)
      tpu.yield
    }) : () -> ()
    %mul3A_502 = arith.constant 64 : i32
    %mul3A_503 = arith.muli %add3A, %mul3A_502 : i32
    "tpu.region"() ({
      %run_scoped3A = tpu.sem_alloc : memref<!tpu.dma_semaphore, #tpu.memory_space<semaphore_mem>>
      %dma_start3A_504 = arith.constant 0 : i32
      %dma_start3A_505 = tpu.memref_slice %arg15[%mul3A_503, %dma_start3A_504] : memref<2048x128xi32, #tpu.memory_space<hbm>> -> memref<64x128xi32, #tpu.memory_space<hbm>>
      %dma_start3A_506 = arith.constant 0 : i32
      %dma_start3A_507 = tpu.memref_slice %arg15[%mul3A_503, %dma_start3A_506] : memref<2048x128xi32, #tpu.memory_space<hbm>> -> memref<64x128xi32, #tpu.memory_space<hbm>>
      tpu.enqueue_dma source(%arg21 : memref<64x128xi32, #tpu.memory_space<vmem>>) target(%dma_start3A_507 : memref<64x128xi32, #tpu.memory_space<hbm>>) target_semaphore(%run_scoped3A : memref<!tpu.dma_semaphore, #tpu.memory_space<semaphore_mem>>)
      %dma_wait3A_508 = arith.constant 0 : i32
      %dma_wait3A_509 = tpu.memref_slice %arg15[%mul3A_503, %dma_wait3A_508] : memref<2048x128xi32, #tpu.memory_space<hbm>> -> memref<64x128xi32, #tpu.memory_space<hbm>>
      %dma_wait3A_510 = arith.constant 0 : i32
      %dma_wait3A_511 = tpu.memref_slice %arg15[%mul3A_503, %dma_wait3A_510] : memref<2048x128xi32, #tpu.memory_space<hbm>> -> memref<64x128xi32, #tpu.memory_space<hbm>>
      tpu.wait_dma2 semaphore(%run_scoped3A : memref<!tpu.dma_semaphore, #tpu.memory_space<semaphore_mem>>) src(%arg21 : memref<64x128xi32, #tpu.memory_space<vmem>>) dst(%dma_wait3A_511 : memref<64x128xi32, #tpu.memory_space<hbm>>)
      tpu.yield
    }) : () -> ()
    return
  }
}

module attributes {stable_mosaic.version = 14 : i64} {
  func.func @_tc_body(%arg0: i32, %arg1: memref<2048x1xi32, #tpu.memory_space<vmem>>, %arg2: memref<2048x1xi32, #tpu.memory_space<vmem>>, %arg3: memref<2048x1xi32, #tpu.memory_space<vmem>>, %arg4: memref<256x128xi32, #tpu.memory_space<vmem>>, %arg5: memref<256x128xi32, #tpu.memory_space<vmem>>, %arg6: memref<128x512xf32, #tpu.memory_space<vmem>>, %arg7: memref<1x512xf32, #tpu.memory_space<vmem>>, %arg8: memref<512x128xf32, #tpu.memory_space<vmem>>, %arg9: memref<1x128xf32, #tpu.memory_space<vmem>>, %arg10: memref<128x128xf32, #tpu.memory_space<vmem>>) attributes {dimension_semantics = [#tpu.dimension_semantics<arbitrary>], iteration_bounds = array<i64: 8>, scalar_prefetch = 0 : i64, scratch_operands = 0 : i64, tpu.core_type = #tpu.core_type<tc>, window_params = [{transform_indices = @transform_0, window_bounds = array<i64: 2048, 1>}, {transform_indices = @transform_1, window_bounds = array<i64: 2048, 1>}, {transform_indices = @transform_2, window_bounds = array<i64: 2048, 1>}, {transform_indices = @transform_3, window_bounds = array<i64: 256, 128>}, {transform_indices = @transform_4, window_bounds = array<i64: 256, 128>}, {pipeline_mode = #tpu.pipeline_mode<synchronous>, transform_indices = @transform_5, window_bounds = array<i64: 128, 512>}, {pipeline_mode = #tpu.pipeline_mode<synchronous>, transform_indices = @transform_6, window_bounds = array<i64: 1, 512>}, {pipeline_mode = #tpu.pipeline_mode<synchronous>, transform_indices = @transform_7, window_bounds = array<i64: 512, 128>}, {pipeline_mode = #tpu.pipeline_mode<synchronous>, transform_indices = @transform_8, window_bounds = array<i64: 1, 128>}, {transform_indices = @transform_9, window_bounds = array<i64: 128, 128>}]} {
    %get3A = arith.constant 0 : index
    %get3A_0 = arith.constant 0 : index
    %get3A_1 = vector.load %arg4[%get3A, %get3A_0] : memref<256x128xi32, #tpu.memory_space<vmem>>, vector<256x128xi32>
    %reshape3A = vector.shape_cast %get3A_1 : vector<256x128xi32> to vector<4x4x16x128xi32>
    %transpose3A = tpu.transpose %reshape3A, [0, 1, 3, 2] : vector<4x4x16x128xi32> -> vector<4x4x128x16xi32>
    %reshape3A_2 = vector.shape_cast %transpose3A : vector<4x4x128x16xi32> to vector<2048x16xi32>
    %get3A_3 = arith.constant 0 : index
    %get3A_4 = arith.constant 0 : index
    %get3A_5 = vector.load %arg5[%get3A_3, %get3A_4] : memref<256x128xi32, #tpu.memory_space<vmem>>, vector<256x128xi32>
    %reshape3A_6 = vector.shape_cast %get3A_5 : vector<256x128xi32> to vector<4x4x16x128xi32>
    %transpose3A_7 = tpu.transpose %reshape3A_6, [0, 1, 3, 2] : vector<4x4x16x128xi32> -> vector<4x4x128x16xi32>
    %reshape3A_8 = vector.shape_cast %transpose3A_7 : vector<4x4x128x16xi32> to vector<2048x16xi32>
    %get3A_9 = arith.constant 0 : index
    %get3A_10 = arith.constant 0 : index
    %get3A_11 = vector.load %arg1[%get3A_9, %get3A_10] : memref<2048x1xi32, #tpu.memory_space<vmem>>, vector<2048x1xi32>
    %get3A_12 = arith.constant 0 : index
    %get3A_13 = arith.constant 0 : index
    %get3A_14 = vector.load %arg2[%get3A_12, %get3A_13] : memref<2048x1xi32, #tpu.memory_space<vmem>>, vector<2048x1xi32>
    %get3A_15 = arith.constant 0 : index
    %get3A_16 = arith.constant 0 : index
    %get3A_17 = vector.load %arg3[%get3A_15, %get3A_16] : memref<2048x1xi32, #tpu.memory_space<vmem>>, vector<2048x1xi32>
    %iota3A = tpu.iota {dimensions = array<i32: 1>} : vector<1x128xi32>
    %eq3A = vector.broadcast %get3A_11 : vector<2048x1xi32> to vector<2048x128xi32>
    %eq3A_18 = vector.broadcast %iota3A : vector<1x128xi32> to vector<2048x128xi32>
    %eq3A_19 = arith.cmpi eq, %eq3A, %eq3A_18 : vector<2048x128xi32>
    %convert_element_type3A = arith.extui %eq3A_19 : vector<2048x128xi1> to vector<2048x128xi32>
    %convert_element_type3A_20 = arith.sitofp %convert_element_type3A : vector<2048x128xi32> to vector<2048x128xf32>
    %ne3A = vector.broadcast %get3A_17 : vector<2048x1xi32> to vector<2048x16xi32>
    %ne3A_21 = arith.cmpi ne, %reshape3A_8, %ne3A : vector<2048x16xi32>
    %convert_element_type3A_22 = arith.extui %ne3A_21 : vector<2048x16xi1> to vector<2048x16xi32>
    %convert_element_type3A_23 = arith.sitofp %convert_element_type3A_22 : vector<2048x16xi32> to vector<2048x16xf32>
    %mul3A = arith.constant 6.250000e-02 : f32
    %mul3A_24 = vector.broadcast %mul3A : f32 to vector<2048x16xf32>
    %mul3A_25 = arith.mulf %convert_element_type3A_23, %mul3A_24 : vector<2048x16xf32>
    %slice3A = vector.extract_strided_slice %mul3A_25 {offsets = [0, 0], sizes = [2048, 1], strides = [1, 1]} : vector<2048x16xf32> to vector<2048x1xf32>
    %slice3A_26 = vector.extract_strided_slice %reshape3A_2 {offsets = [0, 0], sizes = [2048, 1], strides = [1, 1]} : vector<2048x16xi32> to vector<2048x1xi32>
    %eq3A_27 = vector.broadcast %slice3A_26 : vector<2048x1xi32> to vector<2048x128xi32>
    %eq3A_28 = vector.broadcast %iota3A : vector<1x128xi32> to vector<2048x128xi32>
    %eq3A_29 = arith.cmpi eq, %eq3A_27, %eq3A_28 : vector<2048x128xi32>
    %convert_element_type3A_30 = arith.extui %eq3A_29 : vector<2048x128xi1> to vector<2048x128xi32>
    %convert_element_type3A_31 = arith.sitofp %convert_element_type3A_30 : vector<2048x128xi32> to vector<2048x128xf32>
    %mul3A_32 = vector.broadcast %slice3A : vector<2048x1xf32> to vector<2048x128xf32>
    %mul3A_33 = arith.mulf %mul3A_32, %convert_element_type3A_31 : vector<2048x128xf32>
    %add3A = arith.addf %convert_element_type3A_20, %mul3A_33 : vector<2048x128xf32>
    %slice3A_34 = vector.extract_strided_slice %mul3A_25 {offsets = [0, 1], sizes = [2048, 1], strides = [1, 1]} : vector<2048x16xf32> to vector<2048x1xf32>
    %slice3A_35 = vector.extract_strided_slice %reshape3A_2 {offsets = [0, 1], sizes = [2048, 1], strides = [1, 1]} : vector<2048x16xi32> to vector<2048x1xi32>
    %eq3A_36 = vector.broadcast %slice3A_35 : vector<2048x1xi32> to vector<2048x128xi32>
    %eq3A_37 = vector.broadcast %iota3A : vector<1x128xi32> to vector<2048x128xi32>
    %eq3A_38 = arith.cmpi eq, %eq3A_36, %eq3A_37 : vector<2048x128xi32>
    %convert_element_type3A_39 = arith.extui %eq3A_38 : vector<2048x128xi1> to vector<2048x128xi32>
    %convert_element_type3A_40 = arith.sitofp %convert_element_type3A_39 : vector<2048x128xi32> to vector<2048x128xf32>
    %mul3A_41 = vector.broadcast %slice3A_34 : vector<2048x1xf32> to vector<2048x128xf32>
    %mul3A_42 = arith.mulf %mul3A_41, %convert_element_type3A_40 : vector<2048x128xf32>
    %add3A_43 = arith.addf %add3A, %mul3A_42 : vector<2048x128xf32>
    %slice3A_44 = vector.extract_strided_slice %mul3A_25 {offsets = [0, 2], sizes = [2048, 1], strides = [1, 1]} : vector<2048x16xf32> to vector<2048x1xf32>
    %slice3A_45 = vector.extract_strided_slice %reshape3A_2 {offsets = [0, 2], sizes = [2048, 1], strides = [1, 1]} : vector<2048x16xi32> to vector<2048x1xi32>
    %eq3A_46 = vector.broadcast %slice3A_45 : vector<2048x1xi32> to vector<2048x128xi32>
    %eq3A_47 = vector.broadcast %iota3A : vector<1x128xi32> to vector<2048x128xi32>
    %eq3A_48 = arith.cmpi eq, %eq3A_46, %eq3A_47 : vector<2048x128xi32>
    %convert_element_type3A_49 = arith.extui %eq3A_48 : vector<2048x128xi1> to vector<2048x128xi32>
    %convert_element_type3A_50 = arith.sitofp %convert_element_type3A_49 : vector<2048x128xi32> to vector<2048x128xf32>
    %mul3A_51 = vector.broadcast %slice3A_44 : vector<2048x1xf32> to vector<2048x128xf32>
    %mul3A_52 = arith.mulf %mul3A_51, %convert_element_type3A_50 : vector<2048x128xf32>
    %add3A_53 = arith.addf %add3A_43, %mul3A_52 : vector<2048x128xf32>
    %slice3A_54 = vector.extract_strided_slice %mul3A_25 {offsets = [0, 3], sizes = [2048, 1], strides = [1, 1]} : vector<2048x16xf32> to vector<2048x1xf32>
    %slice3A_55 = vector.extract_strided_slice %reshape3A_2 {offsets = [0, 3], sizes = [2048, 1], strides = [1, 1]} : vector<2048x16xi32> to vector<2048x1xi32>
    %eq3A_56 = vector.broadcast %slice3A_55 : vector<2048x1xi32> to vector<2048x128xi32>
    %eq3A_57 = vector.broadcast %iota3A : vector<1x128xi32> to vector<2048x128xi32>
    %eq3A_58 = arith.cmpi eq, %eq3A_56, %eq3A_57 : vector<2048x128xi32>
    %convert_element_type3A_59 = arith.extui %eq3A_58 : vector<2048x128xi1> to vector<2048x128xi32>
    %convert_element_type3A_60 = arith.sitofp %convert_element_type3A_59 : vector<2048x128xi32> to vector<2048x128xf32>
    %mul3A_61 = vector.broadcast %slice3A_54 : vector<2048x1xf32> to vector<2048x128xf32>
    %mul3A_62 = arith.mulf %mul3A_61, %convert_element_type3A_60 : vector<2048x128xf32>
    %add3A_63 = arith.addf %add3A_53, %mul3A_62 : vector<2048x128xf32>
    %slice3A_64 = vector.extract_strided_slice %mul3A_25 {offsets = [0, 4], sizes = [2048, 1], strides = [1, 1]} : vector<2048x16xf32> to vector<2048x1xf32>
    %slice3A_65 = vector.extract_strided_slice %reshape3A_2 {offsets = [0, 4], sizes = [2048, 1], strides = [1, 1]} : vector<2048x16xi32> to vector<2048x1xi32>
    %eq3A_66 = vector.broadcast %slice3A_65 : vector<2048x1xi32> to vector<2048x128xi32>
    %eq3A_67 = vector.broadcast %iota3A : vector<1x128xi32> to vector<2048x128xi32>
    %eq3A_68 = arith.cmpi eq, %eq3A_66, %eq3A_67 : vector<2048x128xi32>
    %convert_element_type3A_69 = arith.extui %eq3A_68 : vector<2048x128xi1> to vector<2048x128xi32>
    %convert_element_type3A_70 = arith.sitofp %convert_element_type3A_69 : vector<2048x128xi32> to vector<2048x128xf32>
    %mul3A_71 = vector.broadcast %slice3A_64 : vector<2048x1xf32> to vector<2048x128xf32>
    %mul3A_72 = arith.mulf %mul3A_71, %convert_element_type3A_70 : vector<2048x128xf32>
    %add3A_73 = arith.addf %add3A_63, %mul3A_72 : vector<2048x128xf32>
    %slice3A_74 = vector.extract_strided_slice %mul3A_25 {offsets = [0, 5], sizes = [2048, 1], strides = [1, 1]} : vector<2048x16xf32> to vector<2048x1xf32>
    %slice3A_75 = vector.extract_strided_slice %reshape3A_2 {offsets = [0, 5], sizes = [2048, 1], strides = [1, 1]} : vector<2048x16xi32> to vector<2048x1xi32>
    %eq3A_76 = vector.broadcast %slice3A_75 : vector<2048x1xi32> to vector<2048x128xi32>
    %eq3A_77 = vector.broadcast %iota3A : vector<1x128xi32> to vector<2048x128xi32>
    %eq3A_78 = arith.cmpi eq, %eq3A_76, %eq3A_77 : vector<2048x128xi32>
    %convert_element_type3A_79 = arith.extui %eq3A_78 : vector<2048x128xi1> to vector<2048x128xi32>
    %convert_element_type3A_80 = arith.sitofp %convert_element_type3A_79 : vector<2048x128xi32> to vector<2048x128xf32>
    %mul3A_81 = vector.broadcast %slice3A_74 : vector<2048x1xf32> to vector<2048x128xf32>
    %mul3A_82 = arith.mulf %mul3A_81, %convert_element_type3A_80 : vector<2048x128xf32>
    %add3A_83 = arith.addf %add3A_73, %mul3A_82 : vector<2048x128xf32>
    %slice3A_84 = vector.extract_strided_slice %mul3A_25 {offsets = [0, 6], sizes = [2048, 1], strides = [1, 1]} : vector<2048x16xf32> to vector<2048x1xf32>
    %slice3A_85 = vector.extract_strided_slice %reshape3A_2 {offsets = [0, 6], sizes = [2048, 1], strides = [1, 1]} : vector<2048x16xi32> to vector<2048x1xi32>
    %eq3A_86 = vector.broadcast %slice3A_85 : vector<2048x1xi32> to vector<2048x128xi32>
    %eq3A_87 = vector.broadcast %iota3A : vector<1x128xi32> to vector<2048x128xi32>
    %eq3A_88 = arith.cmpi eq, %eq3A_86, %eq3A_87 : vector<2048x128xi32>
    %convert_element_type3A_89 = arith.extui %eq3A_88 : vector<2048x128xi1> to vector<2048x128xi32>
    %convert_element_type3A_90 = arith.sitofp %convert_element_type3A_89 : vector<2048x128xi32> to vector<2048x128xf32>
    %mul3A_91 = vector.broadcast %slice3A_84 : vector<2048x1xf32> to vector<2048x128xf32>
    %mul3A_92 = arith.mulf %mul3A_91, %convert_element_type3A_90 : vector<2048x128xf32>
    %add3A_93 = arith.addf %add3A_83, %mul3A_92 : vector<2048x128xf32>
    %slice3A_94 = vector.extract_strided_slice %mul3A_25 {offsets = [0, 7], sizes = [2048, 1], strides = [1, 1]} : vector<2048x16xf32> to vector<2048x1xf32>
    %slice3A_95 = vector.extract_strided_slice %reshape3A_2 {offsets = [0, 7], sizes = [2048, 1], strides = [1, 1]} : vector<2048x16xi32> to vector<2048x1xi32>
    %eq3A_96 = vector.broadcast %slice3A_95 : vector<2048x1xi32> to vector<2048x128xi32>
    %eq3A_97 = vector.broadcast %iota3A : vector<1x128xi32> to vector<2048x128xi32>
    %eq3A_98 = arith.cmpi eq, %eq3A_96, %eq3A_97 : vector<2048x128xi32>
    %convert_element_type3A_99 = arith.extui %eq3A_98 : vector<2048x128xi1> to vector<2048x128xi32>
    %convert_element_type3A_100 = arith.sitofp %convert_element_type3A_99 : vector<2048x128xi32> to vector<2048x128xf32>
    %mul3A_101 = vector.broadcast %slice3A_94 : vector<2048x1xf32> to vector<2048x128xf32>
    %mul3A_102 = arith.mulf %mul3A_101, %convert_element_type3A_100 : vector<2048x128xf32>
    %add3A_103 = arith.addf %add3A_93, %mul3A_102 : vector<2048x128xf32>
    %slice3A_104 = vector.extract_strided_slice %mul3A_25 {offsets = [0, 8], sizes = [2048, 1], strides = [1, 1]} : vector<2048x16xf32> to vector<2048x1xf32>
    %slice3A_105 = vector.extract_strided_slice %reshape3A_2 {offsets = [0, 8], sizes = [2048, 1], strides = [1, 1]} : vector<2048x16xi32> to vector<2048x1xi32>
    %eq3A_106 = vector.broadcast %slice3A_105 : vector<2048x1xi32> to vector<2048x128xi32>
    %eq3A_107 = vector.broadcast %iota3A : vector<1x128xi32> to vector<2048x128xi32>
    %eq3A_108 = arith.cmpi eq, %eq3A_106, %eq3A_107 : vector<2048x128xi32>
    %convert_element_type3A_109 = arith.extui %eq3A_108 : vector<2048x128xi1> to vector<2048x128xi32>
    %convert_element_type3A_110 = arith.sitofp %convert_element_type3A_109 : vector<2048x128xi32> to vector<2048x128xf32>
    %mul3A_111 = vector.broadcast %slice3A_104 : vector<2048x1xf32> to vector<2048x128xf32>
    %mul3A_112 = arith.mulf %mul3A_111, %convert_element_type3A_110 : vector<2048x128xf32>
    %add3A_113 = arith.addf %add3A_103, %mul3A_112 : vector<2048x128xf32>
    %slice3A_114 = vector.extract_strided_slice %mul3A_25 {offsets = [0, 9], sizes = [2048, 1], strides = [1, 1]} : vector<2048x16xf32> to vector<2048x1xf32>
    %slice3A_115 = vector.extract_strided_slice %reshape3A_2 {offsets = [0, 9], sizes = [2048, 1], strides = [1, 1]} : vector<2048x16xi32> to vector<2048x1xi32>
    %eq3A_116 = vector.broadcast %slice3A_115 : vector<2048x1xi32> to vector<2048x128xi32>
    %eq3A_117 = vector.broadcast %iota3A : vector<1x128xi32> to vector<2048x128xi32>
    %eq3A_118 = arith.cmpi eq, %eq3A_116, %eq3A_117 : vector<2048x128xi32>
    %convert_element_type3A_119 = arith.extui %eq3A_118 : vector<2048x128xi1> to vector<2048x128xi32>
    %convert_element_type3A_120 = arith.sitofp %convert_element_type3A_119 : vector<2048x128xi32> to vector<2048x128xf32>
    %mul3A_121 = vector.broadcast %slice3A_114 : vector<2048x1xf32> to vector<2048x128xf32>
    %mul3A_122 = arith.mulf %mul3A_121, %convert_element_type3A_120 : vector<2048x128xf32>
    %add3A_123 = arith.addf %add3A_113, %mul3A_122 : vector<2048x128xf32>
    %slice3A_124 = vector.extract_strided_slice %mul3A_25 {offsets = [0, 10], sizes = [2048, 1], strides = [1, 1]} : vector<2048x16xf32> to vector<2048x1xf32>
    %slice3A_125 = vector.extract_strided_slice %reshape3A_2 {offsets = [0, 10], sizes = [2048, 1], strides = [1, 1]} : vector<2048x16xi32> to vector<2048x1xi32>
    %eq3A_126 = vector.broadcast %slice3A_125 : vector<2048x1xi32> to vector<2048x128xi32>
    %eq3A_127 = vector.broadcast %iota3A : vector<1x128xi32> to vector<2048x128xi32>
    %eq3A_128 = arith.cmpi eq, %eq3A_126, %eq3A_127 : vector<2048x128xi32>
    %convert_element_type3A_129 = arith.extui %eq3A_128 : vector<2048x128xi1> to vector<2048x128xi32>
    %convert_element_type3A_130 = arith.sitofp %convert_element_type3A_129 : vector<2048x128xi32> to vector<2048x128xf32>
    %mul3A_131 = vector.broadcast %slice3A_124 : vector<2048x1xf32> to vector<2048x128xf32>
    %mul3A_132 = arith.mulf %mul3A_131, %convert_element_type3A_130 : vector<2048x128xf32>
    %add3A_133 = arith.addf %add3A_123, %mul3A_132 : vector<2048x128xf32>
    %slice3A_134 = vector.extract_strided_slice %mul3A_25 {offsets = [0, 11], sizes = [2048, 1], strides = [1, 1]} : vector<2048x16xf32> to vector<2048x1xf32>
    %slice3A_135 = vector.extract_strided_slice %reshape3A_2 {offsets = [0, 11], sizes = [2048, 1], strides = [1, 1]} : vector<2048x16xi32> to vector<2048x1xi32>
    %eq3A_136 = vector.broadcast %slice3A_135 : vector<2048x1xi32> to vector<2048x128xi32>
    %eq3A_137 = vector.broadcast %iota3A : vector<1x128xi32> to vector<2048x128xi32>
    %eq3A_138 = arith.cmpi eq, %eq3A_136, %eq3A_137 : vector<2048x128xi32>
    %convert_element_type3A_139 = arith.extui %eq3A_138 : vector<2048x128xi1> to vector<2048x128xi32>
    %convert_element_type3A_140 = arith.sitofp %convert_element_type3A_139 : vector<2048x128xi32> to vector<2048x128xf32>
    %mul3A_141 = vector.broadcast %slice3A_134 : vector<2048x1xf32> to vector<2048x128xf32>
    %mul3A_142 = arith.mulf %mul3A_141, %convert_element_type3A_140 : vector<2048x128xf32>
    %add3A_143 = arith.addf %add3A_133, %mul3A_142 : vector<2048x128xf32>
    %slice3A_144 = vector.extract_strided_slice %mul3A_25 {offsets = [0, 12], sizes = [2048, 1], strides = [1, 1]} : vector<2048x16xf32> to vector<2048x1xf32>
    %slice3A_145 = vector.extract_strided_slice %reshape3A_2 {offsets = [0, 12], sizes = [2048, 1], strides = [1, 1]} : vector<2048x16xi32> to vector<2048x1xi32>
    %eq3A_146 = vector.broadcast %slice3A_145 : vector<2048x1xi32> to vector<2048x128xi32>
    %eq3A_147 = vector.broadcast %iota3A : vector<1x128xi32> to vector<2048x128xi32>
    %eq3A_148 = arith.cmpi eq, %eq3A_146, %eq3A_147 : vector<2048x128xi32>
    %convert_element_type3A_149 = arith.extui %eq3A_148 : vector<2048x128xi1> to vector<2048x128xi32>
    %convert_element_type3A_150 = arith.sitofp %convert_element_type3A_149 : vector<2048x128xi32> to vector<2048x128xf32>
    %mul3A_151 = vector.broadcast %slice3A_144 : vector<2048x1xf32> to vector<2048x128xf32>
    %mul3A_152 = arith.mulf %mul3A_151, %convert_element_type3A_150 : vector<2048x128xf32>
    %add3A_153 = arith.addf %add3A_143, %mul3A_152 : vector<2048x128xf32>
    %slice3A_154 = vector.extract_strided_slice %mul3A_25 {offsets = [0, 13], sizes = [2048, 1], strides = [1, 1]} : vector<2048x16xf32> to vector<2048x1xf32>
    %slice3A_155 = vector.extract_strided_slice %reshape3A_2 {offsets = [0, 13], sizes = [2048, 1], strides = [1, 1]} : vector<2048x16xi32> to vector<2048x1xi32>
    %eq3A_156 = vector.broadcast %slice3A_155 : vector<2048x1xi32> to vector<2048x128xi32>
    %eq3A_157 = vector.broadcast %iota3A : vector<1x128xi32> to vector<2048x128xi32>
    %eq3A_158 = arith.cmpi eq, %eq3A_156, %eq3A_157 : vector<2048x128xi32>
    %convert_element_type3A_159 = arith.extui %eq3A_158 : vector<2048x128xi1> to vector<2048x128xi32>
    %convert_element_type3A_160 = arith.sitofp %convert_element_type3A_159 : vector<2048x128xi32> to vector<2048x128xf32>
    %mul3A_161 = vector.broadcast %slice3A_154 : vector<2048x1xf32> to vector<2048x128xf32>
    %mul3A_162 = arith.mulf %mul3A_161, %convert_element_type3A_160 : vector<2048x128xf32>
    %add3A_163 = arith.addf %add3A_153, %mul3A_162 : vector<2048x128xf32>
    %slice3A_164 = vector.extract_strided_slice %mul3A_25 {offsets = [0, 14], sizes = [2048, 1], strides = [1, 1]} : vector<2048x16xf32> to vector<2048x1xf32>
    %slice3A_165 = vector.extract_strided_slice %reshape3A_2 {offsets = [0, 14], sizes = [2048, 1], strides = [1, 1]} : vector<2048x16xi32> to vector<2048x1xi32>
    %eq3A_166 = vector.broadcast %slice3A_165 : vector<2048x1xi32> to vector<2048x128xi32>
    %eq3A_167 = vector.broadcast %iota3A : vector<1x128xi32> to vector<2048x128xi32>
    %eq3A_168 = arith.cmpi eq, %eq3A_166, %eq3A_167 : vector<2048x128xi32>
    %convert_element_type3A_169 = arith.extui %eq3A_168 : vector<2048x128xi1> to vector<2048x128xi32>
    %convert_element_type3A_170 = arith.sitofp %convert_element_type3A_169 : vector<2048x128xi32> to vector<2048x128xf32>
    %mul3A_171 = vector.broadcast %slice3A_164 : vector<2048x1xf32> to vector<2048x128xf32>
    %mul3A_172 = arith.mulf %mul3A_171, %convert_element_type3A_170 : vector<2048x128xf32>
    %add3A_173 = arith.addf %add3A_163, %mul3A_172 : vector<2048x128xf32>
    %slice3A_174 = vector.extract_strided_slice %mul3A_25 {offsets = [0, 15], sizes = [2048, 1], strides = [1, 1]} : vector<2048x16xf32> to vector<2048x1xf32>
    %slice3A_175 = vector.extract_strided_slice %reshape3A_2 {offsets = [0, 15], sizes = [2048, 1], strides = [1, 1]} : vector<2048x16xi32> to vector<2048x1xi32>
    %eq3A_176 = vector.broadcast %slice3A_175 : vector<2048x1xi32> to vector<2048x128xi32>
    %eq3A_177 = vector.broadcast %iota3A : vector<1x128xi32> to vector<2048x128xi32>
    %eq3A_178 = arith.cmpi eq, %eq3A_176, %eq3A_177 : vector<2048x128xi32>
    %convert_element_type3A_179 = arith.extui %eq3A_178 : vector<2048x128xi1> to vector<2048x128xi32>
    %convert_element_type3A_180 = arith.sitofp %convert_element_type3A_179 : vector<2048x128xi32> to vector<2048x128xf32>
    %mul3A_181 = vector.broadcast %slice3A_174 : vector<2048x1xf32> to vector<2048x128xf32>
    %mul3A_182 = arith.mulf %mul3A_181, %convert_element_type3A_180 : vector<2048x128xf32>
    %add3A_183 = arith.addf %add3A_173, %mul3A_182 : vector<2048x128xf32>
    %get3A_184 = arith.constant 0 : index
    %get3A_185 = arith.constant 0 : index
    %get3A_186 = vector.load %arg6[%get3A_184, %get3A_185] : memref<128x512xf32, #tpu.memory_space<vmem>>, vector<128x512xf32>
    %dot_general3A = arith.constant dense<0.000000e+00> : vector<2048x512xf32>
    %dot_general3A_187 = tpu.matmul %add3A_183, %get3A_186, %dot_general3A {dimension_numbers = #tpu.dot_dimension_numbers<[1], [0], [0], [1], [0, 0, 1, 1], [], []>, transpose_lhs_hint = false} : vector<2048x128xf32>, vector<128x512xf32>, vector<2048x512xf32> -> vector<2048x512xf32>
    %get3A_188 = arith.constant 0 : index
    %get3A_189 = arith.constant 0 : index
    %get3A_190 = vector.load %arg7[%get3A_188, %get3A_189] : memref<1x512xf32, #tpu.memory_space<vmem>>, vector<1x512xf32>
    %add3A_191 = vector.broadcast %get3A_190 : vector<1x512xf32> to vector<2048x512xf32>
    %add3A_192 = arith.addf %dot_general3A_187, %add3A_191 : vector<2048x512xf32>
    %max3A = arith.constant 0.000000e+00 : f32
    %max3A_193 = vector.broadcast %max3A : f32 to vector<2048x512xf32>
    %max3A_194 = arith.maximumf %add3A_192, %max3A_193 : vector<2048x512xf32>
    %ne3A_195 = arith.cmpi ne, %get3A_14, %get3A_17 : vector<2048x1xi32>
    %convert_element_type3A_196 = arith.extui %ne3A_195 : vector<2048x1xi1> to vector<2048x1xi32>
    %convert_element_type3A_197 = arith.sitofp %convert_element_type3A_196 : vector<2048x1xi32> to vector<2048x1xf32>
    %mul3A_198 = arith.constant 6.250000e-02 : f32
    %mul3A_199 = vector.broadcast %mul3A_198 : f32 to vector<2048x1xf32>
    %mul3A_200 = arith.mulf %convert_element_type3A_197, %mul3A_199 : vector<2048x1xf32>
    %mul3A_201 = vector.broadcast %mul3A_200 : vector<2048x1xf32> to vector<2048x512xf32>
    %mul3A_202 = arith.mulf %max3A_194, %mul3A_201 : vector<2048x512xf32>
    %reshape3A_203 = vector.shape_cast %mul3A_202 : vector<2048x512xf32> to vector<512x4x512xf32>
    %reduce_sum3A = arith.constant dense<0.000000e+00> : vector<512x512xf32>
    %reduce_sum3A_204 = vector.multi_reduction <add>, %reshape3A_203, %reduce_sum3A [1] : vector<512x4x512xf32> to vector<512x512xf32>
    %reshape3A_205 = vector.shape_cast %reduce_sum3A_204 : vector<512x512xf32> to vector<4x4x32x512xf32>
    %reduce_sum3A_206 = arith.constant dense<0.000000e+00> : vector<4x32x512xf32>
    %reduce_sum3A_207 = vector.multi_reduction <add>, %reshape3A_205, %reduce_sum3A_206 [1] : vector<4x4x32x512xf32> to vector<4x32x512xf32>
    %reshape3A_208 = vector.shape_cast %reduce_sum3A_207 : vector<4x32x512xf32> to vector<128x512xf32>
    %get3A_209 = arith.constant 0 : index
    %get3A_210 = arith.constant 0 : index
    %get3A_211 = vector.load %arg8[%get3A_209, %get3A_210] : memref<512x128xf32, #tpu.memory_space<vmem>>, vector<512x128xf32>
    %dot_general3A_212 = arith.constant dense<0.000000e+00> : vector<128x128xf32>
    %dot_general3A_213 = tpu.matmul %reshape3A_208, %get3A_211, %dot_general3A_212 {dimension_numbers = #tpu.dot_dimension_numbers<[1], [0], [0], [1], [0, 0, 1, 1], [], []>, transpose_lhs_hint = false} : vector<128x512xf32>, vector<512x128xf32>, vector<128x128xf32> -> vector<128x128xf32>
    %get3A_214 = arith.constant 0 : index
    %get3A_215 = arith.constant 0 : index
    %get3A_216 = vector.load %arg9[%get3A_214, %get3A_215] : memref<1x128xf32, #tpu.memory_space<vmem>>, vector<1x128xf32>
    %add3A_217 = vector.broadcast %get3A_216 : vector<1x128xf32> to vector<128x128xf32>
    %add3A_218 = arith.addf %dot_general3A_213, %add3A_217 : vector<128x128xf32>
    %logistic3A = arith.negf %add3A_218 : vector<128x128xf32>
    %logistic3A_219 = math.exp %logistic3A : vector<128x128xf32>
    %logistic3A_220 = arith.constant 1.000000e+00 : f32
    %logistic3A_221 = vector.broadcast %logistic3A_220 : f32 to vector<128x128xf32>
    %logistic3A_222 = arith.addf %logistic3A_221, %logistic3A_219 : vector<128x128xf32>
    %logistic3A_223 = arith.divf %logistic3A_221, %logistic3A_222 : vector<128x128xf32>
    %swap3A = arith.constant 0 : index
    %swap3A_224 = arith.constant 0 : index
    %swap3A_225 = vector.load %arg10[%swap3A, %swap3A_224] : memref<128x128xf32, #tpu.memory_space<vmem>>, vector<128x128xf32>
    tpu.vector_store %arg10[%swap3A, %swap3A_224], %logistic3A_223 {strides = array<i32>} : memref<128x128xf32, #tpu.memory_space<vmem>>, vector<128x128xf32>,
    return
  }
  func.func @transform_0(%arg0: i32) -> (i32, i32) {
    %c0_i32 = arith.constant 0 : i32
    %c0_i32_0 = arith.constant 0 : i32
    return %arg0, %c0_i32 : i32, i32
  }
  func.func @transform_1(%arg0: i32) -> (i32, i32) {
    %c0_i32 = arith.constant 0 : i32
    %c0_i32_0 = arith.constant 0 : i32
    return %arg0, %c0_i32 : i32, i32
  }
  func.func @transform_2(%arg0: i32) -> (i32, i32) {
    %c0_i32 = arith.constant 0 : i32
    %c0_i32_0 = arith.constant 0 : i32
    return %arg0, %c0_i32 : i32, i32
  }
  func.func @transform_3(%arg0: i32) -> (i32, i32) {
    %c0_i32 = arith.constant 0 : i32
    %c0_i32_0 = arith.constant 0 : i32
    return %arg0, %c0_i32 : i32, i32
  }
  func.func @transform_4(%arg0: i32) -> (i32, i32) {
    %c0_i32 = arith.constant 0 : i32
    %c0_i32_0 = arith.constant 0 : i32
    return %arg0, %c0_i32 : i32, i32
  }
  func.func @transform_5(%arg0: i32) -> (i32, i32) {
    %c0_i32 = arith.constant 0 : i32
    %c0_i32_0 = arith.constant 0 : i32
    %c0_i32_1 = arith.constant 0 : i32
    return %c0_i32, %c0_i32_0 : i32, i32
  }
  func.func @transform_6(%arg0: i32) -> (i32, i32) {
    %c0_i32 = arith.constant 0 : i32
    %c0_i32_0 = arith.constant 0 : i32
    %c0_i32_1 = arith.constant 0 : i32
    return %c0_i32, %c0_i32_0 : i32, i32
  }
  func.func @transform_7(%arg0: i32) -> (i32, i32) {
    %c0_i32 = arith.constant 0 : i32
    %c0_i32_0 = arith.constant 0 : i32
    %c0_i32_1 = arith.constant 0 : i32
    return %c0_i32, %c0_i32_0 : i32, i32
  }
  func.func @transform_8(%arg0: i32) -> (i32, i32) {
    %c0_i32 = arith.constant 0 : i32
    %c0_i32_0 = arith.constant 0 : i32
    %c0_i32_1 = arith.constant 0 : i32
    return %c0_i32, %c0_i32_0 : i32, i32
  }
  func.func @transform_9(%arg0: i32) -> (i32, i32) {
    %c0_i32 = arith.constant 0 : i32
    %c0_i32_0 = arith.constant 0 : i32
    return %arg0, %c0_i32 : i32, i32
  }
}

</mosaic_0001>

<sc_bundles>
// kernel: kernel.4.cloned.1.call-start
scs
__scs_entry_jumppad:
0x0: {  	(pc) =	sbr.rel $0x88, $3  }
0x1: {  	(tag) =	ssettag $0x0;
	lr =	simm.s32 $0x1  }
0x2: {  	[smem:$0x3F98] =	sst lr;
	_ =	strace $0xD0000000  }
0x3: {  	_ = 	snop  }
0x4: {  	_ = 	snop  }
0x5: {  	_ = 	snop  }
0x6: {  	_ = 	snop  }
0x7: {  	_ = 	snop  }
__scs_overlays_trampoline_lowered:
0x8: {  	[smem:$0x3FA7] =	sst s0  }
0x9: {  	[smem:$0x3FA8] =	sst s1  }
0xa: {  	[smem:$0x3FA9] =	sst s2  }
0xb: {  	[smem:$0x3FAA] =	sst s3  }
0xc: {  	[smem:$0x3FAB] =	sst s4  }
0xd: {  	[smem:$0x3FAC] =	sst s5  }
0xe: {  	[smem:$0x3FAD] =	sst s6  }
0xf: {  	[smem:$0x3FAE] =	sst s7  }
0x10: {  	[smem:$0x3FAF] =	sst s8  }
0x11: {  	[smem:$0x3FB0] =	sst s9;
	s0 =	simm.s32 @!p0 $0x0  }
0x12: {  	s1 =	sld [smem:$0x3F96];
	s0 =	simm.s32 @p0 $0x1  }
0x13: {  	[smem:$0x3FB1] =	sst s0;
	s0 =	simm.s32 @!p1 $0x0  }
0x14: {  	s2 =	sld [smem:$0x3F95];
	s0 =	simm.s32 @p1 $0x1  }
0x15: {  	[smem:$0x3FB2] =	sst s0;
	s0 =	simm.s32 @!p2 $0x0  }
0x16: {  	s3 =	sld [smem:$0x3FDB];
	s0 =	simm.s32 @p2 $0x1  }
0x17: {  	s4 =	simm.s32 $0x1BF5;
	[smem:$0x3FB4] =	sst s0  }
0x18: {  	s0 =	sld [smem:$0x3F97];
	_ =	swait.ge [sflag:s4], $0x0  }
0x19: {  	s7 =	sld [smem:$0x3F98]  }
0x1a: {  	s8 =	sadd.s32 $0xFFFFE003, lr  }
0x1b: {  	s9 =	sadd.s32 $0xFFFFFEF7, lr;
	s5 =	simm.s32 $0xFFFFFFFF;
	p2 =	slt.u32 s8, $0xFFFFF086  }
0x1c: {  	p1 =	slt.u32 s9, $0xF7A;
	s5 =	simm.s32 @!p2 $0x0  }
0x1d: {  	s5 =	simm.s32 @p1 $0x1;
	p0 =	seq.s32 s7, s2  }
0x1e: {  	s7 =	smul.u32 @!p0 $0xF7A, s2;
	p2 =	seq.s32 @!p0 s5, $0x0  }
0x1f: {  	s9 =	smul.u32 $0xF7A, s1;
	s8 =	simm.s32 @!p0 $0x1BF5;
	p2 =	por !p2, p0  }
0x20: {  	[sflag:s8] =	ssyncset.s32 @!p0 $0xFFFFF086;
	s6 =	sadd.s32 @!p0 s3, s7;
	s7 =	simm.s32 @!p0 $0x108  }
0x21: {  	s3 =	sadd.s32 s3, s9;
	s6 =	sadd.s32 @!p0 $0x88, s6;
	s7 =	simm.s32 @p2 $0x1082  }
0x22: {  	[simem:s7], [sflag:s8] =	dma.local @!p0 [hbm:s6], $0xF7A  }
0x23: {  	s9 =	sor.u32 $0xD0000000, s2;
	s6 =	simm.s32 $0x108;
	_ =	swait.ge @!p0 [sflag:s8], $0x0  }
0x24: {  	s3 =	sadd.s32 $0x88, s3;
	s6 =	simm.s32 @!p1 $0x1082;
	[sflag:s4] =	ssyncset.s32 $0xFFFFF086  }
0x25: {  	[simem:s6], [sflag:s4] =	dma.local [hbm:s3], $0xF7A  }
0x26: {  	[smem:$0x3F98] =	sst s1;
	(tag) =	ssettag s2;
	_ =	strace s9  }
0x27: {  	s1 =	sld [smem:$0x3FA8]  }
0x28: {  	s2 =	sld [smem:$0x3FA9]  }
0x29: {  	s4 =	sld [smem:$0x3FAB]  }
0x2a: {  	p0 =	seq.s32 s5, $0x0;
	s5 =	sld [smem:$0x3FAC]  }
0x2b: {  	s6 =	sld [smem:$0x3FAD]  }
0x2c: {  	s7 =	sld [smem:$0x3FAE]  }
0x2d: {  	s3 =	simm.s32 $0x108;
	s8 =	sld [smem:$0x3FAF]  }
0x2e: {  	s3 =	simm.s32 @!p0 $0x1082;
	s9 =	sld [smem:$0x3FB0]  }
0x2f: {  	lr =	sadd.s32 s0, s3;
	s0 =	sld [smem:$0x3FA7]  }
0x30: {  	s3 =	sld [smem:$0x3FAA]  }
0x31: {  	[smem:$0x3FB3] =	sst s10  }
0x32: {  	s10 =	sld [smem:$0x3FB1];
	_ =	sdelay $0x3  }
0x33: {  	p0 =	seq.s32 s10, $0x1;
	s10 =	sld [smem:$0x3FB3];
	_ =	sdelay $0x3  }
0x34: {  	[smem:$0x3FB3] =	sst s10  }
0x35: {  	s10 =	sld [smem:$0x3FB2];
	_ =	sdelay $0x3  }
0x36: {  	p1 =	seq.s32 s10, $0x1;
	s10 =	sld [smem:$0x3FB3];
	_ =	sdelay $0x3  }
0x37: {  	[smem:$0x3FB3] =	sst s10  }
0x38: {  	s10 =	sld [smem:$0x3FB4]  }
0x39: {  	_ = 	snop;
	(pc) =	sbr.ind lr, $3  }
0x3a: {  	_ = 	snop  }
0x3b: {  	_ = 	snop  }
0x3c: {  	p2 =	seq.s32 s10, $0x1;
	s10 =	sld [smem:$0x3FB3]  }
0x3d: {  	_ =	shalt  }
0x3e: {  	_ =	shalt  }
0x3f: {  	_ =	shalt  }
0x40: {  	_ =	shalt  }
0x41: {  	_ =	shalt  }
0x42: {  	_ =	shalt  }
0x43: {  	_ =	shalt  }
0x44: {  	_ =	shalt  }
0x45: {  	_ =	shalt  }
0x46: {  	_ =	shalt  }
0x47: {  	_ =	shalt  }
0x48: {  	_ =	shalt  }
0x49: {  	_ =	shalt  }
0x4a: {  	_ =	shalt  }
0x4b: {  	_ =	shalt  }
0x4c: {  	_ =	shalt  }
0x4d: {  	_ =	shalt  }
0x4e: {  	_ =	shalt  }
0x4f: {  	_ =	shalt  }
0x50: {  	_ =	shalt  }
0x51: {  	_ =	shalt  }
0x52: {  	_ =	shalt  }
0x53: {  	_ =	shalt  }
0x54: {  	_ =	shalt  }
0x55: {  	_ =	shalt  }
0x56: {  	_ =	shalt  }
0x57: {  	_ =	shalt  }
0x58: {  	_ =	shalt  }
0x59: {  	_ =	shalt  }
0x5a: {  	_ =	shalt  }
0x5b: {  	_ =	shalt  }
0x5c: {  	_ =	shalt  }
0x5d: {  	_ =	shalt  }
0x5e: {  	_ =	shalt  }
0x5f: {  	_ =	shalt  }
0x60: {  	_ =	shalt  }
0x61: {  	_ =	shalt  }
0x62: {  	_ =	shalt  }
0x63: {  	_ =	shalt  }
0x64: {  	_ =	shalt  }
0x65: {  	_ =	shalt  }
0x66: {  	_ =	shalt  }
0x67: {  	_ =	shalt  }
0x68: {  	_ =	shalt  }
0x69: {  	_ =	shalt  }
0x6a: {  	_ =	shalt  }
0x6b: {  	_ =	shalt  }
0x6c: {  	_ =	shalt  }
0x6d: {  	_ =	shalt  }
0x6e: {  	_ =	shalt  }
0x6f: {  	_ =	shalt  }
0x70: {  	_ =	shalt  }
0x71: {  	_ =	shalt  }
0x72: {  	_ =	shalt  }
0x73: {  	_ =	shalt  }
0x74: {  	_ =	shalt  }
0x75: {  	_ =	shalt  }
0x76: {  	_ =	shalt  }
0x77: {  	_ =	shalt  }
0x78: {  	_ =	shalt  }
0x79: {  	_ =	shalt  }
0x7a: {  	_ =	shalt  }
0x7b: {  	_ =	shalt  }
0x7c: {  	_ =	shalt  }
0x7d: {  	_ =	shalt  }
0x7e: {  	_ =	shalt  }
0x7f: {  	_ =	shalt  }
0x80: {  	_ =	shalt  }
0x81: {  	_ =	shalt  }
0x82: {  	_ =	shalt  }
0x83: {  	_ =	shalt  }
0x84: {  	_ =	shalt  }
0x85: {  	_ =	shalt  }
0x86: {  	_ =	shalt  }
0x87: {  	_ =	shalt  }
.Lfunc_end0:
.L_simem_size_0:
called_computation_lowered:
.L_overlay_start_0:
0x88: {  	s2 =	sld [smem:$0x3FD9]  }
0x89: {  	s3 =	sld [smem:$0x3FFE];
	_ =	sdelay $0x1  }
0x8a: {  	s1 =	srdreg.scid  }
0x8b: {  	s0 =	sand.u32 $0x1, s1  }
0x8c: {  	s17 =	sshll.u32 s0, $0xA;
	s2 =	sadd.s32 s3, s2  }
0x8d: {  	s2 =	sadd.s32 s2, s17  }
0x8e: {  	[smem:$0x3FBF] =	sst s2  }
0x8f: {  	_ = 	snop  }
0x90: {  	s2 =	sld [smem:$0x3FC5]  }
0x91: {  	s18 =	sld [smem:$0x3FD0];
	(tm) =	ssettm $0x1  }
0x92: {  	s4 =	sld [smem:$0x3FFB];
	_ =	sdelay $0x3  }
0x93: {  	_ =	strace s4  }
0x94: {  	s4 =	sld [smem:$0x3FFC];
	_ =	sdelay $0x3  }
0x95: {  	_ =	strace s4  }
0x96: {  	s4 =	sld [smem:$0x3FFD];
	_ =	sdelay $0x3  }
0x97: {  	_ =	strace s4  }
0x98: {  	_ =	strace $0x8FFFFFFF  }
0x99: {  	s19 =	sld [smem:$0x3FDB];
	_ =	sdelay $0x1  }
0x9a: {  	s5 =	simm.s32 $_scs_section_size  }
0x9b: {  	s6 =	simm.s32 $_size__tile_overlayer_lowered;
	s7 =	simm.s32 $_tile_overlayer_lowered  }
0x9c: {  	s22 =	simm.s32 $0x1BFF;
	s21 =	sshll.u32 s7, $0x1;
	s4 =	sadd.s32 s5, s19  }
0x9d: {  	s8 =	simm.s32 $0x0;
	s20 =	sshll.u32 s6, $0x1;
	s6 =	sadd.s32 s21, s4  }
0x9e: {  	[timem:s8], [sflag:s22] =	dma.local [hbm:s6], s20  }
0x9f: {  	_ =	swait.ge [sflag:s22], s20  }
0xa0: {  	s5 =	ssub.s32 $0x0, s20;
	[sflag:s22] =	ssyncset.done $0x0  }
0xa1: {  	[sflag:s22] =	ssyncadd.s32 s5;
	_ =	sdelay $0x1  }
0xa2: {  	s23 =	simm.s32 $0x1B8B  }
0xa3: {  	_ =	swait.ge [sflag:s23], $0x1  }
0xa4: {  	[sflag:s23] =	ssyncset.done $0x0  }
0xa5: {  	s25 =	simm.s32 $0x1B8E;
	s24 =	sld [smem:$0x3FFE];
	[sflag:s23] =	ssyncadd.s32 $0xFFFFFFFF  }
0xa6: {  	s26 =	simm.s32 $execute0_lowered;
	[smem:$0x3FD2] =	sst s25  }
0xa7: {  	s6 =	sshll.u32 s26, $0x1;
	_ =	strace $0x80000046;
	[dreg:$0x1] =	wrdreg $0xFFFFFFFF  }
0xa8: {  	s28 =	simm.s32 $_size_execute0_lowered;
	s4 =	sadd.s32 s4, s6;
	[dreg:$0x0] =	wrdreg $0x0  }
0xa9: {  	s6 =	sshll.u32 s28, $0x1;
	[dreg:$0x2] =	wrdreg s4  }
0xaa: {  	[dreg:$0x3] =	wrdreg s6  }
0xab: {  	[dreg:$0x4] =	wrdreg $0xC0  }
0xac: {  	_ =	task [dreg:s8], $0x5FFFF  }
0xad: {  	[dreg:$0x1] =	wrdreg $0xFFFFFFFF  }
0xae: {  	[dreg:$0x0] =	wrdreg $0x60  }
0xaf: {  	[dreg:$0x2] =	wrdreg s24  }
0xb0: {  	[dreg:$0x3] =	wrdreg s18  }
0xb1: {  	[dreg:$0x4] =	wrdreg s2  }
0xb2: {  	[dreg:$0x5] =	wrdreg $0x9  }
0xb3: {  	_ =	task.clear_ibuf [dreg:s8], $0x6FFFF;
	_ =	strace $0x90000046  }
0xb4: {  	s29 =	simm.s32 $0x9;
	_ =	strace $0x80000048  }
0xb5: {  	_ =	swait.ge [sflag:s29], $0x1  }
0xb6: {  	[sflag:s29] =	ssyncadd.s32 $0xFFFFFFFF  }
0xb7: {  	_ =	strace $0x90000048  }
0xb8: {  	_ =	sfence  }
0xb9: {  	s30 =	sld [smem:$0x0];
	_ =	sdelay $0x2  }
0xba: {  	s31 =	sshll.u32 s1, $0xD;
	s1 =	sshrl.u32 s1, $0x2  }
0xbb: {  	s3 =	sand.u32 $0x4000, s31;
	s1 =	sadd.s32 s1, s30  }
0xbc: {  	s0 =	sor.u32 s3, s0;
	s1 =	sshll.u32 s1, $0x11  }
0xbd: {  	s0 =	sor.u32 s1, s0  }
0xbe: {  	s0 =	sadd.s32 $0x8F2B, s0  }
0xbf: {  	[sflag:s0] =	ssyncadd.remote.s32 $0x1  }
0xc0: {  	_ =	sfence.sel $0xFFFF  }
0xc1: {  	[dreg:$0x0] =	wrdreg $0xFFFFFFFF;
	(pc) =	sbr.abs _section_cstart, $3  }
0xc2: {  	[dreg:$0x1] =	wrdreg $0xFFFFFFFF  }
0xc3: {  	_ =	task.clear_ibuf [dreg:s8], $0x2FFFF;
	_ =	strace $0x9FFFFFFF  }
0xc4: {  	(tm) =	ssettm $0x7FFFFFFF  }
0xc5: {  	_ =	shalt  }
tec
execute0_lowered:
.L_overlay_start_1:
0x0: {  	(tag) =	ssettag $0x1  }
0x1: {  	s0 =	rddreg [dreg:$0x0]  }
0x2: {  	s11 =	rddreg [dreg:$0x1]  }
0x3: {  	s3 =	rddreg [dreg:$0x2];
	s31 =	simm.s32 $0x0  }
0x4: {  	s7 =	simm.s32 $0x380;
	[smem:$0x7FF] =	sst s31  }
0x5: {  	s8 =	simm.s32 $0x400;
	_ =	strace $0x80000047;
	[dreg:$0xa] =	wrdreg s7  }
0x6: {  	s9 =	simm.s32 $0x2D00;
	[dreg:$0xb] =	wrdreg s8  }
0x7: {  	s10 =	simm.s32 $0x2D80;
	[dreg:$0xc] =	wrdreg s9  }
0x8: {  	s12 =	simm.s32 $0x2E00;
	[dreg:$0xd] =	wrdreg s10  }
0x9: {  	s13 =	simm.s32 $0x2E80;
	[dreg:$0xe] =	wrdreg s12  }
0xa: {  	s14 =	simm.s32 $0x2F00;
	[dreg:$0xf] =	wrdreg s13  }
0xb: {  	s15 =	simm.s32 $0x2F80;
	[dreg:$0x10] =	wrdreg s14  }
0xc: {  	s16 =	simm.s32 $0x3000;
	[dreg:$0x11] =	wrdreg s15  }
0xd: {  	s17 =	simm.s32 $0x3080;
	[dreg:$0x12] =	wrdreg s16  }
0xe: {  	s18 =	simm.s32 $0x3100;
	[dreg:$0x13] =	wrdreg s17  }
0xf: {  	s19 =	simm.s32 $0x3180;
	[dreg:$0x14] =	wrdreg s18  }
0x10: {  	s20 =	simm.s32 $0x3200;
	[dreg:$0x15] =	wrdreg s19  }
0x11: {  	s21 =	simm.s32 $0x3280;
	[dreg:$0x16] =	wrdreg s20  }
0x12: {  	s22 =	simm.s32 $0x3300;
	[dreg:$0x17] =	wrdreg s21  }
0x13: {  	s23 =	simm.s32 $0x3380;
	[dreg:$0x18] =	wrdreg s22  }
0x14: {  	s24 =	simm.s32 $0x3400;
	[dreg:$0x19] =	wrdreg s23  }
0x15: {  	s25 =	simm.s32 $0x3480;
	[dreg:$0x1a] =	wrdreg s24  }
0x16: {  	[dreg:$0x1b] =	wrdreg s25;
	s7 =	simm.s32 $0x3700  }
0x17: {  	s8 =	simm.s32 $0x3780;
	[smem:$0x7D3] =	sst s7  }
0x18: {  	s9 =	simm.s32 $0x3800;
	[smem:$0x7D4] =	sst s8  }
0x19: {  	s10 =	simm.s32 $0x3880;
	[smem:$0x7D5] =	sst s9  }
0x1a: {  	s12 =	simm.s32 $0x3900;
	[smem:$0x7D6] =	sst s10  }
0x1b: {  	s13 =	simm.s32 $0x3980;
	[smem:$0x7D7] =	sst s12  }
0x1c: {  	s14 =	simm.s32 $0x3A00;
	[smem:$0x7D8] =	sst s13  }
0x1d: {  	s15 =	simm.s32 $0x3A80;
	[smem:$0x7D9] =	sst s14  }
0x1e: {  	s16 =	simm.s32 $0x3B00;
	[smem:$0x7DA] =	sst s15  }
0x1f: {  	s17 =	simm.s32 $0x3B80;
	[smem:$0x7DB] =	sst s16  }
0x20: {  	s18 =	simm.s32 $0x3C00;
	[smem:$0x7DC] =	sst s17  }
0x21: {  	s19 =	simm.s32 $0x3C80;
	[smem:$0x7DD] =	sst s18  }
0x22: {  	s20 =	simm.s32 $0x3D00;
	[smem:$0x7DE] =	sst s19  }
0x23: {  	s21 =	simm.s32 $0x3D80;
	[smem:$0x7DF] =	sst s20  }
0x24: {  	s22 =	simm.s32 $0x3E00;
	[smem:$0x7E0] =	sst s21  }
0x25: {  	s23 =	simm.s32 $0x3E80;
	[smem:$0x7E1] =	sst s22  }
0x26: {  	s24 =	simm.s32 $0x3F00;
	[smem:$0x7E2] =	sst s23  }
0x27: {  	s25 =	simm.s32 $0x3F80;
	[smem:$0x7E3] =	sst s24  }
0x28: {  	[smem:$0x7E4] =	sst s25;
	s7 =	simm.s32 $0x4200  }
0x29: {  	s8 =	simm.s32 $0x4280;
	[smem:$0x7E9] =	sst s7  }
0x2a: {  	s9 =	simm.s32 $0x4300;
	[smem:$0x7EA] =	sst s8  }
0x2b: {  	s1 =	srdreg.scid;
	s10 =	simm.s32 $0x4380;
	[smem:$0x7EB] =	sst s9  }
0x2c: {  	s5 =	stileid.u32;
	s12 =	simm.s32 $0x4400;
	[smem:$0x7EC] =	sst s10  }
0x2d: {  	s28 =	simm.s32 $0x280;
	s13 =	simm.s32 $0x4480;
	[smem:$0x7ED] =	sst s12  }
0x2e: {  	s30 =	simm.s32 $0x600;
	s15 =	simm.s32 $0x4500;
	[smem:$0x7EE] =	sst s13  }
0x2f: {  	p0 =	por $0x0, $0x0;
	s16 =	simm.s32 $0x4580;
	[smem:$0x7EF] =	sst s15  }
0x30: {  	s1 =	sand.u32 $0x1, s1;
	s17 =	simm.s32 $0x4600;
	[smem:$0x7F0] =	sst s16  }
0x31: {  	s4 =	sshll.u32 s1, $0x4;
	s18 =	simm.s32 $0x4680;
	[smem:$0x7F1] =	sst s17  }
0x32: {  	s1 =	ssub.s32 $0x2, s1;
	s22 =	simm.s32 $0x4700;
	[smem:$0x7F2] =	sst s18  }
0x33: {  	s4 =	sor.u32 s5, s4;
	[smem:$0x7F3] =	sst s22;
	s7 =	simm.s32 $0x4800  }
0x34: {  	s23 =	sadd.s32 $0x5000, s0;
	s8 =	simm.s32 $0x4880;
	[smem:$0x7F5] =	sst s7  }
0x35: {  	s24 =	sadd.s32 $0x3600, s0;
	s10 =	simm.s32 $0x4900;
	[smem:$0x7F6] =	sst s8  }
0x36: {  	s25 =	sadd.s32 $0x1C00, s0;
	s12 =	simm.s32 $0x4980;
	[smem:$0x7F7] =	sst s10  }
0x37: {  	s14 =	sshrl.u32 s1, $0x1;
	s13 =	simm.s32 $0x4A00;
	[smem:$0x7F8] =	sst s12  }
0x38: {  	s1 =	ssub.s32 s1, s14;
	s14 =	simm.s32 $0x4A80;
	[smem:$0x7F9] =	sst s13  }
0x39: {  	s19 =	sadd.s32 $0xCE00, s0;
	s15 =	simm.s32 $0x4B00;
	[smem:$0x7FA] =	sst s14  }
0x3a: {  	s5 =	sshll.u32 s4, $0x6;
	s16 =	simm.s32 $0x4B80;
	[smem:$0x7FB] =	sst s15  }
0x3b: {  	s6 =	sshll.u32 s4, $0x4;
	s17 =	simm.s32 $0x4C00;
	[smem:$0x7FC] =	sst s16  }
0x3c: {  	s5 =	sadd.s32 s5, s0;
	s6 =	sadd.s32 s0, s6;
	[smem:$0x7FD] =	sst s17  }
0x3d: {  	s4 =	sshll.u32 s4, $0xA;
	[dreg:$0x4] =	wrdreg s6;
	s26 =	sadd.s32 $0x10000, s5  }
0x3e: {  	s4 =	sadd.s32 s4, s0;
	s5 =	sadd.s32 $0x10800, s5;
	[dreg:$0x5] =	wrdreg s26  }
0x3f: {  	s20 =	sadd.s32 $0x9C00, s0;
	s2 =	sadd.s32 $0x11000, s4;
	[dreg:$0x6] =	wrdreg s5  }
0x40: {  	s21 =	sadd.s32 $0x6A00, s0;
	s4 =	sadd.s32 $0x19000, s4;
	[dreg:$0x7] =	wrdreg s2  }
0x41: {  	s9 =	simm.s32 $0x180;
	s6 =	simm.s32 $0x300;
	[dreg:$0x8] =	wrdreg s4  }
0x42: {  	s22 =	simm.s32 $0x200;
	s18 =	simm.s32 $0x680;
	[dreg:$0x9] =	wrdreg s6  }
0x43: {  	s1 =	smax.u32 s1, $0x1;
	s26 =	simm.s32 $0x3500;
	s29 =	rddreg [dreg:$0x4]  }
0x44: {  	s7 =	simm.s32 $0x1;
	s2 =	simm.s32 $0x3580;
	[dreg:$0x1c] =	wrdreg s26  }
0x45: {  	s12 =	simm.s32 $0x700;
	s5 =	simm.s32 $0x3600;
	[dreg:$0x1d] =	wrdreg s2  }
0x46: {  	s14 =	simm.s32 $0x780;
	s6 =	simm.s32 $0x3680;
	[dreg:$0x1e] =	wrdreg s5  }
0x47: {  	s16 =	simm.s32 $0x800;
	s4 =	simm.s32 $0x4780;
	[dreg:$0x1f] =	wrdreg s6  }
0x48: {  	p1 =	sne.s32 s1, $0x1;
	s26 =	simm.s32 $0x4000;
	[smem:$0x7F4] =	sst s4  }
.Ltmp0:
0x49: {  	s2 =	simm.s32 $0x4080;
	[smem:$0x7E5] =	sst s26;
	(pc) =	sbr.rel @!p1 .LBB2_1-.Ltmp0, $4  }
0x4a: {  	s15 =	simm.s32 $0x880;
	s5 =	simm.s32 $0x4100;
	[smem:$0x7E6] =	sst s2  }
0x4b: {  	s13 =	simm.s32 $0x900;
	s6 =	simm.s32 $0x4180;
	[smem:$0x7E7] =	sst s5  }
0x4c: {  	[smem:$0x7E8] =	sst s6;
	s26 =	sadd.s32 $0x200, s0;
	s6 =	simm.s32 $0x2  }
0x4d: {  	s5 =	simm.s32 $0x80;
	s2 =	simm.s32 $0x100;
	s0 =	sadd.s32 $0xFFFFFFFF, s1  }
0x4e: {  	[tilespmem:s31], [sflag:$0x2] =	stream.linear.gather [hbm4b:s29+s31], $0x80, $0x38;
	[tilespmem:$0x4C80] =	vst v63  }
0x4f: {  	_ =	swait.ge [sflag:s6], $0x80  }
0x50: {  	[sflag:s6] =	ssyncset.done $0x0  }
0x51: {  	[sflag:s6] =	ssyncadd.s32 $0xFFFFFF80  }
0x52: {  	[tilespmem:s5], [sflag:$0x1] =	stream.indirect.gather [hbm4b:s23+s5], $0x1, s31, s5, $0xb8;
	[tilespmem:$0x4C80] =	vst v63  }
0x53: {  	_ = 	snop  }
0x54: {  	[tilespmem:s2], [sflag:$0x1] =	stream.indirect.gather [hbm4b:s24+s5], $0x1, s31, s5, $0xb8;
	[tilespmem:$0x4C80] =	vst v63  }
0x55: {  	_ = 	snop  }
0x56: {  	[tilespmem:s9], [sflag:$0x1] =	stream.indirect.gather [hbm4b:s25+s5], $0x1, s31, s5, $0xb8;
	[tilespmem:$0x4C80] =	vst v63  }
0x57: {  	_ = 	snop  }
0x58: {  	[tilespmem:s22], [sflag:$0x1] =	stream.indirect.gather [hbm4b:s26+s5], $0x1, s31, s5, $0xb8;
	[tilespmem:$0x4C80] =	vst v63  }
0x59: {  	_ =	swait.ge [sflag:s7], $0x80  }
0x5a: {  	[sflag:s7] =	ssyncset.done $0x0  }
0x5b: {  	[sflag:s7] =	ssyncadd.s32 $0xFFFFFF80  }
0x5c: {  	_ =	swait.ge [sflag:s7], $0x80  }
0x5d: {  	[sflag:s7] =	ssyncset.done $0x0  }
0x5e: {  	[sflag:s7] =	ssyncadd.s32 $0xFFFFFF80  }
0x5f: {  	_ =	swait.ge [sflag:s7], $0x80  }
0x60: {  	[sflag:s7] =	ssyncset.done $0x0  }
0x61: {  	[sflag:s7] =	ssyncadd.s32 $0xFFFFFF80  }
0x62: {  	_ =	swait.ge [sflag:s7], $0x80  }
0x63: {  	[sflag:s7] =	ssyncset.done $0x0  }
0x64: {  	[sflag:s7] =	ssyncadd.s32 $0xFFFFFF80  }
0x65: {  	[tilespmem:s28], [sflag:$0x1] =	stream.indirect.gather [hbm4b:s3+s5], $0x1, s5, s5, $0xb8;
	[tilespmem:$0x4C80] =	vst v63  }
0x66: {  	s29 =	rddreg [dreg:$0x9]  }
0x67: {  	[tilespmem:s29], [sflag:$0x1] =	stream.indirect.gather [hbm4b:s3+s5], $0x1, s2, s5, $0xb8;
	[tilespmem:$0x4C80] =	vst v63  }
0x68: {  	s10 =	rddreg [dreg:$0xa]  }
0x69: {  	[tilespmem:s10], [sflag:$0x1] =	stream.indirect.gather [hbm4b:s3+s5], $0x1, s9, s5, $0xb8;
	[tilespmem:$0x4C80] =	vst v63  }
0x6a: {  	s29 =	rddreg [dreg:$0xb]  }
0x6b: {  	[tilespmem:s29], [sflag:$0x1] =	stream.indirect.gather [hbm4b:s3+s5], $0x1, s22, s5, $0xb8;
	[tilespmem:$0x4C80] =	vst v63  }
0x6c: {  	[smem:$0x7D2] =	sst s0;
	s0 =	simm.s32 $0x480  }
0x6d: {  	[tilespmem:s0], [sflag:$0x1] =	stream.indirect.gather [hbm4b:s19+s5], $0x1, s5, s5, $0xb8;
	[tilespmem:$0x4C80] =	vst v63  }
0x6e: {  	s28 =	simm.s32 $0x500  }
0x6f: {  	[tilespmem:s28], [sflag:$0x1] =	stream.indirect.gather [hbm4b:s20+s5], $0x1, s5, s5, $0xb8;
	[tilespmem:$0x4C80] =	vst v63  }
0x70: {  	s29 =	simm.s32 $0x580  }
0x71: {  	[tilespmem:s29], [sflag:$0x1] =	stream.indirect.gather [hbm4b:s21+s5], $0x1, s5, s5, $0xb8;
	[tilespmem:$0x4C80] =	vst v63  }
0x72: {  	_ = 	snop  }
0x73: {  	[tilespmem:s30], [sflag:$0x1] =	stream.indirect.gather [hbm4b:s11+s5], $0x1, s5, s5, $0xb8;
	[tilespmem:$0x4C80] =	vst v63  }
0x74: {  	_ = 	snop  }
0x75: {  	[tilespmem:s18], [sflag:$0x1] =	stream.indirect.gather [hbm4b:s19+s5], $0x1, s2, s5, $0xb8;
	[tilespmem:$0x4C80] =	vst v63  }
0x76: {  	_ = 	snop  }
0x77: {  	[tilespmem:s12], [sflag:$0x1] =	stream.indirect.gather [hbm4b:s20+s5], $0x1, s2, s5, $0xb8;
	[tilespmem:$0x4C80] =	vst v63  }
0x78: {  	_ = 	snop  }
0x79: {  	[tilespmem:s14], [sflag:$0x1] =	stream.indirect.gather [hbm4b:s21+s5], $0x1, s2, s5, $0xb8;
	[tilespmem:$0x4C80] =	vst v63  }
0x7a: {  	_ = 	snop  }
0x7b: {  	[tilespmem:s16], [sflag:$0x1] =	stream.indirect.gather [hbm4b:s11+s5], $0x1, s2, s5, $0xb8;
	[tilespmem:$0x4C80] =	vst v63  }
0x7c: {  	_ = 	snop  }
0x7d: {  	[tilespmem:s15], [sflag:$0x1] =	stream.indirect.gather [hbm4b:s19+s5], $0x1, s9, s5, $0xb8;
	[tilespmem:$0x4C80] =	vst v63  }
0x7e: {  	_ = 	snop  }
0x7f: {  	[tilespmem:s13], [sflag:$0x1] =	stream.indirect.gather [hbm4b:s20+s5], $0x1, s9, s5, $0xb8;
	[tilespmem:$0x4C80] =	vst v63  }
0x80: {  	s1 =	simm.s32 $0x980  }
0x81: {  	[tilespmem:s1], [sflag:$0x1] =	stream.indirect.gather [hbm4b:s21+s5], $0x1, s9, s5, $0xb8;
	[tilespmem:$0x4C80] =	vst v63  }
0x82: {  	s2 =	simm.s32 $0xA00  }
0x83: {  	[tilespmem:s2], [sflag:$0x1] =	stream.indirect.gather [hbm4b:s11+s5], $0x1, s9, s5, $0xb8;
	[tilespmem:$0x4C80] =	vst v63  }
0x84: {  	s4 =	simm.s32 $0xA80  }
0x85: {  	[tilespmem:s4], [sflag:$0x1] =	stream.indirect.gather [hbm4b:s19+s5], $0x1, s22, s5, $0xb8;
	[tilespmem:$0x4C80] =	vst v63  }
0x86: {  	s8 =	simm.s32 $0xB00  }
0x87: {  	[tilespmem:s8], [sflag:$0x1] =	stream.indirect.gather [hbm4b:s20+s5], $0x1, s22, s5, $0xb8;
	[tilespmem:$0x4C80] =	vst v63  }
0x88: {  	s9 =	simm.s32 $0xB80  }
0x89: {  	[tilespmem:s9], [sflag:$0x1] =	stream.indirect.gather [hbm4b:s21+s5], $0x1, s22, s5, $0xb8;
	[tilespmem:$0x4C80] =	vst v63  }
0x8a: {  	s10 =	simm.s32 $0xC00  }
0x8b: {  	[tilespmem:s10], [sflag:$0x1] =	stream.indirect.gather [hbm4b:s11+s5], $0x1, s22, s5, $0xb8;
	[tilespmem:$0x4C80] =	vst v63  }
0x8c: {  	_ =	swait.ge [sflag:s7], $0x80  }
0x8d: {  	[sflag:s7] =	ssyncset.done $0x0  }
0x8e: {  	[sflag:s7] =	ssyncadd.s32 $0xFFFFFF80  }
0x8f: {  	_ =	swait.ge [sflag:s7], $0x80  }
0x90: {  	[sflag:s7] =	ssyncset.done $0x0  }
0x91: {  	[sflag:s7] =	ssyncadd.s32 $0xFFFFFF80  }
0x92: {  	_ =	swait.ge [sflag:s7], $0x80  }
0x93: {  	[sflag:s7] =	ssyncset.done $0x0  }
0x94: {  	[sflag:s7] =	ssyncadd.s32 $0xFFFFFF80  }
0x95: {  	_ =	swait.ge [sflag:s7], $0x80  }
0x96: {  	[sflag:s7] =	ssyncset.done $0x0  }
0x97: {  	[sflag:s7] =	ssyncadd.s32 $0xFFFFFF80  }
0x98: {  	_ =	swait.ge [sflag:s7], $0x80  }
0x99: {  	[sflag:s7] =	ssyncset.done $0x0  }
0x9a: {  	[sflag:s7] =	ssyncadd.s32 $0xFFFFFF80  }
0x9b: {  	_ =	swait.ge [sflag:s7], $0x80  }
0x9c: {  	[sflag:s7] =	ssyncset.done $0x0  }
0x9d: {  	[sflag:s7] =	ssyncadd.s32 $0xFFFFFF80  }
0x9e: {  	_ =	swait.ge [sflag:s7], $0x80  }
0x9f: {  	[sflag:s7] =	ssyncset.done $0x0  }
0xa0: {  	[sflag:s7] =	ssyncadd.s32 $0xFFFFFF80  }
0xa1: {  	_ =	swait.ge [sflag:s7], $0x80  }
0xa2: {  	[sflag:s7] =	ssyncset.done $0x0  }
0xa3: {  	[sflag:s7] =	ssyncadd.s32 $0xFFFFFF80  }
0xa4: {  	_ =	swait.ge [sflag:s7], $0x80  }
0xa5: {  	[sflag:s7] =	ssyncset.done $0x0  }
0xa6: {  	[sflag:s7] =	ssyncadd.s32 $0xFFFFFF80  }
0xa7: {  	_ =	swait.ge [sflag:s7], $0x80  }
0xa8: {  	[sflag:s7] =	ssyncset.done $0x0  }
0xa9: {  	[sflag:s7] =	ssyncadd.s32 $0xFFFFFF80  }
0xaa: {  	_ =	swait.ge [sflag:s7], $0x80  }
0xab: {  	[sflag:s7] =	ssyncset.done $0x0  }
0xac: {  	[sflag:s7] =	ssyncadd.s32 $0xFFFFFF80  }
0xad: {  	_ =	swait.ge [sflag:s7], $0x80  }
0xae: {  	[sflag:s7] =	ssyncset.done $0x0  }
0xaf: {  	[sflag:s7] =	ssyncadd.s32 $0xFFFFFF80  }
0xb0: {  	_ =	swait.ge [sflag:s7], $0x80  }
0xb1: {  	[sflag:s7] =	ssyncset.done $0x0  }
0xb2: {  	[sflag:s7] =	ssyncadd.s32 $0xFFFFFF80  }
0xb3: {  	_ =	swait.ge [sflag:s7], $0x80  }
0xb4: {  	[sflag:s7] =	ssyncset.done $0x0  }
0xb5: {  	[sflag:s7] =	ssyncadd.s32 $0xFFFFFF80  }
0xb6: {  	_ =	swait.ge [sflag:s7], $0x80  }
0xb7: {  	[sflag:s7] =	ssyncset.done $0x0  }
0xb8: {  	[sflag:s7] =	ssyncadd.s32 $0xFFFFFF80  }
0xb9: {  	_ =	swait.ge [sflag:s7], $0x80  }
0xba: {  	[sflag:s7] =	ssyncset.done $0x0  }
0xbb: {  	[sflag:s7] =	ssyncadd.s32 $0xFFFFFF80  }
0xbc: {  	_ =	swait.ge [sflag:s7], $0x80  }
0xbd: {  	[sflag:s7] =	ssyncset.done $0x0  }
0xbe: {  	[sflag:s7] =	ssyncadd.s32 $0xFFFFFF80  }
0xbf: {  	_ =	swait.ge [sflag:s7], $0x80  }
0xc0: {  	[sflag:s7] =	ssyncset.done $0x0  }
0xc1: {  	[sflag:s7] =	ssyncadd.s32 $0xFFFFFF80  }
0xc2: {  	_ =	swait.ge [sflag:s7], $0x80  }
0xc3: {  	[sflag:s7] =	ssyncset.done $0x0  }
0xc4: {  	[sflag:s7] =	ssyncadd.s32 $0xFFFFFF80  }
0xc5: {  	_ =	swait.ge [sflag:s7], $0x80  }
0xc6: {  	[sflag:s7] =	ssyncset.done $0x0  }
0xc7: {  	s17 =	simm.s32 $0xC80;
	[sflag:s7] =	ssyncadd.s32 $0xFFFFFF80  }
0xc8: {  	[tilespmem:s17], [sflag:$0x1] =	stream.indirect.gather [hbm4b:s23+s5], $0x1, s0, s5, $0xb8;
	[tilespmem:$0x4C80] =	vst v63  }
0xc9: {  	s17 =	simm.s32 $0xD00  }
0xca: {  	[tilespmem:s17], [sflag:$0x1] =	stream.indirect.gather [hbm4b:s24+s5], $0x1, s0, s5, $0xb8;
	[tilespmem:$0x4C80] =	vst v63  }
0xcb: {  	s11 =	simm.s32 $0xD80  }
0xcc: {  	[tilespmem:s11], [sflag:$0x1] =	stream.indirect.gather [hbm4b:s25+s5], $0x1, s0, s5, $0xb8;
	[tilespmem:$0x4C80] =	vst v63  }
0xcd: {  	s11 =	simm.s32 $0xE00  }
0xce: {  	[tilespmem:s11], [sflag:$0x1] =	stream.indirect.gather [hbm4b:s26+s5], $0x1, s0, s5, $0xb8;
	[tilespmem:$0x4C80] =	vst v63  }
0xcf: {  	s0 =	simm.s32 $0xE80  }
0xd0: {  	[tilespmem:s0], [sflag:$0x1] =	stream.indirect.gather [hbm4b:s23+s5], $0x1, s28, s5, $0xb8;
	[tilespmem:$0x4C80] =	vst v63  }
0xd1: {  	s0 =	simm.s32 $0xF00  }
0xd2: {  	[tilespmem:s0], [sflag:$0x1] =	stream.indirect.gather [hbm4b:s24+s5], $0x1, s28, s5, $0xb8;
	[tilespmem:$0x4C80] =	vst v63  }
0xd3: {  	s0 =	simm.s32 $0xF80  }
0xd4: {  	[tilespmem:s0], [sflag:$0x1] =	stream.indirect.gather [hbm4b:s25+s5], $0x1, s28, s5, $0xb8;
	[tilespmem:$0x4C80] =	vst v63  }
0xd5: {  	s0 =	simm.s32 $0x1000  }
0xd6: {  	[tilespmem:s0], [sflag:$0x1] =	stream.indirect.gather [hbm4b:s26+s5], $0x1, s28, s5, $0xb8;
	[tilespmem:$0x4C80] =	vst v63  }
0xd7: {  	s28 =	simm.s32 $0x1080  }
0xd8: {  	[tilespmem:s28], [sflag:$0x1] =	stream.indirect.gather [hbm4b:s23+s5], $0x1, s29, s5, $0xb8;
	[tilespmem:$0x4C80] =	vst v63  }
0xd9: {  	s28 =	simm.s32 $0x1100  }
0xda: {  	[tilespmem:s28], [sflag:$0x1] =	stream.indirect.gather [hbm4b:s24+s5], $0x1, s29, s5, $0xb8;
	[tilespmem:$0x4C80] =	vst v63  }
0xdb: {  	s28 =	simm.s32 $0x1180  }
0xdc: {  	[tilespmem:s28], [sflag:$0x1] =	stream.indirect.gather [hbm4b:s25+s5], $0x1, s29, s5, $0xb8;
	[tilespmem:$0x4C80] =	vst v63  }
0xdd: {  	s28 =	simm.s32 $0x1200  }
0xde: {  	[tilespmem:s28], [sflag:$0x1] =	stream.indirect.gather [hbm4b:s26+s5], $0x1, s29, s5, $0xb8;
	[tilespmem:$0x4C80] =	vst v63  }
0xdf: {  	s28 =	simm.s32 $0x1280  }
0xe0: {  	[tilespmem:s28], [sflag:$0x1] =	stream.indirect.gather [hbm4b:s23+s5], $0x1, s30, s5, $0xb8;
	[tilespmem:$0x4C80] =	vst v63  }
0xe1: {  	s28 =	simm.s32 $0x1300  }
0xe2: {  	[tilespmem:s28], [sflag:$0x1] =	stream.indirect.gather [hbm4b:s24+s5], $0x1, s30, s5, $0xb8;
	[tilespmem:$0x4C80] =	vst v63  }
0xe3: {  	s28 =	simm.s32 $0x1380  }
0xe4: {  	[tilespmem:s28], [sflag:$0x1] =	stream.indirect.gather [hbm4b:s25+s5], $0x1, s30, s5, $0xb8;
	[tilespmem:$0x4C80] =	vst v63  }
0xe5: {  	s28 =	simm.s32 $0x1400  }
0xe6: {  	[tilespmem:s28], [sflag:$0x1] =	stream.indirect.gather [hbm4b:s26+s5], $0x1, s30, s5, $0xb8;
	[tilespmem:$0x4C80] =	vst v63  }
0xe7: {  	s30 =	simm.s32 $0x1480  }
0xe8: {  	[tilespmem:s30], [sflag:$0x1] =	stream.indirect.gather [hbm4b:s23+s5], $0x1, s18, s5, $0xb8;
	[tilespmem:$0x4C80] =	vst v63  }
0xe9: {  	s28 =	simm.s32 $0x1500  }
0xea: {  	[tilespmem:s28], [sflag:$0x1] =	stream.indirect.gather [hbm4b:s24+s5], $0x1, s18, s5, $0xb8;
	[tilespmem:$0x4C80] =	vst v63  }
0xeb: {  	s28 =	simm.s32 $0x1580  }
0xec: {  	[tilespmem:s28], [sflag:$0x1] =	stream.indirect.gather [hbm4b:s25+s5], $0x1, s18, s5, $0xb8;
	[tilespmem:$0x4C80] =	vst v63  }
0xed: {  	s28 =	simm.s32 $0x1600  }
0xee: {  	[tilespmem:s28], [sflag:$0x1] =	stream.indirect.gather [hbm4b:s26+s5], $0x1, s18, s5, $0xb8;
	[tilespmem:$0x4C80] =	vst v63  }
0xef: {  	s18 =	simm.s32 $0x1680  }
0xf0: {  	[tilespmem:s18], [sflag:$0x1] =	stream.indirect.gather [hbm4b:s23+s5], $0x1, s12, s5, $0xb8;
	[tilespmem:$0x4C80] =	vst v63  }
0xf1: {  	s28 =	simm.s32 $0x1700  }
0xf2: {  	[tilespmem:s28], [sflag:$0x1] =	stream.indirect.gather [hbm4b:s24+s5], $0x1, s12, s5, $0xb8;
	[tilespmem:$0x4C80] =	vst v63  }
0xf3: {  	s28 =	simm.s32 $0x1780  }
0xf4: {  	[tilespmem:s28], [sflag:$0x1] =	stream.indirect.gather [hbm4b:s25+s5], $0x1, s12, s5, $0xb8;
	[tilespmem:$0x4C80] =	vst v63  }
0xf5: {  	s28 =	simm.s32 $0x1800  }
0xf6: {  	[tilespmem:s28], [sflag:$0x1] =	stream.indirect.gather [hbm4b:s26+s5], $0x1, s12, s5, $0xb8;
	[tilespmem:$0x4C80] =	vst v63  }
0xf7: {  	s28 =	simm.s32 $0x1880  }
0xf8: {  	[tilespmem:s28], [sflag:$0x1] =	stream.indirect.gather [hbm4b:s23+s5], $0x1, s14, s5, $0xb8;
	[tilespmem:$0x4C80] =	vst v63  }
0xf9: {  	s28 =	simm.s32 $0x1900  }
0xfa: {  	[tilespmem:s28], [sflag:$0x1] =	stream.indirect.gather [hbm4b:s24+s5], $0x1, s14, s5, $0xb8;
	[tilespmem:$0x4C80] =	vst v63  }
0xfb: {  	s28 =	simm.s32 $0x1980  }
0xfc: {  	[tilespmem:s28], [sflag:$0x1] =	stream.indirect.gather [hbm4b:s25+s5], $0x1, s14, s5, $0xb8;
	[tilespmem:$0x4C80] =	vst v63  }
0xfd: {  	s28 =	simm.s32 $0x1A00  }
0xfe: {  	[tilespmem:s28], [sflag:$0x1] =	stream.indirect.gather [hbm4b:s26+s5], $0x1, s14, s5, $0xb8;
	[tilespmem:$0x4C80] =	vst v63  }
0xff: {  	s12 =	simm.s32 $0x1A80  }
0x100: {  	[tilespmem:s12], [sflag:$0x1] =	stream.indirect.gather [hbm4b:s23+s5], $0x1, s16, s5, $0xb8;
	[tilespmem:$0x4C80] =	vst v63  }
0x101: {  	s28 =	simm.s32 $0x1B00  }
0x102: {  	[tilespmem:s28], [sflag:$0x1] =	stream.indirect.gather [hbm4b:s24+s5], $0x1, s16, s5, $0xb8;
	[tilespmem:$0x4C80] =	vst v63  }
0x103: {  	s28 =	simm.s32 $0x1B80  }
0x104: {  	[tilespmem:s28], [sflag:$0x1] =	stream.indirect.gather [hbm4b:s25+s5], $0x1, s16, s5, $0xb8;
	[tilespmem:$0x4C80] =	vst v63  }
0x105: {  	s28 =	simm.s32 $0x1C00  }
0x106: {  	[tilespmem:s28], [sflag:$0x1] =	stream.indirect.gather [hbm4b:s26+s5], $0x1, s16, s5, $0xb8;
	[tilespmem:$0x4C80] =	vst v63  }
0x107: {  	_ =	swait.ge [sflag:s7], $0x80  }
0x108: {  	[sflag:s7] =	ssyncset.done $0x0  }
0x109: {  	[sflag:s7] =	ssyncadd.s32 $0xFFFFFF80  }
0x10a: {  	_ =	swait.ge [sflag:s7], $0x80  }
0x10b: {  	[sflag:s7] =	ssyncset.done $0x0  }
0x10c: {  	[sflag:s7] =	ssyncadd.s32 $0xFFFFFF80  }
0x10d: {  	_ =	swait.ge [sflag:s7], $0x80  }
0x10e: {  	[sflag:s7] =	ssyncset.done $0x0  }
0x10f: {  	[sflag:s7] =	ssyncadd.s32 $0xFFFFFF80  }
0x110: {  	_ =	swait.ge [sflag:s7], $0x80  }
0x111: {  	[sflag:s7] =	ssyncset.done $0x0  }
0x112: {  	[sflag:s7] =	ssyncadd.s32 $0xFFFFFF80  }
0x113: {  	_ =	swait.ge [sflag:s7], $0x80  }
0x114: {  	[sflag:s7] =	ssyncset.done $0x0  }
0x115: {  	[sflag:s7] =	ssyncadd.s32 $0xFFFFFF80  }
0x116: {  	_ =	swait.ge [sflag:s7], $0x80  }
0x117: {  	[sflag:s7] =	ssyncset.done $0x0  }
0x118: {  	[sflag:s7] =	ssyncadd.s32 $0xFFFFFF80  }
0x119: {  	_ =	swait.ge [sflag:s7], $0x80  }
0x11a: {  	[sflag:s7] =	ssyncset.done $0x0  }
0x11b: {  	[sflag:s7] =	ssyncadd.s32 $0xFFFFFF80  }
0x11c: {  	_ =	swait.ge [sflag:s7], $0x80  }
0x11d: {  	[sflag:s7] =	ssyncset.done $0x0  }
0x11e: {  	[sflag:s7] =	ssyncadd.s32 $0xFFFFFF80  }
0x11f: {  	_ =	swait.ge [sflag:s7], $0x80  }
0x120: {  	[sflag:s7] =	ssyncset.done $0x0  }
0x121: {  	[sflag:s7] =	ssyncadd.s32 $0xFFFFFF80  }
0x122: {  	_ =	swait.ge [sflag:s7], $0x80  }
0x123: {  	[sflag:s7] =	ssyncset.done $0x0  }
0x124: {  	[sflag:s7] =	ssyncadd.s32 $0xFFFFFF80  }
0x125: {  	_ =	swait.ge [sflag:s7], $0x80  }
0x126: {  	[sflag:s7] =	ssyncset.done $0x0  }
0x127: {  	[sflag:s7] =	ssyncadd.s32 $0xFFFFFF80  }
0x128: {  	_ =	swait.ge [sflag:s7], $0x80  }
0x129: {  	[sflag:s7] =	ssyncset.done $0x0  }
0x12a: {  	[sflag:s7] =	ssyncadd.s32 $0xFFFFFF80  }
0x12b: {  	_ =	swait.ge [sflag:s7], $0x80  }
0x12c: {  	[sflag:s7] =	ssyncset.done $0x0  }
0x12d: {  	[sflag:s7] =	ssyncadd.s32 $0xFFFFFF80  }
0x12e: {  	_ =	swait.ge [sflag:s7], $0x80  }
0x12f: {  	[sflag:s7] =	ssyncset.done $0x0  }
0x130: {  	[sflag:s7] =	ssyncadd.s32 $0xFFFFFF80  }
0x131: {  	_ =	swait.ge [sflag:s7], $0x80  }
0x132: {  	[sflag:s7] =	ssyncset.done $0x0  }
0x133: {  	[sflag:s7] =	ssyncadd.s32 $0xFFFFFF80  }
0x134: {  	_ =	swait.ge [sflag:s7], $0x80  }
0x135: {  	[sflag:s7] =	ssyncset.done $0x0  }
0x136: {  	[sflag:s7] =	ssyncadd.s32 $0xFFFFFF80  }
0x137: {  	_ =	swait.ge [sflag:s7], $0x80  }
0x138: {  	[sflag:s7] =	ssyncset.done $0x0  }
0x139: {  	[sflag:s7] =	ssyncadd.s32 $0xFFFFFF80  }
0x13a: {  	_ =	swait.ge [sflag:s7], $0x80  }
0x13b: {  	[sflag:s7] =	ssyncset.done $0x0  }
0x13c: {  	[sflag:s7] =	ssyncadd.s32 $0xFFFFFF80  }
0x13d: {  	_ =	swait.ge [sflag:s7], $0x80  }
0x13e: {  	[sflag:s7] =	ssyncset.done $0x0  }
0x13f: {  	[sflag:s7] =	ssyncadd.s32 $0xFFFFFF80  }
0x140: {  	_ =	swait.ge [sflag:s7], $0x80  }
0x141: {  	[sflag:s7] =	ssyncset.done $0x0  }
0x142: {  	[sflag:s7] =	ssyncadd.s32 $0xFFFFFF80  }
0x143: {  	_ =	swait.ge [sflag:s7], $0x80  }
0x144: {  	[sflag:s7] =	ssyncset.done $0x0  }
0x145: {  	[sflag:s7] =	ssyncadd.s32 $0xFFFFFF80  }
0x146: {  	_ =	swait.ge [sflag:s7], $0x80  }
0x147: {  	[sflag:s7] =	ssyncset.done $0x0  }
0x148: {  	[sflag:s7] =	ssyncadd.s32 $0xFFFFFF80  }
0x149: {  	_ =	swait.ge [sflag:s7], $0x80  }
0x14a: {  	[sflag:s7] =	ssyncset.done $0x0  }
0x14b: {  	[sflag:s7] =	ssyncadd.s32 $0xFFFFFF80  }
0x14c: {  	_ =	swait.ge [sflag:s7], $0x80  }
0x14d: {  	[sflag:s7] =	ssyncset.done $0x0  }
0x14e: {  	[sflag:s7] =	ssyncadd.s32 $0xFFFFFF80  }
0x14f: {  	_ =	swait.ge [sflag:s7], $0x80  }
0x150: {  	[sflag:s7] =	ssyncset.done $0x0  }
0x151: {  	[sflag:s7] =	ssyncadd.s32 $0xFFFFFF80  }
0x152: {  	_ =	swait.ge [sflag:s7], $0x80  }
0x153: {  	[sflag:s7] =	ssyncset.done $0x0  }
0x154: {  	[sflag:s7] =	ssyncadd.s32 $0xFFFFFF80  }
0x155: {  	_ =	swait.ge [sflag:s7], $0x80  }
0x156: {  	[sflag:s7] =	ssyncset.done $0x0  }
0x157: {  	[sflag:s7] =	ssyncadd.s32 $0xFFFFFF80  }
0x158: {  	_ =	swait.ge [sflag:s7], $0x80  }
0x159: {  	[sflag:s7] =	ssyncset.done $0x0  }
0x15a: {  	[sflag:s7] =	ssyncadd.s32 $0xFFFFFF80  }
0x15b: {  	_ =	swait.ge [sflag:s7], $0x80  }
0x15c: {  	[sflag:s7] =	ssyncset.done $0x0  }
0x15d: {  	[sflag:s7] =	ssyncadd.s32 $0xFFFFFF80  }
0x15e: {  	_ =	swait.ge [sflag:s7], $0x80  }
0x15f: {  	[sflag:s7] =	ssyncset.done $0x0  }
0x160: {  	[sflag:s7] =	ssyncadd.s32 $0xFFFFFF80  }
0x161: {  	_ =	swait.ge [sflag:s7], $0x80  }
0x162: {  	[sflag:s7] =	ssyncset.done $0x0  }
0x163: {  	[sflag:s7] =	ssyncadd.s32 $0xFFFFFF80  }
0x164: {  	_ =	swait.ge [sflag:s7], $0x80  }
0x165: {  	[sflag:s7] =	ssyncset.done $0x0  }
0x166: {  	s16 =	simm.s32 $0x1C80;
	[sflag:s7] =	ssyncadd.s32 $0xFFFFFF80  }
0x167: {  	[tilespmem:s16], [sflag:$0x1] =	stream.indirect.gather [hbm4b:s23+s5], $0x1, s15, s5, $0xb8;
	[tilespmem:$0x4C80] =	vst v63  }
0x168: {  	s28 =	simm.s32 $0x1D00  }
0x169: {  	[tilespmem:s28], [sflag:$0x1] =	stream.indirect.gather [hbm4b:s24+s5], $0x1, s15, s5, $0xb8;
	[tilespmem:$0x4C80] =	vst v63  }
0x16a: {  	s28 =	simm.s32 $0x1D80  }
0x16b: {  	[tilespmem:s28], [sflag:$0x1] =	stream.indirect.gather [hbm4b:s25+s5], $0x1, s15, s5, $0xb8;
	[tilespmem:$0x4C80] =	vst v63  }
0x16c: {  	s28 =	simm.s32 $0x1E00  }
0x16d: {  	[tilespmem:s28], [sflag:$0x1] =	stream.indirect.gather [hbm4b:s26+s5], $0x1, s15, s5, $0xb8;
	[tilespmem:$0x4C80] =	vst v63  }
0x16e: {  	s15 =	simm.s32 $0x1E80  }
0x16f: {  	[tilespmem:s15], [sflag:$0x1] =	stream.indirect.gather [hbm4b:s23+s5], $0x1, s13, s5, $0xb8;
	[tilespmem:$0x4C80] =	vst v63  }
0x170: {  	s28 =	simm.s32 $0x1F00  }
0x171: {  	[tilespmem:s28], [sflag:$0x1] =	stream.indirect.gather [hbm4b:s24+s5], $0x1, s13, s5, $0xb8;
	[tilespmem:$0x4C80] =	vst v63  }
0x172: {  	s28 =	simm.s32 $0x1F80  }
0x173: {  	[tilespmem:s28], [sflag:$0x1] =	stream.indirect.gather [hbm4b:s25+s5], $0x1, s13, s5, $0xb8;
	[tilespmem:$0x4C80] =	vst v63  }
0x174: {  	s28 =	simm.s32 $0x2000  }
0x175: {  	[tilespmem:s28], [sflag:$0x1] =	stream.indirect.gather [hbm4b:s26+s5], $0x1, s13, s5, $0xb8;
	[tilespmem:$0x4C80] =	vst v63  }
0x176: {  	s13 =	simm.s32 $0x2080  }
0x177: {  	[tilespmem:s13], [sflag:$0x1] =	stream.indirect.gather [hbm4b:s23+s5], $0x1, s1, s5, $0xb8;
	[tilespmem:$0x4C80] =	vst v63  }
0x178: {  	s28 =	simm.s32 $0x2100  }
0x179: {  	[tilespmem:s28], [sflag:$0x1] =	stream.indirect.gather [hbm4b:s24+s5], $0x1, s1, s5, $0xb8;
	[tilespmem:$0x4C80] =	vst v63  }
0x17a: {  	s28 =	simm.s32 $0x2180  }
0x17b: {  	[tilespmem:s28], [sflag:$0x1] =	stream.indirect.gather [hbm4b:s25+s5], $0x1, s1, s5, $0xb8;
	[tilespmem:$0x4C80] =	vst v63  }
0x17c: {  	s28 =	simm.s32 $0x2200  }
0x17d: {  	[tilespmem:s28], [sflag:$0x1] =	stream.indirect.gather [hbm4b:s26+s5], $0x1, s1, s5, $0xb8;
	[tilespmem:$0x4C80] =	vst v63  }
0x17e: {  	s14 =	simm.s32 $0x2280  }
0x17f: {  	[tilespmem:s14], [sflag:$0x1] =	stream.indirect.gather [hbm4b:s23+s5], $0x1, s2, s5, $0xb8;
	[tilespmem:$0x4C80] =	vst v63  }
0x180: {  	s28 =	simm.s32 $0x2300  }
0x181: {  	[tilespmem:s28], [sflag:$0x1] =	stream.indirect.gather [hbm4b:s24+s5], $0x1, s2, s5, $0xb8;
	[tilespmem:$0x4C80] =	vst v63  }
0x182: {  	s14 =	simm.s32 $0x2380  }
0x183: {  	[tilespmem:s14], [sflag:$0x1] =	stream.indirect.gather [hbm4b:s25+s5], $0x1, s2, s5, $0xb8;
	[tilespmem:$0x4C80] =	vst v63  }
0x184: {  	s28 =	simm.s32 $0x2400  }
0x185: {  	[tilespmem:s28], [sflag:$0x1] =	stream.indirect.gather [hbm4b:s26+s5], $0x1, s2, s5, $0xb8;
	[tilespmem:$0x4C80] =	vst v63  }
0x186: {  	s14 =	simm.s32 $0x2480  }
0x187: {  	[tilespmem:s14], [sflag:$0x1] =	stream.indirect.gather [hbm4b:s23+s5], $0x1, s4, s5, $0xb8;
	[tilespmem:$0x4C80] =	vst v63  }
0x188: {  	s2 =	simm.s32 $0x2500  }
0x189: {  	[tilespmem:s2], [sflag:$0x1] =	stream.indirect.gather [hbm4b:s24+s5], $0x1, s4, s5, $0xb8;
	[tilespmem:$0x4C80] =	vst v63  }
0x18a: {  	s28 =	simm.s32 $0x2580  }
0x18b: {  	[tilespmem:s28], [sflag:$0x1] =	stream.indirect.gather [hbm4b:s25+s5], $0x1, s4, s5, $0xb8;
	[tilespmem:$0x4C80] =	vst v63  }
0x18c: {  	s2 =	simm.s32 $0x2600  }
0x18d: {  	[tilespmem:s2], [sflag:$0x1] =	stream.indirect.gather [hbm4b:s26+s5], $0x1, s4, s5, $0xb8;
	[tilespmem:$0x4C80] =	vst v63  }
0x18e: {  	s4 =	simm.s32 $0x2680  }
0x18f: {  	[tilespmem:s4], [sflag:$0x1] =	stream.indirect.gather [hbm4b:s23+s5], $0x1, s8, s5, $0xb8;
	[tilespmem:$0x4C80] =	vst v63  }
0x190: {  	s28 =	simm.s32 $0x2700  }
0x191: {  	[tilespmem:s28], [sflag:$0x1] =	stream.indirect.gather [hbm4b:s24+s5], $0x1, s8, s5, $0xb8;
	[tilespmem:$0x4C80] =	vst v63  }
0x192: {  	s2 =	simm.s32 $0x2780  }
0x193: {  	[tilespmem:s2], [sflag:$0x1] =	stream.indirect.gather [hbm4b:s25+s5], $0x1, s8, s5, $0xb8;
	[tilespmem:$0x4C80] =	vst v63  }
0x194: {  	s4 =	simm.s32 $0x2800  }
0x195: {  	[tilespmem:s4], [sflag:$0x1] =	stream.indirect.gather [hbm4b:s26+s5], $0x1, s8, s5, $0xb8;
	[tilespmem:$0x4C80] =	vst v63  }
0x196: {  	s28 =	simm.s32 $0x2880  }
0x197: {  	[tilespmem:s28], [sflag:$0x1] =	stream.indirect.gather [hbm4b:s23+s5], $0x1, s9, s5, $0xb8;
	[tilespmem:$0x4C80] =	vst v63  }
0x198: {  	s2 =	simm.s32 $0x2900  }
0x199: {  	[tilespmem:s2], [sflag:$0x1] =	stream.indirect.gather [hbm4b:s24+s5], $0x1, s9, s5, $0xb8;
	[tilespmem:$0x4C80] =	vst v63  }
0x19a: {  	s4 =	simm.s32 $0x2980  }
0x19b: {  	[tilespmem:s4], [sflag:$0x1] =	stream.indirect.gather [hbm4b:s25+s5], $0x1, s9, s5, $0xb8;
	[tilespmem:$0x4C80] =	vst v63  }
0x19c: {  	s8 =	simm.s32 $0x2A00  }
0x19d: {  	[tilespmem:s8], [sflag:$0x1] =	stream.indirect.gather [hbm4b:s26+s5], $0x1, s9, s5, $0xb8;
	[tilespmem:$0x4C80] =	vst v63  }
0x19e: {  	s9 =	simm.s32 $0x2A80  }
0x19f: {  	[tilespmem:s9], [sflag:$0x1] =	stream.indirect.gather [hbm4b:s23+s5], $0x1, s10, s5, $0xb8;
	[tilespmem:$0x4C80] =	vst v63  }
0x1a0: {  	s9 =	simm.s32 $0x2B00  }
0x1a1: {  	[tilespmem:s9], [sflag:$0x1] =	stream.indirect.gather [hbm4b:s24+s5], $0x1, s10, s5, $0xb8;
	[tilespmem:$0x4C80] =	vst v63  }
0x1a2: {  	s4 =	simm.s32 $0x2B80  }
0x1a3: {  	[tilespmem:s4], [sflag:$0x1] =	stream.indirect.gather [hbm4b:s25+s5], $0x1, s10, s5, $0xb8;
	[tilespmem:$0x4C80] =	vst v63  }
0x1a4: {  	s8 =	simm.s32 $0x2C00  }
0x1a5: {  	[tilespmem:s8], [sflag:$0x1] =	stream.indirect.gather [hbm4b:s26+s5], $0x1, s10, s5, $0xb8;
	[tilespmem:$0x4C80] =	vst v63  }
0x1a6: {  	_ =	swait.ge [sflag:s7], $0x80  }
0x1a7: {  	[sflag:s7] =	ssyncset.done $0x0  }
0x1a8: {  	[sflag:s7] =	ssyncadd.s32 $0xFFFFFF80  }
0x1a9: {  	_ =	swait.ge [sflag:s7], $0x80  }
0x1aa: {  	[sflag:s7] =	ssyncset.done $0x0  }
0x1ab: {  	[sflag:s7] =	ssyncadd.s32 $0xFFFFFF80  }
0x1ac: {  	_ =	swait.ge [sflag:s7], $0x80  }
0x1ad: {  	[sflag:s7] =	ssyncset.done $0x0  }
0x1ae: {  	[sflag:s7] =	ssyncadd.s32 $0xFFFFFF80  }
0x1af: {  	_ =	swait.ge [sflag:s7], $0x80  }
0x1b0: {  	[sflag:s7] =	ssyncset.done $0x0  }
0x1b1: {  	[sflag:s7] =	ssyncadd.s32 $0xFFFFFF80  }
0x1b2: {  	_ =	swait.ge [sflag:s7], $0x80  }
0x1b3: {  	[sflag:s7] =	ssyncset.done $0x0  }
0x1b4: {  	[sflag:s7] =	ssyncadd.s32 $0xFFFFFF80  }
0x1b5: {  	_ =	swait.ge [sflag:s7], $0x80  }
0x1b6: {  	[sflag:s7] =	ssyncset.done $0x0  }
0x1b7: {  	[sflag:s7] =	ssyncadd.s32 $0xFFFFFF80  }
0x1b8: {  	_ =	swait.ge [sflag:s7], $0x80  }
0x1b9: {  	[sflag:s7] =	ssyncset.done $0x0  }
0x1ba: {  	[sflag:s7] =	ssyncadd.s32 $0xFFFFFF80  }
0x1bb: {  	_ =	swait.ge [sflag:s7], $0x80  }
0x1bc: {  	[sflag:s7] =	ssyncset.done $0x0  }
0x1bd: {  	[sflag:s7] =	ssyncadd.s32 $0xFFFFFF80  }
0x1be: {  	_ =	swait.ge [sflag:s7], $0x80  }
0x1bf: {  	[sflag:s7] =	ssyncset.done $0x0  }
0x1c0: {  	[sflag:s7] =	ssyncadd.s32 $0xFFFFFF80  }
0x1c1: {  	_ =	swait.ge [sflag:s7], $0x80  }
0x1c2: {  	[sflag:s7] =	ssyncset.done $0x0  }
0x1c3: {  	[sflag:s7] =	ssyncadd.s32 $0xFFFFFF80  }
0x1c4: {  	_ =	swait.ge [sflag:s7], $0x80  }
0x1c5: {  	[sflag:s7] =	ssyncset.done $0x0  }
0x1c6: {  	[sflag:s7] =	ssyncadd.s32 $0xFFFFFF80  }
0x1c7: {  	_ =	swait.ge [sflag:s7], $0x80  }
0x1c8: {  	[sflag:s7] =	ssyncset.done $0x0  }
0x1c9: {  	[sflag:s7] =	ssyncadd.s32 $0xFFFFFF80  }
0x1ca: {  	_ =	swait.ge [sflag:s7], $0x80  }
0x1cb: {  	[sflag:s7] =	ssyncset.done $0x0  }
0x1cc: {  	[sflag:s7] =	ssyncadd.s32 $0xFFFFFF80  }
0x1cd: {  	_ =	swait.ge [sflag:s7], $0x80  }
0x1ce: {  	[sflag:s7] =	ssyncset.done $0x0  }
0x1cf: {  	[sflag:s7] =	ssyncadd.s32 $0xFFFFFF80  }
0x1d0: {  	_ =	swait.ge [sflag:s7], $0x80  }
0x1d1: {  	[sflag:s7] =	ssyncset.done $0x0  }
0x1d2: {  	[sflag:s7] =	ssyncadd.s32 $0xFFFFFF80  }
0x1d3: {  	_ =	swait.ge [sflag:s7], $0x80  }
0x1d4: {  	[sflag:s7] =	ssyncset.done $0x0  }
0x1d5: {  	[sflag:s7] =	ssyncadd.s32 $0xFFFFFF80  }
0x1d6: {  	_ =	swait.ge [sflag:s7], $0x80  }
0x1d7: {  	[sflag:s7] =	ssyncset.done $0x0  }
0x1d8: {  	[sflag:s7] =	ssyncadd.s32 $0xFFFFFF80  }
0x1d9: {  	_ =	swait.ge [sflag:s7], $0x80  }
0x1da: {  	[sflag:s7] =	ssyncset.done $0x0  }
0x1db: {  	[sflag:s7] =	ssyncadd.s32 $0xFFFFFF80  }
0x1dc: {  	_ =	swait.ge [sflag:s7], $0x80  }
0x1dd: {  	[sflag:s7] =	ssyncset.done $0x0  }
0x1de: {  	[sflag:s7] =	ssyncadd.s32 $0xFFFFFF80  }
0x1df: {  	_ =	swait.ge [sflag:s7], $0x80  }
0x1e0: {  	[sflag:s7] =	ssyncset.done $0x0  }
0x1e1: {  	[sflag:s7] =	ssyncadd.s32 $0xFFFFFF80  }
0x1e2: {  	_ =	swait.ge [sflag:s7], $0x80  }
0x1e3: {  	[sflag:s7] =	ssyncset.done $0x0  }
0x1e4: {  	[sflag:s7] =	ssyncadd.s32 $0xFFFFFF80  }
0x1e5: {  	_ =	swait.ge [sflag:s7], $0x80  }
0x1e6: {  	[sflag:s7] =	ssyncset.done $0x0  }
0x1e7: {  	[sflag:s7] =	ssyncadd.s32 $0xFFFFFF80  }
0x1e8: {  	_ =	swait.ge [sflag:s7], $0x80  }
0x1e9: {  	[sflag:s7] =	ssyncset.done $0x0  }
0x1ea: {  	[sflag:s7] =	ssyncadd.s32 $0xFFFFFF80  }
0x1eb: {  	_ =	swait.ge [sflag:s7], $0x80  }
0x1ec: {  	[sflag:s7] =	ssyncset.done $0x0  }
0x1ed: {  	[sflag:s7] =	ssyncadd.s32 $0xFFFFFF80  }
0x1ee: {  	_ =	swait.ge [sflag:s7], $0x80  }
0x1ef: {  	[sflag:s7] =	ssyncset.done $0x0  }
0x1f0: {  	[sflag:s7] =	ssyncadd.s32 $0xFFFFFF80  }
0x1f1: {  	_ =	swait.ge [sflag:s7], $0x80  }
0x1f2: {  	[sflag:s7] =	ssyncset.done $0x0  }
0x1f3: {  	[sflag:s7] =	ssyncadd.s32 $0xFFFFFF80  }
0x1f4: {  	_ =	swait.ge [sflag:s7], $0x80  }
0x1f5: {  	[sflag:s7] =	ssyncset.done $0x0  }
0x1f6: {  	[sflag:s7] =	ssyncadd.s32 $0xFFFFFF80  }
0x1f7: {  	_ =	swait.ge [sflag:s7], $0x80  }
0x1f8: {  	[sflag:s7] =	ssyncset.done $0x0  }
0x1f9: {  	[sflag:s7] =	ssyncadd.s32 $0xFFFFFF80  }
0x1fa: {  	_ =	swait.ge [sflag:s7], $0x80  }
0x1fb: {  	[sflag:s7] =	ssyncset.done $0x0  }
0x1fc: {  	[sflag:s7] =	ssyncadd.s32 $0xFFFFFF80  }
0x1fd: {  	_ =	swait.ge [sflag:s7], $0x80  }
0x1fe: {  	[sflag:s7] =	ssyncset.done $0x0  }
0x1ff: {  	[sflag:s7] =	ssyncadd.s32 $0xFFFFFF80  }
0x200: {  	_ =	swait.ge [sflag:s7], $0x80  }
0x201: {  	[sflag:s7] =	ssyncset.done $0x0  }
0x202: {  	[sflag:s7] =	ssyncadd.s32 $0xFFFFFF80  }
0x203: {  	_ =	swait.ge [sflag:s7], $0x80  }
0x204: {  	s1 =	simm.s32 $0xC80;
	[sflag:s7] =	ssyncset.done $0x0  }
0x205: {  	s2 =	simm.s32 $0x2C80;
	s10 =	rddreg [dreg:$0xc];
	[sflag:s7] =	ssyncadd.s32 $0xFFFFFF80  }
0x206: {  	[tilespmem:s2], [sflag:$0x1] =	stream.indirect.gather [hbm4b:s3+s5], $0x1, s1, s5, $0xb8;
	[tilespmem:$0x4C80] =	vst v63  }
0x207: {  	s29 =	rddreg [dreg:$0xd]  }
0x208: {  	[tilespmem:s10], [sflag:$0x1] =	stream.indirect.gather [hbm4b:s3+s5], $0x1, s17, s5, $0xb8;
	[tilespmem:$0x4C80] =	vst v63  }
0x209: {  	s28 =	rddreg [dreg:$0xe];
	s17 =	simm.s32 $0xD80  }
0x20a: {  	[tilespmem:s29], [sflag:$0x1] =	stream.indirect.gather [hbm4b:s3+s5], $0x1, s17, s5, $0xb8;
	[tilespmem:$0x4C80] =	vst v63  }
0x20b: {  	s11 =	simm.s32 $0xE00;
	s10 =	rddreg [dreg:$0x14]  }
0x20c: {  	[tilespmem:s28], [sflag:$0x1] =	stream.indirect.gather [hbm4b:s3+s5], $0x1, s11, s5, $0xb8;
	[tilespmem:$0x4C80] =	vst v63  }
0x20d: {  	s29 =	rddreg [dreg:$0xf];
	s11 =	simm.s32 $0xE80  }
0x20e: {  	[tilespmem:s29], [sflag:$0x1] =	stream.indirect.gather [hbm4b:s3+s5], $0x1, s11, s5, $0xb8;
	[tilespmem:$0x4C80] =	vst v63  }
0x20f: {  	s17 =	simm.s32 $0xF00;
	s28 =	rddreg [dreg:$0x10]  }
0x210: {  	[tilespmem:s28], [sflag:$0x1] =	stream.indirect.gather [hbm4b:s3+s5], $0x1, s17, s5, $0xb8;
	[tilespmem:$0x4C80] =	vst v63  }
0x211: {  	s29 =	rddreg [dreg:$0x11];
	s17 =	simm.s32 $0xF80  }
0x212: {  	[tilespmem:s29], [sflag:$0x1] =	stream.indirect.gather [hbm4b:s3+s5], $0x1, s17, s5, $0xb8;
	[tilespmem:$0x4C80] =	vst v63  }
0x213: {  	s0 =	simm.s32 $0x1000;
	s11 =	rddreg [dreg:$0x12]  }
0x214: {  	[tilespmem:s11], [sflag:$0x1] =	stream.indirect.gather [hbm4b:s3+s5], $0x1, s0, s5, $0xb8;
	[tilespmem:$0x4C80] =	vst v63  }
0x215: {  	s29 =	rddreg [dreg:$0x13];
	s11 =	simm.s32 $0x1080  }
0x216: {  	[tilespmem:s29], [sflag:$0x1] =	stream.indirect.gather [hbm4b:s3+s5], $0x1, s11, s5, $0xb8;
	[tilespmem:$0x4C80] =	vst v63  }
0x217: {  	s17 =	simm.s32 $0x1100;
	s0 =	rddreg [dreg:$0x1c]  }
0x218: {  	[tilespmem:s10], [sflag:$0x1] =	stream.indirect.gather [hbm4b:s3+s5], $0x1, s17, s5, $0xb8;
	[tilespmem:$0x4C80] =	vst v63  }
0x219: {  	s29 =	rddreg [dreg:$0x15];
	s11 =	simm.s32 $0x1180  }
0x21a: {  	[tilespmem:s29], [sflag:$0x1] =	stream.indirect.gather [hbm4b:s3+s5], $0x1, s11, s5, $0xb8;
	[tilespmem:$0x4C80] =	vst v63  }
0x21b: {  	s10 =	rddreg [dreg:$0x16];
	s17 =	simm.s32 $0x1200  }
0x21c: {  	[tilespmem:s10], [sflag:$0x1] =	stream.indirect.gather [hbm4b:s3+s5], $0x1, s17, s5, $0xb8;
	[tilespmem:$0x4C80] =	vst v63  }
0x21d: {  	s29 =	rddreg [dreg:$0x17];
	s11 =	simm.s32 $0x1280  }
0x21e: {  	[tilespmem:s29], [sflag:$0x1] =	stream.indirect.gather [hbm4b:s3+s5], $0x1, s11, s5, $0xb8;
	[tilespmem:$0x4C80] =	vst v63  }
0x21f: {  	s10 =	rddreg [dreg:$0x18];
	s17 =	simm.s32 $0x1300  }
0x220: {  	[tilespmem:s10], [sflag:$0x1] =	stream.indirect.gather [hbm4b:s3+s5], $0x1, s17, s5, $0xb8;
	[tilespmem:$0x4C80] =	vst v63  }
0x221: {  	s29 =	rddreg [dreg:$0x19];
	s11 =	simm.s32 $0x1380  }
0x222: {  	[tilespmem:s29], [sflag:$0x1] =	stream.indirect.gather [hbm4b:s3+s5], $0x1, s11, s5, $0xb8;
	[tilespmem:$0x4C80] =	vst v63  }
0x223: {  	s10 =	rddreg [dreg:$0x1a];
	s17 =	simm.s32 $0x1400  }
0x224: {  	[tilespmem:s10], [sflag:$0x1] =	stream.indirect.gather [hbm4b:s3+s5], $0x1, s17, s5, $0xb8;
	[tilespmem:$0x4C80] =	vst v63  }
0x225: {  	s29 =	rddreg [dreg:$0x1b]  }
0x226: {  	[tilespmem:s29], [sflag:$0x1] =	stream.indirect.gather [hbm4b:s3+s5], $0x1, s30, s5, $0xb8;
	[tilespmem:$0x4C80] =	vst v63  }
0x227: {  	s11 =	rddreg [dreg:$0x1e];
	s10 =	simm.s32 $0x1500  }
0x228: {  	[tilespmem:s0], [sflag:$0x1] =	stream.indirect.gather [hbm4b:s3+s5], $0x1, s10, s5, $0xb8;
	[tilespmem:$0x4C80] =	vst v63  }
0x229: {  	s17 =	simm.s32 $0x1580;
	s29 =	rddreg [dreg:$0x1d]  }
0x22a: {  	[tilespmem:s29], [sflag:$0x1] =	stream.indirect.gather [hbm4b:s3+s5], $0x1, s17, s5, $0xb8;
	[tilespmem:$0x4C80] =	vst v63  }
0x22b: {  	s30 =	simm.s32 $0x1600;
	s0 =	sld [smem:$0x7D3]  }
0x22c: {  	[tilespmem:s11], [sflag:$0x1] =	stream.indirect.gather [hbm4b:s3+s5], $0x1, s30, s5, $0xb8;
	[tilespmem:$0x4C80] =	vst v63  }
0x22d: {  	s29 =	rddreg [dreg:$0x1f]  }
0x22e: {  	[tilespmem:s29], [sflag:$0x1] =	stream.indirect.gather [hbm4b:s3+s5], $0x1, s18, s5, $0xb8;
	[tilespmem:$0x4C80] =	vst v63  }
0x22f: {  	s10 =	simm.s32 $0x1700;
	s29 =	sld [smem:$0x7D4]  }
0x230: {  	[tilespmem:s0], [sflag:$0x1] =	stream.indirect.gather [hbm4b:s3+s5], $0x1, s10, s5, $0xb8;
	[tilespmem:$0x4C80] =	vst v63  }
0x231: {  	s17 =	simm.s32 $0x1780;
	s11 =	sld [smem:$0x7D5]  }
0x232: {  	[tilespmem:s29], [sflag:$0x1] =	stream.indirect.gather [hbm4b:s3+s5], $0x1, s17, s5, $0xb8;
	[tilespmem:$0x4C80] =	vst v63  }
0x233: {  	s18 =	simm.s32 $0x1800;
	s29 =	sld [smem:$0x7D6]  }
0x234: {  	[tilespmem:s11], [sflag:$0x1] =	stream.indirect.gather [hbm4b:s3+s5], $0x1, s18, s5, $0xb8;
	[tilespmem:$0x4C80] =	vst v63  }
0x235: {  	s30 =	sld [smem:$0x7D7];
	s10 =	simm.s32 $0x1880  }
0x236: {  	[tilespmem:s29], [sflag:$0x1] =	stream.indirect.gather [hbm4b:s3+s5], $0x1, s10, s5, $0xb8;
	[tilespmem:$0x4C80] =	vst v63  }
0x237: {  	s11 =	simm.s32 $0x1900;
	s29 =	sld [smem:$0x7D8]  }
0x238: {  	[tilespmem:s30], [sflag:$0x1] =	stream.indirect.gather [hbm4b:s3+s5], $0x1, s11, s5, $0xb8;
	[tilespmem:$0x4C80] =	vst v63  }
0x239: {  	s17 =	sld [smem:$0x7D9];
	s18 =	simm.s32 $0x1980  }
0x23a: {  	[tilespmem:s29], [sflag:$0x1] =	stream.indirect.gather [hbm4b:s3+s5], $0x1, s18, s5, $0xb8;
	[tilespmem:$0x4C80] =	vst v63  }
0x23b: {  	s30 =	simm.s32 $0x1A00;
	s29 =	sld [smem:$0x7DA]  }
0x23c: {  	[tilespmem:s17], [sflag:$0x1] =	stream.indirect.gather [hbm4b:s3+s5], $0x1, s30, s5, $0xb8;
	[tilespmem:$0x4C80] =	vst v63  }
0x23d: {  	s0 =	sld [smem:$0x7DB]  }
0x23e: {  	[tilespmem:s29], [sflag:$0x1] =	stream.indirect.gather [hbm4b:s3+s5], $0x1, s12, s5, $0xb8;
	[tilespmem:$0x4C80] =	vst v63  }
0x23f: {  	s10 =	simm.s32 $0x1B00;
	s29 =	sld [smem:$0x7DC]  }
0x240: {  	[tilespmem:s0], [sflag:$0x1] =	stream.indirect.gather [hbm4b:s3+s5], $0x1, s10, s5, $0xb8;
	[tilespmem:$0x4C80] =	vst v63  }
0x241: {  	s11 =	sld [smem:$0x7DD];
	s12 =	simm.s32 $0x1B80  }
0x242: {  	[tilespmem:s29], [sflag:$0x1] =	stream.indirect.gather [hbm4b:s3+s5], $0x1, s12, s5, $0xb8;
	[tilespmem:$0x4C80] =	vst v63  }
0x243: {  	s17 =	simm.s32 $0x1C00  }
0x244: {  	[tilespmem:s11], [sflag:$0x1] =	stream.indirect.gather [hbm4b:s3+s5], $0x1, s17, s5, $0xb8;
	[tilespmem:$0x4C80] =	vst v63  }
0x245: {  	_ =	swait.ge [sflag:s7], $0x80  }
0x246: {  	[sflag:s7] =	ssyncset.done $0x0  }
0x247: {  	[sflag:s7] =	ssyncadd.s32 $0xFFFFFF80  }
0x248: {  	_ =	swait.ge [sflag:s7], $0x80  }
0x249: {  	[sflag:s7] =	ssyncset.done $0x0  }
0x24a: {  	[sflag:s7] =	ssyncadd.s32 $0xFFFFFF80  }
0x24b: {  	_ =	swait.ge [sflag:s7], $0x80  }
0x24c: {  	[sflag:s7] =	ssyncset.done $0x0  }
0x24d: {  	[sflag:s7] =	ssyncadd.s32 $0xFFFFFF80  }
0x24e: {  	_ =	swait.ge [sflag:s7], $0x80  }
0x24f: {  	[sflag:s7] =	ssyncset.done $0x0  }
0x250: {  	[sflag:s7] =	ssyncadd.s32 $0xFFFFFF80  }
0x251: {  	_ =	swait.ge [sflag:s7], $0x80  }
0x252: {  	[sflag:s7] =	ssyncset.done $0x0  }
0x253: {  	[sflag:s7] =	ssyncadd.s32 $0xFFFFFF80  }
0x254: {  	_ =	swait.ge [sflag:s7], $0x80  }
0x255: {  	[sflag:s7] =	ssyncset.done $0x0  }
0x256: {  	[sflag:s7] =	ssyncadd.s32 $0xFFFFFF80  }
0x257: {  	_ =	swait.ge [sflag:s7], $0x80  }
0x258: {  	[sflag:s7] =	ssyncset.done $0x0  }
0x259: {  	[sflag:s7] =	ssyncadd.s32 $0xFFFFFF80  }
0x25a: {  	_ =	swait.ge [sflag:s7], $0x80  }
0x25b: {  	[sflag:s7] =	ssyncset.done $0x0  }
0x25c: {  	[sflag:s7] =	ssyncadd.s32 $0xFFFFFF80  }
0x25d: {  	_ =	swait.ge [sflag:s7], $0x80  }
0x25e: {  	[sflag:s7] =	ssyncset.done $0x0  }
0x25f: {  	[sflag:s7] =	ssyncadd.s32 $0xFFFFFF80  }
0x260: {  	_ =	swait.ge [sflag:s7], $0x80  }
0x261: {  	[sflag:s7] =	ssyncset.done $0x0  }
0x262: {  	[sflag:s7] =	ssyncadd.s32 $0xFFFFFF80  }
0x263: {  	_ =	swait.ge [sflag:s7], $0x80  }
0x264: {  	[sflag:s7] =	ssyncset.done $0x0  }
0x265: {  	[sflag:s7] =	ssyncadd.s32 $0xFFFFFF80  }
0x266: {  	_ =	swait.ge [sflag:s7], $0x80  }
0x267: {  	[sflag:s7] =	ssyncset.done $0x0  }
0x268: {  	[sflag:s7] =	ssyncadd.s32 $0xFFFFFF80  }
0x269: {  	_ =	swait.ge [sflag:s7], $0x80  }
0x26a: {  	[sflag:s7] =	ssyncset.done $0x0  }
0x26b: {  	[sflag:s7] =	ssyncadd.s32 $0xFFFFFF80  }
0x26c: {  	_ =	swait.ge [sflag:s7], $0x80  }
0x26d: {  	[sflag:s7] =	ssyncset.done $0x0  }
0x26e: {  	[sflag:s7] =	ssyncadd.s32 $0xFFFFFF80  }
0x26f: {  	_ =	swait.ge [sflag:s7], $0x80  }
0x270: {  	[sflag:s7] =	ssyncset.done $0x0  }
0x271: {  	[sflag:s7] =	ssyncadd.s32 $0xFFFFFF80  }
0x272: {  	_ =	swait.ge [sflag:s7], $0x80  }
0x273: {  	[sflag:s7] =	ssyncset.done $0x0  }
0x274: {  	[sflag:s7] =	ssyncadd.s32 $0xFFFFFF80  }
0x275: {  	_ =	swait.ge [sflag:s7], $0x80  }
0x276: {  	[sflag:s7] =	ssyncset.done $0x0  }
0x277: {  	[sflag:s7] =	ssyncadd.s32 $0xFFFFFF80  }
0x278: {  	_ =	swait.ge [sflag:s7], $0x80  }
0x279: {  	[sflag:s7] =	ssyncset.done $0x0  }
0x27a: {  	[sflag:s7] =	ssyncadd.s32 $0xFFFFFF80  }
0x27b: {  	_ =	swait.ge [sflag:s7], $0x80  }
0x27c: {  	[sflag:s7] =	ssyncset.done $0x0  }
0x27d: {  	[sflag:s7] =	ssyncadd.s32 $0xFFFFFF80  }
0x27e: {  	_ =	swait.ge [sflag:s7], $0x80  }
0x27f: {  	[sflag:s7] =	ssyncset.done $0x0  }
0x280: {  	[sflag:s7] =	ssyncadd.s32 $0xFFFFFF80  }
0x281: {  	_ =	swait.ge [sflag:s7], $0x80  }
0x282: {  	[sflag:s7] =	ssyncset.done $0x0  }
0x283: {  	[sflag:s7] =	ssyncadd.s32 $0xFFFFFF80  }
0x284: {  	_ =	swait.ge [sflag:s7], $0x80  }
0x285: {  	[sflag:s7] =	ssyncset.done $0x0  }
0x286: {  	[sflag:s7] =	ssyncadd.s32 $0xFFFFFF80  }
0x287: {  	_ =	swait.ge [sflag:s7], $0x80  }
0x288: {  	[sflag:s7] =	ssyncset.done $0x0  }
0x289: {  	[sflag:s7] =	ssyncadd.s32 $0xFFFFFF80  }
0x28a: {  	_ =	swait.ge [sflag:s7], $0x80  }
0x28b: {  	[sflag:s7] =	ssyncset.done $0x0  }
0x28c: {  	[sflag:s7] =	ssyncadd.s32 $0xFFFFFF80  }
0x28d: {  	_ =	swait.ge [sflag:s7], $0x80  }
0x28e: {  	[sflag:s7] =	ssyncset.done $0x0  }
0x28f: {  	[sflag:s7] =	ssyncadd.s32 $0xFFFFFF80  }
0x290: {  	_ =	swait.ge [sflag:s7], $0x80  }
0x291: {  	[sflag:s7] =	ssyncset.done $0x0  }
0x292: {  	[sflag:s7] =	ssyncadd.s32 $0xFFFFFF80  }
0x293: {  	_ =	swait.ge [sflag:s7], $0x80  }
0x294: {  	[sflag:s7] =	ssyncset.done $0x0  }
0x295: {  	[sflag:s7] =	ssyncadd.s32 $0xFFFFFF80  }
0x296: {  	_ =	swait.ge [sflag:s7], $0x80  }
0x297: {  	[sflag:s7] =	ssyncset.done $0x0  }
0x298: {  	[sflag:s7] =	ssyncadd.s32 $0xFFFFFF80  }
0x299: {  	_ =	swait.ge [sflag:s7], $0x80  }
0x29a: {  	[sflag:s7] =	ssyncset.done $0x0  }
0x29b: {  	[sflag:s7] =	ssyncadd.s32 $0xFFFFFF80  }
0x29c: {  	_ =	swait.ge [sflag:s7], $0x80  }
0x29d: {  	[sflag:s7] =	ssyncset.done $0x0  }
0x29e: {  	[sflag:s7] =	ssyncadd.s32 $0xFFFFFF80  }
0x29f: {  	_ =	swait.ge [sflag:s7], $0x80  }
0x2a0: {  	[sflag:s7] =	ssyncset.done $0x0  }
0x2a1: {  	[sflag:s7] =	ssyncadd.s32 $0xFFFFFF80  }
0x2a2: {  	_ =	swait.ge [sflag:s7], $0x80  }
0x2a3: {  	s18 =	sld [smem:$0x7DE]  }
0x2a4: {  	[sflag:s7] =	ssyncset.done $0x0  }
0x2a5: {  	s29 =	sld [smem:$0x7DF];
	[sflag:s7] =	ssyncadd.s32 $0xFFFFFF80  }
0x2a6: {  	[tilespmem:s18], [sflag:$0x1] =	stream.indirect.gather [hbm4b:s3+s5], $0x1, s16, s5, $0xb8;
	[tilespmem:$0x4C80] =	vst v63  }
0x2a7: {  	s10 =	simm.s32 $0x1D00;
	s30 =	sld [smem:$0x7E0]  }
0x2a8: {  	[tilespmem:s29], [sflag:$0x1] =	stream.indirect.gather [hbm4b:s3+s5], $0x1, s10, s5, $0xb8;
	[tilespmem:$0x4C80] =	vst v63  }
0x2a9: {  	s11 =	simm.s32 $0x1D80;
	s29 =	sld [smem:$0x7E1]  }
0x2aa: {  	[tilespmem:s30], [sflag:$0x1] =	stream.indirect.gather [hbm4b:s3+s5], $0x1, s11, s5, $0xb8;
	[tilespmem:$0x4C80] =	vst v63  }
0x2ab: {  	s12 =	sld [smem:$0x7E2];
	s16 =	simm.s32 $0x1E00  }
0x2ac: {  	[tilespmem:s29], [sflag:$0x1] =	stream.indirect.gather [hbm4b:s3+s5], $0x1, s16, s5, $0xb8;
	[tilespmem:$0x4C80] =	vst v63  }
0x2ad: {  	s29 =	sld [smem:$0x7E3]  }
0x2ae: {  	[tilespmem:s12], [sflag:$0x1] =	stream.indirect.gather [hbm4b:s3+s5], $0x1, s15, s5, $0xb8;
	[tilespmem:$0x4C80] =	vst v63  }
0x2af: {  	s17 =	sld [smem:$0x7E4];
	s18 =	simm.s32 $0x1F00  }
0x2b0: {  	[tilespmem:s29], [sflag:$0x1] =	stream.indirect.gather [hbm4b:s3+s5], $0x1, s18, s5, $0xb8;
	[tilespmem:$0x4C80] =	vst v63  }
0x2b1: {  	s30 =	simm.s32 $0x1F80;
	s29 =	sld [smem:$0x7E5]  }
0x2b2: {  	[tilespmem:s17], [sflag:$0x1] =	stream.indirect.gather [hbm4b:s3+s5], $0x1, s30, s5, $0xb8;
	[tilespmem:$0x4C80] =	vst v63  }
0x2b3: {  	s10 =	sld [smem:$0x7E6];
	s11 =	simm.s32 $0x2000  }
0x2b4: {  	[tilespmem:s29], [sflag:$0x1] =	stream.indirect.gather [hbm4b:s3+s5], $0x1, s11, s5, $0xb8;
	[tilespmem:$0x4C80] =	vst v63  }
0x2b5: {  	s29 =	sld [smem:$0x7E7]  }
0x2b6: {  	[tilespmem:s10], [sflag:$0x1] =	stream.indirect.gather [hbm4b:s3+s5], $0x1, s13, s5, $0xb8;
	[tilespmem:$0x4C80] =	vst v63  }
0x2b7: {  	s12 =	sld [smem:$0x7E8];
	s13 =	simm.s32 $0x2100  }
0x2b8: {  	[tilespmem:s29], [sflag:$0x1] =	stream.indirect.gather [hbm4b:s3+s5], $0x1, s13, s5, $0xb8;
	[tilespmem:$0x4C80] =	vst v63  }
0x2b9: {  	s15 =	simm.s32 $0x2180;
	s29 =	sld [smem:$0x7E9]  }
0x2ba: {  	[tilespmem:s12], [sflag:$0x1] =	stream.indirect.gather [hbm4b:s3+s5], $0x1, s15, s5, $0xb8;
	[tilespmem:$0x4C80] =	vst v63  }
0x2bb: {  	s16 =	sld [smem:$0x7EA];
	s17 =	simm.s32 $0x2200  }
0x2bc: {  	[tilespmem:s29], [sflag:$0x1] =	stream.indirect.gather [hbm4b:s3+s5], $0x1, s17, s5, $0xb8;
	[tilespmem:$0x4C80] =	vst v63  }
0x2bd: {  	s18 =	simm.s32 $0x2280;
	s29 =	sld [smem:$0x7EB]  }
0x2be: {  	[tilespmem:s16], [sflag:$0x1] =	stream.indirect.gather [hbm4b:s3+s5], $0x1, s18, s5, $0xb8;
	[tilespmem:$0x4C80] =	vst v63  }
0x2bf: {  	s30 =	sld [smem:$0x7EC];
	s10 =	simm.s32 $0x2300  }
0x2c0: {  	[tilespmem:s29], [sflag:$0x1] =	stream.indirect.gather [hbm4b:s3+s5], $0x1, s10, s5, $0xb8;
	[tilespmem:$0x4C80] =	vst v63  }
0x2c1: {  	s11 =	simm.s32 $0x2380;
	s29 =	sld [smem:$0x7ED]  }
0x2c2: {  	[tilespmem:s30], [sflag:$0x1] =	stream.indirect.gather [hbm4b:s3+s5], $0x1, s11, s5, $0xb8;
	[tilespmem:$0x4C80] =	vst v63  }
0x2c3: {  	s13 =	simm.s32 $0x2400;
	s12 =	sld [smem:$0x7EE]  }
0x2c4: {  	[tilespmem:s29], [sflag:$0x1] =	stream.indirect.gather [hbm4b:s3+s5], $0x1, s13, s5, $0xb8;
	[tilespmem:$0x4C80] =	vst v63  }
0x2c5: {  	s29 =	sld [smem:$0x7EF]  }
0x2c6: {  	[tilespmem:s12], [sflag:$0x1] =	stream.indirect.gather [hbm4b:s3+s5], $0x1, s14, s5, $0xb8;
	[tilespmem:$0x4C80] =	vst v63  }
0x2c7: {  	s15 =	sld [smem:$0x7F0];
	s16 =	simm.s32 $0x2500  }
0x2c8: {  	[tilespmem:s29], [sflag:$0x1] =	stream.indirect.gather [hbm4b:s3+s5], $0x1, s16, s5, $0xb8;
	[tilespmem:$0x4C80] =	vst v63  }
0x2c9: {  	s17 =	simm.s32 $0x2580;
	s29 =	sld [smem:$0x7F1]  }
0x2ca: {  	[tilespmem:s15], [sflag:$0x1] =	stream.indirect.gather [hbm4b:s3+s5], $0x1, s17, s5, $0xb8;
	[tilespmem:$0x4C80] =	vst v63  }
0x2cb: {  	s18 =	sld [smem:$0x7F2];
	s30 =	simm.s32 $0x2600  }
0x2cc: {  	[tilespmem:s29], [sflag:$0x1] =	stream.indirect.gather [hbm4b:s3+s5], $0x1, s30, s5, $0xb8;
	[tilespmem:$0x4C80] =	vst v63  }
0x2cd: {  	s10 =	simm.s32 $0x2680;
	s29 =	sld [smem:$0x7F3]  }
0x2ce: {  	[tilespmem:s18], [sflag:$0x1] =	stream.indirect.gather [hbm4b:s3+s5], $0x1, s10, s5, $0xb8;
	[tilespmem:$0x4C80] =	vst v63  }
0x2cf: {  	s11 =	sld [smem:$0x7F4];
	s12 =	simm.s32 $0x2700  }
0x2d0: {  	[tilespmem:s29], [sflag:$0x1] =	stream.indirect.gather [hbm4b:s3+s5], $0x1, s12, s5, $0xb8;
	[tilespmem:$0x4C80] =	vst v63  }
0x2d1: {  	s13 =	simm.s32 $0x2780;
	s29 =	sld [smem:$0x7F5]  }
0x2d2: {  	[tilespmem:s11], [sflag:$0x1] =	stream.indirect.gather [hbm4b:s3+s5], $0x1, s13, s5, $0xb8;
	[tilespmem:$0x4C80] =	vst v63  }
0x2d3: {  	s14 =	sld [smem:$0x7F6];
	s15 =	simm.s32 $0x2800  }
0x2d4: {  	[tilespmem:s29], [sflag:$0x1] =	stream.indirect.gather [hbm4b:s3+s5], $0x1, s15, s5, $0xb8;
	[tilespmem:$0x4C80] =	vst v63  }
0x2d5: {  	s16 =	simm.s32 $0x2880;
	s29 =	sld [smem:$0x7F7]  }
0x2d6: {  	[tilespmem:s14], [sflag:$0x1] =	stream.indirect.gather [hbm4b:s3+s5], $0x1, s16, s5, $0xb8;
	[tilespmem:$0x4C80] =	vst v63  }
0x2d7: {  	s17 =	sld [smem:$0x7F8];
	s18 =	simm.s32 $0x2900  }
0x2d8: {  	[tilespmem:s29], [sflag:$0x1] =	stream.indirect.gather [hbm4b:s3+s5], $0x1, s18, s5, $0xb8;
	[tilespmem:$0x4C80] =	vst v63  }
0x2d9: {  	s30 =	simm.s32 $0x2980;
	s29 =	sld [smem:$0x7F9]  }
0x2da: {  	[tilespmem:s17], [sflag:$0x1] =	stream.indirect.gather [hbm4b:s3+s5], $0x1, s30, s5, $0xb8;
	[tilespmem:$0x4C80] =	vst v63  }
0x2db: {  	s10 =	sld [smem:$0x7FA];
	s11 =	simm.s32 $0x2A00  }
0x2dc: {  	[tilespmem:s29], [sflag:$0x1] =	stream.indirect.gather [hbm4b:s3+s5], $0x1, s11, s5, $0xb8;
	[tilespmem:$0x4C80] =	vst v63  }
0x2dd: {  	s12 =	simm.s32 $0x2A80;
	s29 =	sld [smem:$0x7FB]  }
0x2de: {  	[tilespmem:s10], [sflag:$0x1] =	stream.indirect.gather [hbm4b:s3+s5], $0x1, s12, s5, $0xb8;
	[tilespmem:$0x4C80] =	vst v63  }
0x2df: {  	s13 =	sld [smem:$0x7FC]  }
0x2e0: {  	[tilespmem:s29], [sflag:$0x1] =	stream.indirect.gather [hbm4b:s3+s5], $0x1, s9, s5, $0xb8;
	[tilespmem:$0x4C80] =	vst v63  }
0x2e1: {  	s29 =	sld [smem:$0x7FD]  }
0x2e2: {  	[tilespmem:s13], [sflag:$0x1] =	stream.indirect.gather [hbm4b:s3+s5], $0x1, s4, s5, $0xb8;
	[tilespmem:$0x4C80] =	vst v63  }
0x2e3: {  	_ = 	snop  }
0x2e4: {  	[tilespmem:s29], [sflag:$0x1] =	stream.indirect.gather [hbm4b:s3+s5], $0x1, s8, s5, $0xb8;
	[tilespmem:$0x4C80] =	vst v63  }
0x2e5: {  	_ =	swait.ge [sflag:s7], $0x80  }
0x2e6: {  	[sflag:s7] =	ssyncset.done $0x0  }
0x2e7: {  	[sflag:s7] =	ssyncadd.s32 $0xFFFFFF80  }
0x2e8: {  	_ =	swait.ge [sflag:s7], $0x80  }
0x2e9: {  	[sflag:s7] =	ssyncset.done $0x0  }
0x2ea: {  	[sflag:s7] =	ssyncadd.s32 $0xFFFFFF80  }
0x2eb: {  	_ =	swait.ge [sflag:s7], $0x80  }
0x2ec: {  	[sflag:s7] =	ssyncset.done $0x0  }
0x2ed: {  	[sflag:s7] =	ssyncadd.s32 $0xFFFFFF80  }
0x2ee: {  	_ =	swait.ge [sflag:s7], $0x80  }
0x2ef: {  	[sflag:s7] =	ssyncset.done $0x0  }
0x2f0: {  	[sflag:s7] =	ssyncadd.s32 $0xFFFFFF80  }
0x2f1: {  	_ =	swait.ge [sflag:s7], $0x80  }
0x2f2: {  	[sflag:s7] =	ssyncset.done $0x0  }
0x2f3: {  	[sflag:s7] =	ssyncadd.s32 $0xFFFFFF80  }
0x2f4: {  	_ =	swait.ge [sflag:s7], $0x80  }
0x2f5: {  	[sflag:s7] =	ssyncset.done $0x0  }
0x2f6: {  	[sflag:s7] =	ssyncadd.s32 $0xFFFFFF80  }
0x2f7: {  	_ =	swait.ge [sflag:s7], $0x80  }
0x2f8: {  	[sflag:s7] =	ssyncset.done $0x0  }
0x2f9: {  	[sflag:s7] =	ssyncadd.s32 $0xFFFFFF80  }
0x2fa: {  	_ =	swait.ge [sflag:s7], $0x80  }
0x2fb: {  	[sflag:s7] =	ssyncset.done $0x0  }
0x2fc: {  	[sflag:s7] =	ssyncadd.s32 $0xFFFFFF80  }
0x2fd: {  	_ =	swait.ge [sflag:s7], $0x80  }
0x2fe: {  	[sflag:s7] =	ssyncset.done $0x0  }
0x2ff: {  	[sflag:s7] =	ssyncadd.s32 $0xFFFFFF80  }
0x300: {  	_ =	swait.ge [sflag:s7], $0x80  }
0x301: {  	[sflag:s7] =	ssyncset.done $0x0  }
0x302: {  	[sflag:s7] =	ssyncadd.s32 $0xFFFFFF80  }
0x303: {  	_ =	swait.ge [sflag:s7], $0x80  }
0x304: {  	[sflag:s7] =	ssyncset.done $0x0  }
0x305: {  	[sflag:s7] =	ssyncadd.s32 $0xFFFFFF80  }
0x306: {  	_ =	swait.ge [sflag:s7], $0x80  }
0x307: {  	[sflag:s7] =	ssyncset.done $0x0  }
0x308: {  	[sflag:s7] =	ssyncadd.s32 $0xFFFFFF80  }
0x309: {  	_ =	swait.ge [sflag:s7], $0x80  }
0x30a: {  	[sflag:s7] =	ssyncset.done $0x0  }
0x30b: {  	[sflag:s7] =	ssyncadd.s32 $0xFFFFFF80  }
0x30c: {  	_ =	swait.ge [sflag:s7], $0x80  }
0x30d: {  	[sflag:s7] =	ssyncset.done $0x0  }
0x30e: {  	[sflag:s7] =	ssyncadd.s32 $0xFFFFFF80  }
0x30f: {  	_ =	swait.ge [sflag:s7], $0x80  }
0x310: {  	[sflag:s7] =	ssyncset.done $0x0  }
0x311: {  	[sflag:s7] =	ssyncadd.s32 $0xFFFFFF80  }
0x312: {  	_ =	swait.ge [sflag:s7], $0x80  }
0x313: {  	[sflag:s7] =	ssyncset.done $0x0  }
0x314: {  	[sflag:s7] =	ssyncadd.s32 $0xFFFFFF80  }
0x315: {  	_ =	swait.ge [sflag:s7], $0x80  }
0x316: {  	[sflag:s7] =	ssyncset.done $0x0  }
0x317: {  	[sflag:s7] =	ssyncadd.s32 $0xFFFFFF80  }
0x318: {  	_ =	swait.ge [sflag:s7], $0x80  }
0x319: {  	[sflag:s7] =	ssyncset.done $0x0  }
0x31a: {  	[sflag:s7] =	ssyncadd.s32 $0xFFFFFF80  }
0x31b: {  	_ =	swait.ge [sflag:s7], $0x80  }
0x31c: {  	[sflag:s7] =	ssyncset.done $0x0  }
0x31d: {  	[sflag:s7] =	ssyncadd.s32 $0xFFFFFF80  }
0x31e: {  	_ =	swait.ge [sflag:s7], $0x80  }
0x31f: {  	[sflag:s7] =	ssyncset.done $0x0  }
0x320: {  	[sflag:s7] =	ssyncadd.s32 $0xFFFFFF80  }
0x321: {  	_ =	swait.ge [sflag:s7], $0x80  }
0x322: {  	[sflag:s7] =	ssyncset.done $0x0  }
0x323: {  	[sflag:s7] =	ssyncadd.s32 $0xFFFFFF80  }
0x324: {  	_ =	swait.ge [sflag:s7], $0x80  }
0x325: {  	[sflag:s7] =	ssyncset.done $0x0  }
0x326: {  	[sflag:s7] =	ssyncadd.s32 $0xFFFFFF80  }
0x327: {  	_ =	swait.ge [sflag:s7], $0x80  }
0x328: {  	[sflag:s7] =	ssyncset.done $0x0  }
0x329: {  	[sflag:s7] =	ssyncadd.s32 $0xFFFFFF80  }
0x32a: {  	_ =	swait.ge [sflag:s7], $0x80  }
0x32b: {  	[sflag:s7] =	ssyncset.done $0x0  }
0x32c: {  	[sflag:s7] =	ssyncadd.s32 $0xFFFFFF80  }
0x32d: {  	_ =	swait.ge [sflag:s7], $0x80  }
0x32e: {  	[sflag:s7] =	ssyncset.done $0x0  }
0x32f: {  	[sflag:s7] =	ssyncadd.s32 $0xFFFFFF80  }
0x330: {  	_ =	swait.ge [sflag:s7], $0x80  }
0x331: {  	[sflag:s7] =	ssyncset.done $0x0  }
0x332: {  	[sflag:s7] =	ssyncadd.s32 $0xFFFFFF80  }
0x333: {  	_ =	swait.ge [sflag:s7], $0x80  }
0x334: {  	[sflag:s7] =	ssyncset.done $0x0  }
0x335: {  	[sflag:s7] =	ssyncadd.s32 $0xFFFFFF80  }
0x336: {  	_ =	swait.ge [sflag:s7], $0x80  }
0x337: {  	[sflag:s7] =	ssyncset.done $0x0  }
0x338: {  	[sflag:s7] =	ssyncadd.s32 $0xFFFFFF80  }
0x339: {  	_ =	swait.ge [sflag:s7], $0x80  }
0x33a: {  	[sflag:s7] =	ssyncset.done $0x0  }
0x33b: {  	[sflag:s7] =	ssyncadd.s32 $0xFFFFFF80  }
0x33c: {  	_ =	swait.ge [sflag:s7], $0x80  }
0x33d: {  	[sflag:s7] =	ssyncset.done $0x0  }
0x33e: {  	[sflag:s7] =	ssyncadd.s32 $0xFFFFFF80  }
0x33f: {  	_ =	swait.ge [sflag:s7], $0x80  }
0x340: {  	[sflag:s7] =	ssyncset.done $0x0  }
0x341: {  	[sflag:s7] =	ssyncadd.s32 $0xFFFFFF80  }
0x342: {  	_ =	swait.ge [sflag:s7], $0x80  }
0x343: {  	[sflag:s7] =	ssyncset.done $0x0  }
0x344: {  	s14 =	rddreg [dreg:$0x5];
	[sflag:s7] =	ssyncadd.s32 $0xFFFFFF80  }
0x345: {  	[hbm4b:s14+s31] =	stream.linear.scatter [tilespmem:s5], [sflag:$0x2], $0x200, $0x38;
	[tilespmem:$0x4C80] =	vst v63  }
0x346: {  	_ =	swait.ge [sflag:s6], $0x200  }
0x347: {  	[sflag:s6] =	ssyncset.done $0x0  }
0x348: {  	s16 =	simm.s32 $0x280;
	s15 =	rddreg [dreg:$0x6];
	[sflag:s6] =	ssyncadd.s32 $0xFFFFFE00  }
0x349: {  	[hbm4b:s15+s31] =	stream.linear.scatter [tilespmem:s16], [sflag:$0x2], $0x200, $0x38;
	[tilespmem:$0x4C80] =	vst v63  }
0x34a: {  	_ =	swait.ge [sflag:s6], $0x200  }
0x34b: {  	[sflag:s6] =	ssyncset.done $0x0  }
0x34c: {  	s17 =	rddreg [dreg:$0x7];
	[sflag:s6] =	ssyncadd.s32 $0xFFFFFE00  }
0x34d: {  	[hbm4b:s17+s31] =	stream.linear.scatter [tilespmem:s1], [sflag:$0x2], $0x2000, $0x38;
	[tilespmem:$0x4C80] =	vst v63  }
0x34e: {  	_ =	swait.ge [sflag:s6], $0x2000  }
0x34f: {  	s30 =	sld [smem:$0x7D2];
	_ =	sdelay $0x2  }
0x350: {  	p1 =	sne.s32 s30, $0x1  }
.Ltmp1:
0x351: {  	[sflag:s6] =	ssyncset.done $0x0;
	(pc) =	sbr.rel @!p1 .LBB2_7-.Ltmp1, $4  }
0x352: {  	s18 =	rddreg [dreg:$0x8];
	[sflag:s6] =	ssyncadd.s32 $0xFFFFE000  }
0x353: {  	[hbm4b:s18+s31] =	stream.linear.scatter [tilespmem:s2], [sflag:$0x2], $0x2000, $0x38;
	[tilespmem:$0x4C80] =	vst v63  }
0x354: {  	p0 =	por $0x1, $0x1;
	_ =	swait.ge [sflag:s6], $0x2000  }
0x355: {  	s4 =	sadd.s32 $0xFFFFFFFF, s30;
	s29 =	rddreg [dreg:$0x4];
	[sflag:s6] =	ssyncset.done $0x0  }
0x356: {  	s11 =	simm.s32 $0xC00;
	s17 =	simm.s32 $0xD00  }
.LBB2_4:
0x357: {  	[sflag:s6] =	ssyncadd.s32 $0xFFFFE000  }
0x358: {  	[tilespmem:s31], [sflag:$0x2] =	stream.linear.gather [hbm4b:s29+s31], $0x80, $0x38;
	[tilespmem:$0x4C80] =	vst v63  }
0x359: {  	_ =	swait.ge [sflag:s6], $0x80  }
0x35a: {  	[sflag:s6] =	ssyncset.done $0x0  }
0x35b: {  	[sflag:s6] =	ssyncadd.s32 $0xFFFFFF80  }
0x35c: {  	[tilespmem:s5], [sflag:$0x1] =	stream.indirect.gather [hbm4b:s23+s5], $0x1, s31, s5, $0xb8;
	[tilespmem:$0x4C80] =	vst v63  }
0x35d: {  	s1 =	simm.s32 $0x100  }
0x35e: {  	[tilespmem:s1], [sflag:$0x1] =	stream.indirect.gather [hbm4b:s24+s5], $0x1, s31, s5, $0xb8;
	[tilespmem:$0x4C80] =	vst v63  }
0x35f: {  	s0 =	simm.s32 $0x180  }
0x360: {  	[tilespmem:s0], [sflag:$0x1] =	stream.indirect.gather [hbm4b:s25+s5], $0x1, s31, s5, $0xb8;
	[tilespmem:$0x4C80] =	vst v63  }
0x361: {  	_ = 	snop  }
0x362: {  	[tilespmem:s22], [sflag:$0x1] =	stream.indirect.gather [hbm4b:s26+s5], $0x1, s31, s5, $0xb8;
	[tilespmem:$0x4C80] =	vst v63  }
0x363: {  	_ =	swait.ge [sflag:s7], $0x80  }
0x364: {  	[sflag:s7] =	ssyncset.done $0x0  }
0x365: {  	[sflag:s7] =	ssyncadd.s32 $0xFFFFFF80  }
0x366: {  	_ =	swait.ge [sflag:s7], $0x80  }
0x367: {  	[sflag:s7] =	ssyncset.done $0x0  }
0x368: {  	[sflag:s7] =	ssyncadd.s32 $0xFFFFFF80  }
0x369: {  	_ =	swait.ge [sflag:s7], $0x80  }
0x36a: {  	[sflag:s7] =	ssyncset.done $0x0  }
0x36b: {  	[sflag:s7] =	ssyncadd.s32 $0xFFFFFF80  }
0x36c: {  	_ =	swait.ge [sflag:s7], $0x80  }
0x36d: {  	[sflag:s7] =	ssyncset.done $0x0  }
0x36e: {  	s2 =	simm.s32 $0x280;
	[sflag:s7] =	ssyncadd.s32 $0xFFFFFF80  }
0x36f: {  	[tilespmem:s2], [sflag:$0x1] =	stream.indirect.gather [hbm4b:s3+s5], $0x1, s5, s5, $0xb8;
	[tilespmem:$0x4C80] =	vst v63  }
0x370: {  	s29 =	rddreg [dreg:$0x9]  }
0x371: {  	[tilespmem:s29], [sflag:$0x1] =	stream.indirect.gather [hbm4b:s3+s5], $0x1, s1, s5, $0xb8;
	[tilespmem:$0x4C80] =	vst v63  }
0x372: {  	s30 =	rddreg [dreg:$0xa]  }
0x373: {  	[tilespmem:s30], [sflag:$0x1] =	stream.indirect.gather [hbm4b:s3+s5], $0x1, s0, s5, $0xb8;
	[tilespmem:$0x4C80] =	vst v63  }
0x374: {  	s29 =	rddreg [dreg:$0xb]  }
0x375: {  	[tilespmem:s29], [sflag:$0x1] =	stream.indirect.gather [hbm4b:s3+s5], $0x1, s22, s5, $0xb8;
	[tilespmem:$0x4C80] =	vst v63  }
0x376: {  	s29 =	simm.s32 $0x480  }
0x377: {  	[tilespmem:s29], [sflag:$0x1] =	stream.indirect.gather [hbm4b:s19+s5], $0x1, s5, s5, $0xb8;
	[tilespmem:$0x4C80] =	vst v63  }
0x378: {  	s30 =	simm.s32 $0x500  }
0x379: {  	[tilespmem:s30], [sflag:$0x1] =	stream.indirect.gather [hbm4b:s20+s5], $0x1, s5, s5, $0xb8;
	[tilespmem:$0x4C80] =	vst v63  }
0x37a: {  	s31 =	simm.s32 $0x580  }
0x37b: {  	[tilespmem:s31], [sflag:$0x1] =	stream.indirect.gather [hbm4b:s21+s5], $0x1, s5, s5, $0xb8;
	[tilespmem:$0x4C80] =	vst v63  }
0x37c: {  	s14 =	simm.s32 $0x600;
	s2 =	rddreg [dreg:$0x1]  }
0x37d: {  	[tilespmem:s14], [sflag:$0x1] =	stream.indirect.gather [hbm4b:s2+s5], $0x1, s5, s5, $0xb8;
	[tilespmem:$0x4C80] =	vst v63  }
0x37e: {  	s8 =	simm.s32 $0x680  }
0x37f: {  	[tilespmem:s8], [sflag:$0x1] =	stream.indirect.gather [hbm4b:s19+s5], $0x1, s1, s5, $0xb8;
	[tilespmem:$0x4C80] =	vst v63  }
0x380: {  	s6 =	simm.s32 $0x700  }
0x381: {  	[tilespmem:s6], [sflag:$0x1] =	stream.indirect.gather [hbm4b:s20+s5], $0x1, s1, s5, $0xb8;
	[tilespmem:$0x4C80] =	vst v63  }
0x382: {  	s28 =	simm.s32 $0x780  }
0x383: {  	[tilespmem:s28], [sflag:$0x1] =	stream.indirect.gather [hbm4b:s21+s5], $0x1, s1, s5, $0xb8;
	[tilespmem:$0x4C80] =	vst v63  }
0x384: {  	s9 =	simm.s32 $0x800  }
0x385: {  	[tilespmem:s9], [sflag:$0x1] =	stream.indirect.gather [hbm4b:s2+s5], $0x1, s1, s5, $0xb8;
	[tilespmem:$0x4C80] =	vst v63  }
0x386: {  	s10 =	simm.s32 $0x880  }
0x387: {  	[tilespmem:s10], [sflag:$0x1] =	stream.indirect.gather [hbm4b:s19+s5], $0x1, s0, s5, $0xb8;
	[tilespmem:$0x4C80] =	vst v63  }
0x388: {  	s1 =	simm.s32 $0x900  }
0x389: {  	[tilespmem:s1], [sflag:$0x1] =	stream.indirect.gather [hbm4b:s20+s5], $0x1, s0, s5, $0xb8;
	[tilespmem:$0x4C80] =	vst v63  }
0x38a: {  	s18 =	simm.s32 $0x980  }
0x38b: {  	[tilespmem:s18], [sflag:$0x1] =	stream.indirect.gather [hbm4b:s21+s5], $0x1, s0, s5, $0xb8;
	[tilespmem:$0x4C80] =	vst v63  }
0x38c: {  	s15 =	simm.s32 $0xA00  }
0x38d: {  	[tilespmem:s15], [sflag:$0x1] =	stream.indirect.gather [hbm4b:s2+s5], $0x1, s0, s5, $0xb8;
	[tilespmem:$0x4C80] =	vst v63  }
0x38e: {  	s13 =	simm.s32 $0xA80  }
0x38f: {  	[tilespmem:s13], [sflag:$0x1] =	stream.indirect.gather [hbm4b:s19+s5], $0x1, s22, s5, $0xb8;
	[tilespmem:$0x4C80] =	vst v63  }
0x390: {  	s16 =	simm.s32 $0xB00  }
0x391: {  	[tilespmem:s16], [sflag:$0x1] =	stream.indirect.gather [hbm4b:s20+s5], $0x1, s22, s5, $0xb8;
	[tilespmem:$0x4C80] =	vst v63  }
0x392: {  	s12 =	simm.s32 $0xB80  }
0x393: {  	[tilespmem:s12], [sflag:$0x1] =	stream.indirect.gather [hbm4b:s21+s5], $0x1, s22, s5, $0xb8;
	[tilespmem:$0x4C80] =	vst v63  }
0x394: {  	_ = 	snop  }
0x395: {  	[tilespmem:s11], [sflag:$0x1] =	stream.indirect.gather [hbm4b:s2+s5], $0x1, s22, s5, $0xb8;
	[tilespmem:$0x4C80] =	vst v63  }
0x396: {  	_ =	swait.ge [sflag:s7], $0x80  }
0x397: {  	[sflag:s7] =	ssyncset.done $0x0  }
0x398: {  	[sflag:s7] =	ssyncadd.s32 $0xFFFFFF80  }
0x399: {  	_ =	swait.ge [sflag:s7], $0x80  }
0x39a: {  	[sflag:s7] =	ssyncset.done $0x0  }
0x39b: {  	[sflag:s7] =	ssyncadd.s32 $0xFFFFFF80  }
0x39c: {  	_ =	swait.ge [sflag:s7], $0x80  }
0x39d: {  	[sflag:s7] =	ssyncset.done $0x0  }
0x39e: {  	[sflag:s7] =	ssyncadd.s32 $0xFFFFFF80  }
0x39f: {  	_ =	swait.ge [sflag:s7], $0x80  }
0x3a0: {  	[sflag:s7] =	ssyncset.done $0x0  }
0x3a1: {  	[sflag:s7] =	ssyncadd.s32 $0xFFFFFF80  }
0x3a2: {  	_ =	swait.ge [sflag:s7], $0x80  }
0x3a3: {  	[sflag:s7] =	ssyncset.done $0x0  }
0x3a4: {  	[sflag:s7] =	ssyncadd.s32 $0xFFFFFF80  }
0x3a5: {  	_ =	swait.ge [sflag:s7], $0x80  }
0x3a6: {  	[sflag:s7] =	ssyncset.done $0x0  }
0x3a7: {  	[sflag:s7] =	ssyncadd.s32 $0xFFFFFF80  }
0x3a8: {  	_ =	swait.ge [sflag:s7], $0x80  }
0x3a9: {  	[sflag:s7] =	ssyncset.done $0x0  }
0x3aa: {  	[sflag:s7] =	ssyncadd.s32 $0xFFFFFF80  }
0x3ab: {  	_ =	swait.ge [sflag:s7], $0x80  }
0x3ac: {  	[sflag:s7] =	ssyncset.done $0x0  }
0x3ad: {  	[sflag:s7] =	ssyncadd.s32 $0xFFFFFF80  }
0x3ae: {  	_ =	swait.ge [sflag:s7], $0x80  }
0x3af: {  	[sflag:s7] =	ssyncset.done $0x0  }
0x3b0: {  	[sflag:s7] =	ssyncadd.s32 $0xFFFFFF80  }
0x3b1: {  	_ =	swait.ge [sflag:s7], $0x80  }
0x3b2: {  	[sflag:s7] =	ssyncset.done $0x0  }
0x3b3: {  	[sflag:s7] =	ssyncadd.s32 $0xFFFFFF80  }
0x3b4: {  	_ =	swait.ge [sflag:s7], $0x80  }
0x3b5: {  	[sflag:s7] =	ssyncset.done $0x0  }
0x3b6: {  	[sflag:s7] =	ssyncadd.s32 $0xFFFFFF80  }
0x3b7: {  	_ =	swait.ge [sflag:s7], $0x80  }
0x3b8: {  	[sflag:s7] =	ssyncset.done $0x0  }
0x3b9: {  	[sflag:s7] =	ssyncadd.s32 $0xFFFFFF80  }
0x3ba: {  	_ =	swait.ge [sflag:s7], $0x80  }
0x3bb: {  	[sflag:s7] =	ssyncset.done $0x0  }
0x3bc: {  	[sflag:s7] =	ssyncadd.s32 $0xFFFFFF80  }
0x3bd: {  	_ =	swait.ge [sflag:s7], $0x80  }
0x3be: {  	[sflag:s7] =	ssyncset.done $0x0  }
0x3bf: {  	[sflag:s7] =	ssyncadd.s32 $0xFFFFFF80  }
0x3c0: {  	_ =	swait.ge [sflag:s7], $0x80  }
0x3c1: {  	[sflag:s7] =	ssyncset.done $0x0  }
0x3c2: {  	[sflag:s7] =	ssyncadd.s32 $0xFFFFFF80  }
0x3c3: {  	_ =	swait.ge [sflag:s7], $0x80  }
0x3c4: {  	[sflag:s7] =	ssyncset.done $0x0  }
0x3c5: {  	[sflag:s7] =	ssyncadd.s32 $0xFFFFFF80  }
0x3c6: {  	_ =	swait.ge [sflag:s7], $0x80  }
0x3c7: {  	[sflag:s7] =	ssyncset.done $0x0  }
0x3c8: {  	[sflag:s7] =	ssyncadd.s32 $0xFFFFFF80  }
0x3c9: {  	_ =	swait.ge [sflag:s7], $0x80  }
0x3ca: {  	[sflag:s7] =	ssyncset.done $0x0  }
0x3cb: {  	[sflag:s7] =	ssyncadd.s32 $0xFFFFFF80  }
0x3cc: {  	_ =	swait.ge [sflag:s7], $0x80  }
0x3cd: {  	[sflag:s7] =	ssyncset.done $0x0  }
0x3ce: {  	[sflag:s7] =	ssyncadd.s32 $0xFFFFFF80  }
0x3cf: {  	_ =	swait.ge [sflag:s7], $0x80  }
0x3d0: {  	[sflag:s7] =	ssyncset.done $0x0  }
0x3d1: {  	s22 =	simm.s32 $0xC80;
	[sflag:s7] =	ssyncadd.s32 $0xFFFFFF80  }
0x3d2: {  	[tilespmem:s22], [sflag:$0x1] =	stream.indirect.gather [hbm4b:s23+s5], $0x1, s29, s5, $0xb8;
	[tilespmem:$0x4C80] =	vst v63  }
0x3d3: {  	_ = 	snop  }
0x3d4: {  	[tilespmem:s17], [sflag:$0x1] =	stream.indirect.gather [hbm4b:s24+s5], $0x1, s29, s5, $0xb8;
	[tilespmem:$0x4C80] =	vst v63  }
0x3d5: {  	s0 =	simm.s32 $0xD80  }
0x3d6: {  	[tilespmem:s0], [sflag:$0x1] =	stream.indirect.gather [hbm4b:s25+s5], $0x1, s29, s5, $0xb8;
	[tilespmem:$0x4C80] =	vst v63  }
0x3d7: {  	s2 =	simm.s32 $0xE00  }
0x3d8: {  	[tilespmem:s2], [sflag:$0x1] =	stream.indirect.gather [hbm4b:s26+s5], $0x1, s29, s5, $0xb8;
	[tilespmem:$0x4C80] =	vst v63  }
0x3d9: {  	s22 =	simm.s32 $0xE80  }
0x3da: {  	[tilespmem:s22], [sflag:$0x1] =	stream.indirect.gather [hbm4b:s23+s5], $0x1, s30, s5, $0xb8;
	[tilespmem:$0x4C80] =	vst v63  }
0x3db: {  	s29 =	simm.s32 $0xF00  }
0x3dc: {  	[tilespmem:s29], [sflag:$0x1] =	stream.indirect.gather [hbm4b:s24+s5], $0x1, s30, s5, $0xb8;
	[tilespmem:$0x4C80] =	vst v63  }
0x3dd: {  	s29 =	simm.s32 $0xF80  }
0x3de: {  	[tilespmem:s29], [sflag:$0x1] =	stream.indirect.gather [hbm4b:s25+s5], $0x1, s30, s5, $0xb8;
	[tilespmem:$0x4C80] =	vst v63  }
0x3df: {  	s29 =	simm.s32 $0x1000  }
0x3e0: {  	[tilespmem:s29], [sflag:$0x1] =	stream.indirect.gather [hbm4b:s26+s5], $0x1, s30, s5, $0xb8;
	[tilespmem:$0x4C80] =	vst v63  }
0x3e1: {  	s29 =	simm.s32 $0x1080  }
0x3e2: {  	[tilespmem:s29], [sflag:$0x1] =	stream.indirect.gather [hbm4b:s23+s5], $0x1, s31, s5, $0xb8;
	[tilespmem:$0x4C80] =	vst v63  }
0x3e3: {  	s29 =	simm.s32 $0x1100  }
0x3e4: {  	[tilespmem:s29], [sflag:$0x1] =	stream.indirect.gather [hbm4b:s24+s5], $0x1, s31, s5, $0xb8;
	[tilespmem:$0x4C80] =	vst v63  }
0x3e5: {  	s29 =	simm.s32 $0x1180  }
0x3e6: {  	[tilespmem:s29], [sflag:$0x1] =	stream.indirect.gather [hbm4b:s25+s5], $0x1, s31, s5, $0xb8;
	[tilespmem:$0x4C80] =	vst v63  }
0x3e7: {  	s29 =	simm.s32 $0x1200  }
0x3e8: {  	[tilespmem:s29], [sflag:$0x1] =	stream.indirect.gather [hbm4b:s26+s5], $0x1, s31, s5, $0xb8;
	[tilespmem:$0x4C80] =	vst v63  }
0x3e9: {  	s31 =	simm.s32 $0x1280  }
0x3ea: {  	[tilespmem:s31], [sflag:$0x1] =	stream.indirect.gather [hbm4b:s23+s5], $0x1, s14, s5, $0xb8;
	[tilespmem:$0x4C80] =	vst v63  }
0x3eb: {  	s29 =	simm.s32 $0x1300  }
0x3ec: {  	[tilespmem:s29], [sflag:$0x1] =	stream.indirect.gather [hbm4b:s24+s5], $0x1, s14, s5, $0xb8;
	[tilespmem:$0x4C80] =	vst v63  }
0x3ed: {  	s29 =	simm.s32 $0x1380  }
0x3ee: {  	[tilespmem:s29], [sflag:$0x1] =	stream.indirect.gather [hbm4b:s25+s5], $0x1, s14, s5, $0xb8;
	[tilespmem:$0x4C80] =	vst v63  }
0x3ef: {  	s29 =	simm.s32 $0x1400  }
0x3f0: {  	[tilespmem:s29], [sflag:$0x1] =	stream.indirect.gather [hbm4b:s26+s5], $0x1, s14, s5, $0xb8;
	[tilespmem:$0x4C80] =	vst v63  }
0x3f1: {  	s30 =	simm.s32 $0x1480  }
0x3f2: {  	[tilespmem:s30], [sflag:$0x1] =	stream.indirect.gather [hbm4b:s23+s5], $0x1, s8, s5, $0xb8;
	[tilespmem:$0x4C80] =	vst v63  }
0x3f3: {  	s30 =	simm.s32 $0x1500  }
0x3f4: {  	[tilespmem:s30], [sflag:$0x1] =	stream.indirect.gather [hbm4b:s24+s5], $0x1, s8, s5, $0xb8;
	[tilespmem:$0x4C80] =	vst v63  }
0x3f5: {  	s30 =	simm.s32 $0x1580  }
0x3f6: {  	[tilespmem:s30], [sflag:$0x1] =	stream.indirect.gather [hbm4b:s25+s5], $0x1, s8, s5, $0xb8;
	[tilespmem:$0x4C80] =	vst v63  }
0x3f7: {  	s30 =	simm.s32 $0x1600  }
0x3f8: {  	[tilespmem:s30], [sflag:$0x1] =	stream.indirect.gather [hbm4b:s26+s5], $0x1, s8, s5, $0xb8;
	[tilespmem:$0x4C80] =	vst v63  }
0x3f9: {  	s30 =	simm.s32 $0x1680  }
0x3fa: {  	[tilespmem:s30], [sflag:$0x1] =	stream.indirect.gather [hbm4b:s23+s5], $0x1, s6, s5, $0xb8;
	[tilespmem:$0x4C80] =	vst v63  }
0x3fb: {  	s14 =	simm.s32 $0x1700  }
0x3fc: {  	[tilespmem:s14], [sflag:$0x1] =	stream.indirect.gather [hbm4b:s24+s5], $0x1, s6, s5, $0xb8;
	[tilespmem:$0x4C80] =	vst v63  }
0x3fd: {  	s30 =	simm.s32 $0x1780  }
0x3fe: {  	[tilespmem:s30], [sflag:$0x1] =	stream.indirect.gather [hbm4b:s25+s5], $0x1, s6, s5, $0xb8;
	[tilespmem:$0x4C80] =	vst v63  }
0x3ff: {  	s14 =	simm.s32 $0x1800  }
0x400: {  	[tilespmem:s14], [sflag:$0x1] =	stream.indirect.gather [hbm4b:s26+s5], $0x1, s6, s5, $0xb8;
	[tilespmem:$0x4C80] =	vst v63  }
0x401: {  	s30 =	simm.s32 $0x1880  }
0x402: {  	[tilespmem:s30], [sflag:$0x1] =	stream.indirect.gather [hbm4b:s23+s5], $0x1, s28, s5, $0xb8;
	[tilespmem:$0x4C80] =	vst v63  }
0x403: {  	s14 =	simm.s32 $0x1900  }
0x404: {  	[tilespmem:s14], [sflag:$0x1] =	stream.indirect.gather [hbm4b:s24+s5], $0x1, s28, s5, $0xb8;
	[tilespmem:$0x4C80] =	vst v63  }
0x405: {  	s30 =	simm.s32 $0x1980  }
0x406: {  	[tilespmem:s30], [sflag:$0x1] =	stream.indirect.gather [hbm4b:s25+s5], $0x1, s28, s5, $0xb8;
	[tilespmem:$0x4C80] =	vst v63  }
0x407: {  	s14 =	simm.s32 $0x1A00  }
0x408: {  	[tilespmem:s14], [sflag:$0x1] =	stream.indirect.gather [hbm4b:s26+s5], $0x1, s28, s5, $0xb8;
	[tilespmem:$0x4C80] =	vst v63  }
0x409: {  	s30 =	simm.s32 $0x1A80  }
0x40a: {  	[tilespmem:s30], [sflag:$0x1] =	stream.indirect.gather [hbm4b:s23+s5], $0x1, s9, s5, $0xb8;
	[tilespmem:$0x4C80] =	vst v63  }
0x40b: {  	s14 =	simm.s32 $0x1B00  }
0x40c: {  	[tilespmem:s14], [sflag:$0x1] =	stream.indirect.gather [hbm4b:s24+s5], $0x1, s9, s5, $0xb8;
	[tilespmem:$0x4C80] =	vst v63  }
0x40d: {  	s28 =	simm.s32 $0x1B80  }
0x40e: {  	[tilespmem:s28], [sflag:$0x1] =	stream.indirect.gather [hbm4b:s25+s5], $0x1, s9, s5, $0xb8;
	[tilespmem:$0x4C80] =	vst v63  }
0x40f: {  	s30 =	simm.s32 $0x1C00  }
0x410: {  	[tilespmem:s30], [sflag:$0x1] =	stream.indirect.gather [hbm4b:s26+s5], $0x1, s9, s5, $0xb8;
	[tilespmem:$0x4C80] =	vst v63  }
0x411: {  	_ =	swait.ge [sflag:s7], $0x80  }
0x412: {  	[sflag:s7] =	ssyncset.done $0x0  }
0x413: {  	[sflag:s7] =	ssyncadd.s32 $0xFFFFFF80  }
0x414: {  	_ =	swait.ge [sflag:s7], $0x80  }
0x415: {  	[sflag:s7] =	ssyncset.done $0x0  }
0x416: {  	[sflag:s7] =	ssyncadd.s32 $0xFFFFFF80  }
0x417: {  	_ =	swait.ge [sflag:s7], $0x80  }
0x418: {  	[sflag:s7] =	ssyncset.done $0x0  }
0x419: {  	[sflag:s7] =	ssyncadd.s32 $0xFFFFFF80  }
0x41a: {  	_ =	swait.ge [sflag:s7], $0x80  }
0x41b: {  	[sflag:s7] =	ssyncset.done $0x0  }
0x41c: {  	[sflag:s7] =	ssyncadd.s32 $0xFFFFFF80  }
0x41d: {  	_ =	swait.ge [sflag:s7], $0x80  }
0x41e: {  	[sflag:s7] =	ssyncset.done $0x0  }
0x41f: {  	[sflag:s7] =	ssyncadd.s32 $0xFFFFFF80  }
0x420: {  	_ =	swait.ge [sflag:s7], $0x80  }
0x421: {  	[sflag:s7] =	ssyncset.done $0x0  }
0x422: {  	[sflag:s7] =	ssyncadd.s32 $0xFFFFFF80  }
0x423: {  	_ =	swait.ge [sflag:s7], $0x80  }
0x424: {  	[sflag:s7] =	ssyncset.done $0x0  }
0x425: {  	[sflag:s7] =	ssyncadd.s32 $0xFFFFFF80  }
0x426: {  	_ =	swait.ge [sflag:s7], $0x80  }
0x427: {  	[sflag:s7] =	ssyncset.done $0x0  }
0x428: {  	[sflag:s7] =	ssyncadd.s32 $0xFFFFFF80  }
0x429: {  	_ =	swait.ge [sflag:s7], $0x80  }
0x42a: {  	[sflag:s7] =	ssyncset.done $0x0  }
0x42b: {  	[sflag:s7] =	ssyncadd.s32 $0xFFFFFF80  }
0x42c: {  	_ =	swait.ge [sflag:s7], $0x80  }
0x42d: {  	[sflag:s7] =	ssyncset.done $0x0  }
0x42e: {  	[sflag:s7] =	ssyncadd.s32 $0xFFFFFF80  }
0x42f: {  	_ =	swait.ge [sflag:s7], $0x80  }
0x430: {  	[sflag:s7] =	ssyncset.done $0x0  }
0x431: {  	[sflag:s7] =	ssyncadd.s32 $0xFFFFFF80  }
0x432: {  	_ =	swait.ge [sflag:s7], $0x80  }
0x433: {  	[sflag:s7] =	ssyncset.done $0x0  }
0x434: {  	[sflag:s7] =	ssyncadd.s32 $0xFFFFFF80  }
0x435: {  	_ =	swait.ge [sflag:s7], $0x80  }
0x436: {  	[sflag:s7] =	ssyncset.done $0x0  }
0x437: {  	[sflag:s7] =	ssyncadd.s32 $0xFFFFFF80  }
0x438: {  	_ =	swait.ge [sflag:s7], $0x80  }
0x439: {  	[sflag:s7] =	ssyncset.done $0x0  }
0x43a: {  	[sflag:s7] =	ssyncadd.s32 $0xFFFFFF80  }
0x43b: {  	_ =	swait.ge [sflag:s7], $0x80  }
0x43c: {  	[sflag:s7] =	ssyncset.done $0x0  }
0x43d: {  	[sflag:s7] =	ssyncadd.s32 $0xFFFFFF80  }
0x43e: {  	_ =	swait.ge [sflag:s7], $0x80  }
0x43f: {  	[sflag:s7] =	ssyncset.done $0x0  }
0x440: {  	[sflag:s7] =	ssyncadd.s32 $0xFFFFFF80  }
0x441: {  	_ =	swait.ge [sflag:s7], $0x80  }
0x442: {  	[sflag:s7] =	ssyncset.done $0x0  }
0x443: {  	[sflag:s7] =	ssyncadd.s32 $0xFFFFFF80  }
0x444: {  	_ =	swait.ge [sflag:s7], $0x80  }
0x445: {  	[sflag:s7] =	ssyncset.done $0x0  }
0x446: {  	[sflag:s7] =	ssyncadd.s32 $0xFFFFFF80  }
0x447: {  	_ =	swait.ge [sflag:s7], $0x80  }
0x448: {  	[sflag:s7] =	ssyncset.done $0x0  }
0x449: {  	[sflag:s7] =	ssyncadd.s32 $0xFFFFFF80  }
0x44a: {  	_ =	swait.ge [sflag:s7], $0x80  }
0x44b: {  	[sflag:s7] =	ssyncset.done $0x0  }
0x44c: {  	[sflag:s7] =	ssyncadd.s32 $0xFFFFFF80  }
0x44d: {  	_ =	swait.ge [sflag:s7], $0x80  }
0x44e: {  	[sflag:s7] =	ssyncset.done $0x0  }
0x44f: {  	[sflag:s7] =	ssyncadd.s32 $0xFFFFFF80  }
0x450: {  	_ =	swait.ge [sflag:s7], $0x80  }
0x451: {  	[sflag:s7] =	ssyncset.done $0x0  }
0x452: {  	[sflag:s7] =	ssyncadd.s32 $0xFFFFFF80  }
0x453: {  	_ =	swait.ge [sflag:s7], $0x80  }
0x454: {  	[sflag:s7] =	ssyncset.done $0x0  }
0x455: {  	[sflag:s7] =	ssyncadd.s32 $0xFFFFFF80  }
0x456: {  	_ =	swait.ge [sflag:s7], $0x80  }
0x457: {  	[sflag:s7] =	ssyncset.done $0x0  }
0x458: {  	[sflag:s7] =	ssyncadd.s32 $0xFFFFFF80  }
0x459: {  	_ =	swait.ge [sflag:s7], $0x80  }
0x45a: {  	[sflag:s7] =	ssyncset.done $0x0  }
0x45b: {  	[sflag:s7] =	ssyncadd.s32 $0xFFFFFF80  }
0x45c: {  	_ =	swait.ge [sflag:s7], $0x80  }
0x45d: {  	[sflag:s7] =	ssyncset.done $0x0  }
0x45e: {  	[sflag:s7] =	ssyncadd.s32 $0xFFFFFF80  }
0x45f: {  	_ =	swait.ge [sflag:s7], $0x80  }
0x460: {  	[sflag:s7] =	ssyncset.done $0x0  }
0x461: {  	[sflag:s7] =	ssyncadd.s32 $0xFFFFFF80  }
0x462: {  	_ =	swait.ge [sflag:s7], $0x80  }
0x463: {  	[sflag:s7] =	ssyncset.done $0x0  }
0x464: {  	[sflag:s7] =	ssyncadd.s32 $0xFFFFFF80  }
0x465: {  	_ =	swait.ge [sflag:s7], $0x80  }
0x466: {  	[sflag:s7] =	ssyncset.done $0x0  }
0x467: {  	[sflag:s7] =	ssyncadd.s32 $0xFFFFFF80  }
0x468: {  	_ =	swait.ge [sflag:s7], $0x80  }
0x469: {  	[sflag:s7] =	ssyncset.done $0x0  }
0x46a: {  	[sflag:s7] =	ssyncadd.s32 $0xFFFFFF80  }
0x46b: {  	_ =	swait.ge [sflag:s7], $0x80  }
0x46c: {  	[sflag:s7] =	ssyncset.done $0x0  }
0x46d: {  	[sflag:s7] =	ssyncadd.s32 $0xFFFFFF80  }
0x46e: {  	_ =	swait.ge [sflag:s7], $0x80  }
0x46f: {  	[sflag:s7] =	ssyncset.done $0x0  }
0x470: {  	s9 =	simm.s32 $0x1C80;
	[sflag:s7] =	ssyncadd.s32 $0xFFFFFF80  }
0x471: {  	[tilespmem:s9], [sflag:$0x1] =	stream.indirect.gather [hbm4b:s23+s5], $0x1, s10, s5, $0xb8;
	[tilespmem:$0x4C80] =	vst v63  }
0x472: {  	s14 =	simm.s32 $0x1D00  }
0x473: {  	[tilespmem:s14], [sflag:$0x1] =	stream.indirect.gather [hbm4b:s24+s5], $0x1, s10, s5, $0xb8;
	[tilespmem:$0x4C80] =	vst v63  }
0x474: {  	s28 =	simm.s32 $0x1D80  }
0x475: {  	[tilespmem:s28], [sflag:$0x1] =	stream.indirect.gather [hbm4b:s25+s5], $0x1, s10, s5, $0xb8;
	[tilespmem:$0x4C80] =	vst v63  }
0x476: {  	s30 =	simm.s32 $0x1E00  }
0x477: {  	[tilespmem:s30], [sflag:$0x1] =	stream.indirect.gather [hbm4b:s26+s5], $0x1, s10, s5, $0xb8;
	[tilespmem:$0x4C80] =	vst v63  }
0x478: {  	s9 =	simm.s32 $0x1E80  }
0x479: {  	[tilespmem:s9], [sflag:$0x1] =	stream.indirect.gather [hbm4b:s23+s5], $0x1, s1, s5, $0xb8;
	[tilespmem:$0x4C80] =	vst v63  }
0x47a: {  	s10 =	simm.s32 $0x1F00  }
0x47b: {  	[tilespmem:s10], [sflag:$0x1] =	stream.indirect.gather [hbm4b:s24+s5], $0x1, s1, s5, $0xb8;
	[tilespmem:$0x4C80] =	vst v63  }
0x47c: {  	s14 =	simm.s32 $0x1F80  }
0x47d: {  	[tilespmem:s14], [sflag:$0x1] =	stream.indirect.gather [hbm4b:s25+s5], $0x1, s1, s5, $0xb8;
	[tilespmem:$0x4C80] =	vst v63  }
0x47e: {  	s28 =	simm.s32 $0x2000  }
0x47f: {  	[tilespmem:s28], [sflag:$0x1] =	stream.indirect.gather [hbm4b:s26+s5], $0x1, s1, s5, $0xb8;
	[tilespmem:$0x4C80] =	vst v63  }
0x480: {  	s30 =	simm.s32 $0x2080  }
0x481: {  	[tilespmem:s30], [sflag:$0x1] =	stream.indirect.gather [hbm4b:s23+s5], $0x1, s18, s5, $0xb8;
	[tilespmem:$0x4C80] =	vst v63  }
0x482: {  	s8 =	simm.s32 $0x2100  }
0x483: {  	[tilespmem:s8], [sflag:$0x1] =	stream.indirect.gather [hbm4b:s24+s5], $0x1, s18, s5, $0xb8;
	[tilespmem:$0x4C80] =	vst v63  }
0x484: {  	s9 =	simm.s32 $0x2180  }
0x485: {  	[tilespmem:s9], [sflag:$0x1] =	stream.indirect.gather [hbm4b:s25+s5], $0x1, s18, s5, $0xb8;
	[tilespmem:$0x4C80] =	vst v63  }
0x486: {  	s10 =	simm.s32 $0x2200  }
0x487: {  	[tilespmem:s10], [sflag:$0x1] =	stream.indirect.gather [hbm4b:s26+s5], $0x1, s18, s5, $0xb8;
	[tilespmem:$0x4C80] =	vst v63  }
0x488: {  	s14 =	simm.s32 $0x2280  }
0x489: {  	[tilespmem:s14], [sflag:$0x1] =	stream.indirect.gather [hbm4b:s23+s5], $0x1, s15, s5, $0xb8;
	[tilespmem:$0x4C80] =	vst v63  }
0x48a: {  	s18 =	simm.s32 $0x2300  }
0x48b: {  	[tilespmem:s18], [sflag:$0x1] =	stream.indirect.gather [hbm4b:s24+s5], $0x1, s15, s5, $0xb8;
	[tilespmem:$0x4C80] =	vst v63  }
0x48c: {  	s18 =	simm.s32 $0x2380  }
0x48d: {  	[tilespmem:s18], [sflag:$0x1] =	stream.indirect.gather [hbm4b:s25+s5], $0x1, s15, s5, $0xb8;
	[tilespmem:$0x4C80] =	vst v63  }
0x48e: {  	s28 =	simm.s32 $0x2400  }
0x48f: {  	[tilespmem:s28], [sflag:$0x1] =	stream.indirect.gather [hbm4b:s26+s5], $0x1, s15, s5, $0xb8;
	[tilespmem:$0x4C80] =	vst v63  }
0x490: {  	s30 =	simm.s32 $0x2480  }
0x491: {  	[tilespmem:s30], [sflag:$0x1] =	stream.indirect.gather [hbm4b:s23+s5], $0x1, s13, s5, $0xb8;
	[tilespmem:$0x4C80] =	vst v63  }
0x492: {  	s8 =	simm.s32 $0x2500  }
0x493: {  	[tilespmem:s8], [sflag:$0x1] =	stream.indirect.gather [hbm4b:s24+s5], $0x1, s13, s5, $0xb8;
	[tilespmem:$0x4C80] =	vst v63  }
0x494: {  	s9 =	simm.s32 $0x2580  }
0x495: {  	[tilespmem:s9], [sflag:$0x1] =	stream.indirect.gather [hbm4b:s25+s5], $0x1, s13, s5, $0xb8;
	[tilespmem:$0x4C80] =	vst v63  }
0x496: {  	s10 =	simm.s32 $0x2600  }
0x497: {  	[tilespmem:s10], [sflag:$0x1] =	stream.indirect.gather [hbm4b:s26+s5], $0x1, s13, s5, $0xb8;
	[tilespmem:$0x4C80] =	vst v63  }
0x498: {  	s14 =	simm.s32 $0x2680  }
0x499: {  	[tilespmem:s14], [sflag:$0x1] =	stream.indirect.gather [hbm4b:s23+s5], $0x1, s16, s5, $0xb8;
	[tilespmem:$0x4C80] =	vst v63  }
0x49a: {  	s15 =	simm.s32 $0x2700  }
0x49b: {  	[tilespmem:s15], [sflag:$0x1] =	stream.indirect.gather [hbm4b:s24+s5], $0x1, s16, s5, $0xb8;
	[tilespmem:$0x4C80] =	vst v63  }
0x49c: {  	s28 =	simm.s32 $0x2780  }
0x49d: {  	[tilespmem:s28], [sflag:$0x1] =	stream.indirect.gather [hbm4b:s25+s5], $0x1, s16, s5, $0xb8;
	[tilespmem:$0x4C80] =	vst v63  }
0x49e: {  	s30 =	simm.s32 $0x2800  }
0x49f: {  	[tilespmem:s30], [sflag:$0x1] =	stream.indirect.gather [hbm4b:s26+s5], $0x1, s16, s5, $0xb8;
	[tilespmem:$0x4C80] =	vst v63  }
0x4a0: {  	s28 =	simm.s32 $0x2880  }
0x4a1: {  	[tilespmem:s28], [sflag:$0x1] =	stream.indirect.gather [hbm4b:s23+s5], $0x1, s12, s5, $0xb8;
	[tilespmem:$0x4C80] =	vst v63  }
0x4a2: {  	s16 =	simm.s32 $0x2900  }
0x4a3: {  	[tilespmem:s16], [sflag:$0x1] =	stream.indirect.gather [hbm4b:s24+s5], $0x1, s12, s5, $0xb8;
	[tilespmem:$0x4C80] =	vst v63  }
0x4a4: {  	s15 =	simm.s32 $0x2980  }
0x4a5: {  	[tilespmem:s15], [sflag:$0x1] =	stream.indirect.gather [hbm4b:s25+s5], $0x1, s12, s5, $0xb8;
	[tilespmem:$0x4C80] =	vst v63  }
0x4a6: {  	s14 =	simm.s32 $0x2A00  }
0x4a7: {  	[tilespmem:s14], [sflag:$0x1] =	stream.indirect.gather [hbm4b:s26+s5], $0x1, s12, s5, $0xb8;
	[tilespmem:$0x4C80] =	vst v63  }
0x4a8: {  	s13 =	simm.s32 $0x2A80  }
0x4a9: {  	[tilespmem:s13], [sflag:$0x1] =	stream.indirect.gather [hbm4b:s23+s5], $0x1, s11, s5, $0xb8;
	[tilespmem:$0x4C80] =	vst v63  }
0x4aa: {  	s12 =	simm.s32 $0x2B00  }
0x4ab: {  	[tilespmem:s12], [sflag:$0x1] =	stream.indirect.gather [hbm4b:s24+s5], $0x1, s11, s5, $0xb8;
	[tilespmem:$0x4C80] =	vst v63  }
0x4ac: {  	s9 =	simm.s32 $0x2B80  }
0x4ad: {  	[tilespmem:s9], [sflag:$0x1] =	stream.indirect.gather [hbm4b:s25+s5], $0x1, s11, s5, $0xb8;
	[tilespmem:$0x4C80] =	vst v63  }
0x4ae: {  	s10 =	simm.s32 $0x2C00  }
0x4af: {  	[tilespmem:s10], [sflag:$0x1] =	stream.indirect.gather [hbm4b:s26+s5], $0x1, s11, s5, $0xb8;
	[tilespmem:$0x4C80] =	vst v63  }
0x4b0: {  	_ =	swait.ge [sflag:s7], $0x80  }
0x4b1: {  	[sflag:s7] =	ssyncset.done $0x0  }
0x4b2: {  	[sflag:s7] =	ssyncadd.s32 $0xFFFFFF80  }
0x4b3: {  	_ =	swait.ge [sflag:s7], $0x80  }
0x4b4: {  	[sflag:s7] =	ssyncset.done $0x0  }
0x4b5: {  	[sflag:s7] =	ssyncadd.s32 $0xFFFFFF80  }
0x4b6: {  	_ =	swait.ge [sflag:s7], $0x80  }
0x4b7: {  	[sflag:s7] =	ssyncset.done $0x0  }
0x4b8: {  	[sflag:s7] =	ssyncadd.s32 $0xFFFFFF80  }
0x4b9: {  	_ =	swait.ge [sflag:s7], $0x80  }
0x4ba: {  	[sflag:s7] =	ssyncset.done $0x0  }
0x4bb: {  	[sflag:s7] =	ssyncadd.s32 $0xFFFFFF80  }
0x4bc: {  	_ =	swait.ge [sflag:s7], $0x80  }
0x4bd: {  	[sflag:s7] =	ssyncset.done $0x0  }
0x4be: {  	[sflag:s7] =	ssyncadd.s32 $0xFFFFFF80  }
0x4bf: {  	_ =	swait.ge [sflag:s7], $0x80  }
0x4c0: {  	[sflag:s7] =	ssyncset.done $0x0  }
0x4c1: {  	[sflag:s7] =	ssyncadd.s32 $0xFFFFFF80  }
0x4c2: {  	_ =	swait.ge [sflag:s7], $0x80  }
0x4c3: {  	[sflag:s7] =	ssyncset.done $0x0  }
0x4c4: {  	[sflag:s7] =	ssyncadd.s32 $0xFFFFFF80  }
0x4c5: {  	_ =	swait.ge [sflag:s7], $0x80  }
0x4c6: {  	[sflag:s7] =	ssyncset.done $0x0  }
0x4c7: {  	[sflag:s7] =	ssyncadd.s32 $0xFFFFFF80  }
0x4c8: {  	_ =	swait.ge [sflag:s7], $0x80  }
0x4c9: {  	[sflag:s7] =	ssyncset.done $0x0  }
0x4ca: {  	[sflag:s7] =	ssyncadd.s32 $0xFFFFFF80  }
0x4cb: {  	_ =	swait.ge [sflag:s7], $0x80  }
0x4cc: {  	[sflag:s7] =	ssyncset.done $0x0  }
0x4cd: {  	[sflag:s7] =	ssyncadd.s32 $0xFFFFFF80  }
0x4ce: {  	_ =	swait.ge [sflag:s7], $0x80  }
0x4cf: {  	[sflag:s7] =	ssyncset.done $0x0  }
0x4d0: {  	[sflag:s7] =	ssyncadd.s32 $0xFFFFFF80  }
0x4d1: {  	_ =	swait.ge [sflag:s7], $0x80  }
0x4d2: {  	[sflag:s7] =	ssyncset.done $0x0  }
0x4d3: {  	[sflag:s7] =	ssyncadd.s32 $0xFFFFFF80  }
0x4d4: {  	_ =	swait.ge [sflag:s7], $0x80  }
0x4d5: {  	[sflag:s7] =	ssyncset.done $0x0  }
0x4d6: {  	[sflag:s7] =	ssyncadd.s32 $0xFFFFFF80  }
0x4d7: {  	_ =	swait.ge [sflag:s7], $0x80  }
0x4d8: {  	[sflag:s7] =	ssyncset.done $0x0  }
0x4d9: {  	[sflag:s7] =	ssyncadd.s32 $0xFFFFFF80  }
0x4da: {  	_ =	swait.ge [sflag:s7], $0x80  }
0x4db: {  	[sflag:s7] =	ssyncset.done $0x0  }
0x4dc: {  	[sflag:s7] =	ssyncadd.s32 $0xFFFFFF80  }
0x4dd: {  	_ =	swait.ge [sflag:s7], $0x80  }
0x4de: {  	[sflag:s7] =	ssyncset.done $0x0  }
0x4df: {  	[sflag:s7] =	ssyncadd.s32 $0xFFFFFF80  }
0x4e0: {  	_ =	swait.ge [sflag:s7], $0x80  }
0x4e1: {  	[sflag:s7] =	ssyncset.done $0x0  }
0x4e2: {  	[sflag:s7] =	ssyncadd.s32 $0xFFFFFF80  }
0x4e3: {  	_ =	swait.ge [sflag:s7], $0x80  }
0x4e4: {  	[sflag:s7] =	ssyncset.done $0x0  }
0x4e5: {  	[sflag:s7] =	ssyncadd.s32 $0xFFFFFF80  }
0x4e6: {  	_ =	swait.ge [sflag:s7], $0x80  }
0x4e7: {  	[sflag:s7] =	ssyncset.done $0x0  }
0x4e8: {  	[sflag:s7] =	ssyncadd.s32 $0xFFFFFF80  }
0x4e9: {  	_ =	swait.ge [sflag:s7], $0x80  }
0x4ea: {  	[sflag:s7] =	ssyncset.done $0x0  }
0x4eb: {  	[sflag:s7] =	ssyncadd.s32 $0xFFFFFF80  }
0x4ec: {  	_ =	swait.ge [sflag:s7], $0x80  }
0x4ed: {  	[sflag:s7] =	ssyncset.done $0x0  }
0x4ee: {  	[sflag:s7] =	ssyncadd.s32 $0xFFFFFF80  }
0x4ef: {  	_ =	swait.ge [sflag:s7], $0x80  }
0x4f0: {  	[sflag:s7] =	ssyncset.done $0x0  }
0x4f1: {  	[sflag:s7] =	ssyncadd.s32 $0xFFFFFF80  }
0x4f2: {  	_ =	swait.ge [sflag:s7], $0x80  }
0x4f3: {  	[sflag:s7] =	ssyncset.done $0x0  }
0x4f4: {  	[sflag:s7] =	ssyncadd.s32 $0xFFFFFF80  }
0x4f5: {  	_ =	swait.ge [sflag:s7], $0x80  }
0x4f6: {  	[sflag:s7] =	ssyncset.done $0x0  }
0x4f7: {  	[sflag:s7] =	ssyncadd.s32 $0xFFFFFF80  }
0x4f8: {  	_ =	swait.ge [sflag:s7], $0x80  }
0x4f9: {  	[sflag:s7] =	ssyncset.done $0x0  }
0x4fa: {  	[sflag:s7] =	ssyncadd.s32 $0xFFFFFF80  }
0x4fb: {  	_ =	swait.ge [sflag:s7], $0x80  }
0x4fc: {  	[sflag:s7] =	ssyncset.done $0x0  }
0x4fd: {  	[sflag:s7] =	ssyncadd.s32 $0xFFFFFF80  }
0x4fe: {  	_ =	swait.ge [sflag:s7], $0x80  }
0x4ff: {  	[sflag:s7] =	ssyncset.done $0x0  }
0x500: {  	[sflag:s7] =	ssyncadd.s32 $0xFFFFFF80  }
0x501: {  	_ =	swait.ge [sflag:s7], $0x80  }
0x502: {  	[sflag:s7] =	ssyncset.done $0x0  }
0x503: {  	[sflag:s7] =	ssyncadd.s32 $0xFFFFFF80  }
0x504: {  	_ =	swait.ge [sflag:s7], $0x80  }
0x505: {  	[sflag:s7] =	ssyncset.done $0x0  }
0x506: {  	[sflag:s7] =	ssyncadd.s32 $0xFFFFFF80  }
0x507: {  	_ =	swait.ge [sflag:s7], $0x80  }
0x508: {  	[sflag:s7] =	ssyncset.done $0x0  }
0x509: {  	[sflag:s7] =	ssyncadd.s32 $0xFFFFFF80  }
0x50a: {  	_ =	swait.ge [sflag:s7], $0x80  }
0x50b: {  	[sflag:s7] =	ssyncset.done $0x0  }
0x50c: {  	[sflag:s7] =	ssyncadd.s32 $0xFFFFFF80  }
0x50d: {  	_ =	swait.ge [sflag:s7], $0x80  }
0x50e: {  	s1 =	simm.s32 $0xC80;
	[sflag:s7] =	ssyncset.done $0x0  }
0x50f: {  	s8 =	simm.s32 $0x2C80;
	s29 =	rddreg [dreg:$0xc];
	[sflag:s7] =	ssyncadd.s32 $0xFFFFFF80  }
0x510: {  	[tilespmem:s8], [sflag:$0x1] =	stream.indirect.gather [hbm4b:s3+s5], $0x1, s1, s5, $0xb8;
	[tilespmem:$0x4C80] =	vst v63  }
0x511: {  	s30 =	rddreg [dreg:$0xd]  }
0x512: {  	[tilespmem:s29], [sflag:$0x1] =	stream.indirect.gather [hbm4b:s3+s5], $0x1, s17, s5, $0xb8;
	[tilespmem:$0x4C80] =	vst v63  }
0x513: {  	s29 =	rddreg [dreg:$0xe]  }
0x514: {  	[tilespmem:s30], [sflag:$0x1] =	stream.indirect.gather [hbm4b:s3+s5], $0x1, s0, s5, $0xb8;
	[tilespmem:$0x4C80] =	vst v63  }
0x515: {  	s0 =	rddreg [dreg:$0xf]  }
0x516: {  	[tilespmem:s29], [sflag:$0x1] =	stream.indirect.gather [hbm4b:s3+s5], $0x1, s2, s5, $0xb8;
	[tilespmem:$0x4C80] =	vst v63  }
0x517: {  	s30 =	rddreg [dreg:$0x11]  }
0x518: {  	[tilespmem:s0], [sflag:$0x1] =	stream.indirect.gather [hbm4b:s3+s5], $0x1, s22, s5, $0xb8;
	[tilespmem:$0x4C80] =	vst v63  }
0x519: {  	s29 =	rddreg [dreg:$0x10];
	s2 =	simm.s32 $0xF00  }
0x51a: {  	[tilespmem:s29], [sflag:$0x1] =	stream.indirect.gather [hbm4b:s3+s5], $0x1, s2, s5, $0xb8;
	[tilespmem:$0x4C80] =	vst v63  }
0x51b: {  	s22 =	simm.s32 $0xF80;
	s29 =	rddreg [dreg:$0x12]  }
0x51c: {  	[tilespmem:s30], [sflag:$0x1] =	stream.indirect.gather [hbm4b:s3+s5], $0x1, s22, s5, $0xb8;
	[tilespmem:$0x4C80] =	vst v63  }
0x51d: {  	s2 =	simm.s32 $0x1000;
	s30 =	rddreg [dreg:$0x13]  }
0x51e: {  	[tilespmem:s29], [sflag:$0x1] =	stream.indirect.gather [hbm4b:s3+s5], $0x1, s2, s5, $0xb8;
	[tilespmem:$0x4C80] =	vst v63  }
0x51f: {  	s22 =	simm.s32 $0x1080;
	s29 =	rddreg [dreg:$0x14]  }
0x520: {  	[tilespmem:s30], [sflag:$0x1] =	stream.indirect.gather [hbm4b:s3+s5], $0x1, s22, s5, $0xb8;
	[tilespmem:$0x4C80] =	vst v63  }
0x521: {  	s2 =	simm.s32 $0x1100;
	s30 =	rddreg [dreg:$0x15]  }
0x522: {  	[tilespmem:s29], [sflag:$0x1] =	stream.indirect.gather [hbm4b:s3+s5], $0x1, s2, s5, $0xb8;
	[tilespmem:$0x4C80] =	vst v63  }
0x523: {  	s22 =	simm.s32 $0x1180;
	s29 =	rddreg [dreg:$0x16]  }
0x524: {  	[tilespmem:s30], [sflag:$0x1] =	stream.indirect.gather [hbm4b:s3+s5], $0x1, s22, s5, $0xb8;
	[tilespmem:$0x4C80] =	vst v63  }
0x525: {  	s2 =	rddreg [dreg:$0x17];
	s22 =	simm.s32 $0x1200  }
0x526: {  	[tilespmem:s29], [sflag:$0x1] =	stream.indirect.gather [hbm4b:s3+s5], $0x1, s22, s5, $0xb8;
	[tilespmem:$0x4C80] =	vst v63  }
0x527: {  	s30 =	rddreg [dreg:$0x19]  }
0x528: {  	[tilespmem:s2], [sflag:$0x1] =	stream.indirect.gather [hbm4b:s3+s5], $0x1, s31, s5, $0xb8;
	[tilespmem:$0x4C80] =	vst v63  }
0x529: {  	s29 =	rddreg [dreg:$0x18];
	s2 =	simm.s32 $0x1300  }
0x52a: {  	[tilespmem:s29], [sflag:$0x1] =	stream.indirect.gather [hbm4b:s3+s5], $0x1, s2, s5, $0xb8;
	[tilespmem:$0x4C80] =	vst v63  }
0x52b: {  	s22 =	simm.s32 $0x1380;
	s29 =	rddreg [dreg:$0x1a]  }
0x52c: {  	[tilespmem:s30], [sflag:$0x1] =	stream.indirect.gather [hbm4b:s3+s5], $0x1, s22, s5, $0xb8;
	[tilespmem:$0x4C80] =	vst v63  }
0x52d: {  	s2 =	simm.s32 $0x1400;
	s30 =	rddreg [dreg:$0x1b]  }
0x52e: {  	[tilespmem:s29], [sflag:$0x1] =	stream.indirect.gather [hbm4b:s3+s5], $0x1, s2, s5, $0xb8;
	[tilespmem:$0x4C80] =	vst v63  }
0x52f: {  	s22 =	simm.s32 $0x1480;
	s29 =	rddreg [dreg:$0x1c]  }
0x530: {  	[tilespmem:s30], [sflag:$0x1] =	stream.indirect.gather [hbm4b:s3+s5], $0x1, s22, s5, $0xb8;
	[tilespmem:$0x4C80] =	vst v63  }
0x531: {  	s2 =	simm.s32 $0x1500;
	s30 =	rddreg [dreg:$0x1d]  }
0x532: {  	[tilespmem:s29], [sflag:$0x1] =	stream.indirect.gather [hbm4b:s3+s5], $0x1, s2, s5, $0xb8;
	[tilespmem:$0x4C80] =	vst v63  }
0x533: {  	s22 =	simm.s32 $0x1580;
	s29 =	rddreg [dreg:$0x1e]  }
0x534: {  	[tilespmem:s30], [sflag:$0x1] =	stream.indirect.gather [hbm4b:s3+s5], $0x1, s22, s5, $0xb8;
	[tilespmem:$0x4C80] =	vst v63  }
0x535: {  	s2 =	simm.s32 $0x1600;
	s30 =	rddreg [dreg:$0x1f]  }
0x536: {  	[tilespmem:s29], [sflag:$0x1] =	stream.indirect.gather [hbm4b:s3+s5], $0x1, s2, s5, $0xb8;
	[tilespmem:$0x4C80] =	vst v63  }
0x537: {  	s22 =	simm.s32 $0x1680;
	s29 =	sld [smem:$0x7D3]  }
0x538: {  	[tilespmem:s30], [sflag:$0x1] =	stream.indirect.gather [hbm4b:s3+s5], $0x1, s22, s5, $0xb8;
	[tilespmem:$0x4C80] =	vst v63  }
0x539: {  	s2 =	simm.s32 $0x1700;
	s30 =	sld [smem:$0x7D4]  }
0x53a: {  	[tilespmem:s29], [sflag:$0x1] =	stream.indirect.gather [hbm4b:s3+s5], $0x1, s2, s5, $0xb8;
	[tilespmem:$0x4C80] =	vst v63  }
0x53b: {  	s22 =	simm.s32 $0x1780;
	s29 =	sld [smem:$0x7D5]  }
0x53c: {  	[tilespmem:s30], [sflag:$0x1] =	stream.indirect.gather [hbm4b:s3+s5], $0x1, s22, s5, $0xb8;
	[tilespmem:$0x4C80] =	vst v63  }
0x53d: {  	s2 =	simm.s32 $0x1800;
	s30 =	sld [smem:$0x7D6]  }
0x53e: {  	[tilespmem:s29], [sflag:$0x1] =	stream.indirect.gather [hbm4b:s3+s5], $0x1, s2, s5, $0xb8;
	[tilespmem:$0x4C80] =	vst v63  }
0x53f: {  	s22 =	simm.s32 $0x1880;
	s29 =	sld [smem:$0x7D7]  }
0x540: {  	[tilespmem:s30], [sflag:$0x1] =	stream.indirect.gather [hbm4b:s3+s5], $0x1, s22, s5, $0xb8;
	[tilespmem:$0x4C80] =	vst v63  }
0x541: {  	s2 =	simm.s32 $0x1900;
	s30 =	sld [smem:$0x7D8]  }
0x542: {  	[tilespmem:s29], [sflag:$0x1] =	stream.indirect.gather [hbm4b:s3+s5], $0x1, s2, s5, $0xb8;
	[tilespmem:$0x4C80] =	vst v63  }
0x543: {  	s22 =	simm.s32 $0x1980;
	s29 =	sld [smem:$0x7D9]  }
0x544: {  	[tilespmem:s30], [sflag:$0x1] =	stream.indirect.gather [hbm4b:s3+s5], $0x1, s22, s5, $0xb8;
	[tilespmem:$0x4C80] =	vst v63  }
0x545: {  	s2 =	simm.s32 $0x1A00;
	s30 =	sld [smem:$0x7DA]  }
0x546: {  	[tilespmem:s29], [sflag:$0x1] =	stream.indirect.gather [hbm4b:s3+s5], $0x1, s2, s5, $0xb8;
	[tilespmem:$0x4C80] =	vst v63  }
0x547: {  	s22 =	simm.s32 $0x1A80;
	s29 =	sld [smem:$0x7DB]  }
0x548: {  	[tilespmem:s30], [sflag:$0x1] =	stream.indirect.gather [hbm4b:s3+s5], $0x1, s22, s5, $0xb8;
	[tilespmem:$0x4C80] =	vst v63  }
0x549: {  	s2 =	simm.s32 $0x1B00;
	s30 =	sld [smem:$0x7DC]  }
0x54a: {  	[tilespmem:s29], [sflag:$0x1] =	stream.indirect.gather [hbm4b:s3+s5], $0x1, s2, s5, $0xb8;
	[tilespmem:$0x4C80] =	vst v63  }
0x54b: {  	s22 =	simm.s32 $0x1B80;
	s29 =	sld [smem:$0x7DD]  }
0x54c: {  	[tilespmem:s30], [sflag:$0x1] =	stream.indirect.gather [hbm4b:s3+s5], $0x1, s22, s5, $0xb8;
	[tilespmem:$0x4C80] =	vst v63  }
0x54d: {  	s2 =	simm.s32 $0x1C00  }
0x54e: {  	[tilespmem:s29], [sflag:$0x1] =	stream.indirect.gather [hbm4b:s3+s5], $0x1, s2, s5, $0xb8;
	[tilespmem:$0x4C80] =	vst v63  }
0x54f: {  	_ =	swait.ge [sflag:s7], $0x80  }
0x550: {  	[sflag:s7] =	ssyncset.done $0x0  }
0x551: {  	[sflag:s7] =	ssyncadd.s32 $0xFFFFFF80  }
0x552: {  	_ =	swait.ge [sflag:s7], $0x80  }
0x553: {  	[sflag:s7] =	ssyncset.done $0x0  }
0x554: {  	[sflag:s7] =	ssyncadd.s32 $0xFFFFFF80  }
0x555: {  	_ =	swait.ge [sflag:s7], $0x80  }
0x556: {  	[sflag:s7] =	ssyncset.done $0x0  }
0x557: {  	[sflag:s7] =	ssyncadd.s32 $0xFFFFFF80  }
0x558: {  	_ =	swait.ge [sflag:s7], $0x80  }
0x559: {  	[sflag:s7] =	ssyncset.done $0x0  }
0x55a: {  	[sflag:s7] =	ssyncadd.s32 $0xFFFFFF80  }
0x55b: {  	_ =	swait.ge [sflag:s7], $0x80  }
0x55c: {  	[sflag:s7] =	ssyncset.done $0x0  }
0x55d: {  	[sflag:s7] =	ssyncadd.s32 $0xFFFFFF80  }
0x55e: {  	_ =	swait.ge [sflag:s7], $0x80  }
0x55f: {  	[sflag:s7] =	ssyncset.done $0x0  }
0x560: {  	[sflag:s7] =	ssyncadd.s32 $0xFFFFFF80  }
0x561: {  	_ =	swait.ge [sflag:s7], $0x80  }
0x562: {  	[sflag:s7] =	ssyncset.done $0x0  }
0x563: {  	[sflag:s7] =	ssyncadd.s32 $0xFFFFFF80  }
0x564: {  	_ =	swait.ge [sflag:s7], $0x80  }
0x565: {  	[sflag:s7] =	ssyncset.done $0x0  }
0x566: {  	[sflag:s7] =	ssyncadd.s32 $0xFFFFFF80  }
0x567: {  	_ =	swait.ge [sflag:s7], $0x80  }
0x568: {  	[sflag:s7] =	ssyncset.done $0x0  }
0x569: {  	[sflag:s7] =	ssyncadd.s32 $0xFFFFFF80  }
0x56a: {  	_ =	swait.ge [sflag:s7], $0x80  }
0x56b: {  	[sflag:s7] =	ssyncset.done $0x0  }
0x56c: {  	[sflag:s7] =	ssyncadd.s32 $0xFFFFFF80  }
0x56d: {  	_ =	swait.ge [sflag:s7], $0x80  }
0x56e: {  	[sflag:s7] =	ssyncset.done $0x0  }
0x56f: {  	[sflag:s7] =	ssyncadd.s32 $0xFFFFFF80  }
0x570: {  	_ =	swait.ge [sflag:s7], $0x80  }
0x571: {  	[sflag:s7] =	ssyncset.done $0x0  }
0x572: {  	[sflag:s7] =	ssyncadd.s32 $0xFFFFFF80  }
0x573: {  	_ =	swait.ge [sflag:s7], $0x80  }
0x574: {  	[sflag:s7] =	ssyncset.done $0x0  }
0x575: {  	[sflag:s7] =	ssyncadd.s32 $0xFFFFFF80  }
0x576: {  	_ =	swait.ge [sflag:s7], $0x80  }
0x577: {  	[sflag:s7] =	ssyncset.done $0x0  }
0x578: {  	[sflag:s7] =	ssyncadd.s32 $0xFFFFFF80  }
0x579: {  	_ =	swait.ge [sflag:s7], $0x80  }
0x57a: {  	[sflag:s7] =	ssyncset.done $0x0  }
0x57b: {  	[sflag:s7] =	ssyncadd.s32 $0xFFFFFF80  }
0x57c: {  	_ =	swait.ge [sflag:s7], $0x80  }
0x57d: {  	[sflag:s7] =	ssyncset.done $0x0  }
0x57e: {  	[sflag:s7] =	ssyncadd.s32 $0xFFFFFF80  }
0x57f: {  	_ =	swait.ge [sflag:s7], $0x80  }
0x580: {  	[sflag:s7] =	ssyncset.done $0x0  }
0x581: {  	[sflag:s7] =	ssyncadd.s32 $0xFFFFFF80  }
0x582: {  	_ =	swait.ge [sflag:s7], $0x80  }
0x583: {  	[sflag:s7] =	ssyncset.done $0x0  }
0x584: {  	[sflag:s7] =	ssyncadd.s32 $0xFFFFFF80  }
0x585: {  	_ =	swait.ge [sflag:s7], $0x80  }
0x586: {  	[sflag:s7] =	ssyncset.done $0x0  }
0x587: {  	[sflag:s7] =	ssyncadd.s32 $0xFFFFFF80  }
0x588: {  	_ =	swait.ge [sflag:s7], $0x80  }
0x589: {  	[sflag:s7] =	ssyncset.done $0x0  }
0x58a: {  	[sflag:s7] =	ssyncadd.s32 $0xFFFFFF80  }
0x58b: {  	_ =	swait.ge [sflag:s7], $0x80  }
0x58c: {  	[sflag:s7] =	ssyncset.done $0x0  }
0x58d: {  	[sflag:s7] =	ssyncadd.s32 $0xFFFFFF80  }
0x58e: {  	_ =	swait.ge [sflag:s7], $0x80  }
0x58f: {  	[sflag:s7] =	ssyncset.done $0x0  }
0x590: {  	[sflag:s7] =	ssyncadd.s32 $0xFFFFFF80  }
0x591: {  	_ =	swait.ge [sflag:s7], $0x80  }
0x592: {  	[sflag:s7] =	ssyncset.done $0x0  }
0x593: {  	[sflag:s7] =	ssyncadd.s32 $0xFFFFFF80  }
0x594: {  	_ =	swait.ge [sflag:s7], $0x80  }
0x595: {  	[sflag:s7] =	ssyncset.done $0x0  }
0x596: {  	[sflag:s7] =	ssyncadd.s32 $0xFFFFFF80  }
0x597: {  	_ =	swait.ge [sflag:s7], $0x80  }
0x598: {  	[sflag:s7] =	ssyncset.done $0x0  }
0x599: {  	[sflag:s7] =	ssyncadd.s32 $0xFFFFFF80  }
0x59a: {  	_ =	swait.ge [sflag:s7], $0x80  }
0x59b: {  	[sflag:s7] =	ssyncset.done $0x0  }
0x59c: {  	[sflag:s7] =	ssyncadd.s32 $0xFFFFFF80  }
0x59d: {  	_ =	swait.ge [sflag:s7], $0x80  }
0x59e: {  	[sflag:s7] =	ssyncset.done $0x0  }
0x59f: {  	[sflag:s7] =	ssyncadd.s32 $0xFFFFFF80  }
0x5a0: {  	_ =	swait.ge [sflag:s7], $0x80  }
0x5a1: {  	[sflag:s7] =	ssyncset.done $0x0  }
0x5a2: {  	[sflag:s7] =	ssyncadd.s32 $0xFFFFFF80  }
0x5a3: {  	_ =	swait.ge [sflag:s7], $0x80  }
0x5a4: {  	[sflag:s7] =	ssyncset.done $0x0  }
0x5a5: {  	[sflag:s7] =	ssyncadd.s32 $0xFFFFFF80  }
0x5a6: {  	_ =	swait.ge [sflag:s7], $0x80  }
0x5a7: {  	[sflag:s7] =	ssyncset.done $0x0  }
0x5a8: {  	[sflag:s7] =	ssyncadd.s32 $0xFFFFFF80  }
0x5a9: {  	_ =	swait.ge [sflag:s7], $0x80  }
0x5aa: {  	[sflag:s7] =	ssyncset.done $0x0  }
0x5ab: {  	[sflag:s7] =	ssyncadd.s32 $0xFFFFFF80  }
0x5ac: {  	_ =	swait.ge [sflag:s7], $0x80  }
0x5ad: {  	s29 =	sld [smem:$0x7DE]  }
0x5ae: {  	[sflag:s7] =	ssyncset.done $0x0  }
0x5af: {  	s22 =	simm.s32 $0x1C80;
	s30 =	sld [smem:$0x7DF];
	[sflag:s7] =	ssyncadd.s32 $0xFFFFFF80  }
0x5b0: {  	[tilespmem:s29], [sflag:$0x1] =	stream.indirect.gather [hbm4b:s3+s5], $0x1, s22, s5, $0xb8;
	[tilespmem:$0x4C80] =	vst v63  }
0x5b1: {  	s2 =	simm.s32 $0x1D00;
	s29 =	sld [smem:$0x7E0]  }
0x5b2: {  	[tilespmem:s30], [sflag:$0x1] =	stream.indirect.gather [hbm4b:s3+s5], $0x1, s2, s5, $0xb8;
	[tilespmem:$0x4C80] =	vst v63  }
0x5b3: {  	s22 =	simm.s32 $0x1D80;
	s30 =	sld [smem:$0x7E1]  }
0x5b4: {  	[tilespmem:s29], [sflag:$0x1] =	stream.indirect.gather [hbm4b:s3+s5], $0x1, s22, s5, $0xb8;
	[tilespmem:$0x4C80] =	vst v63  }
0x5b5: {  	s2 =	simm.s32 $0x1E00;
	s29 =	sld [smem:$0x7E2]  }
0x5b6: {  	[tilespmem:s30], [sflag:$0x1] =	stream.indirect.gather [hbm4b:s3+s5], $0x1, s2, s5, $0xb8;
	[tilespmem:$0x4C80] =	vst v63  }
0x5b7: {  	s22 =	simm.s32 $0x1E80;
	s30 =	sld [smem:$0x7E3]  }
0x5b8: {  	[tilespmem:s29], [sflag:$0x1] =	stream.indirect.gather [hbm4b:s3+s5], $0x1, s22, s5, $0xb8;
	[tilespmem:$0x4C80] =	vst v63  }
0x5b9: {  	s2 =	simm.s32 $0x1F00;
	s29 =	sld [smem:$0x7E4]  }
0x5ba: {  	[tilespmem:s30], [sflag:$0x1] =	stream.indirect.gather [hbm4b:s3+s5], $0x1, s2, s5, $0xb8;
	[tilespmem:$0x4C80] =	vst v63  }
0x5bb: {  	s22 =	simm.s32 $0x1F80;
	s30 =	sld [smem:$0x7E5]  }
0x5bc: {  	[tilespmem:s29], [sflag:$0x1] =	stream.indirect.gather [hbm4b:s3+s5], $0x1, s22, s5, $0xb8;
	[tilespmem:$0x4C80] =	vst v63  }
0x5bd: {  	s2 =	simm.s32 $0x2000;
	s29 =	sld [smem:$0x7E6]  }
0x5be: {  	[tilespmem:s30], [sflag:$0x1] =	stream.indirect.gather [hbm4b:s3+s5], $0x1, s2, s5, $0xb8;
	[tilespmem:$0x4C80] =	vst v63  }
0x5bf: {  	s30 =	sld [smem:$0x7E7];
	s2 =	simm.s32 $0x2080  }
0x5c0: {  	[tilespmem:s29], [sflag:$0x1] =	stream.indirect.gather [hbm4b:s3+s5], $0x1, s2, s5, $0xb8;
	[tilespmem:$0x4C80] =	vst v63  }
0x5c1: {  	s29 =	sld [smem:$0x7E8];
	s2 =	simm.s32 $0x2100  }
0x5c2: {  	[tilespmem:s30], [sflag:$0x1] =	stream.indirect.gather [hbm4b:s3+s5], $0x1, s2, s5, $0xb8;
	[tilespmem:$0x4C80] =	vst v63  }
0x5c3: {  	s30 =	sld [smem:$0x7E9];
	s2 =	simm.s32 $0x2180  }
0x5c4: {  	[tilespmem:s29], [sflag:$0x1] =	stream.indirect.gather [hbm4b:s3+s5], $0x1, s2, s5, $0xb8;
	[tilespmem:$0x4C80] =	vst v63  }
0x5c5: {  	s29 =	sld [smem:$0x7EA];
	s2 =	simm.s32 $0x2200  }
0x5c6: {  	[tilespmem:s30], [sflag:$0x1] =	stream.indirect.gather [hbm4b:s3+s5], $0x1, s2, s5, $0xb8;
	[tilespmem:$0x4C80] =	vst v63  }
0x5c7: {  	s30 =	sld [smem:$0x7EB];
	s2 =	simm.s32 $0x2280  }
0x5c8: {  	[tilespmem:s29], [sflag:$0x1] =	stream.indirect.gather [hbm4b:s3+s5], $0x1, s2, s5, $0xb8;
	[tilespmem:$0x4C80] =	vst v63  }
0x5c9: {  	s29 =	sld [smem:$0x7EC];
	s2 =	simm.s32 $0x2300  }
0x5ca: {  	[tilespmem:s30], [sflag:$0x1] =	stream.indirect.gather [hbm4b:s3+s5], $0x1, s2, s5, $0xb8;
	[tilespmem:$0x4C80] =	vst v63  }
0x5cb: {  	s2 =	sld [smem:$0x7ED]  }
0x5cc: {  	[tilespmem:s29], [sflag:$0x1] =	stream.indirect.gather [hbm4b:s3+s5], $0x1, s18, s5, $0xb8;
	[tilespmem:$0x4C80] =	vst v63  }
0x5cd: {  	s29 =	sld [smem:$0x7EE];
	s18 =	simm.s32 $0x2400  }
0x5ce: {  	[tilespmem:s2], [sflag:$0x1] =	stream.indirect.gather [hbm4b:s3+s5], $0x1, s18, s5, $0xb8;
	[tilespmem:$0x4C80] =	vst v63  }
0x5cf: {  	s30 =	sld [smem:$0x7EF];
	s2 =	simm.s32 $0x2480  }
0x5d0: {  	[tilespmem:s29], [sflag:$0x1] =	stream.indirect.gather [hbm4b:s3+s5], $0x1, s2, s5, $0xb8;
	[tilespmem:$0x4C80] =	vst v63  }
0x5d1: {  	s18 =	simm.s32 $0x2500;
	s29 =	sld [smem:$0x7F0]  }
0x5d2: {  	[tilespmem:s30], [sflag:$0x1] =	stream.indirect.gather [hbm4b:s3+s5], $0x1, s18, s5, $0xb8;
	[tilespmem:$0x4C80] =	vst v63  }
0x5d3: {  	s2 =	simm.s32 $0x2580;
	s30 =	sld [smem:$0x7F1]  }
0x5d4: {  	[tilespmem:s29], [sflag:$0x1] =	stream.indirect.gather [hbm4b:s3+s5], $0x1, s2, s5, $0xb8;
	[tilespmem:$0x4C80] =	vst v63  }
0x5d5: {  	s18 =	simm.s32 $0x2600;
	s29 =	sld [smem:$0x7F2]  }
0x5d6: {  	[tilespmem:s30], [sflag:$0x1] =	stream.indirect.gather [hbm4b:s3+s5], $0x1, s18, s5, $0xb8;
	[tilespmem:$0x4C80] =	vst v63  }
0x5d7: {  	s2 =	simm.s32 $0x2680;
	s30 =	sld [smem:$0x7F3]  }
0x5d8: {  	[tilespmem:s29], [sflag:$0x1] =	stream.indirect.gather [hbm4b:s3+s5], $0x1, s2, s5, $0xb8;
	[tilespmem:$0x4C80] =	vst v63  }
0x5d9: {  	s18 =	simm.s32 $0x2700;
	s29 =	sld [smem:$0x7F4]  }
0x5da: {  	[tilespmem:s30], [sflag:$0x1] =	stream.indirect.gather [hbm4b:s3+s5], $0x1, s18, s5, $0xb8;
	[tilespmem:$0x4C80] =	vst v63  }
0x5db: {  	s2 =	simm.s32 $0x2780;
	s30 =	sld [smem:$0x7F5]  }
0x5dc: {  	[tilespmem:s29], [sflag:$0x1] =	stream.indirect.gather [hbm4b:s3+s5], $0x1, s2, s5, $0xb8;
	[tilespmem:$0x4C80] =	vst v63  }
0x5dd: {  	s18 =	simm.s32 $0x2800;
	s29 =	sld [smem:$0x7F6]  }
0x5de: {  	[tilespmem:s30], [sflag:$0x1] =	stream.indirect.gather [hbm4b:s3+s5], $0x1, s18, s5, $0xb8;
	[tilespmem:$0x4C80] =	vst v63  }
0x5df: {  	s2 =	sld [smem:$0x7F7]  }
0x5e0: {  	[tilespmem:s29], [sflag:$0x1] =	stream.indirect.gather [hbm4b:s3+s5], $0x1, s28, s5, $0xb8;
	[tilespmem:$0x4C80] =	vst v63  }
0x5e1: {  	s29 =	sld [smem:$0x7F8]  }
0x5e2: {  	[tilespmem:s2], [sflag:$0x1] =	stream.indirect.gather [hbm4b:s3+s5], $0x1, s16, s5, $0xb8;
	[tilespmem:$0x4C80] =	vst v63  }
0x5e3: {  	s16 =	sld [smem:$0x7F9]  }
0x5e4: {  	[tilespmem:s29], [sflag:$0x1] =	stream.indirect.gather [hbm4b:s3+s5], $0x1, s15, s5, $0xb8;
	[tilespmem:$0x4C80] =	vst v63  }
0x5e5: {  	s29 =	sld [smem:$0x7FA]  }
0x5e6: {  	[tilespmem:s16], [sflag:$0x1] =	stream.indirect.gather [hbm4b:s3+s5], $0x1, s14, s5, $0xb8;
	[tilespmem:$0x4C80] =	vst v63  }
0x5e7: {  	s18 =	sld [smem:$0x7FB]  }
0x5e8: {  	[tilespmem:s29], [sflag:$0x1] =	stream.indirect.gather [hbm4b:s3+s5], $0x1, s13, s5, $0xb8;
	[tilespmem:$0x4C80] =	vst v63  }
0x5e9: {  	s29 =	sld [smem:$0x7FC]  }
0x5ea: {  	[tilespmem:s18], [sflag:$0x1] =	stream.indirect.gather [hbm4b:s3+s5], $0x1, s12, s5, $0xb8;
	[tilespmem:$0x4C80] =	vst v63  }
0x5eb: {  	s28 =	sld [smem:$0x7FD]  }
0x5ec: {  	[tilespmem:s29], [sflag:$0x1] =	stream.indirect.gather [hbm4b:s3+s5], $0x1, s9, s5, $0xb8;
	[tilespmem:$0x4C80] =	vst v63  }
0x5ed: {  	_ = 	snop  }
0x5ee: {  	[tilespmem:s28], [sflag:$0x1] =	stream.indirect.gather [hbm4b:s3+s5], $0x1, s10, s5, $0xb8;
	[tilespmem:$0x4C80] =	vst v63  }
0x5ef: {  	_ =	swait.ge [sflag:s7], $0x80  }
0x5f0: {  	[sflag:s7] =	ssyncset.done $0x0  }
0x5f1: {  	[sflag:s7] =	ssyncadd.s32 $0xFFFFFF80  }
0x5f2: {  	_ =	swait.ge [sflag:s7], $0x80  }
0x5f3: {  	[sflag:s7] =	ssyncset.done $0x0  }
0x5f4: {  	[sflag:s7] =	ssyncadd.s32 $0xFFFFFF80  }
0x5f5: {  	_ =	swait.ge [sflag:s7], $0x80  }
0x5f6: {  	[sflag:s7] =	ssyncset.done $0x0  }
0x5f7: {  	[sflag:s7] =	ssyncadd.s32 $0xFFFFFF80  }
0x5f8: {  	_ =	swait.ge [sflag:s7], $0x80  }
0x5f9: {  	[sflag:s7] =	ssyncset.done $0x0  }
0x5fa: {  	[sflag:s7] =	ssyncadd.s32 $0xFFFFFF80  }
0x5fb: {  	_ =	swait.ge [sflag:s7], $0x80  }
0x5fc: {  	[sflag:s7] =	ssyncset.done $0x0  }
0x5fd: {  	[sflag:s7] =	ssyncadd.s32 $0xFFFFFF80  }
0x5fe: {  	_ =	swait.ge [sflag:s7], $0x80  }
0x5ff: {  	[sflag:s7] =	ssyncset.done $0x0  }
0x600: {  	[sflag:s7] =	ssyncadd.s32 $0xFFFFFF80  }
0x601: {  	_ =	swait.ge [sflag:s7], $0x80  }
0x602: {  	[sflag:s7] =	ssyncset.done $0x0  }
0x603: {  	[sflag:s7] =	ssyncadd.s32 $0xFFFFFF80  }
0x604: {  	_ =	swait.ge [sflag:s7], $0x80  }
0x605: {  	[sflag:s7] =	ssyncset.done $0x0  }
0x606: {  	[sflag:s7] =	ssyncadd.s32 $0xFFFFFF80  }
0x607: {  	_ =	swait.ge [sflag:s7], $0x80  }
0x608: {  	[sflag:s7] =	ssyncset.done $0x0  }
0x609: {  	[sflag:s7] =	ssyncadd.s32 $0xFFFFFF80  }
0x60a: {  	_ =	swait.ge [sflag:s7], $0x80  }
0x60b: {  	[sflag:s7] =	ssyncset.done $0x0  }
0x60c: {  	[sflag:s7] =	ssyncadd.s32 $0xFFFFFF80  }
0x60d: {  	_ =	swait.ge [sflag:s7], $0x80  }
0x60e: {  	[sflag:s7] =	ssyncset.done $0x0  }
0x60f: {  	[sflag:s7] =	ssyncadd.s32 $0xFFFFFF80  }
0x610: {  	_ =	swait.ge [sflag:s7], $0x80  }
0x611: {  	[sflag:s7] =	ssyncset.done $0x0  }
0x612: {  	[sflag:s7] =	ssyncadd.s32 $0xFFFFFF80  }
0x613: {  	_ =	swait.ge [sflag:s7], $0x80  }
0x614: {  	[sflag:s7] =	ssyncset.done $0x0  }
0x615: {  	[sflag:s7] =	ssyncadd.s32 $0xFFFFFF80  }
0x616: {  	_ =	swait.ge [sflag:s7], $0x80  }
0x617: {  	[sflag:s7] =	ssyncset.done $0x0  }
0x618: {  	[sflag:s7] =	ssyncadd.s32 $0xFFFFFF80  }
0x619: {  	_ =	swait.ge [sflag:s7], $0x80  }
0x61a: {  	[sflag:s7] =	ssyncset.done $0x0  }
0x61b: {  	[sflag:s7] =	ssyncadd.s32 $0xFFFFFF80  }
0x61c: {  	_ =	swait.ge [sflag:s7], $0x80  }
0x61d: {  	[sflag:s7] =	ssyncset.done $0x0  }
0x61e: {  	[sflag:s7] =	ssyncadd.s32 $0xFFFFFF80  }
0x61f: {  	_ =	swait.ge [sflag:s7], $0x80  }
0x620: {  	[sflag:s7] =	ssyncset.done $0x0  }
0x621: {  	[sflag:s7] =	ssyncadd.s32 $0xFFFFFF80  }
0x622: {  	_ =	swait.ge [sflag:s7], $0x80  }
0x623: {  	[sflag:s7] =	ssyncset.done $0x0  }
0x624: {  	[sflag:s7] =	ssyncadd.s32 $0xFFFFFF80  }
0x625: {  	_ =	swait.ge [sflag:s7], $0x80  }
0x626: {  	[sflag:s7] =	ssyncset.done $0x0  }
0x627: {  	[sflag:s7] =	ssyncadd.s32 $0xFFFFFF80  }
0x628: {  	_ =	swait.ge [sflag:s7], $0x80  }
0x629: {  	[sflag:s7] =	ssyncset.done $0x0  }
0x62a: {  	[sflag:s7] =	ssyncadd.s32 $0xFFFFFF80  }
0x62b: {  	_ =	swait.ge [sflag:s7], $0x80  }
0x62c: {  	[sflag:s7] =	ssyncset.done $0x0  }
0x62d: {  	[sflag:s7] =	ssyncadd.s32 $0xFFFFFF80  }
0x62e: {  	_ =	swait.ge [sflag:s7], $0x80  }
0x62f: {  	[sflag:s7] =	ssyncset.done $0x0  }
0x630: {  	[sflag:s7] =	ssyncadd.s32 $0xFFFFFF80  }
0x631: {  	_ =	swait.ge [sflag:s7], $0x80  }
0x632: {  	[sflag:s7] =	ssyncset.done $0x0  }
0x633: {  	[sflag:s7] =	ssyncadd.s32 $0xFFFFFF80  }
0x634: {  	_ =	swait.ge [sflag:s7], $0x80  }
0x635: {  	[sflag:s7] =	ssyncset.done $0x0  }
0x636: {  	[sflag:s7] =	ssyncadd.s32 $0xFFFFFF80  }
0x637: {  	_ =	swait.ge [sflag:s7], $0x80  }
0x638: {  	[sflag:s7] =	ssyncset.done $0x0  }
0x639: {  	[sflag:s7] =	ssyncadd.s32 $0xFFFFFF80  }
0x63a: {  	_ =	swait.ge [sflag:s7], $0x80  }
0x63b: {  	[sflag:s7] =	ssyncset.done $0x0  }
0x63c: {  	[sflag:s7] =	ssyncadd.s32 $0xFFFFFF80  }
0x63d: {  	_ =	swait.ge [sflag:s7], $0x80  }
0x63e: {  	[sflag:s7] =	ssyncset.done $0x0  }
0x63f: {  	[sflag:s7] =	ssyncadd.s32 $0xFFFFFF80  }
0x640: {  	_ =	swait.ge [sflag:s7], $0x80  }
0x641: {  	[sflag:s7] =	ssyncset.done $0x0  }
0x642: {  	[sflag:s7] =	ssyncadd.s32 $0xFFFFFF80  }
0x643: {  	_ =	swait.ge [sflag:s7], $0x80  }
0x644: {  	[sflag:s7] =	ssyncset.done $0x0  }
0x645: {  	[sflag:s7] =	ssyncadd.s32 $0xFFFFFF80  }
0x646: {  	_ =	swait.ge [sflag:s7], $0x80  }
0x647: {  	[sflag:s7] =	ssyncset.done $0x0  }
0x648: {  	[sflag:s7] =	ssyncadd.s32 $0xFFFFFF80  }
0x649: {  	_ =	swait.ge [sflag:s7], $0x80  }
0x64a: {  	[sflag:s7] =	ssyncset.done $0x0  }
0x64b: {  	[sflag:s7] =	ssyncadd.s32 $0xFFFFFF80  }
0x64c: {  	_ =	swait.ge [sflag:s7], $0x80  }
0x64d: {  	s6 =	simm.s32 $0x2;
	[sflag:s7] =	ssyncset.done $0x0  }
0x64e: {  	s31 =	simm.s32 $0x0;
	s29 =	rddreg [dreg:$0x5];
	[sflag:s7] =	ssyncadd.s32 $0xFFFFFF80  }
0x64f: {  	[hbm4b:s29+s31] =	stream.linear.scatter [tilespmem:s5], [sflag:$0x2], $0x200, $0x38;
	[tilespmem:$0x4C80] =	vst v63  }
0x650: {  	_ =	swait.ge [sflag:s6], $0x200  }
0x651: {  	[sflag:s6] =	ssyncset.done $0x0  }
0x652: {  	s30 =	simm.s32 $0x280;
	s29 =	rddreg [dreg:$0x6];
	[sflag:s6] =	ssyncadd.s32 $0xFFFFFE00  }
0x653: {  	[hbm4b:s29+s31] =	stream.linear.scatter [tilespmem:s30], [sflag:$0x2], $0x200, $0x38;
	[tilespmem:$0x4C80] =	vst v63  }
0x654: {  	_ =	swait.ge [sflag:s6], $0x200  }
0x655: {  	[sflag:s6] =	ssyncset.done $0x0  }
0x656: {  	s29 =	rddreg [dreg:$0x7];
	[sflag:s6] =	ssyncadd.s32 $0xFFFFFE00  }
0x657: {  	[hbm4b:s29+s31] =	stream.linear.scatter [tilespmem:s1], [sflag:$0x2], $0x2000, $0x38;
	[tilespmem:$0x4C80] =	vst v63  }
0x658: {  	p1 =	sne.s32 s4, $0x1;
	_ =	swait.ge [sflag:s6], $0x2000  }
.Ltmp2:
0x659: {  	[sflag:s6] =	ssyncset.done $0x0;
	(pc) =	sbr.rel @p1 .LBB2_4-.Ltmp2, $4  }
0x65a: {  	s29 =	rddreg [dreg:$0x8];
	[sflag:s6] =	ssyncadd.s32 $0xFFFFE000  }
0x65b: {  	[hbm4b:s29+s31] =	stream.linear.scatter [tilespmem:s8], [sflag:$0x2], $0x2000, $0x38;
	[tilespmem:$0x4C80] =	vst v63  }
0x65c: {  	s4 =	sadd.s32 $0xFFFFFFFF, s4;
	_ =	swait.ge [sflag:s6], $0x2000  }
0x65d: {  	s22 =	simm.s32 $0x200;
	s29 =	rddreg [dreg:$0x4];
	[sflag:s6] =	ssyncset.done $0x0  }
0x65e: {  	s4 =	simm.s32 $0x2380;
	s13 =	simm.s32 $0x900  }
0x65f: {  	s15 =	simm.s32 $0x880;
	s11 =	rddreg [dreg:$0x1];
	s16 =	simm.s32 $0x800  }
0x660: {  	s18 =	simm.s32 $0x680;
	s12 =	simm.s32 $0x700;
	s14 =	simm.s32 $0x780  }
0x661: {  	s30 =	simm.s32 $0x600;
	s9 =	simm.s32 $0x180;
	s2 =	simm.s32 $0x100  }
.LBB2_6:
0x662: {  	[sflag:s6] =	ssyncadd.s32 @p0 $0xFFFFE000  }
0x663: {  	[tilespmem:s31], [sflag:$0x2] =	stream.linear.gather [hbm4b:s29+s31], $0x80, $0x38;
	[tilespmem:$0x4C80] =	vst v63  }
0x664: {  	_ =	swait.ge [sflag:s6], $0x80  }
0x665: {  	[sflag:s6] =	ssyncset.done $0x0  }
0x666: {  	[sflag:s6] =	ssyncadd.s32 $0xFFFFFF80  }
0x667: {  	[tilespmem:s5], [sflag:$0x1] =	stream.indirect.gather [hbm4b:s23+s5], $0x1, s31, s5, $0xb8;
	[tilespmem:$0x4C80] =	vst v63  }
0x668: {  	_ = 	snop  }
0x669: {  	[tilespmem:s2], [sflag:$0x1] =	stream.indirect.gather [hbm4b:s24+s5], $0x1, s31, s5, $0xb8;
	[tilespmem:$0x4C80] =	vst v63  }
0x66a: {  	_ = 	snop  }
0x66b: {  	[tilespmem:s9], [sflag:$0x1] =	stream.indirect.gather [hbm4b:s25+s5], $0x1, s31, s5, $0xb8;
	[tilespmem:$0x4C80] =	vst v63  }
0x66c: {  	_ = 	snop  }
0x66d: {  	[tilespmem:s22], [sflag:$0x1] =	stream.indirect.gather [hbm4b:s26+s5], $0x1, s31, s5, $0xb8;
	[tilespmem:$0x4C80] =	vst v63  }
0x66e: {  	_ =	swait.ge [sflag:s7], $0x80  }
0x66f: {  	[sflag:s7] =	ssyncset.done $0x0  }
0x670: {  	[sflag:s7] =	ssyncadd.s32 $0xFFFFFF80  }
0x671: {  	_ =	swait.ge [sflag:s7], $0x80  }
0x672: {  	[sflag:s7] =	ssyncset.done $0x0  }
0x673: {  	[sflag:s7] =	ssyncadd.s32 $0xFFFFFF80  }
0x674: {  	_ =	swait.ge [sflag:s7], $0x80  }
0x675: {  	[sflag:s7] =	ssyncset.done $0x0  }
0x676: {  	[sflag:s7] =	ssyncadd.s32 $0xFFFFFF80  }
0x677: {  	_ =	swait.ge [sflag:s7], $0x80  }
0x678: {  	[sflag:s7] =	ssyncset.done $0x0  }
0x679: {  	s0 =	simm.s32 $0x280;
	[sflag:s7] =	ssyncadd.s32 $0xFFFFFF80  }
0x67a: {  	[tilespmem:s0], [sflag:$0x1] =	stream.indirect.gather [hbm4b:s3+s5], $0x1, s5, s5, $0xb8;
	[tilespmem:$0x4C80] =	vst v63  }
0x67b: {  	s28 =	rddreg [dreg:$0x9]  }
0x67c: {  	[tilespmem:s28], [sflag:$0x1] =	stream.indirect.gather [hbm4b:s3+s5], $0x1, s2, s5, $0xb8;
	[tilespmem:$0x4C80] =	vst v63  }
0x67d: {  	s1 =	rddreg [dreg:$0xa]  }
0x67e: {  	[tilespmem:s1], [sflag:$0x1] =	stream.indirect.gather [hbm4b:s3+s5], $0x1, s9, s5, $0xb8;
	[tilespmem:$0x4C80] =	vst v63  }
0x67f: {  	s8 =	rddreg [dreg:$0xb]  }
0x680: {  	[tilespmem:s8], [sflag:$0x1] =	stream.indirect.gather [hbm4b:s3+s5], $0x1, s22, s5, $0xb8;
	[tilespmem:$0x4C80] =	vst v63  }
0x681: {  	s28 =	simm.s32 $0x480  }
0x682: {  	[tilespmem:s28], [sflag:$0x1] =	stream.indirect.gather [hbm4b:s19+s5], $0x1, s5, s5, $0xb8;
	[tilespmem:$0x4C80] =	vst v63  }
0x683: {  	s31 =	simm.s32 $0x500  }
0x684: {  	[tilespmem:s31], [sflag:$0x1] =	stream.indirect.gather [hbm4b:s20+s5], $0x1, s5, s5, $0xb8;
	[tilespmem:$0x4C80] =	vst v63  }
0x685: {  	s0 =	simm.s32 $0x580  }
0x686: {  	[tilespmem:s0], [sflag:$0x1] =	stream.indirect.gather [hbm4b:s21+s5], $0x1, s5, s5, $0xb8;
	[tilespmem:$0x4C80] =	vst v63  }
0x687: {  	_ = 	snop  }
0x688: {  	[tilespmem:s30], [sflag:$0x1] =	stream.indirect.gather [hbm4b:s11+s5], $0x1, s5, s5, $0xb8;
	[tilespmem:$0x4C80] =	vst v63  }
0x689: {  	_ = 	snop  }
0x68a: {  	[tilespmem:s18], [sflag:$0x1] =	stream.indirect.gather [hbm4b:s19+s5], $0x1, s2, s5, $0xb8;
	[tilespmem:$0x4C80] =	vst v63  }
0x68b: {  	_ = 	snop  }
0x68c: {  	[tilespmem:s12], [sflag:$0x1] =	stream.indirect.gather [hbm4b:s20+s5], $0x1, s2, s5, $0xb8;
	[tilespmem:$0x4C80] =	vst v63  }
0x68d: {  	_ = 	snop  }
0x68e: {  	[tilespmem:s14], [sflag:$0x1] =	stream.indirect.gather [hbm4b:s21+s5], $0x1, s2, s5, $0xb8;
	[tilespmem:$0x4C80] =	vst v63  }
0x68f: {  	_ = 	snop  }
0x690: {  	[tilespmem:s16], [sflag:$0x1] =	stream.indirect.gather [hbm4b:s11+s5], $0x1, s2, s5, $0xb8;
	[tilespmem:$0x4C80] =	vst v63  }
0x691: {  	_ = 	snop  }
0x692: {  	[tilespmem:s15], [sflag:$0x1] =	stream.indirect.gather [hbm4b:s19+s5], $0x1, s9, s5, $0xb8;
	[tilespmem:$0x4C80] =	vst v63  }
0x693: {  	_ = 	snop  }
0x694: {  	[tilespmem:s13], [sflag:$0x1] =	stream.indirect.gather [hbm4b:s20+s5], $0x1, s9, s5, $0xb8;
	[tilespmem:$0x4C80] =	vst v63  }
0x695: {  	s30 =	simm.s32 $0x980  }
0x696: {  	[tilespmem:s30], [sflag:$0x1] =	stream.indirect.gather [hbm4b:s21+s5], $0x1, s9, s5, $0xb8;
	[tilespmem:$0x4C80] =	vst v63  }
0x697: {  	s10 =	smov.u32 s11;
	s13 =	simm.s32 $0xA00  }
0x698: {  	[tilespmem:s13], [sflag:$0x1] =	stream.indirect.gather [hbm4b:s10+s5], $0x1, s9, s5, $0xb8;
	[tilespmem:$0x4C80] =	vst v63  }
0x699: {  	s9 =	simm.s32 $0xA80  }
0x69a: {  	[tilespmem:s9], [sflag:$0x1] =	stream.indirect.gather [hbm4b:s19+s5], $0x1, s22, s5, $0xb8;
	[tilespmem:$0x4C80] =	vst v63  }
0x69b: {  	s15 =	simm.s32 $0xB00  }
0x69c: {  	[tilespmem:s15], [sflag:$0x1] =	stream.indirect.gather [hbm4b:s20+s5], $0x1, s22, s5, $0xb8;
	[tilespmem:$0x4C80] =	vst v63  }
0x69d: {  	s16 =	simm.s32 $0xB80  }
0x69e: {  	[tilespmem:s16], [sflag:$0x1] =	stream.indirect.gather [hbm4b:s21+s5], $0x1, s22, s5, $0xb8;
	[tilespmem:$0x4C80] =	vst v63  }
0x69f: {  	s18 =	simm.s32 $0xC00  }
0x6a0: {  	[tilespmem:s18], [sflag:$0x1] =	stream.indirect.gather [hbm4b:s10+s5], $0x1, s22, s5, $0xb8;
	[tilespmem:$0x4C80] =	vst v63  }
0x6a1: {  	_ =	swait.ge [sflag:s7], $0x80  }
0x6a2: {  	[sflag:s7] =	ssyncset.done $0x0  }
0x6a3: {  	[sflag:s7] =	ssyncadd.s32 $0xFFFFFF80  }
0x6a4: {  	_ =	swait.ge [sflag:s7], $0x80  }
0x6a5: {  	[sflag:s7] =	ssyncset.done $0x0  }
0x6a6: {  	[sflag:s7] =	ssyncadd.s32 $0xFFFFFF80  }
0x6a7: {  	_ =	swait.ge [sflag:s7], $0x80  }
0x6a8: {  	[sflag:s7] =	ssyncset.done $0x0  }
0x6a9: {  	[sflag:s7] =	ssyncadd.s32 $0xFFFFFF80  }
0x6aa: {  	_ =	swait.ge [sflag:s7], $0x80  }
0x6ab: {  	[sflag:s7] =	ssyncset.done $0x0  }
0x6ac: {  	[sflag:s7] =	ssyncadd.s32 $0xFFFFFF80  }
0x6ad: {  	_ =	swait.ge [sflag:s7], $0x80  }
0x6ae: {  	[sflag:s7] =	ssyncset.done $0x0  }
0x6af: {  	[sflag:s7] =	ssyncadd.s32 $0xFFFFFF80  }
0x6b0: {  	_ =	swait.ge [sflag:s7], $0x80  }
0x6b1: {  	[sflag:s7] =	ssyncset.done $0x0  }
0x6b2: {  	[sflag:s7] =	ssyncadd.s32 $0xFFFFFF80  }
0x6b3: {  	_ =	swait.ge [sflag:s7], $0x80  }
0x6b4: {  	[sflag:s7] =	ssyncset.done $0x0  }
0x6b5: {  	[sflag:s7] =	ssyncadd.s32 $0xFFFFFF80  }
0x6b6: {  	_ =	swait.ge [sflag:s7], $0x80  }
0x6b7: {  	[sflag:s7] =	ssyncset.done $0x0  }
0x6b8: {  	[sflag:s7] =	ssyncadd.s32 $0xFFFFFF80  }
0x6b9: {  	_ =	swait.ge [sflag:s7], $0x80  }
0x6ba: {  	[sflag:s7] =	ssyncset.done $0x0  }
0x6bb: {  	[sflag:s7] =	ssyncadd.s32 $0xFFFFFF80  }
0x6bc: {  	_ =	swait.ge [sflag:s7], $0x80  }
0x6bd: {  	[sflag:s7] =	ssyncset.done $0x0  }
0x6be: {  	[sflag:s7] =	ssyncadd.s32 $0xFFFFFF80  }
0x6bf: {  	_ =	swait.ge [sflag:s7], $0x80  }
0x6c0: {  	[sflag:s7] =	ssyncset.done $0x0  }
0x6c1: {  	[sflag:s7] =	ssyncadd.s32 $0xFFFFFF80  }
0x6c2: {  	_ =	swait.ge [sflag:s7], $0x80  }
0x6c3: {  	[sflag:s7] =	ssyncset.done $0x0  }
0x6c4: {  	[sflag:s7] =	ssyncadd.s32 $0xFFFFFF80  }
0x6c5: {  	_ =	swait.ge [sflag:s7], $0x80  }
0x6c6: {  	[sflag:s7] =	ssyncset.done $0x0  }
0x6c7: {  	[sflag:s7] =	ssyncadd.s32 $0xFFFFFF80  }
0x6c8: {  	_ =	swait.ge [sflag:s7], $0x80  }
0x6c9: {  	[sflag:s7] =	ssyncset.done $0x0  }
0x6ca: {  	[sflag:s7] =	ssyncadd.s32 $0xFFFFFF80  }
0x6cb: {  	_ =	swait.ge [sflag:s7], $0x80  }
0x6cc: {  	[sflag:s7] =	ssyncset.done $0x0  }
0x6cd: {  	[sflag:s7] =	ssyncadd.s32 $0xFFFFFF80  }
0x6ce: {  	_ =	swait.ge [sflag:s7], $0x80  }
0x6cf: {  	[sflag:s7] =	ssyncset.done $0x0  }
0x6d0: {  	[sflag:s7] =	ssyncadd.s32 $0xFFFFFF80  }
0x6d1: {  	_ =	swait.ge [sflag:s7], $0x80  }
0x6d2: {  	[sflag:s7] =	ssyncset.done $0x0  }
0x6d3: {  	[sflag:s7] =	ssyncadd.s32 $0xFFFFFF80  }
0x6d4: {  	_ =	swait.ge [sflag:s7], $0x80  }
0x6d5: {  	[sflag:s7] =	ssyncset.done $0x0  }
0x6d6: {  	[sflag:s7] =	ssyncadd.s32 $0xFFFFFF80  }
0x6d7: {  	_ =	swait.ge [sflag:s7], $0x80  }
0x6d8: {  	[sflag:s7] =	ssyncset.done $0x0  }
0x6d9: {  	[sflag:s7] =	ssyncadd.s32 $0xFFFFFF80  }
0x6da: {  	_ =	swait.ge [sflag:s7], $0x80  }
0x6db: {  	[sflag:s7] =	ssyncset.done $0x0  }
0x6dc: {  	s22 =	simm.s32 $0xC80;
	[sflag:s7] =	ssyncadd.s32 $0xFFFFFF80  }
0x6dd: {  	[tilespmem:s22], [sflag:$0x1] =	stream.indirect.gather [hbm4b:s23+s5], $0x1, s28, s5, $0xb8;
	[tilespmem:$0x4C80] =	vst v63  }
0x6de: {  	s2 =	simm.s32 $0xD00  }
0x6df: {  	[tilespmem:s2], [sflag:$0x1] =	stream.indirect.gather [hbm4b:s24+s5], $0x1, s28, s5, $0xb8;
	[tilespmem:$0x4C80] =	vst v63  }
0x6e0: {  	s19 =	simm.s32 $0xD80  }
0x6e1: {  	[tilespmem:s19], [sflag:$0x1] =	stream.indirect.gather [hbm4b:s25+s5], $0x1, s28, s5, $0xb8;
	[tilespmem:$0x4C80] =	vst v63  }
0x6e2: {  	s20 =	simm.s32 $0xE00  }
0x6e3: {  	[tilespmem:s20], [sflag:$0x1] =	stream.indirect.gather [hbm4b:s26+s5], $0x1, s28, s5, $0xb8;
	[tilespmem:$0x4C80] =	vst v63  }
0x6e4: {  	s21 =	simm.s32 $0xE80  }
0x6e5: {  	[tilespmem:s21], [sflag:$0x1] =	stream.indirect.gather [hbm4b:s23+s5], $0x1, s31, s5, $0xb8;
	[tilespmem:$0x4C80] =	vst v63  }
0x6e6: {  	s22 =	simm.s32 $0xF00  }
0x6e7: {  	[tilespmem:s22], [sflag:$0x1] =	stream.indirect.gather [hbm4b:s24+s5], $0x1, s31, s5, $0xb8;
	[tilespmem:$0x4C80] =	vst v63  }
0x6e8: {  	s28 =	simm.s32 $0xF80  }
0x6e9: {  	[tilespmem:s28], [sflag:$0x1] =	stream.indirect.gather [hbm4b:s25+s5], $0x1, s31, s5, $0xb8;
	[tilespmem:$0x4C80] =	vst v63  }
0x6ea: {  	s10 =	simm.s32 $0x1000  }
0x6eb: {  	[tilespmem:s10], [sflag:$0x1] =	stream.indirect.gather [hbm4b:s26+s5], $0x1, s31, s5, $0xb8;
	[tilespmem:$0x4C80] =	vst v63  }
0x6ec: {  	s31 =	simm.s32 $0x1080  }
0x6ed: {  	[tilespmem:s31], [sflag:$0x1] =	stream.indirect.gather [hbm4b:s23+s5], $0x1, s0, s5, $0xb8;
	[tilespmem:$0x4C80] =	vst v63  }
0x6ee: {  	s31 =	simm.s32 $0x1100  }
0x6ef: {  	[tilespmem:s31], [sflag:$0x1] =	stream.indirect.gather [hbm4b:s24+s5], $0x1, s0, s5, $0xb8;
	[tilespmem:$0x4C80] =	vst v63  }
0x6f0: {  	s31 =	simm.s32 $0x1180  }
0x6f1: {  	[tilespmem:s31], [sflag:$0x1] =	stream.indirect.gather [hbm4b:s25+s5], $0x1, s0, s5, $0xb8;
	[tilespmem:$0x4C80] =	vst v63  }
0x6f2: {  	s31 =	simm.s32 $0x1200  }
0x6f3: {  	[tilespmem:s31], [sflag:$0x1] =	stream.indirect.gather [hbm4b:s26+s5], $0x1, s0, s5, $0xb8;
	[tilespmem:$0x4C80] =	vst v63  }
0x6f4: {  	s1 =	simm.s32 $0x600;
	s0 =	simm.s32 $0x1280  }
0x6f5: {  	[tilespmem:s0], [sflag:$0x1] =	stream.indirect.gather [hbm4b:s23+s5], $0x1, s1, s5, $0xb8;
	[tilespmem:$0x4C80] =	vst v63  }
0x6f6: {  	s0 =	simm.s32 $0x1300  }
0x6f7: {  	[tilespmem:s0], [sflag:$0x1] =	stream.indirect.gather [hbm4b:s24+s5], $0x1, s1, s5, $0xb8;
	[tilespmem:$0x4C80] =	vst v63  }
0x6f8: {  	s0 =	simm.s32 $0x1380  }
0x6f9: {  	[tilespmem:s0], [sflag:$0x1] =	stream.indirect.gather [hbm4b:s25+s5], $0x1, s1, s5, $0xb8;
	[tilespmem:$0x4C80] =	vst v63  }
0x6fa: {  	s0 =	simm.s32 $0x1400  }
0x6fb: {  	[tilespmem:s0], [sflag:$0x1] =	stream.indirect.gather [hbm4b:s26+s5], $0x1, s1, s5, $0xb8;
	[tilespmem:$0x4C80] =	vst v63  }
0x6fc: {  	s8 =	simm.s32 $0x680;
	s1 =	simm.s32 $0x1480  }
0x6fd: {  	[tilespmem:s1], [sflag:$0x1] =	stream.indirect.gather [hbm4b:s23+s5], $0x1, s8, s5, $0xb8;
	[tilespmem:$0x4C80] =	vst v63  }
0x6fe: {  	s1 =	simm.s32 $0x1500  }
0x6ff: {  	[tilespmem:s1], [sflag:$0x1] =	stream.indirect.gather [hbm4b:s24+s5], $0x1, s8, s5, $0xb8;
	[tilespmem:$0x4C80] =	vst v63  }
0x700: {  	s1 =	simm.s32 $0x1580  }
0x701: {  	[tilespmem:s1], [sflag:$0x1] =	stream.indirect.gather [hbm4b:s25+s5], $0x1, s8, s5, $0xb8;
	[tilespmem:$0x4C80] =	vst v63  }
0x702: {  	s1 =	simm.s32 $0x1600  }
0x703: {  	[tilespmem:s1], [sflag:$0x1] =	stream.indirect.gather [hbm4b:s26+s5], $0x1, s8, s5, $0xb8;
	[tilespmem:$0x4C80] =	vst v63  }
0x704: {  	s29 =	simm.s32 $0x700;
	s1 =	simm.s32 $0x1680  }
0x705: {  	[tilespmem:s1], [sflag:$0x1] =	stream.indirect.gather [hbm4b:s23+s5], $0x1, s29, s5, $0xb8;
	[tilespmem:$0x4C80] =	vst v63  }
0x706: {  	s8 =	simm.s32 $0x1700  }
0x707: {  	[tilespmem:s8], [sflag:$0x1] =	stream.indirect.gather [hbm4b:s24+s5], $0x1, s29, s5, $0xb8;
	[tilespmem:$0x4C80] =	vst v63  }
0x708: {  	s1 =	simm.s32 $0x1780  }
0x709: {  	[tilespmem:s1], [sflag:$0x1] =	stream.indirect.gather [hbm4b:s25+s5], $0x1, s29, s5, $0xb8;
	[tilespmem:$0x4C80] =	vst v63  }
0x70a: {  	s8 =	simm.s32 $0x1800  }
0x70b: {  	[tilespmem:s8], [sflag:$0x1] =	stream.indirect.gather [hbm4b:s26+s5], $0x1, s29, s5, $0xb8;
	[tilespmem:$0x4C80] =	vst v63  }
0x70c: {  	s11 =	simm.s32 $0x780;
	s29 =	simm.s32 $0x1880  }
0x70d: {  	[tilespmem:s29], [sflag:$0x1] =	stream.indirect.gather [hbm4b:s23+s5], $0x1, s11, s5, $0xb8;
	[tilespmem:$0x4C80] =	vst v63  }
0x70e: {  	s1 =	simm.s32 $0x1900  }
0x70f: {  	[tilespmem:s1], [sflag:$0x1] =	stream.indirect.gather [hbm4b:s24+s5], $0x1, s11, s5, $0xb8;
	[tilespmem:$0x4C80] =	vst v63  }
0x710: {  	s8 =	simm.s32 $0x1980  }
0x711: {  	[tilespmem:s8], [sflag:$0x1] =	stream.indirect.gather [hbm4b:s25+s5], $0x1, s11, s5, $0xb8;
	[tilespmem:$0x4C80] =	vst v63  }
0x712: {  	s29 =	simm.s32 $0x1A00  }
0x713: {  	[tilespmem:s29], [sflag:$0x1] =	stream.indirect.gather [hbm4b:s26+s5], $0x1, s11, s5, $0xb8;
	[tilespmem:$0x4C80] =	vst v63  }
0x714: {  	s12 =	simm.s32 $0x800;
	s1 =	simm.s32 $0x1A80  }
0x715: {  	[tilespmem:s1], [sflag:$0x1] =	stream.indirect.gather [hbm4b:s23+s5], $0x1, s12, s5, $0xb8;
	[tilespmem:$0x4C80] =	vst v63  }
0x716: {  	s8 =	simm.s32 $0x1B00  }
0x717: {  	[tilespmem:s8], [sflag:$0x1] =	stream.indirect.gather [hbm4b:s24+s5], $0x1, s12, s5, $0xb8;
	[tilespmem:$0x4C80] =	vst v63  }
0x718: {  	s11 =	simm.s32 $0x1B80  }
0x719: {  	[tilespmem:s11], [sflag:$0x1] =	stream.indirect.gather [hbm4b:s25+s5], $0x1, s12, s5, $0xb8;
	[tilespmem:$0x4C80] =	vst v63  }
0x71a: {  	s29 =	simm.s32 $0x1C00  }
0x71b: {  	[tilespmem:s29], [sflag:$0x1] =	stream.indirect.gather [hbm4b:s26+s5], $0x1, s12, s5, $0xb8;
	[tilespmem:$0x4C80] =	vst v63  }
0x71c: {  	_ =	swait.ge [sflag:s7], $0x80  }
0x71d: {  	[sflag:s7] =	ssyncset.done $0x0  }
0x71e: {  	[sflag:s7] =	ssyncadd.s32 $0xFFFFFF80  }
0x71f: {  	_ =	swait.ge [sflag:s7], $0x80  }
0x720: {  	[sflag:s7] =	ssyncset.done $0x0  }
0x721: {  	[sflag:s7] =	ssyncadd.s32 $0xFFFFFF80  }
0x722: {  	_ =	swait.ge [sflag:s7], $0x80  }
0x723: {  	[sflag:s7] =	ssyncset.done $0x0  }
0x724: {  	[sflag:s7] =	ssyncadd.s32 $0xFFFFFF80  }
0x725: {  	_ =	swait.ge [sflag:s7], $0x80  }
0x726: {  	[sflag:s7] =	ssyncset.done $0x0  }
0x727: {  	[sflag:s7] =	ssyncadd.s32 $0xFFFFFF80  }
0x728: {  	_ =	swait.ge [sflag:s7], $0x80  }
0x729: {  	[sflag:s7] =	ssyncset.done $0x0  }
0x72a: {  	[sflag:s7] =	ssyncadd.s32 $0xFFFFFF80  }
0x72b: {  	_ =	swait.ge [sflag:s7], $0x80  }
0x72c: {  	[sflag:s7] =	ssyncset.done $0x0  }
0x72d: {  	[sflag:s7] =	ssyncadd.s32 $0xFFFFFF80  }
0x72e: {  	_ =	swait.ge [sflag:s7], $0x80  }
0x72f: {  	[sflag:s7] =	ssyncset.done $0x0  }
0x730: {  	[sflag:s7] =	ssyncadd.s32 $0xFFFFFF80  }
0x731: {  	_ =	swait.ge [sflag:s7], $0x80  }
0x732: {  	[sflag:s7] =	ssyncset.done $0x0  }
0x733: {  	[sflag:s7] =	ssyncadd.s32 $0xFFFFFF80  }
0x734: {  	_ =	swait.ge [sflag:s7], $0x80  }
0x735: {  	[sflag:s7] =	ssyncset.done $0x0  }
0x736: {  	[sflag:s7] =	ssyncadd.s32 $0xFFFFFF80  }
0x737: {  	_ =	swait.ge [sflag:s7], $0x80  }
0x738: {  	[sflag:s7] =	ssyncset.done $0x0  }
0x739: {  	[sflag:s7] =	ssyncadd.s32 $0xFFFFFF80  }
0x73a: {  	_ =	swait.ge [sflag:s7], $0x80  }
0x73b: {  	[sflag:s7] =	ssyncset.done $0x0  }
0x73c: {  	[sflag:s7] =	ssyncadd.s32 $0xFFFFFF80  }
0x73d: {  	_ =	swait.ge [sflag:s7], $0x80  }
0x73e: {  	[sflag:s7] =	ssyncset.done $0x0  }
0x73f: {  	[sflag:s7] =	ssyncadd.s32 $0xFFFFFF80  }
0x740: {  	_ =	swait.ge [sflag:s7], $0x80  }
0x741: {  	[sflag:s7] =	ssyncset.done $0x0  }
0x742: {  	[sflag:s7] =	ssyncadd.s32 $0xFFFFFF80  }
0x743: {  	_ =	swait.ge [sflag:s7], $0x80  }
0x744: {  	[sflag:s7] =	ssyncset.done $0x0  }
0x745: {  	[sflag:s7] =	ssyncadd.s32 $0xFFFFFF80  }
0x746: {  	_ =	swait.ge [sflag:s7], $0x80  }
0x747: {  	[sflag:s7] =	ssyncset.done $0x0  }
0x748: {  	[sflag:s7] =	ssyncadd.s32 $0xFFFFFF80  }
0x749: {  	_ =	swait.ge [sflag:s7], $0x80  }
0x74a: {  	[sflag:s7] =	ssyncset.done $0x0  }
0x74b: {  	[sflag:s7] =	ssyncadd.s32 $0xFFFFFF80  }
0x74c: {  	_ =	swait.ge [sflag:s7], $0x80  }
0x74d: {  	[sflag:s7] =	ssyncset.done $0x0  }
0x74e: {  	[sflag:s7] =	ssyncadd.s32 $0xFFFFFF80  }
0x74f: {  	_ =	swait.ge [sflag:s7], $0x80  }
0x750: {  	[sflag:s7] =	ssyncset.done $0x0  }
0x751: {  	[sflag:s7] =	ssyncadd.s32 $0xFFFFFF80  }
0x752: {  	_ =	swait.ge [sflag:s7], $0x80  }
0x753: {  	[sflag:s7] =	ssyncset.done $0x0  }
0x754: {  	[sflag:s7] =	ssyncadd.s32 $0xFFFFFF80  }
0x755: {  	_ =	swait.ge [sflag:s7], $0x80  }
0x756: {  	[sflag:s7] =	ssyncset.done $0x0  }
0x757: {  	[sflag:s7] =	ssyncadd.s32 $0xFFFFFF80  }
0x758: {  	_ =	swait.ge [sflag:s7], $0x80  }
0x759: {  	[sflag:s7] =	ssyncset.done $0x0  }
0x75a: {  	[sflag:s7] =	ssyncadd.s32 $0xFFFFFF80  }
0x75b: {  	_ =	swait.ge [sflag:s7], $0x80  }
0x75c: {  	[sflag:s7] =	ssyncset.done $0x0  }
0x75d: {  	[sflag:s7] =	ssyncadd.s32 $0xFFFFFF80  }
0x75e: {  	_ =	swait.ge [sflag:s7], $0x80  }
0x75f: {  	[sflag:s7] =	ssyncset.done $0x0  }
0x760: {  	[sflag:s7] =	ssyncadd.s32 $0xFFFFFF80  }
0x761: {  	_ =	swait.ge [sflag:s7], $0x80  }
0x762: {  	[sflag:s7] =	ssyncset.done $0x0  }
0x763: {  	[sflag:s7] =	ssyncadd.s32 $0xFFFFFF80  }
0x764: {  	_ =	swait.ge [sflag:s7], $0x80  }
0x765: {  	[sflag:s7] =	ssyncset.done $0x0  }
0x766: {  	[sflag:s7] =	ssyncadd.s32 $0xFFFFFF80  }
0x767: {  	_ =	swait.ge [sflag:s7], $0x80  }
0x768: {  	[sflag:s7] =	ssyncset.done $0x0  }
0x769: {  	[sflag:s7] =	ssyncadd.s32 $0xFFFFFF80  }
0x76a: {  	_ =	swait.ge [sflag:s7], $0x80  }
0x76b: {  	[sflag:s7] =	ssyncset.done $0x0  }
0x76c: {  	[sflag:s7] =	ssyncadd.s32 $0xFFFFFF80  }
0x76d: {  	_ =	swait.ge [sflag:s7], $0x80  }
0x76e: {  	[sflag:s7] =	ssyncset.done $0x0  }
0x76f: {  	[sflag:s7] =	ssyncadd.s32 $0xFFFFFF80  }
0x770: {  	_ =	swait.ge [sflag:s7], $0x80  }
0x771: {  	[sflag:s7] =	ssyncset.done $0x0  }
0x772: {  	[sflag:s7] =	ssyncadd.s32 $0xFFFFFF80  }
0x773: {  	_ =	swait.ge [sflag:s7], $0x80  }
0x774: {  	[sflag:s7] =	ssyncset.done $0x0  }
0x775: {  	[sflag:s7] =	ssyncadd.s32 $0xFFFFFF80  }
0x776: {  	_ =	swait.ge [sflag:s7], $0x80  }
0x777: {  	[sflag:s7] =	ssyncset.done $0x0  }
0x778: {  	[sflag:s7] =	ssyncadd.s32 $0xFFFFFF80  }
0x779: {  	_ =	swait.ge [sflag:s7], $0x80  }
0x77a: {  	[sflag:s7] =	ssyncset.done $0x0  }
0x77b: {  	s14 =	simm.s32 $0x880;
	s1 =	simm.s32 $0x1C80;
	[sflag:s7] =	ssyncadd.s32 $0xFFFFFF80  }
0x77c: {  	[tilespmem:s1], [sflag:$0x1] =	stream.indirect.gather [hbm4b:s23+s5], $0x1, s14, s5, $0xb8;
	[tilespmem:$0x4C80] =	vst v63  }
0x77d: {  	s8 =	simm.s32 $0x1D00  }
0x77e: {  	[tilespmem:s8], [sflag:$0x1] =	stream.indirect.gather [hbm4b:s24+s5], $0x1, s14, s5, $0xb8;
	[tilespmem:$0x4C80] =	vst v63  }
0x77f: {  	s11 =	simm.s32 $0x1D80  }
0x780: {  	[tilespmem:s11], [sflag:$0x1] =	stream.indirect.gather [hbm4b:s25+s5], $0x1, s14, s5, $0xb8;
	[tilespmem:$0x4C80] =	vst v63  }
0x781: {  	s12 =	simm.s32 $0x1E00  }
0x782: {  	[tilespmem:s12], [sflag:$0x1] =	stream.indirect.gather [hbm4b:s26+s5], $0x1, s14, s5, $0xb8;
	[tilespmem:$0x4C80] =	vst v63  }
0x783: {  	s17 =	simm.s32 $0x900;
	s29 =	simm.s32 $0x1E80  }
0x784: {  	[tilespmem:s29], [sflag:$0x1] =	stream.indirect.gather [hbm4b:s23+s5], $0x1, s17, s5, $0xb8;
	[tilespmem:$0x4C80] =	vst v63  }
0x785: {  	s1 =	simm.s32 $0x1F00  }
0x786: {  	[tilespmem:s1], [sflag:$0x1] =	stream.indirect.gather [hbm4b:s24+s5], $0x1, s17, s5, $0xb8;
	[tilespmem:$0x4C80] =	vst v63  }
0x787: {  	s8 =	simm.s32 $0x1F80  }
0x788: {  	[tilespmem:s8], [sflag:$0x1] =	stream.indirect.gather [hbm4b:s25+s5], $0x1, s17, s5, $0xb8;
	[tilespmem:$0x4C80] =	vst v63  }
0x789: {  	s11 =	simm.s32 $0x2000  }
0x78a: {  	[tilespmem:s11], [sflag:$0x1] =	stream.indirect.gather [hbm4b:s26+s5], $0x1, s17, s5, $0xb8;
	[tilespmem:$0x4C80] =	vst v63  }
0x78b: {  	s12 =	simm.s32 $0x2080  }
0x78c: {  	[tilespmem:s12], [sflag:$0x1] =	stream.indirect.gather [hbm4b:s23+s5], $0x1, s30, s5, $0xb8;
	[tilespmem:$0x4C80] =	vst v63  }
0x78d: {  	s14 =	simm.s32 $0x2100  }
0x78e: {  	[tilespmem:s14], [sflag:$0x1] =	stream.indirect.gather [hbm4b:s24+s5], $0x1, s30, s5, $0xb8;
	[tilespmem:$0x4C80] =	vst v63  }
0x78f: {  	s17 =	simm.s32 $0x2180  }
0x790: {  	[tilespmem:s17], [sflag:$0x1] =	stream.indirect.gather [hbm4b:s25+s5], $0x1, s30, s5, $0xb8;
	[tilespmem:$0x4C80] =	vst v63  }
0x791: {  	s29 =	simm.s32 $0x2200  }
0x792: {  	[tilespmem:s29], [sflag:$0x1] =	stream.indirect.gather [hbm4b:s26+s5], $0x1, s30, s5, $0xb8;
	[tilespmem:$0x4C80] =	vst v63  }
0x793: {  	s30 =	simm.s32 $0x2280  }
0x794: {  	[tilespmem:s30], [sflag:$0x1] =	stream.indirect.gather [hbm4b:s23+s5], $0x1, s13, s5, $0xb8;
	[tilespmem:$0x4C80] =	vst v63  }
0x795: {  	s1 =	simm.s32 $0x2300  }
0x796: {  	[tilespmem:s1], [sflag:$0x1] =	stream.indirect.gather [hbm4b:s24+s5], $0x1, s13, s5, $0xb8;
	[tilespmem:$0x4C80] =	vst v63  }
0x797: {  	_ = 	snop  }
0x798: {  	[tilespmem:s4], [sflag:$0x1] =	stream.indirect.gather [hbm4b:s25+s5], $0x1, s13, s5, $0xb8;
	[tilespmem:$0x4C80] =	vst v63  }
0x799: {  	s30 =	simm.s32 $0x2400  }
0x79a: {  	[tilespmem:s30], [sflag:$0x1] =	stream.indirect.gather [hbm4b:s26+s5], $0x1, s13, s5, $0xb8;
	[tilespmem:$0x4C80] =	vst v63  }
0x79b: {  	s8 =	simm.s32 $0x2480  }
0x79c: {  	[tilespmem:s8], [sflag:$0x1] =	stream.indirect.gather [hbm4b:s23+s5], $0x1, s9, s5, $0xb8;
	[tilespmem:$0x4C80] =	vst v63  }
0x79d: {  	s11 =	simm.s32 $0x2500  }
0x79e: {  	[tilespmem:s11], [sflag:$0x1] =	stream.indirect.gather [hbm4b:s24+s5], $0x1, s9, s5, $0xb8;
	[tilespmem:$0x4C80] =	vst v63  }
0x79f: {  	s12 =	simm.s32 $0x2580  }
0x7a0: {  	[tilespmem:s12], [sflag:$0x1] =	stream.indirect.gather [hbm4b:s25+s5], $0x1, s9, s5, $0xb8;
	[tilespmem:$0x4C80] =	vst v63  }
0x7a1: {  	s13 =	simm.s32 $0x2600  }
0x7a2: {  	[tilespmem:s13], [sflag:$0x1] =	stream.indirect.gather [hbm4b:s26+s5], $0x1, s9, s5, $0xb8;
	[tilespmem:$0x4C80] =	vst v63  }
0x7a3: {  	s14 =	simm.s32 $0x2680  }
0x7a4: {  	[tilespmem:s14], [sflag:$0x1] =	stream.indirect.gather [hbm4b:s23+s5], $0x1, s15, s5, $0xb8;
	[tilespmem:$0x4C80] =	vst v63  }
0x7a5: {  	s29 =	simm.s32 $0x2700  }
0x7a6: {  	[tilespmem:s29], [sflag:$0x1] =	stream.indirect.gather [hbm4b:s24+s5], $0x1, s15, s5, $0xb8;
	[tilespmem:$0x4C80] =	vst v63  }
0x7a7: {  	s17 =	simm.s32 $0x2780  }
0x7a8: {  	[tilespmem:s17], [sflag:$0x1] =	stream.indirect.gather [hbm4b:s25+s5], $0x1, s15, s5, $0xb8;
	[tilespmem:$0x4C80] =	vst v63  }
0x7a9: {  	s14 =	simm.s32 $0x2800  }
0x7aa: {  	[tilespmem:s14], [sflag:$0x1] =	stream.indirect.gather [hbm4b:s26+s5], $0x1, s15, s5, $0xb8;
	[tilespmem:$0x4C80] =	vst v63  }
0x7ab: {  	s13 =	simm.s32 $0x2880  }
0x7ac: {  	[tilespmem:s13], [sflag:$0x1] =	stream.indirect.gather [hbm4b:s23+s5], $0x1, s16, s5, $0xb8;
	[tilespmem:$0x4C80] =	vst v63  }
0x7ad: {  	s12 =	simm.s32 $0x2900  }
0x7ae: {  	[tilespmem:s12], [sflag:$0x1] =	stream.indirect.gather [hbm4b:s24+s5], $0x1, s16, s5, $0xb8;
	[tilespmem:$0x4C80] =	vst v63  }
0x7af: {  	s11 =	simm.s32 $0x2980  }
0x7b0: {  	[tilespmem:s11], [sflag:$0x1] =	stream.indirect.gather [hbm4b:s25+s5], $0x1, s16, s5, $0xb8;
	[tilespmem:$0x4C80] =	vst v63  }
0x7b1: {  	s9 =	simm.s32 $0x2A00  }
0x7b2: {  	[tilespmem:s9], [sflag:$0x1] =	stream.indirect.gather [hbm4b:s26+s5], $0x1, s16, s5, $0xb8;
	[tilespmem:$0x4C80] =	vst v63  }
0x7b3: {  	s8 =	simm.s32 $0x2A80  }
0x7b4: {  	[tilespmem:s8], [sflag:$0x1] =	stream.indirect.gather [hbm4b:s23+s5], $0x1, s18, s5, $0xb8;
	[tilespmem:$0x4C80] =	vst v63  }
0x7b5: {  	s23 =	simm.s32 $0x2B00  }
0x7b6: {  	[tilespmem:s23], [sflag:$0x1] =	stream.indirect.gather [hbm4b:s24+s5], $0x1, s18, s5, $0xb8;
	[tilespmem:$0x4C80] =	vst v63  }
0x7b7: {  	s24 =	simm.s32 $0x2B80  }
0x7b8: {  	[tilespmem:s24], [sflag:$0x1] =	stream.indirect.gather [hbm4b:s25+s5], $0x1, s18, s5, $0xb8;
	[tilespmem:$0x4C80] =	vst v63  }
0x7b9: {  	s25 =	simm.s32 $0x2C00  }
0x7ba: {  	[tilespmem:s25], [sflag:$0x1] =	stream.indirect.gather [hbm4b:s26+s5], $0x1, s18, s5, $0xb8;
	[tilespmem:$0x4C80] =	vst v63  }
0x7bb: {  	_ =	swait.ge [sflag:s7], $0x80  }
0x7bc: {  	[sflag:s7] =	ssyncset.done $0x0  }
0x7bd: {  	[sflag:s7] =	ssyncadd.s32 $0xFFFFFF80  }
0x7be: {  	_ =	swait.ge [sflag:s7], $0x80  }
0x7bf: {  	[sflag:s7] =	ssyncset.done $0x0  }
0x7c0: {  	[sflag:s7] =	ssyncadd.s32 $0xFFFFFF80  }
0x7c1: {  	_ =	swait.ge [sflag:s7], $0x80  }
0x7c2: {  	[sflag:s7] =	ssyncset.done $0x0  }
0x7c3: {  	[sflag:s7] =	ssyncadd.s32 $0xFFFFFF80  }
0x7c4: {  	_ =	swait.ge [sflag:s7], $0x80  }
0x7c5: {  	[sflag:s7] =	ssyncset.done $0x0  }
0x7c6: {  	[sflag:s7] =	ssyncadd.s32 $0xFFFFFF80  }
0x7c7: {  	_ =	swait.ge [sflag:s7], $0x80  }
0x7c8: {  	[sflag:s7] =	ssyncset.done $0x0  }
0x7c9: {  	[sflag:s7] =	ssyncadd.s32 $0xFFFFFF80  }
0x7ca: {  	_ =	swait.ge [sflag:s7], $0x80  }
0x7cb: {  	[sflag:s7] =	ssyncset.done $0x0  }
0x7cc: {  	[sflag:s7] =	ssyncadd.s32 $0xFFFFFF80  }
0x7cd: {  	_ =	swait.ge [sflag:s7], $0x80  }
0x7ce: {  	[sflag:s7] =	ssyncset.done $0x0  }
0x7cf: {  	[sflag:s7] =	ssyncadd.s32 $0xFFFFFF80  }
0x7d0: {  	_ =	swait.ge [sflag:s7], $0x80  }
0x7d1: {  	[sflag:s7] =	ssyncset.done $0x0  }
0x7d2: {  	[sflag:s7] =	ssyncadd.s32 $0xFFFFFF80  }
0x7d3: {  	_ =	swait.ge [sflag:s7], $0x80  }
0x7d4: {  	[sflag:s7] =	ssyncset.done $0x0  }
0x7d5: {  	[sflag:s7] =	ssyncadd.s32 $0xFFFFFF80  }
0x7d6: {  	_ =	swait.ge [sflag:s7], $0x80  }
0x7d7: {  	[sflag:s7] =	ssyncset.done $0x0  }
0x7d8: {  	[sflag:s7] =	ssyncadd.s32 $0xFFFFFF80  }
0x7d9: {  	_ =	swait.ge [sflag:s7], $0x80  }
0x7da: {  	[sflag:s7] =	ssyncset.done $0x0  }
0x7db: {  	[sflag:s7] =	ssyncadd.s32 $0xFFFFFF80  }
0x7dc: {  	_ =	swait.ge [sflag:s7], $0x80  }
0x7dd: {  	[sflag:s7] =	ssyncset.done $0x0  }
0x7de: {  	[sflag:s7] =	ssyncadd.s32 $0xFFFFFF80  }
0x7df: {  	_ =	swait.ge [sflag:s7], $0x80  }
0x7e0: {  	[sflag:s7] =	ssyncset.done $0x0  }
0x7e1: {  	[sflag:s7] =	ssyncadd.s32 $0xFFFFFF80  }
0x7e2: {  	_ =	swait.ge [sflag:s7], $0x80  }
0x7e3: {  	[sflag:s7] =	ssyncset.done $0x0  }
0x7e4: {  	[sflag:s7] =	ssyncadd.s32 $0xFFFFFF80  }
0x7e5: {  	_ =	swait.ge [sflag:s7], $0x80  }
0x7e6: {  	[sflag:s7] =	ssyncset.done $0x0  }
0x7e7: {  	[sflag:s7] =	ssyncadd.s32 $0xFFFFFF80  }
0x7e8: {  	_ =	swait.ge [sflag:s7], $0x80  }
0x7e9: {  	[sflag:s7] =	ssyncset.done $0x0  }
0x7ea: {  	[sflag:s7] =	ssyncadd.s32 $0xFFFFFF80  }
0x7eb: {  	_ =	swait.ge [sflag:s7], $0x80  }
0x7ec: {  	[sflag:s7] =	ssyncset.done $0x0  }
0x7ed: {  	[sflag:s7] =	ssyncadd.s32 $0xFFFFFF80  }
0x7ee: {  	_ =	swait.ge [sflag:s7], $0x80  }
0x7ef: {  	[sflag:s7] =	ssyncset.done $0x0  }
0x7f0: {  	[sflag:s7] =	ssyncadd.s32 $0xFFFFFF80  }
0x7f1: {  	_ =	swait.ge [sflag:s7], $0x80  }
0x7f2: {  	[sflag:s7] =	ssyncset.done $0x0  }
0x7f3: {  	[sflag:s7] =	ssyncadd.s32 $0xFFFFFF80  }
0x7f4: {  	_ =	swait.ge [sflag:s7], $0x80  }
0x7f5: {  	[sflag:s7] =	ssyncset.done $0x0  }
0x7f6: {  	[sflag:s7] =	ssyncadd.s32 $0xFFFFFF80  }
0x7f7: {  	_ =	swait.ge [sflag:s7], $0x80  }
0x7f8: {  	[sflag:s7] =	ssyncset.done $0x0  }
0x7f9: {  	[sflag:s7] =	ssyncadd.s32 $0xFFFFFF80  }
0x7fa: {  	_ =	swait.ge [sflag:s7], $0x80  }
0x7fb: {  	[sflag:s7] =	ssyncset.done $0x0  }
0x7fc: {  	[sflag:s7] =	ssyncadd.s32 $0xFFFFFF80  }
0x7fd: {  	_ =	swait.ge [sflag:s7], $0x80  }
0x7fe: {  	[sflag:s7] =	ssyncset.done $0x0  }
0x7ff: {  	[sflag:s7] =	ssyncadd.s32 $0xFFFFFF80  }
0x800: {  	_ =	swait.ge [sflag:s7], $0x80  }
0x801: {  	[sflag:s7] =	ssyncset.done $0x0  }
0x802: {  	[sflag:s7] =	ssyncadd.s32 $0xFFFFFF80  }
0x803: {  	_ =	swait.ge [sflag:s7], $0x80  }
0x804: {  	[sflag:s7] =	ssyncset.done $0x0  }
0x805: {  	[sflag:s7] =	ssyncadd.s32 $0xFFFFFF80  }
0x806: {  	_ =	swait.ge [sflag:s7], $0x80  }
0x807: {  	[sflag:s7] =	ssyncset.done $0x0  }
0x808: {  	[sflag:s7] =	ssyncadd.s32 $0xFFFFFF80  }
0x809: {  	_ =	swait.ge [sflag:s7], $0x80  }
0x80a: {  	[sflag:s7] =	ssyncset.done $0x0  }
0x80b: {  	[sflag:s7] =	ssyncadd.s32 $0xFFFFFF80  }
0x80c: {  	_ =	swait.ge [sflag:s7], $0x80  }
0x80d: {  	[sflag:s7] =	ssyncset.done $0x0  }
0x80e: {  	[sflag:s7] =	ssyncadd.s32 $0xFFFFFF80  }
0x80f: {  	_ =	swait.ge [sflag:s7], $0x80  }
0x810: {  	[sflag:s7] =	ssyncset.done $0x0  }
0x811: {  	[sflag:s7] =	ssyncadd.s32 $0xFFFFFF80  }
0x812: {  	_ =	swait.ge [sflag:s7], $0x80  }
0x813: {  	[sflag:s7] =	ssyncset.done $0x0  }
0x814: {  	[sflag:s7] =	ssyncadd.s32 $0xFFFFFF80  }
0x815: {  	_ =	swait.ge [sflag:s7], $0x80  }
0x816: {  	[sflag:s7] =	ssyncset.done $0x0  }
0x817: {  	[sflag:s7] =	ssyncadd.s32 $0xFFFFFF80  }
0x818: {  	_ =	swait.ge [sflag:s7], $0x80  }
0x819: {  	s4 =	simm.s32 $0xC80;
	[sflag:s7] =	ssyncset.done $0x0  }
0x81a: {  	s26 =	simm.s32 $0x2C80;
	s15 =	rddreg [dreg:$0xc];
	[sflag:s7] =	ssyncadd.s32 $0xFFFFFF80  }
0x81b: {  	[tilespmem:s26], [sflag:$0x1] =	stream.indirect.gather [hbm4b:s3+s5], $0x1, s4, s5, $0xb8;
	[tilespmem:$0x4C80] =	vst v63  }
0x81c: {  	s16 =	rddreg [dreg:$0xd]  }
0x81d: {  	[tilespmem:s15], [sflag:$0x1] =	stream.indirect.gather [hbm4b:s3+s5], $0x1, s2, s5, $0xb8;
	[tilespmem:$0x4C80] =	vst v63  }
0x81e: {  	s18 =	rddreg [dreg:$0xe]  }
0x81f: {  	[tilespmem:s16], [sflag:$0x1] =	stream.indirect.gather [hbm4b:s3+s5], $0x1, s19, s5, $0xb8;
	[tilespmem:$0x4C80] =	vst v63  }
0x820: {  	s2 =	rddreg [dreg:$0x11]  }
0x821: {  	[tilespmem:s18], [sflag:$0x1] =	stream.indirect.gather [hbm4b:s3+s5], $0x1, s20, s5, $0xb8;
	[tilespmem:$0x4C80] =	vst v63  }
0x822: {  	s19 =	rddreg [dreg:$0xf]  }
0x823: {  	[tilespmem:s19], [sflag:$0x1] =	stream.indirect.gather [hbm4b:s3+s5], $0x1, s21, s5, $0xb8;
	[tilespmem:$0x4C80] =	vst v63  }
0x824: {  	s20 =	rddreg [dreg:$0x10]  }
0x825: {  	[tilespmem:s20], [sflag:$0x1] =	stream.indirect.gather [hbm4b:s3+s5], $0x1, s22, s5, $0xb8;
	[tilespmem:$0x4C80] =	vst v63  }
0x826: {  	s15 =	rddreg [dreg:$0x12]  }
0x827: {  	[tilespmem:s2], [sflag:$0x1] =	stream.indirect.gather [hbm4b:s3+s5], $0x1, s28, s5, $0xb8;
	[tilespmem:$0x4C80] =	vst v63  }
0x828: {  	s16 =	rddreg [dreg:$0x13]  }
0x829: {  	[tilespmem:s15], [sflag:$0x1] =	stream.indirect.gather [hbm4b:s3+s5], $0x1, s10, s5, $0xb8;
	[tilespmem:$0x4C80] =	vst v63  }
0x82a: {  	s18 =	rddreg [dreg:$0x14];
	s19 =	simm.s32 $0x1080  }
0x82b: {  	[tilespmem:s16], [sflag:$0x1] =	stream.indirect.gather [hbm4b:s3+s5], $0x1, s19, s5, $0xb8;
	[tilespmem:$0x4C80] =	vst v63  }
0x82c: {  	s21 =	simm.s32 $0x1100;
	s20 =	rddreg [dreg:$0x15]  }
0x82d: {  	[tilespmem:s18], [sflag:$0x1] =	stream.indirect.gather [hbm4b:s3+s5], $0x1, s21, s5, $0xb8;
	[tilespmem:$0x4C80] =	vst v63  }
0x82e: {  	s22 =	rddreg [dreg:$0x16];
	s28 =	simm.s32 $0x1180  }
0x82f: {  	[tilespmem:s20], [sflag:$0x1] =	stream.indirect.gather [hbm4b:s3+s5], $0x1, s28, s5, $0xb8;
	[tilespmem:$0x4C80] =	vst v63  }
0x830: {  	s31 =	simm.s32 $0x1200;
	s10 =	rddreg [dreg:$0x17]  }
0x831: {  	[tilespmem:s22], [sflag:$0x1] =	stream.indirect.gather [hbm4b:s3+s5], $0x1, s31, s5, $0xb8;
	[tilespmem:$0x4C80] =	vst v63  }
0x832: {  	s15 =	rddreg [dreg:$0x18];
	s16 =	simm.s32 $0x1280  }
0x833: {  	[tilespmem:s10], [sflag:$0x1] =	stream.indirect.gather [hbm4b:s3+s5], $0x1, s16, s5, $0xb8;
	[tilespmem:$0x4C80] =	vst v63  }
0x834: {  	s19 =	simm.s32 $0x1300;
	s18 =	rddreg [dreg:$0x19]  }
0x835: {  	[tilespmem:s15], [sflag:$0x1] =	stream.indirect.gather [hbm4b:s3+s5], $0x1, s19, s5, $0xb8;
	[tilespmem:$0x4C80] =	vst v63  }
0x836: {  	s21 =	simm.s32 $0x1380;
	s20 =	rddreg [dreg:$0x1a]  }
0x837: {  	[tilespmem:s18], [sflag:$0x1] =	stream.indirect.gather [hbm4b:s3+s5], $0x1, s21, s5, $0xb8;
	[tilespmem:$0x4C80] =	vst v63  }
0x838: {  	s28 =	simm.s32 $0x1400;
	s22 =	rddreg [dreg:$0x1b]  }
0x839: {  	[tilespmem:s20], [sflag:$0x1] =	stream.indirect.gather [hbm4b:s3+s5], $0x1, s28, s5, $0xb8;
	[tilespmem:$0x4C80] =	vst v63  }
0x83a: {  	s31 =	rddreg [dreg:$0x1c];
	s10 =	simm.s32 $0x1480  }
0x83b: {  	[tilespmem:s22], [sflag:$0x1] =	stream.indirect.gather [hbm4b:s3+s5], $0x1, s10, s5, $0xb8;
	[tilespmem:$0x4C80] =	vst v63  }
0x83c: {  	s16 =	simm.s32 $0x1500;
	s15 =	rddreg [dreg:$0x1d]  }
0x83d: {  	[tilespmem:s31], [sflag:$0x1] =	stream.indirect.gather [hbm4b:s3+s5], $0x1, s16, s5, $0xb8;
	[tilespmem:$0x4C80] =	vst v63  }
0x83e: {  	s19 =	simm.s32 $0x1580;
	s18 =	rddreg [dreg:$0x1e]  }
0x83f: {  	[tilespmem:s15], [sflag:$0x1] =	stream.indirect.gather [hbm4b:s3+s5], $0x1, s19, s5, $0xb8;
	[tilespmem:$0x4C80] =	vst v63  }
0x840: {  	s21 =	simm.s32 $0x1600;
	s20 =	rddreg [dreg:$0x1f]  }
0x841: {  	[tilespmem:s18], [sflag:$0x1] =	stream.indirect.gather [hbm4b:s3+s5], $0x1, s21, s5, $0xb8;
	[tilespmem:$0x4C80] =	vst v63  }
0x842: {  	s28 =	simm.s32 $0x1680;
	s22 =	sld [smem:$0x7D3]  }
0x843: {  	[tilespmem:s20], [sflag:$0x1] =	stream.indirect.gather [hbm4b:s3+s5], $0x1, s28, s5, $0xb8;
	[tilespmem:$0x4C80] =	vst v63  }
0x844: {  	s10 =	simm.s32 $0x1700;
	s31 =	sld [smem:$0x7D4]  }
0x845: {  	[tilespmem:s22], [sflag:$0x1] =	stream.indirect.gather [hbm4b:s3+s5], $0x1, s10, s5, $0xb8;
	[tilespmem:$0x4C80] =	vst v63  }
0x846: {  	s16 =	simm.s32 $0x1780;
	s15 =	sld [smem:$0x7D5]  }
0x847: {  	[tilespmem:s31], [sflag:$0x1] =	stream.indirect.gather [hbm4b:s3+s5], $0x1, s16, s5, $0xb8;
	[tilespmem:$0x4C80] =	vst v63  }
0x848: {  	s19 =	simm.s32 $0x1800;
	s18 =	sld [smem:$0x7D6]  }
0x849: {  	[tilespmem:s15], [sflag:$0x1] =	stream.indirect.gather [hbm4b:s3+s5], $0x1, s19, s5, $0xb8;
	[tilespmem:$0x4C80] =	vst v63  }
0x84a: {  	s21 =	simm.s32 $0x1880;
	s20 =	sld [smem:$0x7D7]  }
0x84b: {  	[tilespmem:s18], [sflag:$0x1] =	stream.indirect.gather [hbm4b:s3+s5], $0x1, s21, s5, $0xb8;
	[tilespmem:$0x4C80] =	vst v63  }
0x84c: {  	s28 =	simm.s32 $0x1900;
	s22 =	sld [smem:$0x7D8]  }
0x84d: {  	[tilespmem:s20], [sflag:$0x1] =	stream.indirect.gather [hbm4b:s3+s5], $0x1, s28, s5, $0xb8;
	[tilespmem:$0x4C80] =	vst v63  }
0x84e: {  	s10 =	simm.s32 $0x1980;
	s31 =	sld [smem:$0x7D9]  }
0x84f: {  	[tilespmem:s22], [sflag:$0x1] =	stream.indirect.gather [hbm4b:s3+s5], $0x1, s10, s5, $0xb8;
	[tilespmem:$0x4C80] =	vst v63  }
0x850: {  	s16 =	simm.s32 $0x1A00;
	s15 =	sld [smem:$0x7DA]  }
0x851: {  	[tilespmem:s31], [sflag:$0x1] =	stream.indirect.gather [hbm4b:s3+s5], $0x1, s16, s5, $0xb8;
	[tilespmem:$0x4C80] =	vst v63  }
0x852: {  	s19 =	simm.s32 $0x1A80;
	s18 =	sld [smem:$0x7DB]  }
0x853: {  	[tilespmem:s15], [sflag:$0x1] =	stream.indirect.gather [hbm4b:s3+s5], $0x1, s19, s5, $0xb8;
	[tilespmem:$0x4C80] =	vst v63  }
0x854: {  	s21 =	simm.s32 $0x1B00;
	s20 =	sld [smem:$0x7DC]  }
0x855: {  	[tilespmem:s18], [sflag:$0x1] =	stream.indirect.gather [hbm4b:s3+s5], $0x1, s21, s5, $0xb8;
	[tilespmem:$0x4C80] =	vst v63  }
0x856: {  	s28 =	simm.s32 $0x1B80;
	s22 =	sld [smem:$0x7DD]  }
0x857: {  	[tilespmem:s20], [sflag:$0x1] =	stream.indirect.gather [hbm4b:s3+s5], $0x1, s28, s5, $0xb8;
	[tilespmem:$0x4C80] =	vst v63  }
0x858: {  	s31 =	simm.s32 $0x1C00  }
0x859: {  	[tilespmem:s22], [sflag:$0x1] =	stream.indirect.gather [hbm4b:s3+s5], $0x1, s31, s5, $0xb8;
	[tilespmem:$0x4C80] =	vst v63  }
0x85a: {  	_ =	swait.ge [sflag:s7], $0x80  }
0x85b: {  	[sflag:s7] =	ssyncset.done $0x0  }
0x85c: {  	[sflag:s7] =	ssyncadd.s32 $0xFFFFFF80  }
0x85d: {  	_ =	swait.ge [sflag:s7], $0x80  }
0x85e: {  	[sflag:s7] =	ssyncset.done $0x0  }
0x85f: {  	[sflag:s7] =	ssyncadd.s32 $0xFFFFFF80  }
0x860: {  	_ =	swait.ge [sflag:s7], $0x80  }
0x861: {  	[sflag:s7] =	ssyncset.done $0x0  }
0x862: {  	[sflag:s7] =	ssyncadd.s32 $0xFFFFFF80  }
0x863: {  	_ =	swait.ge [sflag:s7], $0x80  }
0x864: {  	[sflag:s7] =	ssyncset.done $0x0  }
0x865: {  	[sflag:s7] =	ssyncadd.s32 $0xFFFFFF80  }
0x866: {  	_ =	swait.ge [sflag:s7], $0x80  }
0x867: {  	[sflag:s7] =	ssyncset.done $0x0  }
0x868: {  	[sflag:s7] =	ssyncadd.s32 $0xFFFFFF80  }
0x869: {  	_ =	swait.ge [sflag:s7], $0x80  }
0x86a: {  	[sflag:s7] =	ssyncset.done $0x0  }
0x86b: {  	[sflag:s7] =	ssyncadd.s32 $0xFFFFFF80  }
0x86c: {  	_ =	swait.ge [sflag:s7], $0x80  }
0x86d: {  	[sflag:s7] =	ssyncset.done $0x0  }
0x86e: {  	[sflag:s7] =	ssyncadd.s32 $0xFFFFFF80  }
0x86f: {  	_ =	swait.ge [sflag:s7], $0x80  }
0x870: {  	[sflag:s7] =	ssyncset.done $0x0  }
0x871: {  	[sflag:s7] =	ssyncadd.s32 $0xFFFFFF80  }
0x872: {  	_ =	swait.ge [sflag:s7], $0x80  }
0x873: {  	[sflag:s7] =	ssyncset.done $0x0  }
0x874: {  	[sflag:s7] =	ssyncadd.s32 $0xFFFFFF80  }
0x875: {  	_ =	swait.ge [sflag:s7], $0x80  }
0x876: {  	[sflag:s7] =	ssyncset.done $0x0  }
0x877: {  	[sflag:s7] =	ssyncadd.s32 $0xFFFFFF80  }
0x878: {  	_ =	swait.ge [sflag:s7], $0x80  }
0x879: {  	[sflag:s7] =	ssyncset.done $0x0  }
0x87a: {  	[sflag:s7] =	ssyncadd.s32 $0xFFFFFF80  }
0x87b: {  	_ =	swait.ge [sflag:s7], $0x80  }
0x87c: {  	[sflag:s7] =	ssyncset.done $0x0  }
0x87d: {  	[sflag:s7] =	ssyncadd.s32 $0xFFFFFF80  }
0x87e: {  	_ =	swait.ge [sflag:s7], $0x80  }
0x87f: {  	[sflag:s7] =	ssyncset.done $0x0  }
0x880: {  	[sflag:s7] =	ssyncadd.s32 $0xFFFFFF80  }
0x881: {  	_ =	swait.ge [sflag:s7], $0x80  }
0x882: {  	[sflag:s7] =	ssyncset.done $0x0  }
0x883: {  	[sflag:s7] =	ssyncadd.s32 $0xFFFFFF80  }
0x884: {  	_ =	swait.ge [sflag:s7], $0x80  }
0x885: {  	[sflag:s7] =	ssyncset.done $0x0  }
0x886: {  	[sflag:s7] =	ssyncadd.s32 $0xFFFFFF80  }
0x887: {  	_ =	swait.ge [sflag:s7], $0x80  }
0x888: {  	[sflag:s7] =	ssyncset.done $0x0  }
0x889: {  	[sflag:s7] =	ssyncadd.s32 $0xFFFFFF80  }
0x88a: {  	_ =	swait.ge [sflag:s7], $0x80  }
0x88b: {  	[sflag:s7] =	ssyncset.done $0x0  }
0x88c: {  	[sflag:s7] =	ssyncadd.s32 $0xFFFFFF80  }
0x88d: {  	_ =	swait.ge [sflag:s7], $0x80  }
0x88e: {  	[sflag:s7] =	ssyncset.done $0x0  }
0x88f: {  	[sflag:s7] =	ssyncadd.s32 $0xFFFFFF80  }
0x890: {  	_ =	swait.ge [sflag:s7], $0x80  }
0x891: {  	[sflag:s7] =	ssyncset.done $0x0  }
0x892: {  	[sflag:s7] =	ssyncadd.s32 $0xFFFFFF80  }
0x893: {  	_ =	swait.ge [sflag:s7], $0x80  }
0x894: {  	[sflag:s7] =	ssyncset.done $0x0  }
0x895: {  	[sflag:s7] =	ssyncadd.s32 $0xFFFFFF80  }
0x896: {  	_ =	swait.ge [sflag:s7], $0x80  }
0x897: {  	[sflag:s7] =	ssyncset.done $0x0  }
0x898: {  	[sflag:s7] =	ssyncadd.s32 $0xFFFFFF80  }
0x899: {  	_ =	swait.ge [sflag:s7], $0x80  }
0x89a: {  	[sflag:s7] =	ssyncset.done $0x0  }
0x89b: {  	[sflag:s7] =	ssyncadd.s32 $0xFFFFFF80  }
0x89c: {  	_ =	swait.ge [sflag:s7], $0x80  }
0x89d: {  	[sflag:s7] =	ssyncset.done $0x0  }
0x89e: {  	[sflag:s7] =	ssyncadd.s32 $0xFFFFFF80  }
0x89f: {  	_ =	swait.ge [sflag:s7], $0x80  }
0x8a0: {  	[sflag:s7] =	ssyncset.done $0x0  }
0x8a1: {  	[sflag:s7] =	ssyncadd.s32 $0xFFFFFF80  }
0x8a2: {  	_ =	swait.ge [sflag:s7], $0x80  }
0x8a3: {  	[sflag:s7] =	ssyncset.done $0x0  }
0x8a4: {  	[sflag:s7] =	ssyncadd.s32 $0xFFFFFF80  }
0x8a5: {  	_ =	swait.ge [sflag:s7], $0x80  }
0x8a6: {  	[sflag:s7] =	ssyncset.done $0x0  }
0x8a7: {  	[sflag:s7] =	ssyncadd.s32 $0xFFFFFF80  }
0x8a8: {  	_ =	swait.ge [sflag:s7], $0x80  }
0x8a9: {  	[sflag:s7] =	ssyncset.done $0x0  }
0x8aa: {  	[sflag:s7] =	ssyncadd.s32 $0xFFFFFF80  }
0x8ab: {  	_ =	swait.ge [sflag:s7], $0x80  }
0x8ac: {  	[sflag:s7] =	ssyncset.done $0x0  }
0x8ad: {  	[sflag:s7] =	ssyncadd.s32 $0xFFFFFF80  }
0x8ae: {  	_ =	swait.ge [sflag:s7], $0x80  }
0x8af: {  	[sflag:s7] =	ssyncset.done $0x0  }
0x8b0: {  	[sflag:s7] =	ssyncadd.s32 $0xFFFFFF80  }
0x8b1: {  	_ =	swait.ge [sflag:s7], $0x80  }
0x8b2: {  	[sflag:s7] =	ssyncset.done $0x0  }
0x8b3: {  	[sflag:s7] =	ssyncadd.s32 $0xFFFFFF80  }
0x8b4: {  	_ =	swait.ge [sflag:s7], $0x80  }
0x8b5: {  	[sflag:s7] =	ssyncset.done $0x0  }
0x8b6: {  	[sflag:s7] =	ssyncadd.s32 $0xFFFFFF80  }
0x8b7: {  	_ =	swait.ge [sflag:s7], $0x80  }
0x8b8: {  	s2 =	sld [smem:$0x7DE]  }
0x8b9: {  	[sflag:s7] =	ssyncset.done $0x0  }
0x8ba: {  	s15 =	simm.s32 $0x1C80;
	s10 =	sld [smem:$0x7DF];
	[sflag:s7] =	ssyncadd.s32 $0xFFFFFF80  }
0x8bb: {  	[tilespmem:s2], [sflag:$0x1] =	stream.indirect.gather [hbm4b:s3+s5], $0x1, s15, s5, $0xb8;
	[tilespmem:$0x4C80] =	vst v63  }
0x8bc: {  	s18 =	simm.s32 $0x1D00;
	s16 =	sld [smem:$0x7E0]  }
0x8bd: {  	[tilespmem:s10], [sflag:$0x1] =	stream.indirect.gather [hbm4b:s3+s5], $0x1, s18, s5, $0xb8;
	[tilespmem:$0x4C80] =	vst v63  }
0x8be: {  	s20 =	simm.s32 $0x1D80;
	s19 =	sld [smem:$0x7E1]  }
0x8bf: {  	[tilespmem:s16], [sflag:$0x1] =	stream.indirect.gather [hbm4b:s3+s5], $0x1, s20, s5, $0xb8;
	[tilespmem:$0x4C80] =	vst v63  }
0x8c0: {  	s22 =	simm.s32 $0x1E00;
	s21 =	sld [smem:$0x7E2]  }
0x8c1: {  	[tilespmem:s19], [sflag:$0x1] =	stream.indirect.gather [hbm4b:s3+s5], $0x1, s22, s5, $0xb8;
	[tilespmem:$0x4C80] =	vst v63  }
0x8c2: {  	s31 =	simm.s32 $0x1E80;
	s28 =	sld [smem:$0x7E3]  }
0x8c3: {  	[tilespmem:s21], [sflag:$0x1] =	stream.indirect.gather [hbm4b:s3+s5], $0x1, s31, s5, $0xb8;
	[tilespmem:$0x4C80] =	vst v63  }
0x8c4: {  	s15 =	simm.s32 $0x1F00;
	s10 =	sld [smem:$0x7E4]  }
0x8c5: {  	[tilespmem:s28], [sflag:$0x1] =	stream.indirect.gather [hbm4b:s3+s5], $0x1, s15, s5, $0xb8;
	[tilespmem:$0x4C80] =	vst v63  }
0x8c6: {  	s18 =	simm.s32 $0x1F80;
	s16 =	sld [smem:$0x7E5]  }
0x8c7: {  	[tilespmem:s10], [sflag:$0x1] =	stream.indirect.gather [hbm4b:s3+s5], $0x1, s18, s5, $0xb8;
	[tilespmem:$0x4C80] =	vst v63  }
0x8c8: {  	s20 =	simm.s32 $0x2000;
	s19 =	sld [smem:$0x7E6]  }
0x8c9: {  	[tilespmem:s16], [sflag:$0x1] =	stream.indirect.gather [hbm4b:s3+s5], $0x1, s20, s5, $0xb8;
	[tilespmem:$0x4C80] =	vst v63  }
0x8ca: {  	s22 =	simm.s32 $0x2080;
	s21 =	sld [smem:$0x7E7]  }
0x8cb: {  	[tilespmem:s19], [sflag:$0x1] =	stream.indirect.gather [hbm4b:s3+s5], $0x1, s22, s5, $0xb8;
	[tilespmem:$0x4C80] =	vst v63  }
0x8cc: {  	s31 =	simm.s32 $0x2100;
	s28 =	sld [smem:$0x7E8]  }
0x8cd: {  	[tilespmem:s21], [sflag:$0x1] =	stream.indirect.gather [hbm4b:s3+s5], $0x1, s31, s5, $0xb8;
	[tilespmem:$0x4C80] =	vst v63  }
0x8ce: {  	s15 =	simm.s32 $0x2180;
	s10 =	sld [smem:$0x7E9]  }
0x8cf: {  	[tilespmem:s28], [sflag:$0x1] =	stream.indirect.gather [hbm4b:s3+s5], $0x1, s15, s5, $0xb8;
	[tilespmem:$0x4C80] =	vst v63  }
0x8d0: {  	s18 =	simm.s32 $0x2200;
	s16 =	sld [smem:$0x7EA]  }
0x8d1: {  	[tilespmem:s10], [sflag:$0x1] =	stream.indirect.gather [hbm4b:s3+s5], $0x1, s18, s5, $0xb8;
	[tilespmem:$0x4C80] =	vst v63  }
0x8d2: {  	s20 =	simm.s32 $0x2280;
	s19 =	sld [smem:$0x7EB]  }
0x8d3: {  	[tilespmem:s16], [sflag:$0x1] =	stream.indirect.gather [hbm4b:s3+s5], $0x1, s20, s5, $0xb8;
	[tilespmem:$0x4C80] =	vst v63  }
0x8d4: {  	s22 =	simm.s32 $0x2300;
	s21 =	sld [smem:$0x7EC]  }
0x8d5: {  	[tilespmem:s19], [sflag:$0x1] =	stream.indirect.gather [hbm4b:s3+s5], $0x1, s22, s5, $0xb8;
	[tilespmem:$0x4C80] =	vst v63  }
0x8d6: {  	s31 =	simm.s32 $0x2380;
	s28 =	sld [smem:$0x7ED]  }
0x8d7: {  	[tilespmem:s21], [sflag:$0x1] =	stream.indirect.gather [hbm4b:s3+s5], $0x1, s31, s5, $0xb8;
	[tilespmem:$0x4C80] =	vst v63  }
0x8d8: {  	s2 =	sld [smem:$0x7EE]  }
0x8d9: {  	[tilespmem:s28], [sflag:$0x1] =	stream.indirect.gather [hbm4b:s3+s5], $0x1, s30, s5, $0xb8;
	[tilespmem:$0x4C80] =	vst v63  }
0x8da: {  	s15 =	simm.s32 $0x2480;
	s10 =	sld [smem:$0x7EF]  }
0x8db: {  	[tilespmem:s2], [sflag:$0x1] =	stream.indirect.gather [hbm4b:s3+s5], $0x1, s15, s5, $0xb8;
	[tilespmem:$0x4C80] =	vst v63  }
0x8dc: {  	s18 =	simm.s32 $0x2500;
	s16 =	sld [smem:$0x7F0]  }
0x8dd: {  	[tilespmem:s10], [sflag:$0x1] =	stream.indirect.gather [hbm4b:s3+s5], $0x1, s18, s5, $0xb8;
	[tilespmem:$0x4C80] =	vst v63  }
0x8de: {  	s20 =	simm.s32 $0x2580;
	s19 =	sld [smem:$0x7F1]  }
0x8df: {  	[tilespmem:s16], [sflag:$0x1] =	stream.indirect.gather [hbm4b:s3+s5], $0x1, s20, s5, $0xb8;
	[tilespmem:$0x4C80] =	vst v63  }
0x8e0: {  	s22 =	simm.s32 $0x2600;
	s21 =	sld [smem:$0x7F2]  }
0x8e1: {  	[tilespmem:s19], [sflag:$0x1] =	stream.indirect.gather [hbm4b:s3+s5], $0x1, s22, s5, $0xb8;
	[tilespmem:$0x4C80] =	vst v63  }
0x8e2: {  	s28 =	sld [smem:$0x7F3];
	s30 =	simm.s32 $0x2680  }
0x8e3: {  	[tilespmem:s21], [sflag:$0x1] =	stream.indirect.gather [hbm4b:s3+s5], $0x1, s30, s5, $0xb8;
	[tilespmem:$0x4C80] =	vst v63  }
0x8e4: {  	s31 =	sld [smem:$0x7F4]  }
0x8e5: {  	[tilespmem:s28], [sflag:$0x1] =	stream.indirect.gather [hbm4b:s3+s5], $0x1, s29, s5, $0xb8;
	[tilespmem:$0x4C80] =	vst v63  }
0x8e6: {  	s2 =	sld [smem:$0x7F5]  }
0x8e7: {  	[tilespmem:s31], [sflag:$0x1] =	stream.indirect.gather [hbm4b:s3+s5], $0x1, s17, s5, $0xb8;
	[tilespmem:$0x4C80] =	vst v63  }
0x8e8: {  	s10 =	sld [smem:$0x7F6]  }
0x8e9: {  	[tilespmem:s2], [sflag:$0x1] =	stream.indirect.gather [hbm4b:s3+s5], $0x1, s14, s5, $0xb8;
	[tilespmem:$0x4C80] =	vst v63  }
0x8ea: {  	s15 =	sld [smem:$0x7F7]  }
0x8eb: {  	[tilespmem:s10], [sflag:$0x1] =	stream.indirect.gather [hbm4b:s3+s5], $0x1, s13, s5, $0xb8;
	[tilespmem:$0x4C80] =	vst v63  }
0x8ec: {  	s16 =	sld [smem:$0x7F8]  }
0x8ed: {  	[tilespmem:s15], [sflag:$0x1] =	stream.indirect.gather [hbm4b:s3+s5], $0x1, s12, s5, $0xb8;
	[tilespmem:$0x4C80] =	vst v63  }
0x8ee: {  	s17 =	sld [smem:$0x7F9]  }
0x8ef: {  	[tilespmem:s16], [sflag:$0x1] =	stream.indirect.gather [hbm4b:s3+s5], $0x1, s11, s5, $0xb8;
	[tilespmem:$0x4C80] =	vst v63  }
0x8f0: {  	s18 =	sld [smem:$0x7FA]  }
0x8f1: {  	[tilespmem:s17], [sflag:$0x1] =	stream.indirect.gather [hbm4b:s3+s5], $0x1, s9, s5, $0xb8;
	[tilespmem:$0x4C80] =	vst v63  }
0x8f2: {  	s19 =	sld [smem:$0x7FB]  }
0x8f3: {  	[tilespmem:s18], [sflag:$0x1] =	stream.indirect.gather [hbm4b:s3+s5], $0x1, s8, s5, $0xb8;
	[tilespmem:$0x4C80] =	vst v63  }
0x8f4: {  	s20 =	sld [smem:$0x7FC]  }
0x8f5: {  	[tilespmem:s19], [sflag:$0x1] =	stream.indirect.gather [hbm4b:s3+s5], $0x1, s23, s5, $0xb8;
	[tilespmem:$0x4C80] =	vst v63  }
0x8f6: {  	s21 =	sld [smem:$0x7FD]  }
0x8f7: {  	[tilespmem:s20], [sflag:$0x1] =	stream.indirect.gather [hbm4b:s3+s5], $0x1, s24, s5, $0xb8;
	[tilespmem:$0x4C80] =	vst v63  }
0x8f8: {  	_ = 	snop  }
0x8f9: {  	[tilespmem:s21], [sflag:$0x1] =	stream.indirect.gather [hbm4b:s3+s5], $0x1, s25, s5, $0xb8;
	[tilespmem:$0x4C80] =	vst v63  }
0x8fa: {  	_ =	swait.ge [sflag:s7], $0x80  }
0x8fb: {  	[sflag:s7] =	ssyncset.done $0x0  }
0x8fc: {  	[sflag:s7] =	ssyncadd.s32 $0xFFFFFF80  }
0x8fd: {  	_ =	swait.ge [sflag:s7], $0x80  }
0x8fe: {  	[sflag:s7] =	ssyncset.done $0x0  }
0x8ff: {  	[sflag:s7] =	ssyncadd.s32 $0xFFFFFF80  }
0x900: {  	_ =	swait.ge [sflag:s7], $0x80  }
0x901: {  	[sflag:s7] =	ssyncset.done $0x0  }
0x902: {  	[sflag:s7] =	ssyncadd.s32 $0xFFFFFF80  }
0x903: {  	_ =	swait.ge [sflag:s7], $0x80  }
0x904: {  	[sflag:s7] =	ssyncset.done $0x0  }
0x905: {  	[sflag:s7] =	ssyncadd.s32 $0xFFFFFF80  }
0x906: {  	_ =	swait.ge [sflag:s7], $0x80  }
0x907: {  	[sflag:s7] =	ssyncset.done $0x0  }
0x908: {  	[sflag:s7] =	ssyncadd.s32 $0xFFFFFF80  }
0x909: {  	_ =	swait.ge [sflag:s7], $0x80  }
0x90a: {  	[sflag:s7] =	ssyncset.done $0x0  }
0x90b: {  	[sflag:s7] =	ssyncadd.s32 $0xFFFFFF80  }
0x90c: {  	_ =	swait.ge [sflag:s7], $0x80  }
0x90d: {  	[sflag:s7] =	ssyncset.done $0x0  }
0x90e: {  	[sflag:s7] =	ssyncadd.s32 $0xFFFFFF80  }
0x90f: {  	_ =	swait.ge [sflag:s7], $0x80  }
0x910: {  	[sflag:s7] =	ssyncset.done $0x0  }
0x911: {  	[sflag:s7] =	ssyncadd.s32 $0xFFFFFF80  }
0x912: {  	_ =	swait.ge [sflag:s7], $0x80  }
0x913: {  	[sflag:s7] =	ssyncset.done $0x0  }
0x914: {  	[sflag:s7] =	ssyncadd.s32 $0xFFFFFF80  }
0x915: {  	_ =	swait.ge [sflag:s7], $0x80  }
0x916: {  	[sflag:s7] =	ssyncset.done $0x0  }
0x917: {  	[sflag:s7] =	ssyncadd.s32 $0xFFFFFF80  }
0x918: {  	_ =	swait.ge [sflag:s7], $0x80  }
0x919: {  	[sflag:s7] =	ssyncset.done $0x0  }
0x91a: {  	[sflag:s7] =	ssyncadd.s32 $0xFFFFFF80  }
0x91b: {  	_ =	swait.ge [sflag:s7], $0x80  }
0x91c: {  	[sflag:s7] =	ssyncset.done $0x0  }
0x91d: {  	[sflag:s7] =	ssyncadd.s32 $0xFFFFFF80  }
0x91e: {  	_ =	swait.ge [sflag:s7], $0x80  }
0x91f: {  	[sflag:s7] =	ssyncset.done $0x0  }
0x920: {  	[sflag:s7] =	ssyncadd.s32 $0xFFFFFF80  }
0x921: {  	_ =	swait.ge [sflag:s7], $0x80  }
0x922: {  	[sflag:s7] =	ssyncset.done $0x0  }
0x923: {  	[sflag:s7] =	ssyncadd.s32 $0xFFFFFF80  }
0x924: {  	_ =	swait.ge [sflag:s7], $0x80  }
0x925: {  	[sflag:s7] =	ssyncset.done $0x0  }
0x926: {  	[sflag:s7] =	ssyncadd.s32 $0xFFFFFF80  }
0x927: {  	_ =	swait.ge [sflag:s7], $0x80  }
0x928: {  	[sflag:s7] =	ssyncset.done $0x0  }
0x929: {  	[sflag:s7] =	ssyncadd.s32 $0xFFFFFF80  }
0x92a: {  	_ =	swait.ge [sflag:s7], $0x80  }
0x92b: {  	[sflag:s7] =	ssyncset.done $0x0  }
0x92c: {  	[sflag:s7] =	ssyncadd.s32 $0xFFFFFF80  }
0x92d: {  	_ =	swait.ge [sflag:s7], $0x80  }
0x92e: {  	[sflag:s7] =	ssyncset.done $0x0  }
0x92f: {  	[sflag:s7] =	ssyncadd.s32 $0xFFFFFF80  }
0x930: {  	_ =	swait.ge [sflag:s7], $0x80  }
0x931: {  	[sflag:s7] =	ssyncset.done $0x0  }
0x932: {  	[sflag:s7] =	ssyncadd.s32 $0xFFFFFF80  }
0x933: {  	_ =	swait.ge [sflag:s7], $0x80  }
0x934: {  	[sflag:s7] =	ssyncset.done $0x0  }
0x935: {  	[sflag:s7] =	ssyncadd.s32 $0xFFFFFF80  }
0x936: {  	_ =	swait.ge [sflag:s7], $0x80  }
0x937: {  	[sflag:s7] =	ssyncset.done $0x0  }
0x938: {  	[sflag:s7] =	ssyncadd.s32 $0xFFFFFF80  }
0x939: {  	_ =	swait.ge [sflag:s7], $0x80  }
0x93a: {  	[sflag:s7] =	ssyncset.done $0x0  }
0x93b: {  	[sflag:s7] =	ssyncadd.s32 $0xFFFFFF80  }
0x93c: {  	_ =	swait.ge [sflag:s7], $0x80  }
0x93d: {  	[sflag:s7] =	ssyncset.done $0x0  }
0x93e: {  	[sflag:s7] =	ssyncadd.s32 $0xFFFFFF80  }
0x93f: {  	_ =	swait.ge [sflag:s7], $0x80  }
0x940: {  	[sflag:s7] =	ssyncset.done $0x0  }
0x941: {  	[sflag:s7] =	ssyncadd.s32 $0xFFFFFF80  }
0x942: {  	_ =	swait.ge [sflag:s7], $0x80  }
0x943: {  	[sflag:s7] =	ssyncset.done $0x0  }
0x944: {  	[sflag:s7] =	ssyncadd.s32 $0xFFFFFF80  }
0x945: {  	_ =	swait.ge [sflag:s7], $0x80  }
0x946: {  	[sflag:s7] =	ssyncset.done $0x0  }
0x947: {  	[sflag:s7] =	ssyncadd.s32 $0xFFFFFF80  }
0x948: {  	_ =	swait.ge [sflag:s7], $0x80  }
0x949: {  	[sflag:s7] =	ssyncset.done $0x0  }
0x94a: {  	[sflag:s7] =	ssyncadd.s32 $0xFFFFFF80  }
0x94b: {  	_ =	swait.ge [sflag:s7], $0x80  }
0x94c: {  	[sflag:s7] =	ssyncset.done $0x0  }
0x94d: {  	[sflag:s7] =	ssyncadd.s32 $0xFFFFFF80  }
0x94e: {  	_ =	swait.ge [sflag:s7], $0x80  }
0x94f: {  	[sflag:s7] =	ssyncset.done $0x0  }
0x950: {  	[sflag:s7] =	ssyncadd.s32 $0xFFFFFF80  }
0x951: {  	_ =	swait.ge [sflag:s7], $0x80  }
0x952: {  	[sflag:s7] =	ssyncset.done $0x0  }
0x953: {  	[sflag:s7] =	ssyncadd.s32 $0xFFFFFF80  }
0x954: {  	_ =	swait.ge [sflag:s7], $0x80  }
0x955: {  	[sflag:s7] =	ssyncset.done $0x0  }
0x956: {  	[sflag:s7] =	ssyncadd.s32 $0xFFFFFF80  }
0x957: {  	_ =	swait.ge [sflag:s7], $0x80  }
0x958: {  	[sflag:s7] =	ssyncset.done $0x0  }
0x959: {  	s23 =	simm.s32 $0x0;
	s22 =	rddreg [dreg:$0x5];
	[sflag:s7] =	ssyncadd.s32 $0xFFFFFF80  }
0x95a: {  	[hbm4b:s22+s23] =	stream.linear.scatter [tilespmem:s5], [sflag:$0x2], $0x200, $0x38;
	[tilespmem:$0x4C80] =	vst v63  }
0x95b: {  	_ =	swait.ge [sflag:s6], $0x200  }
0x95c: {  	[sflag:s6] =	ssyncset.done $0x0  }
0x95d: {  	s25 =	simm.s32 $0x280;
	s24 =	rddreg [dreg:$0x6];
	[sflag:s6] =	ssyncadd.s32 $0xFFFFFE00  }
0x95e: {  	[hbm4b:s24+s23] =	stream.linear.scatter [tilespmem:s25], [sflag:$0x2], $0x200, $0x38;
	[tilespmem:$0x4C80] =	vst v63  }
0x95f: {  	_ =	swait.ge [sflag:s6], $0x200  }
0x960: {  	[sflag:s6] =	ssyncset.done $0x0  }
0x961: {  	s28 =	rddreg [dreg:$0x7];
	[sflag:s6] =	ssyncadd.s32 $0xFFFFFE00  }
0x962: {  	[hbm4b:s28+s23] =	stream.linear.scatter [tilespmem:s4], [sflag:$0x2], $0x2000, $0x38;
	[tilespmem:$0x4C80] =	vst v63  }
0x963: {  	_ =	swait.ge [sflag:s6], $0x2000  }
0x964: {  	[sflag:s6] =	ssyncset.done $0x0  }
0x965: {  	s29 =	simm.s32 $0x0;
	s30 =	rddreg [dreg:$0x8];
	[sflag:s6] =	ssyncadd.s32 $0xFFFFE000  }
0x966: {  	[hbm4b:s30+s29] =	stream.linear.scatter [tilespmem:s26], [sflag:$0x2], $0x2000, $0x38;
	[tilespmem:$0x4C80] =	vst v63  }
0x967: {  	_ =	swait.ge [sflag:s6], $0x2000  }
0x968: {  	[sflag:s6] =	ssyncset.done $0x0  }
0x969: {  	[sflag:s6] =	ssyncadd.s32 $0xFFFFE000  }
0x96a: {  	_ =	sfence.sel $0x180000  }
0x96b: {  	[bflag:$0x0] =	sbarrier.arrive $0xFFFF  }
0x96c: {  	_ =	strace $0x90000047  }
0x96d: {  	s31 =	stileid.u32;
	[bflag:$0x2] =	sbarrier.arrive $0xFFFF  }
0x96e: {  	p0 =	sne.s32 s31, $0x0;
	s0 =	rddreg [dreg:$0x3]  }
0x96f: {  	s0 =	sadd.s32 @!p0 $0x100000, s0  }
0x970: {  	[sflag:s0] =	ssyncadd.tile.s32 @!p0 $0x1;
	_ =	shalt  }
.LBB2_1:
.Ltmp3:
0x971: {  	(pc) =	sbr.rel .LBB2_6-.Ltmp3, $2  }
0x972: {  	_ =	sdelay $0x2  }
0x973: {  	s4 =	simm.s32 $0x2380  }
.LBB2_7:
.Ltmp4:
0x974: {  	(pc) =	sbr.rel .LBB2_6-.Ltmp4, $4  }
0x975: {  	s4 =	simm.s32 $0x2380;
	s13 =	simm.s32 $0x900  }
0x976: {  	s15 =	simm.s32 $0x880;
	s11 =	rddreg [dreg:$0x1];
	s16 =	simm.s32 $0x800  }
0x977: {  	s18 =	simm.s32 $0x680;
	s12 =	simm.s32 $0x700;
	s14 =	simm.s32 $0x780  }
0x978: {  	s30 =	simm.s32 $0x600;
	s9 =	simm.s32 $0x180;
	s2 =	simm.s32 $0x100  }
.Lfunc_end2:
_tile_overlayer_lowered:
.L_overlay_start_2:
0x979: {  	(tag) =	ssettag $0x2  }
0x97a: {  	s0 =	rddreg [dreg:$0x0];
	s2 =	stileid.u32  }
0x97b: {  	s1 =	rddreg [dreg:$0x1];
	p0 =	sne.s32 s2, $0x0  }
0x97c: {  	s3 =	rddreg [dreg:$0x2];
	[bflag:$0x3] =	sbarrier.arrive $0xFFFF;
	s2 =	simm.s32 @!p0 $0x1C02  }
0x97d: {  	[timem:s3], [sflag:s2] =	dma.local @!p0 [hbm:s0], s1  }
0x97e: {  	s0 =	simm.s32 @!p0 $0x2  }
0x97f: {  	_ =	swait.ge @!p0 [sflag:s0], s1  }
0x980: {  	s1 =	ssub.s32 @!p0 $0x0, s1;
	[sflag:s0] =	ssyncset.done @!p0 $0x0  }
0x981: {  	[sflag:s0] =	ssyncadd.s32 @!p0 s1  }
0x982: {  	[bflag:$0x3] =	sbarrier.arrive $0xFFFF  }
0x983: {  	_ =	shalt  }

</sc_bundles>
